<compile_context>
chip_gen: v7x
topology: tpu7x:2x2x1
jax: 0.10.2.dev20260603
libtpu: 0.0.44.dev20260713+nightly
codegen_flags: <defaults>
</compile_context>

<pallas_src>
import functools

import jax
import jax.numpy as jnp
from jax import lax
from jax.experimental import pallas as pl
from jax.experimental.pallas import tpu as pltpu
from jax.experimental.pallas import tpu_sc as plsc

N_NODES = 50000
N_EDGES = 800000
HID = 64
FH = HID // 2
N_LAYERS = 4

NC = 2
NS = 16
N_P = 51200
N_TRASH = N_P - N_NODES
U_PAD = N_P
ROWS_PER_TILE = U_PAD // NS

E_PAD = 819200
CHUNK = 128
ROWS2D = E_PAD // CHUNK
TILE_ROWS = ROWS2D // NS
SS_ROWS = 40
N_SS = TILE_ROWS // SS_ROWS
NBUF = 4


def _seg_sum_body(h2_hbm, idx_hbm, z_hbm, u_hbm,
                  idxb, rows, u_sh, *sems):
    sg = sems[:NBUF]
    ss = sems[NBUF:]
    c = lax.axis_index("c")
    t = lax.axis_index("s")

    pltpu.sync_copy(z_hbm.at[pl.ds(t * ROWS_PER_TILE, ROWS_PER_TILE)],
                    u_sh.at[pl.ds(t * ROWS_PER_TILE, ROWS_PER_TILE)])
    plsc.subcore_barrier()

    def gather_start(j, b):
        pltpu.async_copy(h2_hbm.at[idxb.at[2 * j]], rows.at[b], sg[b])

    def gather_wait(j, b):
        pltpu.make_async_copy(h2_hbm.at[idxb.at[2 * j]], rows.at[b],
                              sg[b]).wait()

    def scatter_start(j, b):
        pltpu.async_copy(rows.at[b], u_sh.at[idxb.at[2 * j + 1]], ss[b],
                         add=True)

    def scatter_wait(b):
        pltpu.make_async_copy(rows.at[b], u_sh.at[idxb.at[1]], ss[b]).wait()

    def superstep(k, carry):
        r0i = (t * TILE_ROWS + k * SS_ROWS) * 2
        pltpu.sync_copy(idx_hbm.at[c, pl.ds(r0i, 2 * SS_ROWS)], idxb)
        for p in range(NBUF - 1):
            gather_start(p, p)

        def inner(jj, _):
            for b in range(NBUF):
                j = jj * NBUF + b
                nb = (b + NBUF - 1) % NBUF
                nj = j + NBUF - 1

                @pl.when(nj < SS_ROWS)
                def _prefetch():
                    if b == 0:
                        @pl.when(jj >= 1)
                        def _w():
                            scatter_wait(nb)
                    else:
                        scatter_wait(nb)
                    gather_start(nj, nb)

                gather_wait(j, b)
                scatter_start(j, b)
            return _

        lax.fori_loop(0, SS_ROWS // NBUF, inner, None)
        for b in range(NBUF):
            scatter_wait(b)
        return carry

    lax.fori_loop(0, N_SS, superstep, None)
    plsc.subcore_barrier()

    out0 = t * ROWS_PER_TILE
    pltpu.sync_copy(u_sh.at[pl.ds(out0, ROWS_PER_TILE)],
                    u_hbm.at[c, pl.ds(out0, ROWS_PER_TILE)])


@functools.cache
def _get_seg_sum():
    mesh = plsc.VectorSubcoreMesh(core_axis_name="c", subcore_axis_name="s",
                                  num_cores=NC, num_subcores=NS)
    return pl.kernel(
        _seg_sum_body,
        out_type=jax.ShapeDtypeStruct((NC, N_P, FH), jnp.float32),
        mesh=mesh,
        compiler_params=pltpu.CompilerParams(use_tc_tiling_on_sc=False),
        scratch_types=[
            pltpu.VMEM((2 * SS_ROWS, CHUNK), jnp.int32),
            pltpu.VMEM((NBUF, CHUNK, FH), jnp.float32),
            pltpu.VMEM_SHARED((U_PAD, FH), jnp.float32),
        ] + [pltpu.SemaphoreType.DMA] * (2 * NBUF),
    )


def _segment_sum_sc(h2, idx2, zeros):
    return _get_seg_sum()(h2, idx2, zeros)


IDX_BLK = 640


def _entry(n):
    return (n // ROWS_BLK) * ROWS_BLK + (n % PBLK) * PACK + (n % ROWS_BLK) // PBLK


def _idx_build_body(ei_ref, o_ref):
    es = _entry(ei_ref[0])
    ed = _entry(ei_ref[1])
    for c in range(NC):
        o_ref[c] = jnp.stack([es + c * N_P, ed], axis=1).reshape(
            2 * IDX_BLK, CHUNK)


def _idx_build(ei3):
    return pl.pallas_call(
        _idx_build_body,
        grid=(ROWS2D // IDX_BLK,),
        in_specs=[
            pl.BlockSpec((2, IDX_BLK, CHUNK), lambda i: (0, i, 0)),
        ],
        out_specs=pl.BlockSpec((NC, 2 * IDX_BLK, CHUNK), lambda i: (0, i, 0)),
        out_shape=jax.ShapeDtypeStruct((NC, 2 * ROWS2D, CHUNK), jnp.int32),
    )(ei3)


ROWS_BLK = 2048
GRID = N_P // ROWS_BLK
PACK = 128 // FH
PROWS = N_P // PACK
PBLK = ROWS_BLK // PACK



def _unpack(p_ref):
    pk = p_ref[...]
    return jnp.concatenate([pk[:, k * FH:(k + 1) * FH] for k in range(PACK)],
                           axis=0)


def _store_packed(o3_ref, z):
    for c in range(NC):
        zh = z[:, c * FH:(c + 1) * FH]
        o3_ref[c] = jnp.concatenate(
            [zh[k * PBLK:(k + 1) * PBLK] for k in range(PACK)], axis=1)


def _embed_body(x_ref, w_ref, o3_ref):
    z = jnp.dot(x_ref[...], w_ref[...], preferred_element_type=jnp.float32)
    _store_packed(o3_ref, z)


def _embed(x, w):
    d_in = x.shape[1]
    return pl.pallas_call(
        _embed_body,
        grid=(GRID,),
        in_specs=[
            pl.BlockSpec((ROWS_BLK, d_in), lambda i: (i, 0)),
            pl.BlockSpec((d_in, HID), lambda i: (0, 0)),
        ],
        out_specs=pl.BlockSpec((NC, PBLK, 128), lambda i: (0, i, 0)),
        out_shape=jax.ShapeDtypeStruct((NC, PROWS, 128), jnp.float32),
    )(x, w)


def _layer_math(u3_ref, h3_ref, w, g, b):
    z = jnp.dot(_unpack(u3_ref.at[0]), w[:FH, :],
                preferred_element_type=jnp.float32)
    z = z + jnp.dot(_unpack(u3_ref.at[1]), w[FH:, :],
                    preferred_element_type=jnp.float32)
    h0 = jnp.concatenate([_unpack(h3_ref.at[0]), _unpack(h3_ref.at[1])], axis=1)
    z = jnp.maximum(z, 0.0) + h0
    mu = jnp.mean(z, axis=-1, keepdims=True)
    var = jnp.mean((z - mu) ** 2, axis=-1, keepdims=True)
    return (z - mu) * lax.rsqrt(var + 1e-5) * g + b


def _layer_body(u3_ref, h3_ref, w_ref, g_ref, b_ref, o3_ref):
    z = _layer_math(u3_ref, h3_ref, w_ref[...], g_ref[...], b_ref[...])
    _store_packed(o3_ref, z)


_P3_SPEC = pl.BlockSpec((NC, PBLK, 128), lambda i: (0, i, 0))


def _layer(u3, h3, w, g, b):
    return pl.pallas_call(
        _layer_body,
        grid=(GRID,),
        in_specs=[
            _P3_SPEC,
            _P3_SPEC,
            pl.BlockSpec((HID, HID), lambda i: (0, 0)),
            pl.BlockSpec((1, HID), lambda i: (0, 0)),
            pl.BlockSpec((1, HID), lambda i: (0, 0)),
        ],
        out_specs=_P3_SPEC,
        out_shape=jax.ShapeDtypeStruct((NC, PROWS, 128), jnp.float32),
    )(u3, h3, w, g, b)


def _last_layer_body(u3_ref, h3_ref, w_ref, g_ref, b_ref, wo_ref, o_ref):
    hn = _layer_math(u3_ref, h3_ref, w_ref[...], g_ref[...], b_ref[...])

    @pl.when(pl.program_id(0) == 0)
    def _init():
        o_ref[...] = jnp.zeros_like(o_ref)

    row = (pl.program_id(0) * ROWS_BLK
           + lax.broadcasted_iota(jnp.int32, (ROWS_BLK, HID), 0))
    hn = jnp.where(row < N_NODES, hn, 0.0)
    part = jnp.sum(jnp.sum(hn, axis=0) * wo_ref[0, :])
    o_ref[...] = o_ref[...] + part[None, None]


def _last_layer(u3, h3, w, g, b, wo):
    return pl.pallas_call(
        _last_layer_body,
        grid=(GRID,),
        in_specs=[
            _P3_SPEC,
            _P3_SPEC,
            pl.BlockSpec((HID, HID), lambda i: (0, 0)),
            pl.BlockSpec((1, HID), lambda i: (0, 0)),
            pl.BlockSpec((1, HID), lambda i: (0, 0)),
            pl.BlockSpec((1, HID), lambda i: (0, 0)),
        ],
        out_specs=pl.BlockSpec((1, 1), lambda i: (0, 0)),
        out_shape=jax.ShapeDtypeStruct((1, 1), jnp.float32),
    )(u3, h3, w, g, b, wo)


def kernel(node_feat, edge_feat, edge_index, W_emb_node, W_emb_edge,
           W_layers, ln_gamma, ln_beta, W_out):
    del edge_feat, W_emb_edge
    npad = E_PAD - N_EDGES
    pad_src = (jnp.arange(npad, dtype=jnp.int32) * 61) % N_NODES
    pad_dst = N_NODES + (jnp.arange(npad, dtype=jnp.int32) % N_TRASH)
    ei_pad = jnp.concatenate(
        [edge_index, jnp.stack([pad_src, pad_dst])], axis=1)
    idx2 = _idx_build(ei_pad.reshape(2, ROWS2D, CHUNK))
    zeros = jnp.zeros((U_PAD, FH), jnp.float32)

    h3 = _embed(node_feat, W_emb_node)
    for i in range(N_LAYERS):
        u3 = _segment_sum_sc(h3.reshape(NC * N_P, FH), idx2, zeros)
        u3 = u3.reshape(NC, PROWS, 128)
        gi = ln_gamma[i].reshape(1, HID)
        bi = ln_beta[i].reshape(1, HID)
        if i < N_LAYERS - 1:
            h3 = _layer(u3, h3, W_layers[i], gi, bi)
        else:
            out = _last_layer(u3, h3, W_layers[i], gi, bi,
                              W_out.reshape(1, HID))
    return out

# --- scband reference (transcript-rebuilt; emitter-appended) ---
"""Pipeline reference for scband-gcn-gat-model-64639257805287 (READ-ONLY COPY).

The authoritative reference and input builder live on the scoring server;
editing this copy changes nothing except your own understanding.
"""

import jax, jax.numpy as jnp
import numpy as np

N = 50000
E = 800000
D_NODE = 59
D_EDGE = 6
H = 64
L = 4


def setup_inputs(seed: int = 0) -> dict:
    key = jax.random.key(seed)
    ks = jax.random.split(key, 12)
    inp = {}
    inp["node_feat"] = jax.random.normal(ks[0], (N, D_NODE), dtype=jnp.float32)
    inp["edge_feat"] = jax.random.normal(ks[1], (E, D_EDGE), dtype=jnp.float32)
    inp["edge_index"] = jax.random.randint(ks[2], (2, E), 0, N, dtype=jnp.int32)
    # learned parameters (torch Linear weights, stored as [in, out] for x @ W)
    inp["W_emb_node"] = jax.random.normal(ks[3], (D_NODE, H), dtype=jnp.float32) * (1.0 / np.sqrt(D_NODE))
    inp["W_emb_edge"] = jax.random.normal(ks[4], (D_EDGE, H), dtype=jnp.float32) * (1.0 / np.sqrt(D_EDGE))
    inp["W_layers"] = jax.random.normal(ks[5], (L, H, H), dtype=jnp.float32) * (1.0 / np.sqrt(H))
    inp["ln_gamma"] = jnp.ones((L, H), dtype=jnp.float32)
    inp["ln_beta"] = jnp.zeros((L, H), dtype=jnp.float32)
    inp["W_out"] = jax.random.normal(ks[6], (H, 1), dtype=jnp.float32) * (1.0 / np.sqrt(H))
    return inp


def _layernorm(x, g, b, eps=1e-5):
    mu = jnp.mean(x, axis=-1, keepdims=True)
    var = jnp.var(x, axis=-1, keepdims=True)
    return (x - mu) / jnp.sqrt(var + eps) * g + b


def reference(node_feat, edge_feat, edge_index, W_emb_node, W_emb_edge, W_layers, ln_gamma, ln_beta, W_out):
    # embedding_node / embedding_edge (bias=False linears)
    h = node_feat.astype(jnp.float32) @ W_emb_node
    e_ij = edge_feat.astype(jnp.float32) @ W_emb_edge  # stored on graph; unused by GCN layers
    src = edge_index[0]
    dst = edge_index[1]
    for i in range(L):
        h0 = h
        # graph.update_all(fn.copy_u('h','m'), fn.sum('m','u_')): scatter-add src feats into dst
        m = jnp.take(h, src, axis=0)
        u_ = jax.ops.segment_sum(m, dst, num_segments=N)
        h = jax.nn.relu(u_ @ W_layers[i]) + h0
        h = _layernorm(h, ln_gamma[i], ln_beta[i])
        # dropout with training=False is identity
    # dgl.readout_nodes(graph, 'h', op='sum') over single graph -> [1, H]
    out = jnp.sum(h, axis=0, keepdims=True)
    out = out @ W_out  # linear_out, bias=False -> [1, 1]
    return out

if __name__ == "__main__":
    import jax
    _d = setup_inputs()
    print(jax.jit(kernel)(*tuple(_d.values())))

</pallas_src>

<mosaic_0001>
#map = affine_map<(d0, d1) -> (0, 0)>
#map1 = affine_map<(d0, d1) -> (0, 0, 0)>
module attributes {stable_mosaic.version = 14 : i64} {
  func.func @_seg_sum_body(%arg0: i32, %arg1: i32, %arg2: memref<102400x32xf32, #tpu.memory_space<hbm>>, %arg3: memref<2x12800x128xi32, #tpu.memory_space<hbm>>, %arg4: memref<51200x32xf32, #tpu.memory_space<hbm>>, %arg5: memref<2x51200x32xf32, #tpu.memory_space<hbm>>, %arg6: memref<80x128xi32, #tpu.memory_space<vmem>>, %arg7: memref<4x128x32xf32, #tpu.memory_space<vmem>>, %arg8: memref<51200x32xf32, #tpu.memory_space<vmem_shared>>, %arg9: memref<!tpu.dma_semaphore, #tpu.memory_space<semaphore_mem>>, %arg10: memref<!tpu.dma_semaphore, #tpu.memory_space<semaphore_mem>>, %arg11: memref<!tpu.dma_semaphore, #tpu.memory_space<semaphore_mem>>, %arg12: memref<!tpu.dma_semaphore, #tpu.memory_space<semaphore_mem>>, %arg13: memref<!tpu.dma_semaphore, #tpu.memory_space<semaphore_mem>>, %arg14: memref<!tpu.dma_semaphore, #tpu.memory_space<semaphore_mem>>, %arg15: memref<!tpu.dma_semaphore, #tpu.memory_space<semaphore_mem>>, %arg16: memref<!tpu.dma_semaphore, #tpu.memory_space<semaphore_mem>>) attributes {dimension_semantics = [#tpu.dimension_semantics<core_parallel>, #tpu.dimension_semantics<subcore_parallel>], iteration_bounds = array<i64: 2, 16>, scalar_prefetch = 0 : i64, scratch_operands = 11 : i64, tpu.core_type = #tpu.core_type<sc_vector_subcore>, window_params = [{transform_indices = #map}, {transform_indices = #map1}, {transform_indices = #map}, {transform_indices = #map1}]} {
    %mul3A = arith.constant 3200 : i32
    %mul3A_0 = arith.muli %arg1, %mul3A : i32
    %mul3A_1 = arith.constant 3200 : i32
    %mul3A_2 = arith.muli %arg1, %mul3A_1 : i32
    "tpu.region"() ({
      %run_scoped3A = tpu.sem_alloc : memref<!tpu.dma_semaphore, #tpu.memory_space<semaphore_mem>>
      %dma_start3A = arith.constant 0 : i32
      %dma_start3A_10 = tpu.memref_slice %arg8[%mul3A_2, %dma_start3A] : memref<51200x32xf32, #tpu.memory_space<vmem_shared>> -> memref<3200x32xf32, #tpu.memory_space<vmem_shared>>
      %dma_start3A_11 = arith.constant 0 : i32
      %dma_start3A_12 = tpu.memref_slice %arg4[%mul3A_0, %dma_start3A_11] : memref<51200x32xf32, #tpu.memory_space<hbm>> -> memref<3200x32xf32, #tpu.memory_space<hbm>>
      tpu.enqueue_dma source(%dma_start3A_12 : memref<3200x32xf32, #tpu.memory_space<hbm>>) target(%dma_start3A_10 : memref<3200x32xf32, #tpu.memory_space<vmem_shared>>) target_semaphore(%run_scoped3A : memref<!tpu.dma_semaphore, #tpu.memory_space<semaphore_mem>>)
      %dma_wait3A = arith.constant 0 : i32
      %dma_wait3A_13 = tpu.memref_slice %arg8[%mul3A_2, %dma_wait3A] : memref<51200x32xf32, #tpu.memory_space<vmem_shared>> -> memref<3200x32xf32, #tpu.memory_space<vmem_shared>>
      %dma_wait3A_14 = arith.constant 0 : i32
      %dma_wait3A_15 = tpu.memref_slice %arg4[%mul3A_0, %dma_wait3A_14] : memref<51200x32xf32, #tpu.memory_space<hbm>> -> memref<3200x32xf32, #tpu.memory_space<hbm>>
      tpu.wait_dma2 semaphore(%run_scoped3A : memref<!tpu.dma_semaphore, #tpu.memory_space<semaphore_mem>>) src(%dma_wait3A_15 : memref<3200x32xf32, #tpu.memory_space<hbm>>) dst(%dma_wait3A_13 : memref<3200x32xf32, #tpu.memory_space<vmem_shared>>)
      tpu.yield
    }) : () -> ()
    %barrier3A = arith.constant 0 : index
    tpu.barrier barrier_id(%barrier3A)
    %scan3A = arith.constant 0 : i32
    %scan3A_3 = arith.constant 10 : i32
    %scan3A_4 = arith.addi %scan3A, %scan3A_3 : i32
    %scan3A_5 = arith.constant 1 : i32
    scf.for %scan3A_10 = %scan3A to %scan3A_4 step %scan3A_5  : i32 {
      %mul3A_11 = arith.constant 400 : i32
      %mul3A_12 = arith.muli %arg1, %mul3A_11 : i32
      %mul3A_13 = arith.constant 40 : i32
      %mul3A_14 = arith.muli %scan3A_10, %mul3A_13 : i32
      %add3A = arith.addi %mul3A_12, %mul3A_14 : i32
      %mul3A_15 = arith.constant 2 : i32
      %mul3A_16 = arith.muli %add3A, %mul3A_15 : i32
      "tpu.region"() ({
        %run_scoped3A = tpu.sem_alloc : memref<!tpu.dma_semaphore, #tpu.memory_space<semaphore_mem>>
        %dma_start3A_104 = arith.constant 0 : i32
        %dma_start3A_105 = tpu.memref_slice %arg3[%arg0, %mul3A_16, %dma_start3A_104] : memref<2x12800x128xi32, #tpu.memory_space<hbm>> -> memref<1x80x128xi32, #tpu.memory_space<hbm>>
        %dma_start3A_106 = tpu.memref_squeeze %dma_start3A_105 : memref<1x80x128xi32, #tpu.memory_space<hbm>> -> memref<80x128xi32, #tpu.memory_space<hbm>>
        %dma_start3A_107 = arith.constant 0 : i32
        %dma_start3A_108 = tpu.memref_slice %arg3[%arg0, %mul3A_16, %dma_start3A_107] : memref<2x12800x128xi32, #tpu.memory_space<hbm>> -> memref<1x80x128xi32, #tpu.memory_space<hbm>>
        %dma_start3A_109 = tpu.memref_squeeze %dma_start3A_108 : memref<1x80x128xi32, #tpu.memory_space<hbm>> -> memref<80x128xi32, #tpu.memory_space<hbm>>
        tpu.enqueue_dma source(%dma_start3A_109 : memref<80x128xi32, #tpu.memory_space<hbm>>) target(%arg6 : memref<80x128xi32, #tpu.memory_space<vmem>>) target_semaphore(%run_scoped3A : memref<!tpu.dma_semaphore, #tpu.memory_space<semaphore_mem>>)
        %dma_wait3A_110 = arith.constant 0 : i32
        %dma_wait3A_111 = tpu.memref_slice %arg3[%arg0, %mul3A_16, %dma_wait3A_110] : memref<2x12800x128xi32, #tpu.memory_space<hbm>> -> memref<1x80x128xi32, #tpu.memory_space<hbm>>
        %dma_wait3A_112 = tpu.memref_squeeze %dma_wait3A_111 : memref<1x80x128xi32, #tpu.memory_space<hbm>> -> memref<80x128xi32, #tpu.memory_space<hbm>>
        %dma_wait3A_113 = arith.constant 0 : i32
        %dma_wait3A_114 = tpu.memref_slice %arg3[%arg0, %mul3A_16, %dma_wait3A_113] : memref<2x12800x128xi32, #tpu.memory_space<hbm>> -> memref<1x80x128xi32, #tpu.memory_space<hbm>>
        %dma_wait3A_115 = tpu.memref_squeeze %dma_wait3A_114 : memref<1x80x128xi32, #tpu.memory_space<hbm>> -> memref<80x128xi32, #tpu.memory_space<hbm>>
        tpu.wait_dma2 semaphore(%run_scoped3A : memref<!tpu.dma_semaphore, #tpu.memory_space<semaphore_mem>>) src(%dma_wait3A_115 : memref<80x128xi32, #tpu.memory_space<hbm>>) dst(%arg6 : memref<80x128xi32, #tpu.memory_space<vmem>>)
        tpu.yield
      }) : () -> ()
      %dma_start3A = arith.constant 0 : i32
      %dma_start3A_17 = arith.constant 0 : i32
      %dma_start3A_18 = arith.constant 0 : i32
      %dma_start3A_19 = arith.constant 0 : i32
      %dma_start3A_20 = tpu.memref_slice %arg7[%dma_start3A_17, %dma_start3A_18, %dma_start3A_19] : memref<4x128x32xf32, #tpu.memory_space<vmem>> -> memref<1x128x32xf32, #tpu.memory_space<vmem>>
      %dma_start3A_21 = tpu.memref_squeeze %dma_start3A_20 : memref<1x128x32xf32, #tpu.memory_space<vmem>> -> memref<128x32xf32, #tpu.memory_space<vmem>>
      %dma_start3A_22 = arith.constant 0 : i32
      %dma_start3A_23 = tpu.memref_slice %arg6[%dma_start3A, %dma_start3A_22] : memref<80x128xi32, #tpu.memory_space<vmem>> -> memref<1x128xi32, #tpu.memory_space<vmem>>
      %dma_start3A_24 = tpu.memref_squeeze %dma_start3A_23 : memref<1x128xi32, #tpu.memory_space<vmem>> -> memref<128xi32, #tpu.memory_space<vmem>>
      %dma_start3A_25 = arith.constant 0 : i32
      %dma_start3A_26 = arith.constant 0 : i32
      %dma_start3A_27 = tpu.memref_slice %arg2[%dma_start3A_25, %dma_start3A_26] : memref<102400x32xf32, #tpu.memory_space<hbm>> -> memref<102400x32xf32, #tpu.memory_space<hbm>>
      tpu.enqueue_indirect_dma source(%dma_start3A_27 : memref<102400x32xf32, #tpu.memory_space<hbm>>) target(%dma_start3A_21 : memref<128x32xf32, #tpu.memory_space<vmem>>) offsets(%dma_start3A_24 : memref<128xi32, #tpu.memory_space<vmem>>) semaphore(%arg9 : memref<!tpu.dma_semaphore, #tpu.memory_space<semaphore_mem>>)
      %dma_start3A_28 = arith.constant 2 : i32
      %dma_start3A_29 = arith.constant 1 : i32
      %dma_start3A_30 = arith.constant 0 : i32
      %dma_start3A_31 = arith.constant 0 : i32
      %dma_start3A_32 = tpu.memref_slice %arg7[%dma_start3A_29, %dma_start3A_30, %dma_start3A_31] : memref<4x128x32xf32, #tpu.memory_space<vmem>> -> memref<1x128x32xf32, #tpu.memory_space<vmem>>
      %dma_start3A_33 = tpu.memref_squeeze %dma_start3A_32 : memref<1x128x32xf32, #tpu.memory_space<vmem>> -> memref<128x32xf32, #tpu.memory_space<vmem>>
      %dma_start3A_34 = arith.constant 0 : i32
      %dma_start3A_35 = tpu.memref_slice %arg6[%dma_start3A_28, %dma_start3A_34] : memref<80x128xi32, #tpu.memory_space<vmem>> -> memref<1x128xi32, #tpu.memory_space<vmem>>
      %dma_start3A_36 = tpu.memref_squeeze %dma_start3A_35 : memref<1x128xi32, #tpu.memory_space<vmem>> -> memref<128xi32, #tpu.memory_space<vmem>>
      %dma_start3A_37 = arith.constant 0 : i32
      %dma_start3A_38 = arith.constant 0 : i32
      %dma_start3A_39 = tpu.memref_slice %arg2[%dma_start3A_37, %dma_start3A_38] : memref<102400x32xf32, #tpu.memory_space<hbm>> -> memref<102400x32xf32, #tpu.memory_space<hbm>>
      tpu.enqueue_indirect_dma source(%dma_start3A_39 : memref<102400x32xf32, #tpu.memory_space<hbm>>) target(%dma_start3A_33 : memref<128x32xf32, #tpu.memory_space<vmem>>) offsets(%dma_start3A_36 : memref<128xi32, #tpu.memory_space<vmem>>) semaphore(%arg10 : memref<!tpu.dma_semaphore, #tpu.memory_space<semaphore_mem>>)
      %dma_start3A_40 = arith.constant 4 : i32
      %dma_start3A_41 = arith.constant 2 : i32
      %dma_start3A_42 = arith.constant 0 : i32
      %dma_start3A_43 = arith.constant 0 : i32
      %dma_start3A_44 = tpu.memref_slice %arg7[%dma_start3A_41, %dma_start3A_42, %dma_start3A_43] : memref<4x128x32xf32, #tpu.memory_space<vmem>> -> memref<1x128x32xf32, #tpu.memory_space<vmem>>
      %dma_start3A_45 = tpu.memref_squeeze %dma_start3A_44 : memref<1x128x32xf32, #tpu.memory_space<vmem>> -> memref<128x32xf32, #tpu.memory_space<vmem>>
      %dma_start3A_46 = arith.constant 0 : i32
      %dma_start3A_47 = tpu.memref_slice %arg6[%dma_start3A_40, %dma_start3A_46] : memref<80x128xi32, #tpu.memory_space<vmem>> -> memref<1x128xi32, #tpu.memory_space<vmem>>
      %dma_start3A_48 = tpu.memref_squeeze %dma_start3A_47 : memref<1x128xi32, #tpu.memory_space<vmem>> -> memref<128xi32, #tpu.memory_space<vmem>>
      %dma_start3A_49 = arith.constant 0 : i32
      %dma_start3A_50 = arith.constant 0 : i32
      %dma_start3A_51 = tpu.memref_slice %arg2[%dma_start3A_49, %dma_start3A_50] : memref<102400x32xf32, #tpu.memory_space<hbm>> -> memref<102400x32xf32, #tpu.memory_space<hbm>>
      tpu.enqueue_indirect_dma source(%dma_start3A_51 : memref<102400x32xf32, #tpu.memory_space<hbm>>) target(%dma_start3A_45 : memref<128x32xf32, #tpu.memory_space<vmem>>) offsets(%dma_start3A_48 : memref<128xi32, #tpu.memory_space<vmem>>) semaphore(%arg11 : memref<!tpu.dma_semaphore, #tpu.memory_space<semaphore_mem>>)
      %scan3A_52 = arith.constant 0 : i32
      %scan3A_53 = arith.constant 10 : i32
      %scan3A_54 = arith.addi %scan3A_52, %scan3A_53 : i32
      %scan3A_55 = arith.constant 1 : i32
      scf.for %scan3A_104 = %scan3A_52 to %scan3A_54 step %scan3A_55  : i32 {
        %mul3A_105 = arith.constant 4 : i32
        %mul3A_106 = arith.muli %scan3A_104, %mul3A_105 : i32
        %add3A_107 = arith.constant 0 : i32
        %add3A_108 = arith.addi %mul3A_106, %add3A_107 : i32
        %add3A_109 = arith.constant 4 : i32
        %add3A_110 = arith.addi %add3A_108, %add3A_109 : i32
        %sub3A = arith.constant 1 : i32
        %sub3A_111 = arith.subi %add3A_110, %sub3A : i32
        %lt3A = arith.constant 40 : i32
        %lt3A_112 = arith.cmpi slt, %sub3A_111, %lt3A : i32
        %convert_element_type3A = arith.extui %lt3A_112 : i1 to i32
        %cond3A = arith.constant 0 : i32
        %cond3A_113 = arith.cmpi ne, %convert_element_type3A, %cond3A : i32
        scf.if %cond3A_113 {
          %ge3A = arith.constant 1 : i32
          %ge3A_265 = arith.cmpi sge, %scan3A_104, %ge3A : i32
          %convert_element_type3A_266 = arith.extui %ge3A_265 : i1 to i32
          %cond3A_267 = arith.constant 0 : i32
          %cond3A_268 = arith.cmpi ne, %convert_element_type3A_266, %cond3A_267 : i32
          scf.if %cond3A_268 {
            %dma_wait3A_282 = arith.constant 3 : i32
            %dma_wait3A_283 = arith.constant 1 : i32
            %dma_wait3A_284 = arith.constant 0 : i32
            %dma_wait3A_285 = arith.constant 0 : i32
            %dma_wait3A_286 = tpu.memref_slice %arg7[%dma_wait3A_282, %dma_wait3A_284, %dma_wait3A_285] : memref<4x128x32xf32, #tpu.memory_space<vmem>> -> memref<1x128x32xf32, #tpu.memory_space<vmem>>
            %dma_wait3A_287 = tpu.memref_squeeze %dma_wait3A_286 : memref<1x128x32xf32, #tpu.memory_space<vmem>> -> memref<128x32xf32, #tpu.memory_space<vmem>>
            %dma_wait3A_288 = arith.constant 0 : i32
            %dma_wait3A_289 = tpu.memref_slice %arg6[%dma_wait3A_283, %dma_wait3A_288] : memref<80x128xi32, #tpu.memory_space<vmem>> -> memref<1x128xi32, #tpu.memory_space<vmem>>
            %dma_wait3A_290 = tpu.memref_squeeze %dma_wait3A_289 : memref<1x128xi32, #tpu.memory_space<vmem>> -> memref<128xi32, #tpu.memory_space<vmem>>
            %dma_wait3A_291 = arith.constant 0 : i32
            %dma_wait3A_292 = arith.constant 0 : i32
            %dma_wait3A_293 = tpu.memref_slice %arg8[%dma_wait3A_291, %dma_wait3A_292] : memref<51200x32xf32, #tpu.memory_space<vmem_shared>> -> memref<51200x32xf32, #tpu.memory_space<vmem_shared>>
            tpu.wait_indirect_dma semaphore(%arg16 : memref<!tpu.dma_semaphore, #tpu.memory_space<semaphore_mem>>) src(%dma_wait3A_287 : memref<128x32xf32, #tpu.memory_space<vmem>>) dst(%dma_wait3A_293 : memref<51200x32xf32, #tpu.memory_space<vmem_shared>>)
          } else {
          }
          %mul3A_269 = arith.constant 2 : i32
          %mul3A_270 = arith.muli %mul3A_269, %sub3A_111 : i32
          %dma_start3A_271 = arith.constant 3 : i32
          %dma_start3A_272 = arith.constant 0 : i32
          %dma_start3A_273 = arith.constant 0 : i32
          %dma_start3A_274 = tpu.memref_slice %arg7[%dma_start3A_271, %dma_start3A_272, %dma_start3A_273] : memref<4x128x32xf32, #tpu.memory_space<vmem>> -> memref<1x128x32xf32, #tpu.memory_space<vmem>>
          %dma_start3A_275 = tpu.memref_squeeze %dma_start3A_274 : memref<1x128x32xf32, #tpu.memory_space<vmem>> -> memref<128x32xf32, #tpu.memory_space<vmem>>
          %dma_start3A_276 = arith.constant 0 : i32
          %dma_start3A_277 = tpu.memref_slice %arg6[%mul3A_270, %dma_start3A_276] : memref<80x128xi32, #tpu.memory_space<vmem>> -> memref<1x128xi32, #tpu.memory_space<vmem>>
          %dma_start3A_278 = tpu.memref_squeeze %dma_start3A_277 : memref<1x128xi32, #tpu.memory_space<vmem>> -> memref<128xi32, #tpu.memory_space<vmem>>
          %dma_start3A_279 = arith.constant 0 : i32
          %dma_start3A_280 = arith.constant 0 : i32
          %dma_start3A_281 = tpu.memref_slice %arg2[%dma_start3A_279, %dma_start3A_280] : memref<102400x32xf32, #tpu.memory_space<hbm>> -> memref<102400x32xf32, #tpu.memory_space<hbm>>
          tpu.enqueue_indirect_dma source(%dma_start3A_281 : memref<102400x32xf32, #tpu.memory_space<hbm>>) target(%dma_start3A_275 : memref<128x32xf32, #tpu.memory_space<vmem>>) offsets(%dma_start3A_278 : memref<128xi32, #tpu.memory_space<vmem>>) semaphore(%arg12 : memref<!tpu.dma_semaphore, #tpu.memory_space<semaphore_mem>>)
        } else {
        }
        %mul3A_114 = arith.constant 2 : i32
        %mul3A_115 = arith.muli %mul3A_114, %add3A_108 : i32
        %dma_wait3A_116 = arith.constant 0 : i32
        %dma_wait3A_117 = arith.constant 0 : i32
        %dma_wait3A_118 = arith.constant 0 : i32
        %dma_wait3A_119 = tpu.memref_slice %arg7[%dma_wait3A_116, %dma_wait3A_117, %dma_wait3A_118] : memref<4x128x32xf32, #tpu.memory_space<vmem>> -> memref<1x128x32xf32, #tpu.memory_space<vmem>>
        %dma_wait3A_120 = tpu.memref_squeeze %dma_wait3A_119 : memref<1x128x32xf32, #tpu.memory_space<vmem>> -> memref<128x32xf32, #tpu.memory_space<vmem>>
        %dma_wait3A_121 = arith.constant 0 : i32
        %dma_wait3A_122 = tpu.memref_slice %arg6[%mul3A_115, %dma_wait3A_121] : memref<80x128xi32, #tpu.memory_space<vmem>> -> memref<1x128xi32, #tpu.memory_space<vmem>>
        %dma_wait3A_123 = tpu.memref_squeeze %dma_wait3A_122 : memref<1x128xi32, #tpu.memory_space<vmem>> -> memref<128xi32, #tpu.memory_space<vmem>>
        %dma_wait3A_124 = arith.constant 0 : i32
        %dma_wait3A_125 = arith.constant 0 : i32
        %dma_wait3A_126 = tpu.memref_slice %arg2[%dma_wait3A_124, %dma_wait3A_125] : memref<102400x32xf32, #tpu.memory_space<hbm>> -> memref<102400x32xf32, #tpu.memory_space<hbm>>
        tpu.wait_indirect_dma semaphore(%arg9 : memref<!tpu.dma_semaphore, #tpu.memory_space<semaphore_mem>>) src(%dma_wait3A_126 : memref<102400x32xf32, #tpu.memory_space<hbm>>) dst(%dma_wait3A_120 : memref<128x32xf32, #tpu.memory_space<vmem>>)
        %mul3A_127 = arith.constant 2 : i32
        %mul3A_128 = arith.muli %mul3A_127, %add3A_108 : i32
        %add3A_129 = arith.constant 1 : i32
        %add3A_130 = arith.addi %mul3A_128, %add3A_129 : i32
        %dma_start3A_131 = arith.constant 0 : i32
        %dma_start3A_132 = arith.constant 0 : i32
        %dma_start3A_133 = arith.constant 0 : i32
        %dma_start3A_134 = tpu.memref_slice %arg7[%dma_start3A_131, %dma_start3A_132, %dma_start3A_133] : memref<4x128x32xf32, #tpu.memory_space<vmem>> -> memref<1x128x32xf32, #tpu.memory_space<vmem>>
        %dma_start3A_135 = tpu.memref_squeeze %dma_start3A_134 : memref<1x128x32xf32, #tpu.memory_space<vmem>> -> memref<128x32xf32, #tpu.memory_space<vmem>>
        %dma_start3A_136 = arith.constant 0 : i32
        %dma_start3A_137 = tpu.memref_slice %arg6[%add3A_130, %dma_start3A_136] : memref<80x128xi32, #tpu.memory_space<vmem>> -> memref<1x128xi32, #tpu.memory_space<vmem>>
        %dma_start3A_138 = tpu.memref_squeeze %dma_start3A_137 : memref<1x128xi32, #tpu.memory_space<vmem>> -> memref<128xi32, #tpu.memory_space<vmem>>
        %dma_start3A_139 = arith.constant 0 : i32
        %dma_start3A_140 = arith.constant 0 : i32
        %dma_start3A_141 = tpu.memref_slice %arg8[%dma_start3A_139, %dma_start3A_140] : memref<51200x32xf32, #tpu.memory_space<vmem_shared>> -> memref<51200x32xf32, #tpu.memory_space<vmem_shared>>
        tpu.enqueue_indirect_dma source(%dma_start3A_135 : memref<128x32xf32, #tpu.memory_space<vmem>>) target(%dma_start3A_141 : memref<51200x32xf32, #tpu.memory_space<vmem_shared>>) offsets(%dma_start3A_138 : memref<128xi32, #tpu.memory_space<vmem>>) semaphore(%arg13 : memref<!tpu.dma_semaphore, #tpu.memory_space<semaphore_mem>>) {add = true}
        %mul3A_142 = arith.constant 4 : i32
        %mul3A_143 = arith.muli %scan3A_104, %mul3A_142 : i32
        %add3A_144 = arith.constant 1 : i32
        %add3A_145 = arith.addi %mul3A_143, %add3A_144 : i32
        %add3A_146 = arith.constant 4 : i32
        %add3A_147 = arith.addi %add3A_145, %add3A_146 : i32
        %sub3A_148 = arith.constant 1 : i32
        %sub3A_149 = arith.subi %add3A_147, %sub3A_148 : i32
        %lt3A_150 = arith.constant 40 : i32
        %lt3A_151 = arith.cmpi slt, %sub3A_149, %lt3A_150 : i32
        %convert_element_type3A_152 = arith.extui %lt3A_151 : i1 to i32
        %cond3A_153 = arith.constant 0 : i32
        %cond3A_154 = arith.cmpi ne, %convert_element_type3A_152, %cond3A_153 : i32
        scf.if %cond3A_154 {
          %dma_wait3A_265 = arith.constant 0 : i32
          %dma_wait3A_266 = arith.constant 1 : i32
          %dma_wait3A_267 = arith.constant 0 : i32
          %dma_wait3A_268 = arith.constant 0 : i32
          %dma_wait3A_269 = tpu.memref_slice %arg7[%dma_wait3A_265, %dma_wait3A_267, %dma_wait3A_268] : memref<4x128x32xf32, #tpu.memory_space<vmem>> -> memref<1x128x32xf32, #tpu.memory_space<vmem>>
          %dma_wait3A_270 = tpu.memref_squeeze %dma_wait3A_269 : memref<1x128x32xf32, #tpu.memory_space<vmem>> -> memref<128x32xf32, #tpu.memory_space<vmem>>
          %dma_wait3A_271 = arith.constant 0 : i32
          %dma_wait3A_272 = tpu.memref_slice %arg6[%dma_wait3A_266, %dma_wait3A_271] : memref<80x128xi32, #tpu.memory_space<vmem>> -> memref<1x128xi32, #tpu.memory_space<vmem>>
          %dma_wait3A_273 = tpu.memref_squeeze %dma_wait3A_272 : memref<1x128xi32, #tpu.memory_space<vmem>> -> memref<128xi32, #tpu.memory_space<vmem>>
          %dma_wait3A_274 = arith.constant 0 : i32
          %dma_wait3A_275 = arith.constant 0 : i32
          %dma_wait3A_276 = tpu.memref_slice %arg8[%dma_wait3A_274, %dma_wait3A_275] : memref<51200x32xf32, #tpu.memory_space<vmem_shared>> -> memref<51200x32xf32, #tpu.memory_space<vmem_shared>>
          tpu.wait_indirect_dma semaphore(%arg13 : memref<!tpu.dma_semaphore, #tpu.memory_space<semaphore_mem>>) src(%dma_wait3A_270 : memref<128x32xf32, #tpu.memory_space<vmem>>) dst(%dma_wait3A_276 : memref<51200x32xf32, #tpu.memory_space<vmem_shared>>)
          %mul3A_277 = arith.constant 2 : i32
          %mul3A_278 = arith.muli %mul3A_277, %sub3A_149 : i32
          %dma_start3A_279 = arith.constant 0 : i32
          %dma_start3A_280 = arith.constant 0 : i32
          %dma_start3A_281 = arith.constant 0 : i32
          %dma_start3A_282 = tpu.memref_slice %arg7[%dma_start3A_279, %dma_start3A_280, %dma_start3A_281] : memref<4x128x32xf32, #tpu.memory_space<vmem>> -> memref<1x128x32xf32, #tpu.memory_space<vmem>>
          %dma_start3A_283 = tpu.memref_squeeze %dma_start3A_282 : memref<1x128x32xf32, #tpu.memory_space<vmem>> -> memref<128x32xf32, #tpu.memory_space<vmem>>
          %dma_start3A_284 = arith.constant 0 : i32
          %dma_start3A_285 = tpu.memref_slice %arg6[%mul3A_278, %dma_start3A_284] : memref<80x128xi32, #tpu.memory_space<vmem>> -> memref<1x128xi32, #tpu.memory_space<vmem>>
          %dma_start3A_286 = tpu.memref_squeeze %dma_start3A_285 : memref<1x128xi32, #tpu.memory_space<vmem>> -> memref<128xi32, #tpu.memory_space<vmem>>
          %dma_start3A_287 = arith.constant 0 : i32
          %dma_start3A_288 = arith.constant 0 : i32
          %dma_start3A_289 = tpu.memref_slice %arg2[%dma_start3A_287, %dma_start3A_288] : memref<102400x32xf32, #tpu.memory_space<hbm>> -> memref<102400x32xf32, #tpu.memory_space<hbm>>
          tpu.enqueue_indirect_dma source(%dma_start3A_289 : memref<102400x32xf32, #tpu.memory_space<hbm>>) target(%dma_start3A_283 : memref<128x32xf32, #tpu.memory_space<vmem>>) offsets(%dma_start3A_286 : memref<128xi32, #tpu.memory_space<vmem>>) semaphore(%arg9 : memref<!tpu.dma_semaphore, #tpu.memory_space<semaphore_mem>>)
        } else {
        }
        %mul3A_155 = arith.constant 2 : i32
        %mul3A_156 = arith.muli %mul3A_155, %add3A_145 : i32
        %dma_wait3A_157 = arith.constant 1 : i32
        %dma_wait3A_158 = arith.constant 0 : i32
        %dma_wait3A_159 = arith.constant 0 : i32
        %dma_wait3A_160 = tpu.memref_slice %arg7[%dma_wait3A_157, %dma_wait3A_158, %dma_wait3A_159] : memref<4x128x32xf32, #tpu.memory_space<vmem>> -> memref<1x128x32xf32, #tpu.memory_space<vmem>>
        %dma_wait3A_161 = tpu.memref_squeeze %dma_wait3A_160 : memref<1x128x32xf32, #tpu.memory_space<vmem>> -> memref<128x32xf32, #tpu.memory_space<vmem>>
        %dma_wait3A_162 = arith.constant 0 : i32
        %dma_wait3A_163 = tpu.memref_slice %arg6[%mul3A_156, %dma_wait3A_162] : memref<80x128xi32, #tpu.memory_space<vmem>> -> memref<1x128xi32, #tpu.memory_space<vmem>>
        %dma_wait3A_164 = tpu.memref_squeeze %dma_wait3A_163 : memref<1x128xi32, #tpu.memory_space<vmem>> -> memref<128xi32, #tpu.memory_space<vmem>>
        %dma_wait3A_165 = arith.constant 0 : i32
        %dma_wait3A_166 = arith.constant 0 : i32
        %dma_wait3A_167 = tpu.memref_slice %arg2[%dma_wait3A_165, %dma_wait3A_166] : memref<102400x32xf32, #tpu.memory_space<hbm>> -> memref<102400x32xf32, #tpu.memory_space<hbm>>
        tpu.wait_indirect_dma semaphore(%arg10 : memref<!tpu.dma_semaphore, #tpu.memory_space<semaphore_mem>>) src(%dma_wait3A_167 : memref<102400x32xf32, #tpu.memory_space<hbm>>) dst(%dma_wait3A_161 : memref<128x32xf32, #tpu.memory_space<vmem>>)
        %mul3A_168 = arith.constant 2 : i32
        %mul3A_169 = arith.muli %mul3A_168, %add3A_145 : i32
        %add3A_170 = arith.constant 1 : i32
        %add3A_171 = arith.addi %mul3A_169, %add3A_170 : i32
        %dma_start3A_172 = arith.constant 1 : i32
        %dma_start3A_173 = arith.constant 0 : i32
        %dma_start3A_174 = arith.constant 0 : i32
        %dma_start3A_175 = tpu.memref_slice %arg7[%dma_start3A_172, %dma_start3A_173, %dma_start3A_174] : memref<4x128x32xf32, #tpu.memory_space<vmem>> -> memref<1x128x32xf32, #tpu.memory_space<vmem>>
        %dma_start3A_176 = tpu.memref_squeeze %dma_start3A_175 : memref<1x128x32xf32, #tpu.memory_space<vmem>> -> memref<128x32xf32, #tpu.memory_space<vmem>>
        %dma_start3A_177 = arith.constant 0 : i32
        %dma_start3A_178 = tpu.memref_slice %arg6[%add3A_171, %dma_start3A_177] : memref<80x128xi32, #tpu.memory_space<vmem>> -> memref<1x128xi32, #tpu.memory_space<vmem>>
        %dma_start3A_179 = tpu.memref_squeeze %dma_start3A_178 : memref<1x128xi32, #tpu.memory_space<vmem>> -> memref<128xi32, #tpu.memory_space<vmem>>
        %dma_start3A_180 = arith.constant 0 : i32
        %dma_start3A_181 = arith.constant 0 : i32
        %dma_start3A_182 = tpu.memref_slice %arg8[%dma_start3A_180, %dma_start3A_181] : memref<51200x32xf32, #tpu.memory_space<vmem_shared>> -> memref<51200x32xf32, #tpu.memory_space<vmem_shared>>
        tpu.enqueue_indirect_dma source(%dma_start3A_176 : memref<128x32xf32, #tpu.memory_space<vmem>>) target(%dma_start3A_182 : memref<51200x32xf32, #tpu.memory_space<vmem_shared>>) offsets(%dma_start3A_179 : memref<128xi32, #tpu.memory_space<vmem>>) semaphore(%arg14 : memref<!tpu.dma_semaphore, #tpu.memory_space<semaphore_mem>>) {add = true}
        %mul3A_183 = arith.constant 4 : i32
        %mul3A_184 = arith.muli %scan3A_104, %mul3A_183 : i32
        %add3A_185 = arith.constant 2 : i32
        %add3A_186 = arith.addi %mul3A_184, %add3A_185 : i32
        %add3A_187 = arith.constant 4 : i32
        %add3A_188 = arith.addi %add3A_186, %add3A_187 : i32
        %sub3A_189 = arith.constant 1 : i32
        %sub3A_190 = arith.subi %add3A_188, %sub3A_189 : i32
        %lt3A_191 = arith.constant 40 : i32
        %lt3A_192 = arith.cmpi slt, %sub3A_190, %lt3A_191 : i32
        %convert_element_type3A_193 = arith.extui %lt3A_192 : i1 to i32
        %cond3A_194 = arith.constant 0 : i32
        %cond3A_195 = arith.cmpi ne, %convert_element_type3A_193, %cond3A_194 : i32
        scf.if %cond3A_195 {
          %dma_wait3A_265 = arith.constant 1 : i32
          %dma_wait3A_266 = arith.constant 1 : i32
          %dma_wait3A_267 = arith.constant 0 : i32
          %dma_wait3A_268 = arith.constant 0 : i32
          %dma_wait3A_269 = tpu.memref_slice %arg7[%dma_wait3A_265, %dma_wait3A_267, %dma_wait3A_268] : memref<4x128x32xf32, #tpu.memory_space<vmem>> -> memref<1x128x32xf32, #tpu.memory_space<vmem>>
          %dma_wait3A_270 = tpu.memref_squeeze %dma_wait3A_269 : memref<1x128x32xf32, #tpu.memory_space<vmem>> -> memref<128x32xf32, #tpu.memory_space<vmem>>
          %dma_wait3A_271 = arith.constant 0 : i32
          %dma_wait3A_272 = tpu.memref_slice %arg6[%dma_wait3A_266, %dma_wait3A_271] : memref<80x128xi32, #tpu.memory_space<vmem>> -> memref<1x128xi32, #tpu.memory_space<vmem>>
          %dma_wait3A_273 = tpu.memref_squeeze %dma_wait3A_272 : memref<1x128xi32, #tpu.memory_space<vmem>> -> memref<128xi32, #tpu.memory_space<vmem>>
          %dma_wait3A_274 = arith.constant 0 : i32
          %dma_wait3A_275 = arith.constant 0 : i32
          %dma_wait3A_276 = tpu.memref_slice %arg8[%dma_wait3A_274, %dma_wait3A_275] : memref<51200x32xf32, #tpu.memory_space<vmem_shared>> -> memref<51200x32xf32, #tpu.memory_space<vmem_shared>>
          tpu.wait_indirect_dma semaphore(%arg14 : memref<!tpu.dma_semaphore, #tpu.memory_space<semaphore_mem>>) src(%dma_wait3A_270 : memref<128x32xf32, #tpu.memory_space<vmem>>) dst(%dma_wait3A_276 : memref<51200x32xf32, #tpu.memory_space<vmem_shared>>)
          %mul3A_277 = arith.constant 2 : i32
          %mul3A_278 = arith.muli %mul3A_277, %sub3A_190 : i32
          %dma_start3A_279 = arith.constant 1 : i32
          %dma_start3A_280 = arith.constant 0 : i32
          %dma_start3A_281 = arith.constant 0 : i32
          %dma_start3A_282 = tpu.memref_slice %arg7[%dma_start3A_279, %dma_start3A_280, %dma_start3A_281] : memref<4x128x32xf32, #tpu.memory_space<vmem>> -> memref<1x128x32xf32, #tpu.memory_space<vmem>>
          %dma_start3A_283 = tpu.memref_squeeze %dma_start3A_282 : memref<1x128x32xf32, #tpu.memory_space<vmem>> -> memref<128x32xf32, #tpu.memory_space<vmem>>
          %dma_start3A_284 = arith.constant 0 : i32
          %dma_start3A_285 = tpu.memref_slice %arg6[%mul3A_278, %dma_start3A_284] : memref<80x128xi32, #tpu.memory_space<vmem>> -> memref<1x128xi32, #tpu.memory_space<vmem>>
          %dma_start3A_286 = tpu.memref_squeeze %dma_start3A_285 : memref<1x128xi32, #tpu.memory_space<vmem>> -> memref<128xi32, #tpu.memory_space<vmem>>
          %dma_start3A_287 = arith.constant 0 : i32
          %dma_start3A_288 = arith.constant 0 : i32
          %dma_start3A_289 = tpu.memref_slice %arg2[%dma_start3A_287, %dma_start3A_288] : memref<102400x32xf32, #tpu.memory_space<hbm>> -> memref<102400x32xf32, #tpu.memory_space<hbm>>
          tpu.enqueue_indirect_dma source(%dma_start3A_289 : memref<102400x32xf32, #tpu.memory_space<hbm>>) target(%dma_start3A_283 : memref<128x32xf32, #tpu.memory_space<vmem>>) offsets(%dma_start3A_286 : memref<128xi32, #tpu.memory_space<vmem>>) semaphore(%arg10 : memref<!tpu.dma_semaphore, #tpu.memory_space<semaphore_mem>>)
        } else {
        }
        %mul3A_196 = arith.constant 2 : i32
        %mul3A_197 = arith.muli %mul3A_196, %add3A_186 : i32
        %dma_wait3A_198 = arith.constant 2 : i32
        %dma_wait3A_199 = arith.constant 0 : i32
        %dma_wait3A_200 = arith.constant 0 : i32
        %dma_wait3A_201 = tpu.memref_slice %arg7[%dma_wait3A_198, %dma_wait3A_199, %dma_wait3A_200] : memref<4x128x32xf32, #tpu.memory_space<vmem>> -> memref<1x128x32xf32, #tpu.memory_space<vmem>>
        %dma_wait3A_202 = tpu.memref_squeeze %dma_wait3A_201 : memref<1x128x32xf32, #tpu.memory_space<vmem>> -> memref<128x32xf32, #tpu.memory_space<vmem>>
        %dma_wait3A_203 = arith.constant 0 : i32
        %dma_wait3A_204 = tpu.memref_slice %arg6[%mul3A_197, %dma_wait3A_203] : memref<80x128xi32, #tpu.memory_space<vmem>> -> memref<1x128xi32, #tpu.memory_space<vmem>>
        %dma_wait3A_205 = tpu.memref_squeeze %dma_wait3A_204 : memref<1x128xi32, #tpu.memory_space<vmem>> -> memref<128xi32, #tpu.memory_space<vmem>>
        %dma_wait3A_206 = arith.constant 0 : i32
        %dma_wait3A_207 = arith.constant 0 : i32
        %dma_wait3A_208 = tpu.memref_slice %arg2[%dma_wait3A_206, %dma_wait3A_207] : memref<102400x32xf32, #tpu.memory_space<hbm>> -> memref<102400x32xf32, #tpu.memory_space<hbm>>
        tpu.wait_indirect_dma semaphore(%arg11 : memref<!tpu.dma_semaphore, #tpu.memory_space<semaphore_mem>>) src(%dma_wait3A_208 : memref<102400x32xf32, #tpu.memory_space<hbm>>) dst(%dma_wait3A_202 : memref<128x32xf32, #tpu.memory_space<vmem>>)
        %mul3A_209 = arith.constant 2 : i32
        %mul3A_210 = arith.muli %mul3A_209, %add3A_186 : i32
        %add3A_211 = arith.constant 1 : i32
        %add3A_212 = arith.addi %mul3A_210, %add3A_211 : i32
        %dma_start3A_213 = arith.constant 2 : i32
        %dma_start3A_214 = arith.constant 0 : i32
        %dma_start3A_215 = arith.constant 0 : i32
        %dma_start3A_216 = tpu.memref_slice %arg7[%dma_start3A_213, %dma_start3A_214, %dma_start3A_215] : memref<4x128x32xf32, #tpu.memory_space<vmem>> -> memref<1x128x32xf32, #tpu.memory_space<vmem>>
        %dma_start3A_217 = tpu.memref_squeeze %dma_start3A_216 : memref<1x128x32xf32, #tpu.memory_space<vmem>> -> memref<128x32xf32, #tpu.memory_space<vmem>>
        %dma_start3A_218 = arith.constant 0 : i32
        %dma_start3A_219 = tpu.memref_slice %arg6[%add3A_212, %dma_start3A_218] : memref<80x128xi32, #tpu.memory_space<vmem>> -> memref<1x128xi32, #tpu.memory_space<vmem>>
        %dma_start3A_220 = tpu.memref_squeeze %dma_start3A_219 : memref<1x128xi32, #tpu.memory_space<vmem>> -> memref<128xi32, #tpu.memory_space<vmem>>
        %dma_start3A_221 = arith.constant 0 : i32
        %dma_start3A_222 = arith.constant 0 : i32
        %dma_start3A_223 = tpu.memref_slice %arg8[%dma_start3A_221, %dma_start3A_222] : memref<51200x32xf32, #tpu.memory_space<vmem_shared>> -> memref<51200x32xf32, #tpu.memory_space<vmem_shared>>
        tpu.enqueue_indirect_dma source(%dma_start3A_217 : memref<128x32xf32, #tpu.memory_space<vmem>>) target(%dma_start3A_223 : memref<51200x32xf32, #tpu.memory_space<vmem_shared>>) offsets(%dma_start3A_220 : memref<128xi32, #tpu.memory_space<vmem>>) semaphore(%arg15 : memref<!tpu.dma_semaphore, #tpu.memory_space<semaphore_mem>>) {add = true}
        %mul3A_224 = arith.constant 4 : i32
        %mul3A_225 = arith.muli %scan3A_104, %mul3A_224 : i32
        %add3A_226 = arith.constant 3 : i32
        %add3A_227 = arith.addi %mul3A_225, %add3A_226 : i32
        %add3A_228 = arith.constant 4 : i32
        %add3A_229 = arith.addi %add3A_227, %add3A_228 : i32
        %sub3A_230 = arith.constant 1 : i32
        %sub3A_231 = arith.subi %add3A_229, %sub3A_230 : i32
        %lt3A_232 = arith.constant 40 : i32
        %lt3A_233 = arith.cmpi slt, %sub3A_231, %lt3A_232 : i32
        %convert_element_type3A_234 = arith.extui %lt3A_233 : i1 to i32
        %cond3A_235 = arith.constant 0 : i32
        %cond3A_236 = arith.cmpi ne, %convert_element_type3A_234, %cond3A_235 : i32
        scf.if %cond3A_236 {
          %dma_wait3A_265 = arith.constant 2 : i32
          %dma_wait3A_266 = arith.constant 1 : i32
          %dma_wait3A_267 = arith.constant 0 : i32
          %dma_wait3A_268 = arith.constant 0 : i32
          %dma_wait3A_269 = tpu.memref_slice %arg7[%dma_wait3A_265, %dma_wait3A_267, %dma_wait3A_268] : memref<4x128x32xf32, #tpu.memory_space<vmem>> -> memref<1x128x32xf32, #tpu.memory_space<vmem>>
          %dma_wait3A_270 = tpu.memref_squeeze %dma_wait3A_269 : memref<1x128x32xf32, #tpu.memory_space<vmem>> -> memref<128x32xf32, #tpu.memory_space<vmem>>
          %dma_wait3A_271 = arith.constant 0 : i32
          %dma_wait3A_272 = tpu.memref_slice %arg6[%dma_wait3A_266, %dma_wait3A_271] : memref<80x128xi32, #tpu.memory_space<vmem>> -> memref<1x128xi32, #tpu.memory_space<vmem>>
          %dma_wait3A_273 = tpu.memref_squeeze %dma_wait3A_272 : memref<1x128xi32, #tpu.memory_space<vmem>> -> memref<128xi32, #tpu.memory_space<vmem>>
          %dma_wait3A_274 = arith.constant 0 : i32
          %dma_wait3A_275 = arith.constant 0 : i32
          %dma_wait3A_276 = tpu.memref_slice %arg8[%dma_wait3A_274, %dma_wait3A_275] : memref<51200x32xf32, #tpu.memory_space<vmem_shared>> -> memref<51200x32xf32, #tpu.memory_space<vmem_shared>>
          tpu.wait_indirect_dma semaphore(%arg15 : memref<!tpu.dma_semaphore, #tpu.memory_space<semaphore_mem>>) src(%dma_wait3A_270 : memref<128x32xf32, #tpu.memory_space<vmem>>) dst(%dma_wait3A_276 : memref<51200x32xf32, #tpu.memory_space<vmem_shared>>)
          %mul3A_277 = arith.constant 2 : i32
          %mul3A_278 = arith.muli %mul3A_277, %sub3A_231 : i32
          %dma_start3A_279 = arith.constant 2 : i32
          %dma_start3A_280 = arith.constant 0 : i32
          %dma_start3A_281 = arith.constant 0 : i32
          %dma_start3A_282 = tpu.memref_slice %arg7[%dma_start3A_279, %dma_start3A_280, %dma_start3A_281] : memref<4x128x32xf32, #tpu.memory_space<vmem>> -> memref<1x128x32xf32, #tpu.memory_space<vmem>>
          %dma_start3A_283 = tpu.memref_squeeze %dma_start3A_282 : memref<1x128x32xf32, #tpu.memory_space<vmem>> -> memref<128x32xf32, #tpu.memory_space<vmem>>
          %dma_start3A_284 = arith.constant 0 : i32
          %dma_start3A_285 = tpu.memref_slice %arg6[%mul3A_278, %dma_start3A_284] : memref<80x128xi32, #tpu.memory_space<vmem>> -> memref<1x128xi32, #tpu.memory_space<vmem>>
          %dma_start3A_286 = tpu.memref_squeeze %dma_start3A_285 : memref<1x128xi32, #tpu.memory_space<vmem>> -> memref<128xi32, #tpu.memory_space<vmem>>
          %dma_start3A_287 = arith.constant 0 : i32
          %dma_start3A_288 = arith.constant 0 : i32
          %dma_start3A_289 = tpu.memref_slice %arg2[%dma_start3A_287, %dma_start3A_288] : memref<102400x32xf32, #tpu.memory_space<hbm>> -> memref<102400x32xf32, #tpu.memory_space<hbm>>
          tpu.enqueue_indirect_dma source(%dma_start3A_289 : memref<102400x32xf32, #tpu.memory_space<hbm>>) target(%dma_start3A_283 : memref<128x32xf32, #tpu.memory_space<vmem>>) offsets(%dma_start3A_286 : memref<128xi32, #tpu.memory_space<vmem>>) semaphore(%arg11 : memref<!tpu.dma_semaphore, #tpu.memory_space<semaphore_mem>>)
        } else {
        }
        %mul3A_237 = arith.constant 2 : i32
        %mul3A_238 = arith.muli %mul3A_237, %add3A_227 : i32
        %dma_wait3A_239 = arith.constant 3 : i32
        %dma_wait3A_240 = arith.constant 0 : i32
        %dma_wait3A_241 = arith.constant 0 : i32
        %dma_wait3A_242 = tpu.memref_slice %arg7[%dma_wait3A_239, %dma_wait3A_240, %dma_wait3A_241] : memref<4x128x32xf32, #tpu.memory_space<vmem>> -> memref<1x128x32xf32, #tpu.memory_space<vmem>>
        %dma_wait3A_243 = tpu.memref_squeeze %dma_wait3A_242 : memref<1x128x32xf32, #tpu.memory_space<vmem>> -> memref<128x32xf32, #tpu.memory_space<vmem>>
        %dma_wait3A_244 = arith.constant 0 : i32
        %dma_wait3A_245 = tpu.memref_slice %arg6[%mul3A_238, %dma_wait3A_244] : memref<80x128xi32, #tpu.memory_space<vmem>> -> memref<1x128xi32, #tpu.memory_space<vmem>>
        %dma_wait3A_246 = tpu.memref_squeeze %dma_wait3A_245 : memref<1x128xi32, #tpu.memory_space<vmem>> -> memref<128xi32, #tpu.memory_space<vmem>>
        %dma_wait3A_247 = arith.constant 0 : i32
        %dma_wait3A_248 = arith.constant 0 : i32
        %dma_wait3A_249 = tpu.memref_slice %arg2[%dma_wait3A_247, %dma_wait3A_248] : memref<102400x32xf32, #tpu.memory_space<hbm>> -> memref<102400x32xf32, #tpu.memory_space<hbm>>
        tpu.wait_indirect_dma semaphore(%arg12 : memref<!tpu.dma_semaphore, #tpu.memory_space<semaphore_mem>>) src(%dma_wait3A_249 : memref<102400x32xf32, #tpu.memory_space<hbm>>) dst(%dma_wait3A_243 : memref<128x32xf32, #tpu.memory_space<vmem>>)
        %mul3A_250 = arith.constant 2 : i32
        %mul3A_251 = arith.muli %mul3A_250, %add3A_227 : i32
        %add3A_252 = arith.constant 1 : i32
        %add3A_253 = arith.addi %mul3A_251, %add3A_252 : i32
        %dma_start3A_254 = arith.constant 3 : i32
        %dma_start3A_255 = arith.constant 0 : i32
        %dma_start3A_256 = arith.constant 0 : i32
        %dma_start3A_257 = tpu.memref_slice %arg7[%dma_start3A_254, %dma_start3A_255, %dma_start3A_256] : memref<4x128x32xf32, #tpu.memory_space<vmem>> -> memref<1x128x32xf32, #tpu.memory_space<vmem>>
        %dma_start3A_258 = tpu.memref_squeeze %dma_start3A_257 : memref<1x128x32xf32, #tpu.memory_space<vmem>> -> memref<128x32xf32, #tpu.memory_space<vmem>>
        %dma_start3A_259 = arith.constant 0 : i32
        %dma_start3A_260 = tpu.memref_slice %arg6[%add3A_253, %dma_start3A_259] : memref<80x128xi32, #tpu.memory_space<vmem>> -> memref<1x128xi32, #tpu.memory_space<vmem>>
        %dma_start3A_261 = tpu.memref_squeeze %dma_start3A_260 : memref<1x128xi32, #tpu.memory_space<vmem>> -> memref<128xi32, #tpu.memory_space<vmem>>
        %dma_start3A_262 = arith.constant 0 : i32
        %dma_start3A_263 = arith.constant 0 : i32
        %dma_start3A_264 = tpu.memref_slice %arg8[%dma_start3A_262, %dma_start3A_263] : memref<51200x32xf32, #tpu.memory_space<vmem_shared>> -> memref<51200x32xf32, #tpu.memory_space<vmem_shared>>
        tpu.enqueue_indirect_dma source(%dma_start3A_258 : memref<128x32xf32, #tpu.memory_space<vmem>>) target(%dma_start3A_264 : memref<51200x32xf32, #tpu.memory_space<vmem_shared>>) offsets(%dma_start3A_261 : memref<128xi32, #tpu.memory_space<vmem>>) semaphore(%arg16 : memref<!tpu.dma_semaphore, #tpu.memory_space<semaphore_mem>>) {add = true}
      }
      %scan3A_56 = arith.constant 10 : i32
      %dma_wait3A = arith.constant 0 : i32
      %dma_wait3A_57 = arith.constant 1 : i32
      %dma_wait3A_58 = arith.constant 0 : i32
      %dma_wait3A_59 = arith.constant 0 : i32
      %dma_wait3A_60 = tpu.memref_slice %arg7[%dma_wait3A, %dma_wait3A_58, %dma_wait3A_59] : memref<4x128x32xf32, #tpu.memory_space<vmem>> -> memref<1x128x32xf32, #tpu.memory_space<vmem>>
      %dma_wait3A_61 = tpu.memref_squeeze %dma_wait3A_60 : memref<1x128x32xf32, #tpu.memory_space<vmem>> -> memref<128x32xf32, #tpu.memory_space<vmem>>
      %dma_wait3A_62 = arith.constant 0 : i32
      %dma_wait3A_63 = tpu.memref_slice %arg6[%dma_wait3A_57, %dma_wait3A_62] : memref<80x128xi32, #tpu.memory_space<vmem>> -> memref<1x128xi32, #tpu.memory_space<vmem>>
      %dma_wait3A_64 = tpu.memref_squeeze %dma_wait3A_63 : memref<1x128xi32, #tpu.memory_space<vmem>> -> memref<128xi32, #tpu.memory_space<vmem>>
      %dma_wait3A_65 = arith.constant 0 : i32
      %dma_wait3A_66 = arith.constant 0 : i32
      %dma_wait3A_67 = tpu.memref_slice %arg8[%dma_wait3A_65, %dma_wait3A_66] : memref<51200x32xf32, #tpu.memory_space<vmem_shared>> -> memref<51200x32xf32, #tpu.memory_space<vmem_shared>>
      tpu.wait_indirect_dma semaphore(%arg13 : memref<!tpu.dma_semaphore, #tpu.memory_space<semaphore_mem>>) src(%dma_wait3A_61 : memref<128x32xf32, #tpu.memory_space<vmem>>) dst(%dma_wait3A_67 : memref<51200x32xf32, #tpu.memory_space<vmem_shared>>)
      %dma_wait3A_68 = arith.constant 1 : i32
      %dma_wait3A_69 = arith.constant 1 : i32
      %dma_wait3A_70 = arith.constant 0 : i32
      %dma_wait3A_71 = arith.constant 0 : i32
      %dma_wait3A_72 = tpu.memref_slice %arg7[%dma_wait3A_68, %dma_wait3A_70, %dma_wait3A_71] : memref<4x128x32xf32, #tpu.memory_space<vmem>> -> memref<1x128x32xf32, #tpu.memory_space<vmem>>
      %dma_wait3A_73 = tpu.memref_squeeze %dma_wait3A_72 : memref<1x128x32xf32, #tpu.memory_space<vmem>> -> memref<128x32xf32, #tpu.memory_space<vmem>>
      %dma_wait3A_74 = arith.constant 0 : i32
      %dma_wait3A_75 = tpu.memref_slice %arg6[%dma_wait3A_69, %dma_wait3A_74] : memref<80x128xi32, #tpu.memory_space<vmem>> -> memref<1x128xi32, #tpu.memory_space<vmem>>
      %dma_wait3A_76 = tpu.memref_squeeze %dma_wait3A_75 : memref<1x128xi32, #tpu.memory_space<vmem>> -> memref<128xi32, #tpu.memory_space<vmem>>
      %dma_wait3A_77 = arith.constant 0 : i32
      %dma_wait3A_78 = arith.constant 0 : i32
      %dma_wait3A_79 = tpu.memref_slice %arg8[%dma_wait3A_77, %dma_wait3A_78] : memref<51200x32xf32, #tpu.memory_space<vmem_shared>> -> memref<51200x32xf32, #tpu.memory_space<vmem_shared>>
      tpu.wait_indirect_dma semaphore(%arg14 : memref<!tpu.dma_semaphore, #tpu.memory_space<semaphore_mem>>) src(%dma_wait3A_73 : memref<128x32xf32, #tpu.memory_space<vmem>>) dst(%dma_wait3A_79 : memref<51200x32xf32, #tpu.memory_space<vmem_shared>>)
      %dma_wait3A_80 = arith.constant 2 : i32
      %dma_wait3A_81 = arith.constant 1 : i32
      %dma_wait3A_82 = arith.constant 0 : i32
      %dma_wait3A_83 = arith.constant 0 : i32
      %dma_wait3A_84 = tpu.memref_slice %arg7[%dma_wait3A_80, %dma_wait3A_82, %dma_wait3A_83] : memref<4x128x32xf32, #tpu.memory_space<vmem>> -> memref<1x128x32xf32, #tpu.memory_space<vmem>>
      %dma_wait3A_85 = tpu.memref_squeeze %dma_wait3A_84 : memref<1x128x32xf32, #tpu.memory_space<vmem>> -> memref<128x32xf32, #tpu.memory_space<vmem>>
      %dma_wait3A_86 = arith.constant 0 : i32
      %dma_wait3A_87 = tpu.memref_slice %arg6[%dma_wait3A_81, %dma_wait3A_86] : memref<80x128xi32, #tpu.memory_space<vmem>> -> memref<1x128xi32, #tpu.memory_space<vmem>>
      %dma_wait3A_88 = tpu.memref_squeeze %dma_wait3A_87 : memref<1x128xi32, #tpu.memory_space<vmem>> -> memref<128xi32, #tpu.memory_space<vmem>>
      %dma_wait3A_89 = arith.constant 0 : i32
      %dma_wait3A_90 = arith.constant 0 : i32
      %dma_wait3A_91 = tpu.memref_slice %arg8[%dma_wait3A_89, %dma_wait3A_90] : memref<51200x32xf32, #tpu.memory_space<vmem_shared>> -> memref<51200x32xf32, #tpu.memory_space<vmem_shared>>
      tpu.wait_indirect_dma semaphore(%arg15 : memref<!tpu.dma_semaphore, #tpu.memory_space<semaphore_mem>>) src(%dma_wait3A_85 : memref<128x32xf32, #tpu.memory_space<vmem>>) dst(%dma_wait3A_91 : memref<51200x32xf32, #tpu.memory_space<vmem_shared>>)
      %dma_wait3A_92 = arith.constant 3 : i32
      %dma_wait3A_93 = arith.constant 1 : i32
      %dma_wait3A_94 = arith.constant 0 : i32
      %dma_wait3A_95 = arith.constant 0 : i32
      %dma_wait3A_96 = tpu.memref_slice %arg7[%dma_wait3A_92, %dma_wait3A_94, %dma_wait3A_95] : memref<4x128x32xf32, #tpu.memory_space<vmem>> -> memref<1x128x32xf32, #tpu.memory_space<vmem>>
      %dma_wait3A_97 = tpu.memref_squeeze %dma_wait3A_96 : memref<1x128x32xf32, #tpu.memory_space<vmem>> -> memref<128x32xf32, #tpu.memory_space<vmem>>
      %dma_wait3A_98 = arith.constant 0 : i32
      %dma_wait3A_99 = tpu.memref_slice %arg6[%dma_wait3A_93, %dma_wait3A_98] : memref<80x128xi32, #tpu.memory_space<vmem>> -> memref<1x128xi32, #tpu.memory_space<vmem>>
      %dma_wait3A_100 = tpu.memref_squeeze %dma_wait3A_99 : memref<1x128xi32, #tpu.memory_space<vmem>> -> memref<128xi32, #tpu.memory_space<vmem>>
      %dma_wait3A_101 = arith.constant 0 : i32
      %dma_wait3A_102 = arith.constant 0 : i32
      %dma_wait3A_103 = tpu.memref_slice %arg8[%dma_wait3A_101, %dma_wait3A_102] : memref<51200x32xf32, #tpu.memory_space<vmem_shared>> -> memref<51200x32xf32, #tpu.memory_space<vmem_shared>>
      tpu.wait_indirect_dma semaphore(%arg16 : memref<!tpu.dma_semaphore, #tpu.memory_space<semaphore_mem>>) src(%dma_wait3A_97 : memref<128x32xf32, #tpu.memory_space<vmem>>) dst(%dma_wait3A_103 : memref<51200x32xf32, #tpu.memory_space<vmem_shared>>)
    }
    %scan3A_6 = arith.constant 10 : i32
    %barrier3A_7 = arith.constant 0 : index
    tpu.barrier barrier_id(%barrier3A_7)
    %mul3A_8 = arith.constant 3200 : i32
    %mul3A_9 = arith.muli %arg1, %mul3A_8 : i32
    "tpu.region"() ({
      %run_scoped3A = tpu.sem_alloc : memref<!tpu.dma_semaphore, #tpu.memory_space<semaphore_mem>>
      %dma_start3A = arith.constant 0 : i32
      %dma_start3A_10 = tpu.memref_slice %arg5[%arg0, %mul3A_9, %dma_start3A] : memref<2x51200x32xf32, #tpu.memory_space<hbm>> -> memref<1x3200x32xf32, #tpu.memory_space<hbm>>
      %dma_start3A_11 = tpu.memref_squeeze %dma_start3A_10 : memref<1x3200x32xf32, #tpu.memory_space<hbm>> -> memref<3200x32xf32, #tpu.memory_space<hbm>>
      %dma_start3A_12 = arith.constant 0 : i32
      %dma_start3A_13 = tpu.memref_slice %arg8[%mul3A_9, %dma_start3A_12] : memref<51200x32xf32, #tpu.memory_space<vmem_shared>> -> memref<3200x32xf32, #tpu.memory_space<vmem_shared>>
      tpu.enqueue_dma source(%dma_start3A_13 : memref<3200x32xf32, #tpu.memory_space<vmem_shared>>) target(%dma_start3A_11 : memref<3200x32xf32, #tpu.memory_space<hbm>>) target_semaphore(%run_scoped3A : memref<!tpu.dma_semaphore, #tpu.memory_space<semaphore_mem>>)
      %dma_wait3A = arith.constant 0 : i32
      %dma_wait3A_14 = tpu.memref_slice %arg5[%arg0, %mul3A_9, %dma_wait3A] : memref<2x51200x32xf32, #tpu.memory_space<hbm>> -> memref<1x3200x32xf32, #tpu.memory_space<hbm>>
      %dma_wait3A_15 = tpu.memref_squeeze %dma_wait3A_14 : memref<1x3200x32xf32, #tpu.memory_space<hbm>> -> memref<3200x32xf32, #tpu.memory_space<hbm>>
      %dma_wait3A_16 = arith.constant 0 : i32
      %dma_wait3A_17 = tpu.memref_slice %arg8[%mul3A_9, %dma_wait3A_16] : memref<51200x32xf32, #tpu.memory_space<vmem_shared>> -> memref<3200x32xf32, #tpu.memory_space<vmem_shared>>
      tpu.wait_dma2 semaphore(%run_scoped3A : memref<!tpu.dma_semaphore, #tpu.memory_space<semaphore_mem>>) src(%dma_wait3A_17 : memref<3200x32xf32, #tpu.memory_space<vmem_shared>>) dst(%dma_wait3A_15 : memref<3200x32xf32, #tpu.memory_space<hbm>>)
      tpu.yield
    }) : () -> ()
    return
  }
}

#map = affine_map<(d0, d1) -> (0, 0)>
#map1 = affine_map<(d0, d1) -> (0, 0, 0)>
module attributes {stable_mosaic.version = 14 : i64} {
  func.func @_seg_sum_body(%arg0: i32, %arg1: i32, %arg2: memref<102400x32xf32, #tpu.memory_space<hbm>>, %arg3: memref<2x12800x128xi32, #tpu.memory_space<hbm>>, %arg4: memref<51200x32xf32, #tpu.memory_space<hbm>>, %arg5: memref<2x51200x32xf32, #tpu.memory_space<hbm>>, %arg6: memref<80x128xi32, #tpu.memory_space<vmem>>, %arg7: memref<4x128x32xf32, #tpu.memory_space<vmem>>, %arg8: memref<51200x32xf32, #tpu.memory_space<vmem_shared>>, %arg9: memref<!tpu.dma_semaphore, #tpu.memory_space<semaphore_mem>>, %arg10: memref<!tpu.dma_semaphore, #tpu.memory_space<semaphore_mem>>, %arg11: memref<!tpu.dma_semaphore, #tpu.memory_space<semaphore_mem>>, %arg12: memref<!tpu.dma_semaphore, #tpu.memory_space<semaphore_mem>>, %arg13: memref<!tpu.dma_semaphore, #tpu.memory_space<semaphore_mem>>, %arg14: memref<!tpu.dma_semaphore, #tpu.memory_space<semaphore_mem>>, %arg15: memref<!tpu.dma_semaphore, #tpu.memory_space<semaphore_mem>>, %arg16: memref<!tpu.dma_semaphore, #tpu.memory_space<semaphore_mem>>) attributes {dimension_semantics = [#tpu.dimension_semantics<core_parallel>, #tpu.dimension_semantics<subcore_parallel>], iteration_bounds = array<i64: 2, 16>, scalar_prefetch = 0 : i64, scratch_operands = 11 : i64, tpu.core_type = #tpu.core_type<sc_vector_subcore>, window_params = [{transform_indices = #map}, {transform_indices = #map1}, {transform_indices = #map}, {transform_indices = #map1}]} {
    %mul3A = arith.constant 3200 : i32
    %mul3A_0 = arith.muli %arg1, %mul3A : i32
    %mul3A_1 = arith.constant 3200 : i32
    %mul3A_2 = arith.muli %arg1, %mul3A_1 : i32
    "tpu.region"() ({
      %run_scoped3A = tpu.sem_alloc : memref<!tpu.dma_semaphore, #tpu.memory_space<semaphore_mem>>
      %dma_start3A = arith.constant 0 : i32
      %dma_start3A_10 = tpu.memref_slice %arg8[%mul3A_2, %dma_start3A] : memref<51200x32xf32, #tpu.memory_space<vmem_shared>> -> memref<3200x32xf32, #tpu.memory_space<vmem_shared>>
      %dma_start3A_11 = arith.constant 0 : i32
      %dma_start3A_12 = tpu.memref_slice %arg4[%mul3A_0, %dma_start3A_11] : memref<51200x32xf32, #tpu.memory_space<hbm>> -> memref<3200x32xf32, #tpu.memory_space<hbm>>
      tpu.enqueue_dma source(%dma_start3A_12 : memref<3200x32xf32, #tpu.memory_space<hbm>>) target(%dma_start3A_10 : memref<3200x32xf32, #tpu.memory_space<vmem_shared>>) target_semaphore(%run_scoped3A : memref<!tpu.dma_semaphore, #tpu.memory_space<semaphore_mem>>)
      %dma_wait3A = arith.constant 0 : i32
      %dma_wait3A_13 = tpu.memref_slice %arg8[%mul3A_2, %dma_wait3A] : memref<51200x32xf32, #tpu.memory_space<vmem_shared>> -> memref<3200x32xf32, #tpu.memory_space<vmem_shared>>
      %dma_wait3A_14 = arith.constant 0 : i32
      %dma_wait3A_15 = tpu.memref_slice %arg4[%mul3A_0, %dma_wait3A_14] : memref<51200x32xf32, #tpu.memory_space<hbm>> -> memref<3200x32xf32, #tpu.memory_space<hbm>>
      tpu.wait_dma2 semaphore(%run_scoped3A : memref<!tpu.dma_semaphore, #tpu.memory_space<semaphore_mem>>) src(%dma_wait3A_15 : memref<3200x32xf32, #tpu.memory_space<hbm>>) dst(%dma_wait3A_13 : memref<3200x32xf32, #tpu.memory_space<vmem_shared>>)
      tpu.yield
    }) : () -> ()
    %barrier3A = arith.constant 0 : index
    tpu.barrier barrier_id(%barrier3A)
    %scan3A = arith.constant 0 : i32
    %scan3A_3 = arith.constant 10 : i32
    %scan3A_4 = arith.addi %scan3A, %scan3A_3 : i32
    %scan3A_5 = arith.constant 1 : i32
    scf.for %scan3A_10 = %scan3A to %scan3A_4 step %scan3A_5  : i32 {
      %mul3A_11 = arith.constant 400 : i32
      %mul3A_12 = arith.muli %arg1, %mul3A_11 : i32
      %mul3A_13 = arith.constant 40 : i32
      %mul3A_14 = arith.muli %scan3A_10, %mul3A_13 : i32
      %add3A = arith.addi %mul3A_12, %mul3A_14 : i32
      %mul3A_15 = arith.constant 2 : i32
      %mul3A_16 = arith.muli %add3A, %mul3A_15 : i32
      "tpu.region"() ({
        %run_scoped3A = tpu.sem_alloc : memref<!tpu.dma_semaphore, #tpu.memory_space<semaphore_mem>>
        %dma_start3A_104 = arith.constant 0 : i32
        %dma_start3A_105 = tpu.memref_slice %arg3[%arg0, %mul3A_16, %dma_start3A_104] : memref<2x12800x128xi32, #tpu.memory_space<hbm>> -> memref<1x80x128xi32, #tpu.memory_space<hbm>>
        %dma_start3A_106 = tpu.memref_squeeze %dma_start3A_105 : memref<1x80x128xi32, #tpu.memory_space<hbm>> -> memref<80x128xi32, #tpu.memory_space<hbm>>
        %dma_start3A_107 = arith.constant 0 : i32
        %dma_start3A_108 = tpu.memref_slice %arg3[%arg0, %mul3A_16, %dma_start3A_107] : memref<2x12800x128xi32, #tpu.memory_space<hbm>> -> memref<1x80x128xi32, #tpu.memory_space<hbm>>
        %dma_start3A_109 = tpu.memref_squeeze %dma_start3A_108 : memref<1x80x128xi32, #tpu.memory_space<hbm>> -> memref<80x128xi32, #tpu.memory_space<hbm>>
        tpu.enqueue_dma source(%dma_start3A_109 : memref<80x128xi32, #tpu.memory_space<hbm>>) target(%arg6 : memref<80x128xi32, #tpu.memory_space<vmem>>) target_semaphore(%run_scoped3A : memref<!tpu.dma_semaphore, #tpu.memory_space<semaphore_mem>>)
        %dma_wait3A_110 = arith.constant 0 : i32
        %dma_wait3A_111 = tpu.memref_slice %arg3[%arg0, %mul3A_16, %dma_wait3A_110] : memref<2x12800x128xi32, #tpu.memory_space<hbm>> -> memref<1x80x128xi32, #tpu.memory_space<hbm>>
        %dma_wait3A_112 = tpu.memref_squeeze %dma_wait3A_111 : memref<1x80x128xi32, #tpu.memory_space<hbm>> -> memref<80x128xi32, #tpu.memory_space<hbm>>
        %dma_wait3A_113 = arith.constant 0 : i32
        %dma_wait3A_114 = tpu.memref_slice %arg3[%arg0, %mul3A_16, %dma_wait3A_113] : memref<2x12800x128xi32, #tpu.memory_space<hbm>> -> memref<1x80x128xi32, #tpu.memory_space<hbm>>
        %dma_wait3A_115 = tpu.memref_squeeze %dma_wait3A_114 : memref<1x80x128xi32, #tpu.memory_space<hbm>> -> memref<80x128xi32, #tpu.memory_space<hbm>>
        tpu.wait_dma2 semaphore(%run_scoped3A : memref<!tpu.dma_semaphore, #tpu.memory_space<semaphore_mem>>) src(%dma_wait3A_115 : memref<80x128xi32, #tpu.memory_space<hbm>>) dst(%arg6 : memref<80x128xi32, #tpu.memory_space<vmem>>)
        tpu.yield
      }) : () -> ()
      %dma_start3A = arith.constant 0 : i32
      %dma_start3A_17 = arith.constant 0 : i32
      %dma_start3A_18 = arith.constant 0 : i32
      %dma_start3A_19 = arith.constant 0 : i32
      %dma_start3A_20 = tpu.memref_slice %arg7[%dma_start3A_17, %dma_start3A_18, %dma_start3A_19] : memref<4x128x32xf32, #tpu.memory_space<vmem>> -> memref<1x128x32xf32, #tpu.memory_space<vmem>>
      %dma_start3A_21 = tpu.memref_squeeze %dma_start3A_20 : memref<1x128x32xf32, #tpu.memory_space<vmem>> -> memref<128x32xf32, #tpu.memory_space<vmem>>
      %dma_start3A_22 = arith.constant 0 : i32
      %dma_start3A_23 = tpu.memref_slice %arg6[%dma_start3A, %dma_start3A_22] : memref<80x128xi32, #tpu.memory_space<vmem>> -> memref<1x128xi32, #tpu.memory_space<vmem>>
      %dma_start3A_24 = tpu.memref_squeeze %dma_start3A_23 : memref<1x128xi32, #tpu.memory_space<vmem>> -> memref<128xi32, #tpu.memory_space<vmem>>
      %dma_start3A_25 = arith.constant 0 : i32
      %dma_start3A_26 = arith.constant 0 : i32
      %dma_start3A_27 = tpu.memref_slice %arg2[%dma_start3A_25, %dma_start3A_26] : memref<102400x32xf32, #tpu.memory_space<hbm>> -> memref<102400x32xf32, #tpu.memory_space<hbm>>
      tpu.enqueue_indirect_dma source(%dma_start3A_27 : memref<102400x32xf32, #tpu.memory_space<hbm>>) target(%dma_start3A_21 : memref<128x32xf32, #tpu.memory_space<vmem>>) offsets(%dma_start3A_24 : memref<128xi32, #tpu.memory_space<vmem>>) semaphore(%arg9 : memref<!tpu.dma_semaphore, #tpu.memory_space<semaphore_mem>>)
      %dma_start3A_28 = arith.constant 2 : i32
      %dma_start3A_29 = arith.constant 1 : i32
      %dma_start3A_30 = arith.constant 0 : i32
      %dma_start3A_31 = arith.constant 0 : i32
      %dma_start3A_32 = tpu.memref_slice %arg7[%dma_start3A_29, %dma_start3A_30, %dma_start3A_31] : memref<4x128x32xf32, #tpu.memory_space<vmem>> -> memref<1x128x32xf32, #tpu.memory_space<vmem>>
      %dma_start3A_33 = tpu.memref_squeeze %dma_start3A_32 : memref<1x128x32xf32, #tpu.memory_space<vmem>> -> memref<128x32xf32, #tpu.memory_space<vmem>>
      %dma_start3A_34 = arith.constant 0 : i32
      %dma_start3A_35 = tpu.memref_slice %arg6[%dma_start3A_28, %dma_start3A_34] : memref<80x128xi32, #tpu.memory_space<vmem>> -> memref<1x128xi32, #tpu.memory_space<vmem>>
      %dma_start3A_36 = tpu.memref_squeeze %dma_start3A_35 : memref<1x128xi32, #tpu.memory_space<vmem>> -> memref<128xi32, #tpu.memory_space<vmem>>
      %dma_start3A_37 = arith.constant 0 : i32
      %dma_start3A_38 = arith.constant 0 : i32
      %dma_start3A_39 = tpu.memref_slice %arg2[%dma_start3A_37, %dma_start3A_38] : memref<102400x32xf32, #tpu.memory_space<hbm>> -> memref<102400x32xf32, #tpu.memory_space<hbm>>
      tpu.enqueue_indirect_dma source(%dma_start3A_39 : memref<102400x32xf32, #tpu.memory_space<hbm>>) target(%dma_start3A_33 : memref<128x32xf32, #tpu.memory_space<vmem>>) offsets(%dma_start3A_36 : memref<128xi32, #tpu.memory_space<vmem>>) semaphore(%arg10 : memref<!tpu.dma_semaphore, #tpu.memory_space<semaphore_mem>>)
      %dma_start3A_40 = arith.constant 4 : i32
      %dma_start3A_41 = arith.constant 2 : i32
      %dma_start3A_42 = arith.constant 0 : i32
      %dma_start3A_43 = arith.constant 0 : i32
      %dma_start3A_44 = tpu.memref_slice %arg7[%dma_start3A_41, %dma_start3A_42, %dma_start3A_43] : memref<4x128x32xf32, #tpu.memory_space<vmem>> -> memref<1x128x32xf32, #tpu.memory_space<vmem>>
      %dma_start3A_45 = tpu.memref_squeeze %dma_start3A_44 : memref<1x128x32xf32, #tpu.memory_space<vmem>> -> memref<128x32xf32, #tpu.memory_space<vmem>>
      %dma_start3A_46 = arith.constant 0 : i32
      %dma_start3A_47 = tpu.memref_slice %arg6[%dma_start3A_40, %dma_start3A_46] : memref<80x128xi32, #tpu.memory_space<vmem>> -> memref<1x128xi32, #tpu.memory_space<vmem>>
      %dma_start3A_48 = tpu.memref_squeeze %dma_start3A_47 : memref<1x128xi32, #tpu.memory_space<vmem>> -> memref<128xi32, #tpu.memory_space<vmem>>
      %dma_start3A_49 = arith.constant 0 : i32
      %dma_start3A_50 = arith.constant 0 : i32
      %dma_start3A_51 = tpu.memref_slice %arg2[%dma_start3A_49, %dma_start3A_50] : memref<102400x32xf32, #tpu.memory_space<hbm>> -> memref<102400x32xf32, #tpu.memory_space<hbm>>
      tpu.enqueue_indirect_dma source(%dma_start3A_51 : memref<102400x32xf32, #tpu.memory_space<hbm>>) target(%dma_start3A_45 : memref<128x32xf32, #tpu.memory_space<vmem>>) offsets(%dma_start3A_48 : memref<128xi32, #tpu.memory_space<vmem>>) semaphore(%arg11 : memref<!tpu.dma_semaphore, #tpu.memory_space<semaphore_mem>>)
      %scan3A_52 = arith.constant 0 : i32
      %scan3A_53 = arith.constant 10 : i32
      %scan3A_54 = arith.addi %scan3A_52, %scan3A_53 : i32
      %scan3A_55 = arith.constant 1 : i32
      scf.for %scan3A_104 = %scan3A_52 to %scan3A_54 step %scan3A_55  : i32 {
        %mul3A_105 = arith.constant 4 : i32
        %mul3A_106 = arith.muli %scan3A_104, %mul3A_105 : i32
        %add3A_107 = arith.constant 0 : i32
        %add3A_108 = arith.addi %mul3A_106, %add3A_107 : i32
        %add3A_109 = arith.constant 4 : i32
        %add3A_110 = arith.addi %add3A_108, %add3A_109 : i32
        %sub3A = arith.constant 1 : i32
        %sub3A_111 = arith.subi %add3A_110, %sub3A : i32
        %lt3A = arith.constant 40 : i32
        %lt3A_112 = arith.cmpi slt, %sub3A_111, %lt3A : i32
        %convert_element_type3A = arith.extui %lt3A_112 : i1 to i32
        %cond3A = arith.constant 0 : i32
        %cond3A_113 = arith.cmpi ne, %convert_element_type3A, %cond3A : i32
        scf.if %cond3A_113 {
          %ge3A = arith.constant 1 : i32
          %ge3A_265 = arith.cmpi sge, %scan3A_104, %ge3A : i32
          %convert_element_type3A_266 = arith.extui %ge3A_265 : i1 to i32
          %cond3A_267 = arith.constant 0 : i32
          %cond3A_268 = arith.cmpi ne, %convert_element_type3A_266, %cond3A_267 : i32
          scf.if %cond3A_268 {
            %dma_wait3A_282 = arith.constant 3 : i32
            %dma_wait3A_283 = arith.constant 1 : i32
            %dma_wait3A_284 = arith.constant 0 : i32
            %dma_wait3A_285 = arith.constant 0 : i32
            %dma_wait3A_286 = tpu.memref_slice %arg7[%dma_wait3A_282, %dma_wait3A_284, %dma_wait3A_285] : memref<4x128x32xf32, #tpu.memory_space<vmem>> -> memref<1x128x32xf32, #tpu.memory_space<vmem>>
            %dma_wait3A_287 = tpu.memref_squeeze %dma_wait3A_286 : memref<1x128x32xf32, #tpu.memory_space<vmem>> -> memref<128x32xf32, #tpu.memory_space<vmem>>
            %dma_wait3A_288 = arith.constant 0 : i32
            %dma_wait3A_289 = tpu.memref_slice %arg6[%dma_wait3A_283, %dma_wait3A_288] : memref<80x128xi32, #tpu.memory_space<vmem>> -> memref<1x128xi32, #tpu.memory_space<vmem>>
            %dma_wait3A_290 = tpu.memref_squeeze %dma_wait3A_289 : memref<1x128xi32, #tpu.memory_space<vmem>> -> memref<128xi32, #tpu.memory_space<vmem>>
            %dma_wait3A_291 = arith.constant 0 : i32
            %dma_wait3A_292 = arith.constant 0 : i32
            %dma_wait3A_293 = tpu.memref_slice %arg8[%dma_wait3A_291, %dma_wait3A_292] : memref<51200x32xf32, #tpu.memory_space<vmem_shared>> -> memref<51200x32xf32, #tpu.memory_space<vmem_shared>>
            tpu.wait_indirect_dma semaphore(%arg16 : memref<!tpu.dma_semaphore, #tpu.memory_space<semaphore_mem>>) src(%dma_wait3A_287 : memref<128x32xf32, #tpu.memory_space<vmem>>) dst(%dma_wait3A_293 : memref<51200x32xf32, #tpu.memory_space<vmem_shared>>)
          } else {
          }
          %mul3A_269 = arith.constant 2 : i32
          %mul3A_270 = arith.muli %mul3A_269, %sub3A_111 : i32
          %dma_start3A_271 = arith.constant 3 : i32
          %dma_start3A_272 = arith.constant 0 : i32
          %dma_start3A_273 = arith.constant 0 : i32
          %dma_start3A_274 = tpu.memref_slice %arg7[%dma_start3A_271, %dma_start3A_272, %dma_start3A_273] : memref<4x128x32xf32, #tpu.memory_space<vmem>> -> memref<1x128x32xf32, #tpu.memory_space<vmem>>
          %dma_start3A_275 = tpu.memref_squeeze %dma_start3A_274 : memref<1x128x32xf32, #tpu.memory_space<vmem>> -> memref<128x32xf32, #tpu.memory_space<vmem>>
          %dma_start3A_276 = arith.constant 0 : i32
          %dma_start3A_277 = tpu.memref_slice %arg6[%mul3A_270, %dma_start3A_276] : memref<80x128xi32, #tpu.memory_space<vmem>> -> memref<1x128xi32, #tpu.memory_space<vmem>>
          %dma_start3A_278 = tpu.memref_squeeze %dma_start3A_277 : memref<1x128xi32, #tpu.memory_space<vmem>> -> memref<128xi32, #tpu.memory_space<vmem>>
          %dma_start3A_279 = arith.constant 0 : i32
          %dma_start3A_280 = arith.constant 0 : i32
          %dma_start3A_281 = tpu.memref_slice %arg2[%dma_start3A_279, %dma_start3A_280] : memref<102400x32xf32, #tpu.memory_space<hbm>> -> memref<102400x32xf32, #tpu.memory_space<hbm>>
          tpu.enqueue_indirect_dma source(%dma_start3A_281 : memref<102400x32xf32, #tpu.memory_space<hbm>>) target(%dma_start3A_275 : memref<128x32xf32, #tpu.memory_space<vmem>>) offsets(%dma_start3A_278 : memref<128xi32, #tpu.memory_space<vmem>>) semaphore(%arg12 : memref<!tpu.dma_semaphore, #tpu.memory_space<semaphore_mem>>)
        } else {
        }
        %mul3A_114 = arith.constant 2 : i32
        %mul3A_115 = arith.muli %mul3A_114, %add3A_108 : i32
        %dma_wait3A_116 = arith.constant 0 : i32
        %dma_wait3A_117 = arith.constant 0 : i32
        %dma_wait3A_118 = arith.constant 0 : i32
        %dma_wait3A_119 = tpu.memref_slice %arg7[%dma_wait3A_116, %dma_wait3A_117, %dma_wait3A_118] : memref<4x128x32xf32, #tpu.memory_space<vmem>> -> memref<1x128x32xf32, #tpu.memory_space<vmem>>
        %dma_wait3A_120 = tpu.memref_squeeze %dma_wait3A_119 : memref<1x128x32xf32, #tpu.memory_space<vmem>> -> memref<128x32xf32, #tpu.memory_space<vmem>>
        %dma_wait3A_121 = arith.constant 0 : i32
        %dma_wait3A_122 = tpu.memref_slice %arg6[%mul3A_115, %dma_wait3A_121] : memref<80x128xi32, #tpu.memory_space<vmem>> -> memref<1x128xi32, #tpu.memory_space<vmem>>
        %dma_wait3A_123 = tpu.memref_squeeze %dma_wait3A_122 : memref<1x128xi32, #tpu.memory_space<vmem>> -> memref<128xi32, #tpu.memory_space<vmem>>
        %dma_wait3A_124 = arith.constant 0 : i32
        %dma_wait3A_125 = arith.constant 0 : i32
        %dma_wait3A_126 = tpu.memref_slice %arg2[%dma_wait3A_124, %dma_wait3A_125] : memref<102400x32xf32, #tpu.memory_space<hbm>> -> memref<102400x32xf32, #tpu.memory_space<hbm>>
        tpu.wait_indirect_dma semaphore(%arg9 : memref<!tpu.dma_semaphore, #tpu.memory_space<semaphore_mem>>) src(%dma_wait3A_126 : memref<102400x32xf32, #tpu.memory_space<hbm>>) dst(%dma_wait3A_120 : memref<128x32xf32, #tpu.memory_space<vmem>>)
        %mul3A_127 = arith.constant 2 : i32
        %mul3A_128 = arith.muli %mul3A_127, %add3A_108 : i32
        %add3A_129 = arith.constant 1 : i32
        %add3A_130 = arith.addi %mul3A_128, %add3A_129 : i32
        %dma_start3A_131 = arith.constant 0 : i32
        %dma_start3A_132 = arith.constant 0 : i32
        %dma_start3A_133 = arith.constant 0 : i32
        %dma_start3A_134 = tpu.memref_slice %arg7[%dma_start3A_131, %dma_start3A_132, %dma_start3A_133] : memref<4x128x32xf32, #tpu.memory_space<vmem>> -> memref<1x128x32xf32, #tpu.memory_space<vmem>>
        %dma_start3A_135 = tpu.memref_squeeze %dma_start3A_134 : memref<1x128x32xf32, #tpu.memory_space<vmem>> -> memref<128x32xf32, #tpu.memory_space<vmem>>
        %dma_start3A_136 = arith.constant 0 : i32
        %dma_start3A_137 = tpu.memref_slice %arg6[%add3A_130, %dma_start3A_136] : memref<80x128xi32, #tpu.memory_space<vmem>> -> memref<1x128xi32, #tpu.memory_space<vmem>>
        %dma_start3A_138 = tpu.memref_squeeze %dma_start3A_137 : memref<1x128xi32, #tpu.memory_space<vmem>> -> memref<128xi32, #tpu.memory_space<vmem>>
        %dma_start3A_139 = arith.constant 0 : i32
        %dma_start3A_140 = arith.constant 0 : i32
        %dma_start3A_141 = tpu.memref_slice %arg8[%dma_start3A_139, %dma_start3A_140] : memref<51200x32xf32, #tpu.memory_space<vmem_shared>> -> memref<51200x32xf32, #tpu.memory_space<vmem_shared>>
        tpu.enqueue_indirect_dma source(%dma_start3A_135 : memref<128x32xf32, #tpu.memory_space<vmem>>) target(%dma_start3A_141 : memref<51200x32xf32, #tpu.memory_space<vmem_shared>>) offsets(%dma_start3A_138 : memref<128xi32, #tpu.memory_space<vmem>>) semaphore(%arg13 : memref<!tpu.dma_semaphore, #tpu.memory_space<semaphore_mem>>) {add = true}
        %mul3A_142 = arith.constant 4 : i32
        %mul3A_143 = arith.muli %scan3A_104, %mul3A_142 : i32
        %add3A_144 = arith.constant 1 : i32
        %add3A_145 = arith.addi %mul3A_143, %add3A_144 : i32
        %add3A_146 = arith.constant 4 : i32
        %add3A_147 = arith.addi %add3A_145, %add3A_146 : i32
        %sub3A_148 = arith.constant 1 : i32
        %sub3A_149 = arith.subi %add3A_147, %sub3A_148 : i32
        %lt3A_150 = arith.constant 40 : i32
        %lt3A_151 = arith.cmpi slt, %sub3A_149, %lt3A_150 : i32
        %convert_element_type3A_152 = arith.extui %lt3A_151 : i1 to i32
        %cond3A_153 = arith.constant 0 : i32
        %cond3A_154 = arith.cmpi ne, %convert_element_type3A_152, %cond3A_153 : i32
        scf.if %cond3A_154 {
          %dma_wait3A_265 = arith.constant 0 : i32
          %dma_wait3A_266 = arith.constant 1 : i32
          %dma_wait3A_267 = arith.constant 0 : i32
          %dma_wait3A_268 = arith.constant 0 : i32
          %dma_wait3A_269 = tpu.memref_slice %arg7[%dma_wait3A_265, %dma_wait3A_267, %dma_wait3A_268] : memref<4x128x32xf32, #tpu.memory_space<vmem>> -> memref<1x128x32xf32, #tpu.memory_space<vmem>>
          %dma_wait3A_270 = tpu.memref_squeeze %dma_wait3A_269 : memref<1x128x32xf32, #tpu.memory_space<vmem>> -> memref<128x32xf32, #tpu.memory_space<vmem>>
          %dma_wait3A_271 = arith.constant 0 : i32
          %dma_wait3A_272 = tpu.memref_slice %arg6[%dma_wait3A_266, %dma_wait3A_271] : memref<80x128xi32, #tpu.memory_space<vmem>> -> memref<1x128xi32, #tpu.memory_space<vmem>>
          %dma_wait3A_273 = tpu.memref_squeeze %dma_wait3A_272 : memref<1x128xi32, #tpu.memory_space<vmem>> -> memref<128xi32, #tpu.memory_space<vmem>>
          %dma_wait3A_274 = arith.constant 0 : i32
          %dma_wait3A_275 = arith.constant 0 : i32
          %dma_wait3A_276 = tpu.memref_slice %arg8[%dma_wait3A_274, %dma_wait3A_275] : memref<51200x32xf32, #tpu.memory_space<vmem_shared>> -> memref<51200x32xf32, #tpu.memory_space<vmem_shared>>
          tpu.wait_indirect_dma semaphore(%arg13 : memref<!tpu.dma_semaphore, #tpu.memory_space<semaphore_mem>>) src(%dma_wait3A_270 : memref<128x32xf32, #tpu.memory_space<vmem>>) dst(%dma_wait3A_276 : memref<51200x32xf32, #tpu.memory_space<vmem_shared>>)
          %mul3A_277 = arith.constant 2 : i32
          %mul3A_278 = arith.muli %mul3A_277, %sub3A_149 : i32
          %dma_start3A_279 = arith.constant 0 : i32
          %dma_start3A_280 = arith.constant 0 : i32
          %dma_start3A_281 = arith.constant 0 : i32
          %dma_start3A_282 = tpu.memref_slice %arg7[%dma_start3A_279, %dma_start3A_280, %dma_start3A_281] : memref<4x128x32xf32, #tpu.memory_space<vmem>> -> memref<1x128x32xf32, #tpu.memory_space<vmem>>
          %dma_start3A_283 = tpu.memref_squeeze %dma_start3A_282 : memref<1x128x32xf32, #tpu.memory_space<vmem>> -> memref<128x32xf32, #tpu.memory_space<vmem>>
          %dma_start3A_284 = arith.constant 0 : i32
          %dma_start3A_285 = tpu.memref_slice %arg6[%mul3A_278, %dma_start3A_284] : memref<80x128xi32, #tpu.memory_space<vmem>> -> memref<1x128xi32, #tpu.memory_space<vmem>>
          %dma_start3A_286 = tpu.memref_squeeze %dma_start3A_285 : memref<1x128xi32, #tpu.memory_space<vmem>> -> memref<128xi32, #tpu.memory_space<vmem>>
          %dma_start3A_287 = arith.constant 0 : i32
          %dma_start3A_288 = arith.constant 0 : i32
          %dma_start3A_289 = tpu.memref_slice %arg2[%dma_start3A_287, %dma_start3A_288] : memref<102400x32xf32, #tpu.memory_space<hbm>> -> memref<102400x32xf32, #tpu.memory_space<hbm>>
          tpu.enqueue_indirect_dma source(%dma_start3A_289 : memref<102400x32xf32, #tpu.memory_space<hbm>>) target(%dma_start3A_283 : memref<128x32xf32, #tpu.memory_space<vmem>>) offsets(%dma_start3A_286 : memref<128xi32, #tpu.memory_space<vmem>>) semaphore(%arg9 : memref<!tpu.dma_semaphore, #tpu.memory_space<semaphore_mem>>)
        } else {
        }
        %mul3A_155 = arith.constant 2 : i32
        %mul3A_156 = arith.muli %mul3A_155, %add3A_145 : i32
        %dma_wait3A_157 = arith.constant 1 : i32
        %dma_wait3A_158 = arith.constant 0 : i32
        %dma_wait3A_159 = arith.constant 0 : i32
        %dma_wait3A_160 = tpu.memref_slice %arg7[%dma_wait3A_157, %dma_wait3A_158, %dma_wait3A_159] : memref<4x128x32xf32, #tpu.memory_space<vmem>> -> memref<1x128x32xf32, #tpu.memory_space<vmem>>
        %dma_wait3A_161 = tpu.memref_squeeze %dma_wait3A_160 : memref<1x128x32xf32, #tpu.memory_space<vmem>> -> memref<128x32xf32, #tpu.memory_space<vmem>>
        %dma_wait3A_162 = arith.constant 0 : i32
        %dma_wait3A_163 = tpu.memref_slice %arg6[%mul3A_156, %dma_wait3A_162] : memref<80x128xi32, #tpu.memory_space<vmem>> -> memref<1x128xi32, #tpu.memory_space<vmem>>
        %dma_wait3A_164 = tpu.memref_squeeze %dma_wait3A_163 : memref<1x128xi32, #tpu.memory_space<vmem>> -> memref<128xi32, #tpu.memory_space<vmem>>
        %dma_wait3A_165 = arith.constant 0 : i32
        %dma_wait3A_166 = arith.constant 0 : i32
        %dma_wait3A_167 = tpu.memref_slice %arg2[%dma_wait3A_165, %dma_wait3A_166] : memref<102400x32xf32, #tpu.memory_space<hbm>> -> memref<102400x32xf32, #tpu.memory_space<hbm>>
        tpu.wait_indirect_dma semaphore(%arg10 : memref<!tpu.dma_semaphore, #tpu.memory_space<semaphore_mem>>) src(%dma_wait3A_167 : memref<102400x32xf32, #tpu.memory_space<hbm>>) dst(%dma_wait3A_161 : memref<128x32xf32, #tpu.memory_space<vmem>>)
        %mul3A_168 = arith.constant 2 : i32
        %mul3A_169 = arith.muli %mul3A_168, %add3A_145 : i32
        %add3A_170 = arith.constant 1 : i32
        %add3A_171 = arith.addi %mul3A_169, %add3A_170 : i32
        %dma_start3A_172 = arith.constant 1 : i32
        %dma_start3A_173 = arith.constant 0 : i32
        %dma_start3A_174 = arith.constant 0 : i32
        %dma_start3A_175 = tpu.memref_slice %arg7[%dma_start3A_172, %dma_start3A_173, %dma_start3A_174] : memref<4x128x32xf32, #tpu.memory_space<vmem>> -> memref<1x128x32xf32, #tpu.memory_space<vmem>>
        %dma_start3A_176 = tpu.memref_squeeze %dma_start3A_175 : memref<1x128x32xf32, #tpu.memory_space<vmem>> -> memref<128x32xf32, #tpu.memory_space<vmem>>
        %dma_start3A_177 = arith.constant 0 : i32
        %dma_start3A_178 = tpu.memref_slice %arg6[%add3A_171, %dma_start3A_177] : memref<80x128xi32, #tpu.memory_space<vmem>> -> memref<1x128xi32, #tpu.memory_space<vmem>>
        %dma_start3A_179 = tpu.memref_squeeze %dma_start3A_178 : memref<1x128xi32, #tpu.memory_space<vmem>> -> memref<128xi32, #tpu.memory_space<vmem>>
        %dma_start3A_180 = arith.constant 0 : i32
        %dma_start3A_181 = arith.constant 0 : i32
        %dma_start3A_182 = tpu.memref_slice %arg8[%dma_start3A_180, %dma_start3A_181] : memref<51200x32xf32, #tpu.memory_space<vmem_shared>> -> memref<51200x32xf32, #tpu.memory_space<vmem_shared>>
        tpu.enqueue_indirect_dma source(%dma_start3A_176 : memref<128x32xf32, #tpu.memory_space<vmem>>) target(%dma_start3A_182 : memref<51200x32xf32, #tpu.memory_space<vmem_shared>>) offsets(%dma_start3A_179 : memref<128xi32, #tpu.memory_space<vmem>>) semaphore(%arg14 : memref<!tpu.dma_semaphore, #tpu.memory_space<semaphore_mem>>) {add = true}
        %mul3A_183 = arith.constant 4 : i32
        %mul3A_184 = arith.muli %scan3A_104, %mul3A_183 : i32
        %add3A_185 = arith.constant 2 : i32
        %add3A_186 = arith.addi %mul3A_184, %add3A_185 : i32
        %add3A_187 = arith.constant 4 : i32
        %add3A_188 = arith.addi %add3A_186, %add3A_187 : i32
        %sub3A_189 = arith.constant 1 : i32
        %sub3A_190 = arith.subi %add3A_188, %sub3A_189 : i32
        %lt3A_191 = arith.constant 40 : i32
        %lt3A_192 = arith.cmpi slt, %sub3A_190, %lt3A_191 : i32
        %convert_element_type3A_193 = arith.extui %lt3A_192 : i1 to i32
        %cond3A_194 = arith.constant 0 : i32
        %cond3A_195 = arith.cmpi ne, %convert_element_type3A_193, %cond3A_194 : i32
        scf.if %cond3A_195 {
          %dma_wait3A_265 = arith.constant 1 : i32
          %dma_wait3A_266 = arith.constant 1 : i32
          %dma_wait3A_267 = arith.constant 0 : i32
          %dma_wait3A_268 = arith.constant 0 : i32
          %dma_wait3A_269 = tpu.memref_slice %arg7[%dma_wait3A_265, %dma_wait3A_267, %dma_wait3A_268] : memref<4x128x32xf32, #tpu.memory_space<vmem>> -> memref<1x128x32xf32, #tpu.memory_space<vmem>>
          %dma_wait3A_270 = tpu.memref_squeeze %dma_wait3A_269 : memref<1x128x32xf32, #tpu.memory_space<vmem>> -> memref<128x32xf32, #tpu.memory_space<vmem>>
          %dma_wait3A_271 = arith.constant 0 : i32
          %dma_wait3A_272 = tpu.memref_slice %arg6[%dma_wait3A_266, %dma_wait3A_271] : memref<80x128xi32, #tpu.memory_space<vmem>> -> memref<1x128xi32, #tpu.memory_space<vmem>>
          %dma_wait3A_273 = tpu.memref_squeeze %dma_wait3A_272 : memref<1x128xi32, #tpu.memory_space<vmem>> -> memref<128xi32, #tpu.memory_space<vmem>>
          %dma_wait3A_274 = arith.constant 0 : i32
          %dma_wait3A_275 = arith.constant 0 : i32
          %dma_wait3A_276 = tpu.memref_slice %arg8[%dma_wait3A_274, %dma_wait3A_275] : memref<51200x32xf32, #tpu.memory_space<vmem_shared>> -> memref<51200x32xf32, #tpu.memory_space<vmem_shared>>
          tpu.wait_indirect_dma semaphore(%arg14 : memref<!tpu.dma_semaphore, #tpu.memory_space<semaphore_mem>>) src(%dma_wait3A_270 : memref<128x32xf32, #tpu.memory_space<vmem>>) dst(%dma_wait3A_276 : memref<51200x32xf32, #tpu.memory_space<vmem_shared>>)
          %mul3A_277 = arith.constant 2 : i32
          %mul3A_278 = arith.muli %mul3A_277, %sub3A_190 : i32
          %dma_start3A_279 = arith.constant 1 : i32
          %dma_start3A_280 = arith.constant 0 : i32
          %dma_start3A_281 = arith.constant 0 : i32
          %dma_start3A_282 = tpu.memref_slice %arg7[%dma_start3A_279, %dma_start3A_280, %dma_start3A_281] : memref<4x128x32xf32, #tpu.memory_space<vmem>> -> memref<1x128x32xf32, #tpu.memory_space<vmem>>
          %dma_start3A_283 = tpu.memref_squeeze %dma_start3A_282 : memref<1x128x32xf32, #tpu.memory_space<vmem>> -> memref<128x32xf32, #tpu.memory_space<vmem>>
          %dma_start3A_284 = arith.constant 0 : i32
          %dma_start3A_285 = tpu.memref_slice %arg6[%mul3A_278, %dma_start3A_284] : memref<80x128xi32, #tpu.memory_space<vmem>> -> memref<1x128xi32, #tpu.memory_space<vmem>>
          %dma_start3A_286 = tpu.memref_squeeze %dma_start3A_285 : memref<1x128xi32, #tpu.memory_space<vmem>> -> memref<128xi32, #tpu.memory_space<vmem>>
          %dma_start3A_287 = arith.constant 0 : i32
          %dma_start3A_288 = arith.constant 0 : i32
          %dma_start3A_289 = tpu.memref_slice %arg2[%dma_start3A_287, %dma_start3A_288] : memref<102400x32xf32, #tpu.memory_space<hbm>> -> memref<102400x32xf32, #tpu.memory_space<hbm>>
          tpu.enqueue_indirect_dma source(%dma_start3A_289 : memref<102400x32xf32, #tpu.memory_space<hbm>>) target(%dma_start3A_283 : memref<128x32xf32, #tpu.memory_space<vmem>>) offsets(%dma_start3A_286 : memref<128xi32, #tpu.memory_space<vmem>>) semaphore(%arg10 : memref<!tpu.dma_semaphore, #tpu.memory_space<semaphore_mem>>)
        } else {
        }
        %mul3A_196 = arith.constant 2 : i32
        %mul3A_197 = arith.muli %mul3A_196, %add3A_186 : i32
        %dma_wait3A_198 = arith.constant 2 : i32
        %dma_wait3A_199 = arith.constant 0 : i32
        %dma_wait3A_200 = arith.constant 0 : i32
        %dma_wait3A_201 = tpu.memref_slice %arg7[%dma_wait3A_198, %dma_wait3A_199, %dma_wait3A_200] : memref<4x128x32xf32, #tpu.memory_space<vmem>> -> memref<1x128x32xf32, #tpu.memory_space<vmem>>
        %dma_wait3A_202 = tpu.memref_squeeze %dma_wait3A_201 : memref<1x128x32xf32, #tpu.memory_space<vmem>> -> memref<128x32xf32, #tpu.memory_space<vmem>>
        %dma_wait3A_203 = arith.constant 0 : i32
        %dma_wait3A_204 = tpu.memref_slice %arg6[%mul3A_197, %dma_wait3A_203] : memref<80x128xi32, #tpu.memory_space<vmem>> -> memref<1x128xi32, #tpu.memory_space<vmem>>
        %dma_wait3A_205 = tpu.memref_squeeze %dma_wait3A_204 : memref<1x128xi32, #tpu.memory_space<vmem>> -> memref<128xi32, #tpu.memory_space<vmem>>
        %dma_wait3A_206 = arith.constant 0 : i32
        %dma_wait3A_207 = arith.constant 0 : i32
        %dma_wait3A_208 = tpu.memref_slice %arg2[%dma_wait3A_206, %dma_wait3A_207] : memref<102400x32xf32, #tpu.memory_space<hbm>> -> memref<102400x32xf32, #tpu.memory_space<hbm>>
        tpu.wait_indirect_dma semaphore(%arg11 : memref<!tpu.dma_semaphore, #tpu.memory_space<semaphore_mem>>) src(%dma_wait3A_208 : memref<102400x32xf32, #tpu.memory_space<hbm>>) dst(%dma_wait3A_202 : memref<128x32xf32, #tpu.memory_space<vmem>>)
        %mul3A_209 = arith.constant 2 : i32
        %mul3A_210 = arith.muli %mul3A_209, %add3A_186 : i32
        %add3A_211 = arith.constant 1 : i32
        %add3A_212 = arith.addi %mul3A_210, %add3A_211 : i32
        %dma_start3A_213 = arith.constant 2 : i32
        %dma_start3A_214 = arith.constant 0 : i32
        %dma_start3A_215 = arith.constant 0 : i32
        %dma_start3A_216 = tpu.memref_slice %arg7[%dma_start3A_213, %dma_start3A_214, %dma_start3A_215] : memref<4x128x32xf32, #tpu.memory_space<vmem>> -> memref<1x128x32xf32, #tpu.memory_space<vmem>>
        %dma_start3A_217 = tpu.memref_squeeze %dma_start3A_216 : memref<1x128x32xf32, #tpu.memory_space<vmem>> -> memref<128x32xf32, #tpu.memory_space<vmem>>
        %dma_start3A_218 = arith.constant 0 : i32
        %dma_start3A_219 = tpu.memref_slice %arg6[%add3A_212, %dma_start3A_218] : memref<80x128xi32, #tpu.memory_space<vmem>> -> memref<1x128xi32, #tpu.memory_space<vmem>>
        %dma_start3A_220 = tpu.memref_squeeze %dma_start3A_219 : memref<1x128xi32, #tpu.memory_space<vmem>> -> memref<128xi32, #tpu.memory_space<vmem>>
        %dma_start3A_221 = arith.constant 0 : i32
        %dma_start3A_222 = arith.constant 0 : i32
        %dma_start3A_223 = tpu.memref_slice %arg8[%dma_start3A_221, %dma_start3A_222] : memref<51200x32xf32, #tpu.memory_space<vmem_shared>> -> memref<51200x32xf32, #tpu.memory_space<vmem_shared>>
        tpu.enqueue_indirect_dma source(%dma_start3A_217 : memref<128x32xf32, #tpu.memory_space<vmem>>) target(%dma_start3A_223 : memref<51200x32xf32, #tpu.memory_space<vmem_shared>>) offsets(%dma_start3A_220 : memref<128xi32, #tpu.memory_space<vmem>>) semaphore(%arg15 : memref<!tpu.dma_semaphore, #tpu.memory_space<semaphore_mem>>) {add = true}
        %mul3A_224 = arith.constant 4 : i32
        %mul3A_225 = arith.muli %scan3A_104, %mul3A_224 : i32
        %add3A_226 = arith.constant 3 : i32
        %add3A_227 = arith.addi %mul3A_225, %add3A_226 : i32
        %add3A_228 = arith.constant 4 : i32
        %add3A_229 = arith.addi %add3A_227, %add3A_228 : i32
        %sub3A_230 = arith.constant 1 : i32
        %sub3A_231 = arith.subi %add3A_229, %sub3A_230 : i32
        %lt3A_232 = arith.constant 40 : i32
        %lt3A_233 = arith.cmpi slt, %sub3A_231, %lt3A_232 : i32
        %convert_element_type3A_234 = arith.extui %lt3A_233 : i1 to i32
        %cond3A_235 = arith.constant 0 : i32
        %cond3A_236 = arith.cmpi ne, %convert_element_type3A_234, %cond3A_235 : i32
        scf.if %cond3A_236 {
          %dma_wait3A_265 = arith.constant 2 : i32
          %dma_wait3A_266 = arith.constant 1 : i32
          %dma_wait3A_267 = arith.constant 0 : i32
          %dma_wait3A_268 = arith.constant 0 : i32
          %dma_wait3A_269 = tpu.memref_slice %arg7[%dma_wait3A_265, %dma_wait3A_267, %dma_wait3A_268] : memref<4x128x32xf32, #tpu.memory_space<vmem>> -> memref<1x128x32xf32, #tpu.memory_space<vmem>>
          %dma_wait3A_270 = tpu.memref_squeeze %dma_wait3A_269 : memref<1x128x32xf32, #tpu.memory_space<vmem>> -> memref<128x32xf32, #tpu.memory_space<vmem>>
          %dma_wait3A_271 = arith.constant 0 : i32
          %dma_wait3A_272 = tpu.memref_slice %arg6[%dma_wait3A_266, %dma_wait3A_271] : memref<80x128xi32, #tpu.memory_space<vmem>> -> memref<1x128xi32, #tpu.memory_space<vmem>>
          %dma_wait3A_273 = tpu.memref_squeeze %dma_wait3A_272 : memref<1x128xi32, #tpu.memory_space<vmem>> -> memref<128xi32, #tpu.memory_space<vmem>>
          %dma_wait3A_274 = arith.constant 0 : i32
          %dma_wait3A_275 = arith.constant 0 : i32
          %dma_wait3A_276 = tpu.memref_slice %arg8[%dma_wait3A_274, %dma_wait3A_275] : memref<51200x32xf32, #tpu.memory_space<vmem_shared>> -> memref<51200x32xf32, #tpu.memory_space<vmem_shared>>
          tpu.wait_indirect_dma semaphore(%arg15 : memref<!tpu.dma_semaphore, #tpu.memory_space<semaphore_mem>>) src(%dma_wait3A_270 : memref<128x32xf32, #tpu.memory_space<vmem>>) dst(%dma_wait3A_276 : memref<51200x32xf32, #tpu.memory_space<vmem_shared>>)
          %mul3A_277 = arith.constant 2 : i32
          %mul3A_278 = arith.muli %mul3A_277, %sub3A_231 : i32
          %dma_start3A_279 = arith.constant 2 : i32
          %dma_start3A_280 = arith.constant 0 : i32
          %dma_start3A_281 = arith.constant 0 : i32
          %dma_start3A_282 = tpu.memref_slice %arg7[%dma_start3A_279, %dma_start3A_280, %dma_start3A_281] : memref<4x128x32xf32, #tpu.memory_space<vmem>> -> memref<1x128x32xf32, #tpu.memory_space<vmem>>
          %dma_start3A_283 = tpu.memref_squeeze %dma_start3A_282 : memref<1x128x32xf32, #tpu.memory_space<vmem>> -> memref<128x32xf32, #tpu.memory_space<vmem>>
          %dma_start3A_284 = arith.constant 0 : i32
          %dma_start3A_285 = tpu.memref_slice %arg6[%mul3A_278, %dma_start3A_284] : memref<80x128xi32, #tpu.memory_space<vmem>> -> memref<1x128xi32, #tpu.memory_space<vmem>>
          %dma_start3A_286 = tpu.memref_squeeze %dma_start3A_285 : memref<1x128xi32, #tpu.memory_space<vmem>> -> memref<128xi32, #tpu.memory_space<vmem>>
          %dma_start3A_287 = arith.constant 0 : i32
          %dma_start3A_288 = arith.constant 0 : i32
          %dma_start3A_289 = tpu.memref_slice %arg2[%dma_start3A_287, %dma_start3A_288] : memref<102400x32xf32, #tpu.memory_space<hbm>> -> memref<102400x32xf32, #tpu.memory_space<hbm>>
          tpu.enqueue_indirect_dma source(%dma_start3A_289 : memref<102400x32xf32, #tpu.memory_space<hbm>>) target(%dma_start3A_283 : memref<128x32xf32, #tpu.memory_space<vmem>>) offsets(%dma_start3A_286 : memref<128xi32, #tpu.memory_space<vmem>>) semaphore(%arg11 : memref<!tpu.dma_semaphore, #tpu.memory_space<semaphore_mem>>)
        } else {
        }
        %mul3A_237 = arith.constant 2 : i32
        %mul3A_238 = arith.muli %mul3A_237, %add3A_227 : i32
        %dma_wait3A_239 = arith.constant 3 : i32
        %dma_wait3A_240 = arith.constant 0 : i32
        %dma_wait3A_241 = arith.constant 0 : i32
        %dma_wait3A_242 = tpu.memref_slice %arg7[%dma_wait3A_239, %dma_wait3A_240, %dma_wait3A_241] : memref<4x128x32xf32, #tpu.memory_space<vmem>> -> memref<1x128x32xf32, #tpu.memory_space<vmem>>
        %dma_wait3A_243 = tpu.memref_squeeze %dma_wait3A_242 : memref<1x128x32xf32, #tpu.memory_space<vmem>> -> memref<128x32xf32, #tpu.memory_space<vmem>>
        %dma_wait3A_244 = arith.constant 0 : i32
        %dma_wait3A_245 = tpu.memref_slice %arg6[%mul3A_238, %dma_wait3A_244] : memref<80x128xi32, #tpu.memory_space<vmem>> -> memref<1x128xi32, #tpu.memory_space<vmem>>
        %dma_wait3A_246 = tpu.memref_squeeze %dma_wait3A_245 : memref<1x128xi32, #tpu.memory_space<vmem>> -> memref<128xi32, #tpu.memory_space<vmem>>
        %dma_wait3A_247 = arith.constant 0 : i32
        %dma_wait3A_248 = arith.constant 0 : i32
        %dma_wait3A_249 = tpu.memref_slice %arg2[%dma_wait3A_247, %dma_wait3A_248] : memref<102400x32xf32, #tpu.memory_space<hbm>> -> memref<102400x32xf32, #tpu.memory_space<hbm>>
        tpu.wait_indirect_dma semaphore(%arg12 : memref<!tpu.dma_semaphore, #tpu.memory_space<semaphore_mem>>) src(%dma_wait3A_249 : memref<102400x32xf32, #tpu.memory_space<hbm>>) dst(%dma_wait3A_243 : memref<128x32xf32, #tpu.memory_space<vmem>>)
        %mul3A_250 = arith.constant 2 : i32
        %mul3A_251 = arith.muli %mul3A_250, %add3A_227 : i32
        %add3A_252 = arith.constant 1 : i32
        %add3A_253 = arith.addi %mul3A_251, %add3A_252 : i32
        %dma_start3A_254 = arith.constant 3 : i32
        %dma_start3A_255 = arith.constant 0 : i32
        %dma_start3A_256 = arith.constant 0 : i32
        %dma_start3A_257 = tpu.memref_slice %arg7[%dma_start3A_254, %dma_start3A_255, %dma_start3A_256] : memref<4x128x32xf32, #tpu.memory_space<vmem>> -> memref<1x128x32xf32, #tpu.memory_space<vmem>>
        %dma_start3A_258 = tpu.memref_squeeze %dma_start3A_257 : memref<1x128x32xf32, #tpu.memory_space<vmem>> -> memref<128x32xf32, #tpu.memory_space<vmem>>
        %dma_start3A_259 = arith.constant 0 : i32
        %dma_start3A_260 = tpu.memref_slice %arg6[%add3A_253, %dma_start3A_259] : memref<80x128xi32, #tpu.memory_space<vmem>> -> memref<1x128xi32, #tpu.memory_space<vmem>>
        %dma_start3A_261 = tpu.memref_squeeze %dma_start3A_260 : memref<1x128xi32, #tpu.memory_space<vmem>> -> memref<128xi32, #tpu.memory_space<vmem>>
        %dma_start3A_262 = arith.constant 0 : i32
        %dma_start3A_263 = arith.constant 0 : i32
        %dma_start3A_264 = tpu.memref_slice %arg8[%dma_start3A_262, %dma_start3A_263] : memref<51200x32xf32, #tpu.memory_space<vmem_shared>> -> memref<51200x32xf32, #tpu.memory_space<vmem_shared>>
        tpu.enqueue_indirect_dma source(%dma_start3A_258 : memref<128x32xf32, #tpu.memory_space<vmem>>) target(%dma_start3A_264 : memref<51200x32xf32, #tpu.memory_space<vmem_shared>>) offsets(%dma_start3A_261 : memref<128xi32, #tpu.memory_space<vmem>>) semaphore(%arg16 : memref<!tpu.dma_semaphore, #tpu.memory_space<semaphore_mem>>) {add = true}
      }
      %scan3A_56 = arith.constant 10 : i32
      %dma_wait3A = arith.constant 0 : i32
      %dma_wait3A_57 = arith.constant 1 : i32
      %dma_wait3A_58 = arith.constant 0 : i32
      %dma_wait3A_59 = arith.constant 0 : i32
      %dma_wait3A_60 = tpu.memref_slice %arg7[%dma_wait3A, %dma_wait3A_58, %dma_wait3A_59] : memref<4x128x32xf32, #tpu.memory_space<vmem>> -> memref<1x128x32xf32, #tpu.memory_space<vmem>>
      %dma_wait3A_61 = tpu.memref_squeeze %dma_wait3A_60 : memref<1x128x32xf32, #tpu.memory_space<vmem>> -> memref<128x32xf32, #tpu.memory_space<vmem>>
      %dma_wait3A_62 = arith.constant 0 : i32
      %dma_wait3A_63 = tpu.memref_slice %arg6[%dma_wait3A_57, %dma_wait3A_62] : memref<80x128xi32, #tpu.memory_space<vmem>> -> memref<1x128xi32, #tpu.memory_space<vmem>>
      %dma_wait3A_64 = tpu.memref_squeeze %dma_wait3A_63 : memref<1x128xi32, #tpu.memory_space<vmem>> -> memref<128xi32, #tpu.memory_space<vmem>>
      %dma_wait3A_65 = arith.constant 0 : i32
      %dma_wait3A_66 = arith.constant 0 : i32
      %dma_wait3A_67 = tpu.memref_slice %arg8[%dma_wait3A_65, %dma_wait3A_66] : memref<51200x32xf32, #tpu.memory_space<vmem_shared>> -> memref<51200x32xf32, #tpu.memory_space<vmem_shared>>
      tpu.wait_indirect_dma semaphore(%arg13 : memref<!tpu.dma_semaphore, #tpu.memory_space<semaphore_mem>>) src(%dma_wait3A_61 : memref<128x32xf32, #tpu.memory_space<vmem>>) dst(%dma_wait3A_67 : memref<51200x32xf32, #tpu.memory_space<vmem_shared>>)
      %dma_wait3A_68 = arith.constant 1 : i32
      %dma_wait3A_69 = arith.constant 1 : i32
      %dma_wait3A_70 = arith.constant 0 : i32
      %dma_wait3A_71 = arith.constant 0 : i32
      %dma_wait3A_72 = tpu.memref_slice %arg7[%dma_wait3A_68, %dma_wait3A_70, %dma_wait3A_71] : memref<4x128x32xf32, #tpu.memory_space<vmem>> -> memref<1x128x32xf32, #tpu.memory_space<vmem>>
      %dma_wait3A_73 = tpu.memref_squeeze %dma_wait3A_72 : memref<1x128x32xf32, #tpu.memory_space<vmem>> -> memref<128x32xf32, #tpu.memory_space<vmem>>
      %dma_wait3A_74 = arith.constant 0 : i32
      %dma_wait3A_75 = tpu.memref_slice %arg6[%dma_wait3A_69, %dma_wait3A_74] : memref<80x128xi32, #tpu.memory_space<vmem>> -> memref<1x128xi32, #tpu.memory_space<vmem>>
      %dma_wait3A_76 = tpu.memref_squeeze %dma_wait3A_75 : memref<1x128xi32, #tpu.memory_space<vmem>> -> memref<128xi32, #tpu.memory_space<vmem>>
      %dma_wait3A_77 = arith.constant 0 : i32
      %dma_wait3A_78 = arith.constant 0 : i32
      %dma_wait3A_79 = tpu.memref_slice %arg8[%dma_wait3A_77, %dma_wait3A_78] : memref<51200x32xf32, #tpu.memory_space<vmem_shared>> -> memref<51200x32xf32, #tpu.memory_space<vmem_shared>>
      tpu.wait_indirect_dma semaphore(%arg14 : memref<!tpu.dma_semaphore, #tpu.memory_space<semaphore_mem>>) src(%dma_wait3A_73 : memref<128x32xf32, #tpu.memory_space<vmem>>) dst(%dma_wait3A_79 : memref<51200x32xf32, #tpu.memory_space<vmem_shared>>)
      %dma_wait3A_80 = arith.constant 2 : i32
      %dma_wait3A_81 = arith.constant 1 : i32
      %dma_wait3A_82 = arith.constant 0 : i32
      %dma_wait3A_83 = arith.constant 0 : i32
      %dma_wait3A_84 = tpu.memref_slice %arg7[%dma_wait3A_80, %dma_wait3A_82, %dma_wait3A_83] : memref<4x128x32xf32, #tpu.memory_space<vmem>> -> memref<1x128x32xf32, #tpu.memory_space<vmem>>
      %dma_wait3A_85 = tpu.memref_squeeze %dma_wait3A_84 : memref<1x128x32xf32, #tpu.memory_space<vmem>> -> memref<128x32xf32, #tpu.memory_space<vmem>>
      %dma_wait3A_86 = arith.constant 0 : i32
      %dma_wait3A_87 = tpu.memref_slice %arg6[%dma_wait3A_81, %dma_wait3A_86] : memref<80x128xi32, #tpu.memory_space<vmem>> -> memref<1x128xi32, #tpu.memory_space<vmem>>
      %dma_wait3A_88 = tpu.memref_squeeze %dma_wait3A_87 : memref<1x128xi32, #tpu.memory_space<vmem>> -> memref<128xi32, #tpu.memory_space<vmem>>
      %dma_wait3A_89 = arith.constant 0 : i32
      %dma_wait3A_90 = arith.constant 0 : i32
      %dma_wait3A_91 = tpu.memref_slice %arg8[%dma_wait3A_89, %dma_wait3A_90] : memref<51200x32xf32, #tpu.memory_space<vmem_shared>> -> memref<51200x32xf32, #tpu.memory_space<vmem_shared>>
      tpu.wait_indirect_dma semaphore(%arg15 : memref<!tpu.dma_semaphore, #tpu.memory_space<semaphore_mem>>) src(%dma_wait3A_85 : memref<128x32xf32, #tpu.memory_space<vmem>>) dst(%dma_wait3A_91 : memref<51200x32xf32, #tpu.memory_space<vmem_shared>>)
      %dma_wait3A_92 = arith.constant 3 : i32
      %dma_wait3A_93 = arith.constant 1 : i32
      %dma_wait3A_94 = arith.constant 0 : i32
      %dma_wait3A_95 = arith.constant 0 : i32
      %dma_wait3A_96 = tpu.memref_slice %arg7[%dma_wait3A_92, %dma_wait3A_94, %dma_wait3A_95] : memref<4x128x32xf32, #tpu.memory_space<vmem>> -> memref<1x128x32xf32, #tpu.memory_space<vmem>>
      %dma_wait3A_97 = tpu.memref_squeeze %dma_wait3A_96 : memref<1x128x32xf32, #tpu.memory_space<vmem>> -> memref<128x32xf32, #tpu.memory_space<vmem>>
      %dma_wait3A_98 = arith.constant 0 : i32
      %dma_wait3A_99 = tpu.memref_slice %arg6[%dma_wait3A_93, %dma_wait3A_98] : memref<80x128xi32, #tpu.memory_space<vmem>> -> memref<1x128xi32, #tpu.memory_space<vmem>>
      %dma_wait3A_100 = tpu.memref_squeeze %dma_wait3A_99 : memref<1x128xi32, #tpu.memory_space<vmem>> -> memref<128xi32, #tpu.memory_space<vmem>>
      %dma_wait3A_101 = arith.constant 0 : i32
      %dma_wait3A_102 = arith.constant 0 : i32
      %dma_wait3A_103 = tpu.memref_slice %arg8[%dma_wait3A_101, %dma_wait3A_102] : memref<51200x32xf32, #tpu.memory_space<vmem_shared>> -> memref<51200x32xf32, #tpu.memory_space<vmem_shared>>
      tpu.wait_indirect_dma semaphore(%arg16 : memref<!tpu.dma_semaphore, #tpu.memory_space<semaphore_mem>>) src(%dma_wait3A_97 : memref<128x32xf32, #tpu.memory_space<vmem>>) dst(%dma_wait3A_103 : memref<51200x32xf32, #tpu.memory_space<vmem_shared>>)
    }
    %scan3A_6 = arith.constant 10 : i32
    %barrier3A_7 = arith.constant 0 : index
    tpu.barrier barrier_id(%barrier3A_7)
    %mul3A_8 = arith.constant 3200 : i32
    %mul3A_9 = arith.muli %arg1, %mul3A_8 : i32
    "tpu.region"() ({
      %run_scoped3A = tpu.sem_alloc : memref<!tpu.dma_semaphore, #tpu.memory_space<semaphore_mem>>
      %dma_start3A = arith.constant 0 : i32
      %dma_start3A_10 = tpu.memref_slice %arg5[%arg0, %mul3A_9, %dma_start3A] : memref<2x51200x32xf32, #tpu.memory_space<hbm>> -> memref<1x3200x32xf32, #tpu.memory_space<hbm>>
      %dma_start3A_11 = tpu.memref_squeeze %dma_start3A_10 : memref<1x3200x32xf32, #tpu.memory_space<hbm>> -> memref<3200x32xf32, #tpu.memory_space<hbm>>
      %dma_start3A_12 = arith.constant 0 : i32
      %dma_start3A_13 = tpu.memref_slice %arg8[%mul3A_9, %dma_start3A_12] : memref<51200x32xf32, #tpu.memory_space<vmem_shared>> -> memref<3200x32xf32, #tpu.memory_space<vmem_shared>>
      tpu.enqueue_dma source(%dma_start3A_13 : memref<3200x32xf32, #tpu.memory_space<vmem_shared>>) target(%dma_start3A_11 : memref<3200x32xf32, #tpu.memory_space<hbm>>) target_semaphore(%run_scoped3A : memref<!tpu.dma_semaphore, #tpu.memory_space<semaphore_mem>>)
      %dma_wait3A = arith.constant 0 : i32
      %dma_wait3A_14 = tpu.memref_slice %arg5[%arg0, %mul3A_9, %dma_wait3A] : memref<2x51200x32xf32, #tpu.memory_space<hbm>> -> memref<1x3200x32xf32, #tpu.memory_space<hbm>>
      %dma_wait3A_15 = tpu.memref_squeeze %dma_wait3A_14 : memref<1x3200x32xf32, #tpu.memory_space<hbm>> -> memref<3200x32xf32, #tpu.memory_space<hbm>>
      %dma_wait3A_16 = arith.constant 0 : i32
      %dma_wait3A_17 = tpu.memref_slice %arg8[%mul3A_9, %dma_wait3A_16] : memref<51200x32xf32, #tpu.memory_space<vmem_shared>> -> memref<3200x32xf32, #tpu.memory_space<vmem_shared>>
      tpu.wait_dma2 semaphore(%run_scoped3A : memref<!tpu.dma_semaphore, #tpu.memory_space<semaphore_mem>>) src(%dma_wait3A_17 : memref<3200x32xf32, #tpu.memory_space<vmem_shared>>) dst(%dma_wait3A_15 : memref<3200x32xf32, #tpu.memory_space<hbm>>)
      tpu.yield
    }) : () -> ()
    return
  }
}

#map = affine_map<(d0, d1) -> (0, 0)>
#map1 = affine_map<(d0, d1) -> (0, 0, 0)>
module attributes {stable_mosaic.version = 14 : i64} {
  func.func @_seg_sum_body(%arg0: i32, %arg1: i32, %arg2: memref<102400x32xf32, #tpu.memory_space<hbm>>, %arg3: memref<2x12800x128xi32, #tpu.memory_space<hbm>>, %arg4: memref<51200x32xf32, #tpu.memory_space<hbm>>, %arg5: memref<2x51200x32xf32, #tpu.memory_space<hbm>>, %arg6: memref<80x128xi32, #tpu.memory_space<vmem>>, %arg7: memref<4x128x32xf32, #tpu.memory_space<vmem>>, %arg8: memref<51200x32xf32, #tpu.memory_space<vmem_shared>>, %arg9: memref<!tpu.dma_semaphore, #tpu.memory_space<semaphore_mem>>, %arg10: memref<!tpu.dma_semaphore, #tpu.memory_space<semaphore_mem>>, %arg11: memref<!tpu.dma_semaphore, #tpu.memory_space<semaphore_mem>>, %arg12: memref<!tpu.dma_semaphore, #tpu.memory_space<semaphore_mem>>, %arg13: memref<!tpu.dma_semaphore, #tpu.memory_space<semaphore_mem>>, %arg14: memref<!tpu.dma_semaphore, #tpu.memory_space<semaphore_mem>>, %arg15: memref<!tpu.dma_semaphore, #tpu.memory_space<semaphore_mem>>, %arg16: memref<!tpu.dma_semaphore, #tpu.memory_space<semaphore_mem>>) attributes {dimension_semantics = [#tpu.dimension_semantics<core_parallel>, #tpu.dimension_semantics<subcore_parallel>], iteration_bounds = array<i64: 2, 16>, scalar_prefetch = 0 : i64, scratch_operands = 11 : i64, tpu.core_type = #tpu.core_type<sc_vector_subcore>, window_params = [{transform_indices = #map}, {transform_indices = #map1}, {transform_indices = #map}, {transform_indices = #map1}]} {
    %mul3A = arith.constant 3200 : i32
    %mul3A_0 = arith.muli %arg1, %mul3A : i32
    %mul3A_1 = arith.constant 3200 : i32
    %mul3A_2 = arith.muli %arg1, %mul3A_1 : i32
    "tpu.region"() ({
      %run_scoped3A = tpu.sem_alloc : memref<!tpu.dma_semaphore, #tpu.memory_space<semaphore_mem>>
      %dma_start3A = arith.constant 0 : i32
      %dma_start3A_10 = tpu.memref_slice %arg8[%mul3A_2, %dma_start3A] : memref<51200x32xf32, #tpu.memory_space<vmem_shared>> -> memref<3200x32xf32, #tpu.memory_space<vmem_shared>>
      %dma_start3A_11 = arith.constant 0 : i32
      %dma_start3A_12 = tpu.memref_slice %arg4[%mul3A_0, %dma_start3A_11] : memref<51200x32xf32, #tpu.memory_space<hbm>> -> memref<3200x32xf32, #tpu.memory_space<hbm>>
      tpu.enqueue_dma source(%dma_start3A_12 : memref<3200x32xf32, #tpu.memory_space<hbm>>) target(%dma_start3A_10 : memref<3200x32xf32, #tpu.memory_space<vmem_shared>>) target_semaphore(%run_scoped3A : memref<!tpu.dma_semaphore, #tpu.memory_space<semaphore_mem>>)
      %dma_wait3A = arith.constant 0 : i32
      %dma_wait3A_13 = tpu.memref_slice %arg8[%mul3A_2, %dma_wait3A] : memref<51200x32xf32, #tpu.memory_space<vmem_shared>> -> memref<3200x32xf32, #tpu.memory_space<vmem_shared>>
      %dma_wait3A_14 = arith.constant 0 : i32
      %dma_wait3A_15 = tpu.memref_slice %arg4[%mul3A_0, %dma_wait3A_14] : memref<51200x32xf32, #tpu.memory_space<hbm>> -> memref<3200x32xf32, #tpu.memory_space<hbm>>
      tpu.wait_dma2 semaphore(%run_scoped3A : memref<!tpu.dma_semaphore, #tpu.memory_space<semaphore_mem>>) src(%dma_wait3A_15 : memref<3200x32xf32, #tpu.memory_space<hbm>>) dst(%dma_wait3A_13 : memref<3200x32xf32, #tpu.memory_space<vmem_shared>>)
      tpu.yield
    }) : () -> ()
    %barrier3A = arith.constant 0 : index
    tpu.barrier barrier_id(%barrier3A)
    %scan3A = arith.constant 0 : i32
    %scan3A_3 = arith.constant 10 : i32
    %scan3A_4 = arith.addi %scan3A, %scan3A_3 : i32
    %scan3A_5 = arith.constant 1 : i32
    scf.for %scan3A_10 = %scan3A to %scan3A_4 step %scan3A_5  : i32 {
      %mul3A_11 = arith.constant 400 : i32
      %mul3A_12 = arith.muli %arg1, %mul3A_11 : i32
      %mul3A_13 = arith.constant 40 : i32
      %mul3A_14 = arith.muli %scan3A_10, %mul3A_13 : i32
      %add3A = arith.addi %mul3A_12, %mul3A_14 : i32
      %mul3A_15 = arith.constant 2 : i32
      %mul3A_16 = arith.muli %add3A, %mul3A_15 : i32
      "tpu.region"() ({
        %run_scoped3A = tpu.sem_alloc : memref<!tpu.dma_semaphore, #tpu.memory_space<semaphore_mem>>
        %dma_start3A_104 = arith.constant 0 : i32
        %dma_start3A_105 = tpu.memref_slice %arg3[%arg0, %mul3A_16, %dma_start3A_104] : memref<2x12800x128xi32, #tpu.memory_space<hbm>> -> memref<1x80x128xi32, #tpu.memory_space<hbm>>
        %dma_start3A_106 = tpu.memref_squeeze %dma_start3A_105 : memref<1x80x128xi32, #tpu.memory_space<hbm>> -> memref<80x128xi32, #tpu.memory_space<hbm>>
        %dma_start3A_107 = arith.constant 0 : i32
        %dma_start3A_108 = tpu.memref_slice %arg3[%arg0, %mul3A_16, %dma_start3A_107] : memref<2x12800x128xi32, #tpu.memory_space<hbm>> -> memref<1x80x128xi32, #tpu.memory_space<hbm>>
        %dma_start3A_109 = tpu.memref_squeeze %dma_start3A_108 : memref<1x80x128xi32, #tpu.memory_space<hbm>> -> memref<80x128xi32, #tpu.memory_space<hbm>>
        tpu.enqueue_dma source(%dma_start3A_109 : memref<80x128xi32, #tpu.memory_space<hbm>>) target(%arg6 : memref<80x128xi32, #tpu.memory_space<vmem>>) target_semaphore(%run_scoped3A : memref<!tpu.dma_semaphore, #tpu.memory_space<semaphore_mem>>)
        %dma_wait3A_110 = arith.constant 0 : i32
        %dma_wait3A_111 = tpu.memref_slice %arg3[%arg0, %mul3A_16, %dma_wait3A_110] : memref<2x12800x128xi32, #tpu.memory_space<hbm>> -> memref<1x80x128xi32, #tpu.memory_space<hbm>>
        %dma_wait3A_112 = tpu.memref_squeeze %dma_wait3A_111 : memref<1x80x128xi32, #tpu.memory_space<hbm>> -> memref<80x128xi32, #tpu.memory_space<hbm>>
        %dma_wait3A_113 = arith.constant 0 : i32
        %dma_wait3A_114 = tpu.memref_slice %arg3[%arg0, %mul3A_16, %dma_wait3A_113] : memref<2x12800x128xi32, #tpu.memory_space<hbm>> -> memref<1x80x128xi32, #tpu.memory_space<hbm>>
        %dma_wait3A_115 = tpu.memref_squeeze %dma_wait3A_114 : memref<1x80x128xi32, #tpu.memory_space<hbm>> -> memref<80x128xi32, #tpu.memory_space<hbm>>
        tpu.wait_dma2 semaphore(%run_scoped3A : memref<!tpu.dma_semaphore, #tpu.memory_space<semaphore_mem>>) src(%dma_wait3A_115 : memref<80x128xi32, #tpu.memory_space<hbm>>) dst(%arg6 : memref<80x128xi32, #tpu.memory_space<vmem>>)
        tpu.yield
      }) : () -> ()
      %dma_start3A = arith.constant 0 : i32
      %dma_start3A_17 = arith.constant 0 : i32
      %dma_start3A_18 = arith.constant 0 : i32
      %dma_start3A_19 = arith.constant 0 : i32
      %dma_start3A_20 = tpu.memref_slice %arg7[%dma_start3A_17, %dma_start3A_18, %dma_start3A_19] : memref<4x128x32xf32, #tpu.memory_space<vmem>> -> memref<1x128x32xf32, #tpu.memory_space<vmem>>
      %dma_start3A_21 = tpu.memref_squeeze %dma_start3A_20 : memref<1x128x32xf32, #tpu.memory_space<vmem>> -> memref<128x32xf32, #tpu.memory_space<vmem>>
      %dma_start3A_22 = arith.constant 0 : i32
      %dma_start3A_23 = tpu.memref_slice %arg6[%dma_start3A, %dma_start3A_22] : memref<80x128xi32, #tpu.memory_space<vmem>> -> memref<1x128xi32, #tpu.memory_space<vmem>>
      %dma_start3A_24 = tpu.memref_squeeze %dma_start3A_23 : memref<1x128xi32, #tpu.memory_space<vmem>> -> memref<128xi32, #tpu.memory_space<vmem>>
      %dma_start3A_25 = arith.constant 0 : i32
      %dma_start3A_26 = arith.constant 0 : i32
      %dma_start3A_27 = tpu.memref_slice %arg2[%dma_start3A_25, %dma_start3A_26] : memref<102400x32xf32, #tpu.memory_space<hbm>> -> memref<102400x32xf32, #tpu.memory_space<hbm>>
      tpu.enqueue_indirect_dma source(%dma_start3A_27 : memref<102400x32xf32, #tpu.memory_space<hbm>>) target(%dma_start3A_21 : memref<128x32xf32, #tpu.memory_space<vmem>>) offsets(%dma_start3A_24 : memref<128xi32, #tpu.memory_space<vmem>>) semaphore(%arg9 : memref<!tpu.dma_semaphore, #tpu.memory_space<semaphore_mem>>)
      %dma_start3A_28 = arith.constant 2 : i32
      %dma_start3A_29 = arith.constant 1 : i32
      %dma_start3A_30 = arith.constant 0 : i32
      %dma_start3A_31 = arith.constant 0 : i32
      %dma_start3A_32 = tpu.memref_slice %arg7[%dma_start3A_29, %dma_start3A_30, %dma_start3A_31] : memref<4x128x32xf32, #tpu.memory_space<vmem>> -> memref<1x128x32xf32, #tpu.memory_space<vmem>>
      %dma_start3A_33 = tpu.memref_squeeze %dma_start3A_32 : memref<1x128x32xf32, #tpu.memory_space<vmem>> -> memref<128x32xf32, #tpu.memory_space<vmem>>
      %dma_start3A_34 = arith.constant 0 : i32
      %dma_start3A_35 = tpu.memref_slice %arg6[%dma_start3A_28, %dma_start3A_34] : memref<80x128xi32, #tpu.memory_space<vmem>> -> memref<1x128xi32, #tpu.memory_space<vmem>>
      %dma_start3A_36 = tpu.memref_squeeze %dma_start3A_35 : memref<1x128xi32, #tpu.memory_space<vmem>> -> memref<128xi32, #tpu.memory_space<vmem>>
      %dma_start3A_37 = arith.constant 0 : i32
      %dma_start3A_38 = arith.constant 0 : i32
      %dma_start3A_39 = tpu.memref_slice %arg2[%dma_start3A_37, %dma_start3A_38] : memref<102400x32xf32, #tpu.memory_space<hbm>> -> memref<102400x32xf32, #tpu.memory_space<hbm>>
      tpu.enqueue_indirect_dma source(%dma_start3A_39 : memref<102400x32xf32, #tpu.memory_space<hbm>>) target(%dma_start3A_33 : memref<128x32xf32, #tpu.memory_space<vmem>>) offsets(%dma_start3A_36 : memref<128xi32, #tpu.memory_space<vmem>>) semaphore(%arg10 : memref<!tpu.dma_semaphore, #tpu.memory_space<semaphore_mem>>)
      %dma_start3A_40 = arith.constant 4 : i32
      %dma_start3A_41 = arith.constant 2 : i32
      %dma_start3A_42 = arith.constant 0 : i32
      %dma_start3A_43 = arith.constant 0 : i32
      %dma_start3A_44 = tpu.memref_slice %arg7[%dma_start3A_41, %dma_start3A_42, %dma_start3A_43] : memref<4x128x32xf32, #tpu.memory_space<vmem>> -> memref<1x128x32xf32, #tpu.memory_space<vmem>>
      %dma_start3A_45 = tpu.memref_squeeze %dma_start3A_44 : memref<1x128x32xf32, #tpu.memory_space<vmem>> -> memref<128x32xf32, #tpu.memory_space<vmem>>
      %dma_start3A_46 = arith.constant 0 : i32
      %dma_start3A_47 = tpu.memref_slice %arg6[%dma_start3A_40, %dma_start3A_46] : memref<80x128xi32, #tpu.memory_space<vmem>> -> memref<1x128xi32, #tpu.memory_space<vmem>>
      %dma_start3A_48 = tpu.memref_squeeze %dma_start3A_47 : memref<1x128xi32, #tpu.memory_space<vmem>> -> memref<128xi32, #tpu.memory_space<vmem>>
      %dma_start3A_49 = arith.constant 0 : i32
      %dma_start3A_50 = arith.constant 0 : i32
      %dma_start3A_51 = tpu.memref_slice %arg2[%dma_start3A_49, %dma_start3A_50] : memref<102400x32xf32, #tpu.memory_space<hbm>> -> memref<102400x32xf32, #tpu.memory_space<hbm>>
      tpu.enqueue_indirect_dma source(%dma_start3A_51 : memref<102400x32xf32, #tpu.memory_space<hbm>>) target(%dma_start3A_45 : memref<128x32xf32, #tpu.memory_space<vmem>>) offsets(%dma_start3A_48 : memref<128xi32, #tpu.memory_space<vmem>>) semaphore(%arg11 : memref<!tpu.dma_semaphore, #tpu.memory_space<semaphore_mem>>)
      %scan3A_52 = arith.constant 0 : i32
      %scan3A_53 = arith.constant 10 : i32
      %scan3A_54 = arith.addi %scan3A_52, %scan3A_53 : i32
      %scan3A_55 = arith.constant 1 : i32
      scf.for %scan3A_104 = %scan3A_52 to %scan3A_54 step %scan3A_55  : i32 {
        %mul3A_105 = arith.constant 4 : i32
        %mul3A_106 = arith.muli %scan3A_104, %mul3A_105 : i32
        %add3A_107 = arith.constant 0 : i32
        %add3A_108 = arith.addi %mul3A_106, %add3A_107 : i32
        %add3A_109 = arith.constant 4 : i32
        %add3A_110 = arith.addi %add3A_108, %add3A_109 : i32
        %sub3A = arith.constant 1 : i32
        %sub3A_111 = arith.subi %add3A_110, %sub3A : i32
        %lt3A = arith.constant 40 : i32
        %lt3A_112 = arith.cmpi slt, %sub3A_111, %lt3A : i32
        %convert_element_type3A = arith.extui %lt3A_112 : i1 to i32
        %cond3A = arith.constant 0 : i32
        %cond3A_113 = arith.cmpi ne, %convert_element_type3A, %cond3A : i32
        scf.if %cond3A_113 {
          %ge3A = arith.constant 1 : i32
          %ge3A_265 = arith.cmpi sge, %scan3A_104, %ge3A : i32
          %convert_element_type3A_266 = arith.extui %ge3A_265 : i1 to i32
          %cond3A_267 = arith.constant 0 : i32
          %cond3A_268 = arith.cmpi ne, %convert_element_type3A_266, %cond3A_267 : i32
          scf.if %cond3A_268 {
            %dma_wait3A_282 = arith.constant 3 : i32
            %dma_wait3A_283 = arith.constant 1 : i32
            %dma_wait3A_284 = arith.constant 0 : i32
            %dma_wait3A_285 = arith.constant 0 : i32
            %dma_wait3A_286 = tpu.memref_slice %arg7[%dma_wait3A_282, %dma_wait3A_284, %dma_wait3A_285] : memref<4x128x32xf32, #tpu.memory_space<vmem>> -> memref<1x128x32xf32, #tpu.memory_space<vmem>>
            %dma_wait3A_287 = tpu.memref_squeeze %dma_wait3A_286 : memref<1x128x32xf32, #tpu.memory_space<vmem>> -> memref<128x32xf32, #tpu.memory_space<vmem>>
            %dma_wait3A_288 = arith.constant 0 : i32
            %dma_wait3A_289 = tpu.memref_slice %arg6[%dma_wait3A_283, %dma_wait3A_288] : memref<80x128xi32, #tpu.memory_space<vmem>> -> memref<1x128xi32, #tpu.memory_space<vmem>>
            %dma_wait3A_290 = tpu.memref_squeeze %dma_wait3A_289 : memref<1x128xi32, #tpu.memory_space<vmem>> -> memref<128xi32, #tpu.memory_space<vmem>>
            %dma_wait3A_291 = arith.constant 0 : i32
            %dma_wait3A_292 = arith.constant 0 : i32
            %dma_wait3A_293 = tpu.memref_slice %arg8[%dma_wait3A_291, %dma_wait3A_292] : memref<51200x32xf32, #tpu.memory_space<vmem_shared>> -> memref<51200x32xf32, #tpu.memory_space<vmem_shared>>
            tpu.wait_indirect_dma semaphore(%arg16 : memref<!tpu.dma_semaphore, #tpu.memory_space<semaphore_mem>>) src(%dma_wait3A_287 : memref<128x32xf32, #tpu.memory_space<vmem>>) dst(%dma_wait3A_293 : memref<51200x32xf32, #tpu.memory_space<vmem_shared>>)
          } else {
          }
          %mul3A_269 = arith.constant 2 : i32
          %mul3A_270 = arith.muli %mul3A_269, %sub3A_111 : i32
          %dma_start3A_271 = arith.constant 3 : i32
          %dma_start3A_272 = arith.constant 0 : i32
          %dma_start3A_273 = arith.constant 0 : i32
          %dma_start3A_274 = tpu.memref_slice %arg7[%dma_start3A_271, %dma_start3A_272, %dma_start3A_273] : memref<4x128x32xf32, #tpu.memory_space<vmem>> -> memref<1x128x32xf32, #tpu.memory_space<vmem>>
          %dma_start3A_275 = tpu.memref_squeeze %dma_start3A_274 : memref<1x128x32xf32, #tpu.memory_space<vmem>> -> memref<128x32xf32, #tpu.memory_space<vmem>>
          %dma_start3A_276 = arith.constant 0 : i32
          %dma_start3A_277 = tpu.memref_slice %arg6[%mul3A_270, %dma_start3A_276] : memref<80x128xi32, #tpu.memory_space<vmem>> -> memref<1x128xi32, #tpu.memory_space<vmem>>
          %dma_start3A_278 = tpu.memref_squeeze %dma_start3A_277 : memref<1x128xi32, #tpu.memory_space<vmem>> -> memref<128xi32, #tpu.memory_space<vmem>>
          %dma_start3A_279 = arith.constant 0 : i32
          %dma_start3A_280 = arith.constant 0 : i32
          %dma_start3A_281 = tpu.memref_slice %arg2[%dma_start3A_279, %dma_start3A_280] : memref<102400x32xf32, #tpu.memory_space<hbm>> -> memref<102400x32xf32, #tpu.memory_space<hbm>>
          tpu.enqueue_indirect_dma source(%dma_start3A_281 : memref<102400x32xf32, #tpu.memory_space<hbm>>) target(%dma_start3A_275 : memref<128x32xf32, #tpu.memory_space<vmem>>) offsets(%dma_start3A_278 : memref<128xi32, #tpu.memory_space<vmem>>) semaphore(%arg12 : memref<!tpu.dma_semaphore, #tpu.memory_space<semaphore_mem>>)
        } else {
        }
        %mul3A_114 = arith.constant 2 : i32
        %mul3A_115 = arith.muli %mul3A_114, %add3A_108 : i32
        %dma_wait3A_116 = arith.constant 0 : i32
        %dma_wait3A_117 = arith.constant 0 : i32
        %dma_wait3A_118 = arith.constant 0 : i32
        %dma_wait3A_119 = tpu.memref_slice %arg7[%dma_wait3A_116, %dma_wait3A_117, %dma_wait3A_118] : memref<4x128x32xf32, #tpu.memory_space<vmem>> -> memref<1x128x32xf32, #tpu.memory_space<vmem>>
        %dma_wait3A_120 = tpu.memref_squeeze %dma_wait3A_119 : memref<1x128x32xf32, #tpu.memory_space<vmem>> -> memref<128x32xf32, #tpu.memory_space<vmem>>
        %dma_wait3A_121 = arith.constant 0 : i32
        %dma_wait3A_122 = tpu.memref_slice %arg6[%mul3A_115, %dma_wait3A_121] : memref<80x128xi32, #tpu.memory_space<vmem>> -> memref<1x128xi32, #tpu.memory_space<vmem>>
        %dma_wait3A_123 = tpu.memref_squeeze %dma_wait3A_122 : memref<1x128xi32, #tpu.memory_space<vmem>> -> memref<128xi32, #tpu.memory_space<vmem>>
        %dma_wait3A_124 = arith.constant 0 : i32
        %dma_wait3A_125 = arith.constant 0 : i32
        %dma_wait3A_126 = tpu.memref_slice %arg2[%dma_wait3A_124, %dma_wait3A_125] : memref<102400x32xf32, #tpu.memory_space<hbm>> -> memref<102400x32xf32, #tpu.memory_space<hbm>>
        tpu.wait_indirect_dma semaphore(%arg9 : memref<!tpu.dma_semaphore, #tpu.memory_space<semaphore_mem>>) src(%dma_wait3A_126 : memref<102400x32xf32, #tpu.memory_space<hbm>>) dst(%dma_wait3A_120 : memref<128x32xf32, #tpu.memory_space<vmem>>)
        %mul3A_127 = arith.constant 2 : i32
        %mul3A_128 = arith.muli %mul3A_127, %add3A_108 : i32
        %add3A_129 = arith.constant 1 : i32
        %add3A_130 = arith.addi %mul3A_128, %add3A_129 : i32
        %dma_start3A_131 = arith.constant 0 : i32
        %dma_start3A_132 = arith.constant 0 : i32
        %dma_start3A_133 = arith.constant 0 : i32
        %dma_start3A_134 = tpu.memref_slice %arg7[%dma_start3A_131, %dma_start3A_132, %dma_start3A_133] : memref<4x128x32xf32, #tpu.memory_space<vmem>> -> memref<1x128x32xf32, #tpu.memory_space<vmem>>
        %dma_start3A_135 = tpu.memref_squeeze %dma_start3A_134 : memref<1x128x32xf32, #tpu.memory_space<vmem>> -> memref<128x32xf32, #tpu.memory_space<vmem>>
        %dma_start3A_136 = arith.constant 0 : i32
        %dma_start3A_137 = tpu.memref_slice %arg6[%add3A_130, %dma_start3A_136] : memref<80x128xi32, #tpu.memory_space<vmem>> -> memref<1x128xi32, #tpu.memory_space<vmem>>
        %dma_start3A_138 = tpu.memref_squeeze %dma_start3A_137 : memref<1x128xi32, #tpu.memory_space<vmem>> -> memref<128xi32, #tpu.memory_space<vmem>>
        %dma_start3A_139 = arith.constant 0 : i32
        %dma_start3A_140 = arith.constant 0 : i32
        %dma_start3A_141 = tpu.memref_slice %arg8[%dma_start3A_139, %dma_start3A_140] : memref<51200x32xf32, #tpu.memory_space<vmem_shared>> -> memref<51200x32xf32, #tpu.memory_space<vmem_shared>>
        tpu.enqueue_indirect_dma source(%dma_start3A_135 : memref<128x32xf32, #tpu.memory_space<vmem>>) target(%dma_start3A_141 : memref<51200x32xf32, #tpu.memory_space<vmem_shared>>) offsets(%dma_start3A_138 : memref<128xi32, #tpu.memory_space<vmem>>) semaphore(%arg13 : memref<!tpu.dma_semaphore, #tpu.memory_space<semaphore_mem>>) {add = true}
        %mul3A_142 = arith.constant 4 : i32
        %mul3A_143 = arith.muli %scan3A_104, %mul3A_142 : i32
        %add3A_144 = arith.constant 1 : i32
        %add3A_145 = arith.addi %mul3A_143, %add3A_144 : i32
        %add3A_146 = arith.constant 4 : i32
        %add3A_147 = arith.addi %add3A_145, %add3A_146 : i32
        %sub3A_148 = arith.constant 1 : i32
        %sub3A_149 = arith.subi %add3A_147, %sub3A_148 : i32
        %lt3A_150 = arith.constant 40 : i32
        %lt3A_151 = arith.cmpi slt, %sub3A_149, %lt3A_150 : i32
        %convert_element_type3A_152 = arith.extui %lt3A_151 : i1 to i32
        %cond3A_153 = arith.constant 0 : i32
        %cond3A_154 = arith.cmpi ne, %convert_element_type3A_152, %cond3A_153 : i32
        scf.if %cond3A_154 {
          %dma_wait3A_265 = arith.constant 0 : i32
          %dma_wait3A_266 = arith.constant 1 : i32
          %dma_wait3A_267 = arith.constant 0 : i32
          %dma_wait3A_268 = arith.constant 0 : i32
          %dma_wait3A_269 = tpu.memref_slice %arg7[%dma_wait3A_265, %dma_wait3A_267, %dma_wait3A_268] : memref<4x128x32xf32, #tpu.memory_space<vmem>> -> memref<1x128x32xf32, #tpu.memory_space<vmem>>
          %dma_wait3A_270 = tpu.memref_squeeze %dma_wait3A_269 : memref<1x128x32xf32, #tpu.memory_space<vmem>> -> memref<128x32xf32, #tpu.memory_space<vmem>>
          %dma_wait3A_271 = arith.constant 0 : i32
          %dma_wait3A_272 = tpu.memref_slice %arg6[%dma_wait3A_266, %dma_wait3A_271] : memref<80x128xi32, #tpu.memory_space<vmem>> -> memref<1x128xi32, #tpu.memory_space<vmem>>
          %dma_wait3A_273 = tpu.memref_squeeze %dma_wait3A_272 : memref<1x128xi32, #tpu.memory_space<vmem>> -> memref<128xi32, #tpu.memory_space<vmem>>
          %dma_wait3A_274 = arith.constant 0 : i32
          %dma_wait3A_275 = arith.constant 0 : i32
          %dma_wait3A_276 = tpu.memref_slice %arg8[%dma_wait3A_274, %dma_wait3A_275] : memref<51200x32xf32, #tpu.memory_space<vmem_shared>> -> memref<51200x32xf32, #tpu.memory_space<vmem_shared>>
          tpu.wait_indirect_dma semaphore(%arg13 : memref<!tpu.dma_semaphore, #tpu.memory_space<semaphore_mem>>) src(%dma_wait3A_270 : memref<128x32xf32, #tpu.memory_space<vmem>>) dst(%dma_wait3A_276 : memref<51200x32xf32, #tpu.memory_space<vmem_shared>>)
          %mul3A_277 = arith.constant 2 : i32
          %mul3A_278 = arith.muli %mul3A_277, %sub3A_149 : i32
          %dma_start3A_279 = arith.constant 0 : i32
          %dma_start3A_280 = arith.constant 0 : i32
          %dma_start3A_281 = arith.constant 0 : i32
          %dma_start3A_282 = tpu.memref_slice %arg7[%dma_start3A_279, %dma_start3A_280, %dma_start3A_281] : memref<4x128x32xf32, #tpu.memory_space<vmem>> -> memref<1x128x32xf32, #tpu.memory_space<vmem>>
          %dma_start3A_283 = tpu.memref_squeeze %dma_start3A_282 : memref<1x128x32xf32, #tpu.memory_space<vmem>> -> memref<128x32xf32, #tpu.memory_space<vmem>>
          %dma_start3A_284 = arith.constant 0 : i32
          %dma_start3A_285 = tpu.memref_slice %arg6[%mul3A_278, %dma_start3A_284] : memref<80x128xi32, #tpu.memory_space<vmem>> -> memref<1x128xi32, #tpu.memory_space<vmem>>
          %dma_start3A_286 = tpu.memref_squeeze %dma_start3A_285 : memref<1x128xi32, #tpu.memory_space<vmem>> -> memref<128xi32, #tpu.memory_space<vmem>>
          %dma_start3A_287 = arith.constant 0 : i32
          %dma_start3A_288 = arith.constant 0 : i32
          %dma_start3A_289 = tpu.memref_slice %arg2[%dma_start3A_287, %dma_start3A_288] : memref<102400x32xf32, #tpu.memory_space<hbm>> -> memref<102400x32xf32, #tpu.memory_space<hbm>>
          tpu.enqueue_indirect_dma source(%dma_start3A_289 : memref<102400x32xf32, #tpu.memory_space<hbm>>) target(%dma_start3A_283 : memref<128x32xf32, #tpu.memory_space<vmem>>) offsets(%dma_start3A_286 : memref<128xi32, #tpu.memory_space<vmem>>) semaphore(%arg9 : memref<!tpu.dma_semaphore, #tpu.memory_space<semaphore_mem>>)
        } else {
        }
        %mul3A_155 = arith.constant 2 : i32
        %mul3A_156 = arith.muli %mul3A_155, %add3A_145 : i32
        %dma_wait3A_157 = arith.constant 1 : i32
        %dma_wait3A_158 = arith.constant 0 : i32
        %dma_wait3A_159 = arith.constant 0 : i32
        %dma_wait3A_160 = tpu.memref_slice %arg7[%dma_wait3A_157, %dma_wait3A_158, %dma_wait3A_159] : memref<4x128x32xf32, #tpu.memory_space<vmem>> -> memref<1x128x32xf32, #tpu.memory_space<vmem>>
        %dma_wait3A_161 = tpu.memref_squeeze %dma_wait3A_160 : memref<1x128x32xf32, #tpu.memory_space<vmem>> -> memref<128x32xf32, #tpu.memory_space<vmem>>
        %dma_wait3A_162 = arith.constant 0 : i32
        %dma_wait3A_163 = tpu.memref_slice %arg6[%mul3A_156, %dma_wait3A_162] : memref<80x128xi32, #tpu.memory_space<vmem>> -> memref<1x128xi32, #tpu.memory_space<vmem>>
        %dma_wait3A_164 = tpu.memref_squeeze %dma_wait3A_163 : memref<1x128xi32, #tpu.memory_space<vmem>> -> memref<128xi32, #tpu.memory_space<vmem>>
        %dma_wait3A_165 = arith.constant 0 : i32
        %dma_wait3A_166 = arith.constant 0 : i32
        %dma_wait3A_167 = tpu.memref_slice %arg2[%dma_wait3A_165, %dma_wait3A_166] : memref<102400x32xf32, #tpu.memory_space<hbm>> -> memref<102400x32xf32, #tpu.memory_space<hbm>>
        tpu.wait_indirect_dma semaphore(%arg10 : memref<!tpu.dma_semaphore, #tpu.memory_space<semaphore_mem>>) src(%dma_wait3A_167 : memref<102400x32xf32, #tpu.memory_space<hbm>>) dst(%dma_wait3A_161 : memref<128x32xf32, #tpu.memory_space<vmem>>)
        %mul3A_168 = arith.constant 2 : i32
        %mul3A_169 = arith.muli %mul3A_168, %add3A_145 : i32
        %add3A_170 = arith.constant 1 : i32
        %add3A_171 = arith.addi %mul3A_169, %add3A_170 : i32
        %dma_start3A_172 = arith.constant 1 : i32
        %dma_start3A_173 = arith.constant 0 : i32
        %dma_start3A_174 = arith.constant 0 : i32
        %dma_start3A_175 = tpu.memref_slice %arg7[%dma_start3A_172, %dma_start3A_173, %dma_start3A_174] : memref<4x128x32xf32, #tpu.memory_space<vmem>> -> memref<1x128x32xf32, #tpu.memory_space<vmem>>
        %dma_start3A_176 = tpu.memref_squeeze %dma_start3A_175 : memref<1x128x32xf32, #tpu.memory_space<vmem>> -> memref<128x32xf32, #tpu.memory_space<vmem>>
        %dma_start3A_177 = arith.constant 0 : i32
        %dma_start3A_178 = tpu.memref_slice %arg6[%add3A_171, %dma_start3A_177] : memref<80x128xi32, #tpu.memory_space<vmem>> -> memref<1x128xi32, #tpu.memory_space<vmem>>
        %dma_start3A_179 = tpu.memref_squeeze %dma_start3A_178 : memref<1x128xi32, #tpu.memory_space<vmem>> -> memref<128xi32, #tpu.memory_space<vmem>>
        %dma_start3A_180 = arith.constant 0 : i32
        %dma_start3A_181 = arith.constant 0 : i32
        %dma_start3A_182 = tpu.memref_slice %arg8[%dma_start3A_180, %dma_start3A_181] : memref<51200x32xf32, #tpu.memory_space<vmem_shared>> -> memref<51200x32xf32, #tpu.memory_space<vmem_shared>>
        tpu.enqueue_indirect_dma source(%dma_start3A_176 : memref<128x32xf32, #tpu.memory_space<vmem>>) target(%dma_start3A_182 : memref<51200x32xf32, #tpu.memory_space<vmem_shared>>) offsets(%dma_start3A_179 : memref<128xi32, #tpu.memory_space<vmem>>) semaphore(%arg14 : memref<!tpu.dma_semaphore, #tpu.memory_space<semaphore_mem>>) {add = true}
        %mul3A_183 = arith.constant 4 : i32
        %mul3A_184 = arith.muli %scan3A_104, %mul3A_183 : i32
        %add3A_185 = arith.constant 2 : i32
        %add3A_186 = arith.addi %mul3A_184, %add3A_185 : i32
        %add3A_187 = arith.constant 4 : i32
        %add3A_188 = arith.addi %add3A_186, %add3A_187 : i32
        %sub3A_189 = arith.constant 1 : i32
        %sub3A_190 = arith.subi %add3A_188, %sub3A_189 : i32
        %lt3A_191 = arith.constant 40 : i32
        %lt3A_192 = arith.cmpi slt, %sub3A_190, %lt3A_191 : i32
        %convert_element_type3A_193 = arith.extui %lt3A_192 : i1 to i32
        %cond3A_194 = arith.constant 0 : i32
        %cond3A_195 = arith.cmpi ne, %convert_element_type3A_193, %cond3A_194 : i32
        scf.if %cond3A_195 {
          %dma_wait3A_265 = arith.constant 1 : i32
          %dma_wait3A_266 = arith.constant 1 : i32
          %dma_wait3A_267 = arith.constant 0 : i32
          %dma_wait3A_268 = arith.constant 0 : i32
          %dma_wait3A_269 = tpu.memref_slice %arg7[%dma_wait3A_265, %dma_wait3A_267, %dma_wait3A_268] : memref<4x128x32xf32, #tpu.memory_space<vmem>> -> memref<1x128x32xf32, #tpu.memory_space<vmem>>
          %dma_wait3A_270 = tpu.memref_squeeze %dma_wait3A_269 : memref<1x128x32xf32, #tpu.memory_space<vmem>> -> memref<128x32xf32, #tpu.memory_space<vmem>>
          %dma_wait3A_271 = arith.constant 0 : i32
          %dma_wait3A_272 = tpu.memref_slice %arg6[%dma_wait3A_266, %dma_wait3A_271] : memref<80x128xi32, #tpu.memory_space<vmem>> -> memref<1x128xi32, #tpu.memory_space<vmem>>
          %dma_wait3A_273 = tpu.memref_squeeze %dma_wait3A_272 : memref<1x128xi32, #tpu.memory_space<vmem>> -> memref<128xi32, #tpu.memory_space<vmem>>
          %dma_wait3A_274 = arith.constant 0 : i32
          %dma_wait3A_275 = arith.constant 0 : i32
          %dma_wait3A_276 = tpu.memref_slice %arg8[%dma_wait3A_274, %dma_wait3A_275] : memref<51200x32xf32, #tpu.memory_space<vmem_shared>> -> memref<51200x32xf32, #tpu.memory_space<vmem_shared>>
          tpu.wait_indirect_dma semaphore(%arg14 : memref<!tpu.dma_semaphore, #tpu.memory_space<semaphore_mem>>) src(%dma_wait3A_270 : memref<128x32xf32, #tpu.memory_space<vmem>>) dst(%dma_wait3A_276 : memref<51200x32xf32, #tpu.memory_space<vmem_shared>>)
          %mul3A_277 = arith.constant 2 : i32
          %mul3A_278 = arith.muli %mul3A_277, %sub3A_190 : i32
          %dma_start3A_279 = arith.constant 1 : i32
          %dma_start3A_280 = arith.constant 0 : i32
          %dma_start3A_281 = arith.constant 0 : i32
          %dma_start3A_282 = tpu.memref_slice %arg7[%dma_start3A_279, %dma_start3A_280, %dma_start3A_281] : memref<4x128x32xf32, #tpu.memory_space<vmem>> -> memref<1x128x32xf32, #tpu.memory_space<vmem>>
          %dma_start3A_283 = tpu.memref_squeeze %dma_start3A_282 : memref<1x128x32xf32, #tpu.memory_space<vmem>> -> memref<128x32xf32, #tpu.memory_space<vmem>>
          %dma_start3A_284 = arith.constant 0 : i32
          %dma_start3A_285 = tpu.memref_slice %arg6[%mul3A_278, %dma_start3A_284] : memref<80x128xi32, #tpu.memory_space<vmem>> -> memref<1x128xi32, #tpu.memory_space<vmem>>
          %dma_start3A_286 = tpu.memref_squeeze %dma_start3A_285 : memref<1x128xi32, #tpu.memory_space<vmem>> -> memref<128xi32, #tpu.memory_space<vmem>>
          %dma_start3A_287 = arith.constant 0 : i32
          %dma_start3A_288 = arith.constant 0 : i32
          %dma_start3A_289 = tpu.memref_slice %arg2[%dma_start3A_287, %dma_start3A_288] : memref<102400x32xf32, #tpu.memory_space<hbm>> -> memref<102400x32xf32, #tpu.memory_space<hbm>>
          tpu.enqueue_indirect_dma source(%dma_start3A_289 : memref<102400x32xf32, #tpu.memory_space<hbm>>) target(%dma_start3A_283 : memref<128x32xf32, #tpu.memory_space<vmem>>) offsets(%dma_start3A_286 : memref<128xi32, #tpu.memory_space<vmem>>) semaphore(%arg10 : memref<!tpu.dma_semaphore, #tpu.memory_space<semaphore_mem>>)
        } else {
        }
        %mul3A_196 = arith.constant 2 : i32
        %mul3A_197 = arith.muli %mul3A_196, %add3A_186 : i32
        %dma_wait3A_198 = arith.constant 2 : i32
        %dma_wait3A_199 = arith.constant 0 : i32
        %dma_wait3A_200 = arith.constant 0 : i32
        %dma_wait3A_201 = tpu.memref_slice %arg7[%dma_wait3A_198, %dma_wait3A_199, %dma_wait3A_200] : memref<4x128x32xf32, #tpu.memory_space<vmem>> -> memref<1x128x32xf32, #tpu.memory_space<vmem>>
        %dma_wait3A_202 = tpu.memref_squeeze %dma_wait3A_201 : memref<1x128x32xf32, #tpu.memory_space<vmem>> -> memref<128x32xf32, #tpu.memory_space<vmem>>
        %dma_wait3A_203 = arith.constant 0 : i32
        %dma_wait3A_204 = tpu.memref_slice %arg6[%mul3A_197, %dma_wait3A_203] : memref<80x128xi32, #tpu.memory_space<vmem>> -> memref<1x128xi32, #tpu.memory_space<vmem>>
        %dma_wait3A_205 = tpu.memref_squeeze %dma_wait3A_204 : memref<1x128xi32, #tpu.memory_space<vmem>> -> memref<128xi32, #tpu.memory_space<vmem>>
        %dma_wait3A_206 = arith.constant 0 : i32
        %dma_wait3A_207 = arith.constant 0 : i32
        %dma_wait3A_208 = tpu.memref_slice %arg2[%dma_wait3A_206, %dma_wait3A_207] : memref<102400x32xf32, #tpu.memory_space<hbm>> -> memref<102400x32xf32, #tpu.memory_space<hbm>>
        tpu.wait_indirect_dma semaphore(%arg11 : memref<!tpu.dma_semaphore, #tpu.memory_space<semaphore_mem>>) src(%dma_wait3A_208 : memref<102400x32xf32, #tpu.memory_space<hbm>>) dst(%dma_wait3A_202 : memref<128x32xf32, #tpu.memory_space<vmem>>)
        %mul3A_209 = arith.constant 2 : i32
        %mul3A_210 = arith.muli %mul3A_209, %add3A_186 : i32
        %add3A_211 = arith.constant 1 : i32
        %add3A_212 = arith.addi %mul3A_210, %add3A_211 : i32
        %dma_start3A_213 = arith.constant 2 : i32
        %dma_start3A_214 = arith.constant 0 : i32
        %dma_start3A_215 = arith.constant 0 : i32
        %dma_start3A_216 = tpu.memref_slice %arg7[%dma_start3A_213, %dma_start3A_214, %dma_start3A_215] : memref<4x128x32xf32, #tpu.memory_space<vmem>> -> memref<1x128x32xf32, #tpu.memory_space<vmem>>
        %dma_start3A_217 = tpu.memref_squeeze %dma_start3A_216 : memref<1x128x32xf32, #tpu.memory_space<vmem>> -> memref<128x32xf32, #tpu.memory_space<vmem>>
        %dma_start3A_218 = arith.constant 0 : i32
        %dma_start3A_219 = tpu.memref_slice %arg6[%add3A_212, %dma_start3A_218] : memref<80x128xi32, #tpu.memory_space<vmem>> -> memref<1x128xi32, #tpu.memory_space<vmem>>
        %dma_start3A_220 = tpu.memref_squeeze %dma_start3A_219 : memref<1x128xi32, #tpu.memory_space<vmem>> -> memref<128xi32, #tpu.memory_space<vmem>>
        %dma_start3A_221 = arith.constant 0 : i32
        %dma_start3A_222 = arith.constant 0 : i32
        %dma_start3A_223 = tpu.memref_slice %arg8[%dma_start3A_221, %dma_start3A_222] : memref<51200x32xf32, #tpu.memory_space<vmem_shared>> -> memref<51200x32xf32, #tpu.memory_space<vmem_shared>>
        tpu.enqueue_indirect_dma source(%dma_start3A_217 : memref<128x32xf32, #tpu.memory_space<vmem>>) target(%dma_start3A_223 : memref<51200x32xf32, #tpu.memory_space<vmem_shared>>) offsets(%dma_start3A_220 : memref<128xi32, #tpu.memory_space<vmem>>) semaphore(%arg15 : memref<!tpu.dma_semaphore, #tpu.memory_space<semaphore_mem>>) {add = true}
        %mul3A_224 = arith.constant 4 : i32
        %mul3A_225 = arith.muli %scan3A_104, %mul3A_224 : i32
        %add3A_226 = arith.constant 3 : i32
        %add3A_227 = arith.addi %mul3A_225, %add3A_226 : i32
        %add3A_228 = arith.constant 4 : i32
        %add3A_229 = arith.addi %add3A_227, %add3A_228 : i32
        %sub3A_230 = arith.constant 1 : i32
        %sub3A_231 = arith.subi %add3A_229, %sub3A_230 : i32
        %lt3A_232 = arith.constant 40 : i32
        %lt3A_233 = arith.cmpi slt, %sub3A_231, %lt3A_232 : i32
        %convert_element_type3A_234 = arith.extui %lt3A_233 : i1 to i32
        %cond3A_235 = arith.constant 0 : i32
        %cond3A_236 = arith.cmpi ne, %convert_element_type3A_234, %cond3A_235 : i32
        scf.if %cond3A_236 {
          %dma_wait3A_265 = arith.constant 2 : i32
          %dma_wait3A_266 = arith.constant 1 : i32
          %dma_wait3A_267 = arith.constant 0 : i32
          %dma_wait3A_268 = arith.constant 0 : i32
          %dma_wait3A_269 = tpu.memref_slice %arg7[%dma_wait3A_265, %dma_wait3A_267, %dma_wait3A_268] : memref<4x128x32xf32, #tpu.memory_space<vmem>> -> memref<1x128x32xf32, #tpu.memory_space<vmem>>
          %dma_wait3A_270 = tpu.memref_squeeze %dma_wait3A_269 : memref<1x128x32xf32, #tpu.memory_space<vmem>> -> memref<128x32xf32, #tpu.memory_space<vmem>>
          %dma_wait3A_271 = arith.constant 0 : i32
          %dma_wait3A_272 = tpu.memref_slice %arg6[%dma_wait3A_266, %dma_wait3A_271] : memref<80x128xi32, #tpu.memory_space<vmem>> -> memref<1x128xi32, #tpu.memory_space<vmem>>
          %dma_wait3A_273 = tpu.memref_squeeze %dma_wait3A_272 : memref<1x128xi32, #tpu.memory_space<vmem>> -> memref<128xi32, #tpu.memory_space<vmem>>
          %dma_wait3A_274 = arith.constant 0 : i32
          %dma_wait3A_275 = arith.constant 0 : i32
          %dma_wait3A_276 = tpu.memref_slice %arg8[%dma_wait3A_274, %dma_wait3A_275] : memref<51200x32xf32, #tpu.memory_space<vmem_shared>> -> memref<51200x32xf32, #tpu.memory_space<vmem_shared>>
          tpu.wait_indirect_dma semaphore(%arg15 : memref<!tpu.dma_semaphore, #tpu.memory_space<semaphore_mem>>) src(%dma_wait3A_270 : memref<128x32xf32, #tpu.memory_space<vmem>>) dst(%dma_wait3A_276 : memref<51200x32xf32, #tpu.memory_space<vmem_shared>>)
          %mul3A_277 = arith.constant 2 : i32
          %mul3A_278 = arith.muli %mul3A_277, %sub3A_231 : i32
          %dma_start3A_279 = arith.constant 2 : i32
          %dma_start3A_280 = arith.constant 0 : i32
          %dma_start3A_281 = arith.constant 0 : i32
          %dma_start3A_282 = tpu.memref_slice %arg7[%dma_start3A_279, %dma_start3A_280, %dma_start3A_281] : memref<4x128x32xf32, #tpu.memory_space<vmem>> -> memref<1x128x32xf32, #tpu.memory_space<vmem>>
          %dma_start3A_283 = tpu.memref_squeeze %dma_start3A_282 : memref<1x128x32xf32, #tpu.memory_space<vmem>> -> memref<128x32xf32, #tpu.memory_space<vmem>>
          %dma_start3A_284 = arith.constant 0 : i32
          %dma_start3A_285 = tpu.memref_slice %arg6[%mul3A_278, %dma_start3A_284] : memref<80x128xi32, #tpu.memory_space<vmem>> -> memref<1x128xi32, #tpu.memory_space<vmem>>
          %dma_start3A_286 = tpu.memref_squeeze %dma_start3A_285 : memref<1x128xi32, #tpu.memory_space<vmem>> -> memref<128xi32, #tpu.memory_space<vmem>>
          %dma_start3A_287 = arith.constant 0 : i32
          %dma_start3A_288 = arith.constant 0 : i32
          %dma_start3A_289 = tpu.memref_slice %arg2[%dma_start3A_287, %dma_start3A_288] : memref<102400x32xf32, #tpu.memory_space<hbm>> -> memref<102400x32xf32, #tpu.memory_space<hbm>>
          tpu.enqueue_indirect_dma source(%dma_start3A_289 : memref<102400x32xf32, #tpu.memory_space<hbm>>) target(%dma_start3A_283 : memref<128x32xf32, #tpu.memory_space<vmem>>) offsets(%dma_start3A_286 : memref<128xi32, #tpu.memory_space<vmem>>) semaphore(%arg11 : memref<!tpu.dma_semaphore, #tpu.memory_space<semaphore_mem>>)
        } else {
        }
        %mul3A_237 = arith.constant 2 : i32
        %mul3A_238 = arith.muli %mul3A_237, %add3A_227 : i32
        %dma_wait3A_239 = arith.constant 3 : i32
        %dma_wait3A_240 = arith.constant 0 : i32
        %dma_wait3A_241 = arith.constant 0 : i32
        %dma_wait3A_242 = tpu.memref_slice %arg7[%dma_wait3A_239, %dma_wait3A_240, %dma_wait3A_241] : memref<4x128x32xf32, #tpu.memory_space<vmem>> -> memref<1x128x32xf32, #tpu.memory_space<vmem>>
        %dma_wait3A_243 = tpu.memref_squeeze %dma_wait3A_242 : memref<1x128x32xf32, #tpu.memory_space<vmem>> -> memref<128x32xf32, #tpu.memory_space<vmem>>
        %dma_wait3A_244 = arith.constant 0 : i32
        %dma_wait3A_245 = tpu.memref_slice %arg6[%mul3A_238, %dma_wait3A_244] : memref<80x128xi32, #tpu.memory_space<vmem>> -> memref<1x128xi32, #tpu.memory_space<vmem>>
        %dma_wait3A_246 = tpu.memref_squeeze %dma_wait3A_245 : memref<1x128xi32, #tpu.memory_space<vmem>> -> memref<128xi32, #tpu.memory_space<vmem>>
        %dma_wait3A_247 = arith.constant 0 : i32
        %dma_wait3A_248 = arith.constant 0 : i32
        %dma_wait3A_249 = tpu.memref_slice %arg2[%dma_wait3A_247, %dma_wait3A_248] : memref<102400x32xf32, #tpu.memory_space<hbm>> -> memref<102400x32xf32, #tpu.memory_space<hbm>>
        tpu.wait_indirect_dma semaphore(%arg12 : memref<!tpu.dma_semaphore, #tpu.memory_space<semaphore_mem>>) src(%dma_wait3A_249 : memref<102400x32xf32, #tpu.memory_space<hbm>>) dst(%dma_wait3A_243 : memref<128x32xf32, #tpu.memory_space<vmem>>)
        %mul3A_250 = arith.constant 2 : i32
        %mul3A_251 = arith.muli %mul3A_250, %add3A_227 : i32
        %add3A_252 = arith.constant 1 : i32
        %add3A_253 = arith.addi %mul3A_251, %add3A_252 : i32
        %dma_start3A_254 = arith.constant 3 : i32
        %dma_start3A_255 = arith.constant 0 : i32
        %dma_start3A_256 = arith.constant 0 : i32
        %dma_start3A_257 = tpu.memref_slice %arg7[%dma_start3A_254, %dma_start3A_255, %dma_start3A_256] : memref<4x128x32xf32, #tpu.memory_space<vmem>> -> memref<1x128x32xf32, #tpu.memory_space<vmem>>
        %dma_start3A_258 = tpu.memref_squeeze %dma_start3A_257 : memref<1x128x32xf32, #tpu.memory_space<vmem>> -> memref<128x32xf32, #tpu.memory_space<vmem>>
        %dma_start3A_259 = arith.constant 0 : i32
        %dma_start3A_260 = tpu.memref_slice %arg6[%add3A_253, %dma_start3A_259] : memref<80x128xi32, #tpu.memory_space<vmem>> -> memref<1x128xi32, #tpu.memory_space<vmem>>
        %dma_start3A_261 = tpu.memref_squeeze %dma_start3A_260 : memref<1x128xi32, #tpu.memory_space<vmem>> -> memref<128xi32, #tpu.memory_space<vmem>>
        %dma_start3A_262 = arith.constant 0 : i32
        %dma_start3A_263 = arith.constant 0 : i32
        %dma_start3A_264 = tpu.memref_slice %arg8[%dma_start3A_262, %dma_start3A_263] : memref<51200x32xf32, #tpu.memory_space<vmem_shared>> -> memref<51200x32xf32, #tpu.memory_space<vmem_shared>>
        tpu.enqueue_indirect_dma source(%dma_start3A_258 : memref<128x32xf32, #tpu.memory_space<vmem>>) target(%dma_start3A_264 : memref<51200x32xf32, #tpu.memory_space<vmem_shared>>) offsets(%dma_start3A_261 : memref<128xi32, #tpu.memory_space<vmem>>) semaphore(%arg16 : memref<!tpu.dma_semaphore, #tpu.memory_space<semaphore_mem>>) {add = true}
      }
      %scan3A_56 = arith.constant 10 : i32
      %dma_wait3A = arith.constant 0 : i32
      %dma_wait3A_57 = arith.constant 1 : i32
      %dma_wait3A_58 = arith.constant 0 : i32
      %dma_wait3A_59 = arith.constant 0 : i32
      %dma_wait3A_60 = tpu.memref_slice %arg7[%dma_wait3A, %dma_wait3A_58, %dma_wait3A_59] : memref<4x128x32xf32, #tpu.memory_space<vmem>> -> memref<1x128x32xf32, #tpu.memory_space<vmem>>
      %dma_wait3A_61 = tpu.memref_squeeze %dma_wait3A_60 : memref<1x128x32xf32, #tpu.memory_space<vmem>> -> memref<128x32xf32, #tpu.memory_space<vmem>>
      %dma_wait3A_62 = arith.constant 0 : i32
      %dma_wait3A_63 = tpu.memref_slice %arg6[%dma_wait3A_57, %dma_wait3A_62] : memref<80x128xi32, #tpu.memory_space<vmem>> -> memref<1x128xi32, #tpu.memory_space<vmem>>
      %dma_wait3A_64 = tpu.memref_squeeze %dma_wait3A_63 : memref<1x128xi32, #tpu.memory_space<vmem>> -> memref<128xi32, #tpu.memory_space<vmem>>
      %dma_wait3A_65 = arith.constant 0 : i32
      %dma_wait3A_66 = arith.constant 0 : i32
      %dma_wait3A_67 = tpu.memref_slice %arg8[%dma_wait3A_65, %dma_wait3A_66] : memref<51200x32xf32, #tpu.memory_space<vmem_shared>> -> memref<51200x32xf32, #tpu.memory_space<vmem_shared>>
      tpu.wait_indirect_dma semaphore(%arg13 : memref<!tpu.dma_semaphore, #tpu.memory_space<semaphore_mem>>) src(%dma_wait3A_61 : memref<128x32xf32, #tpu.memory_space<vmem>>) dst(%dma_wait3A_67 : memref<51200x32xf32, #tpu.memory_space<vmem_shared>>)
      %dma_wait3A_68 = arith.constant 1 : i32
      %dma_wait3A_69 = arith.constant 1 : i32
      %dma_wait3A_70 = arith.constant 0 : i32
      %dma_wait3A_71 = arith.constant 0 : i32
      %dma_wait3A_72 = tpu.memref_slice %arg7[%dma_wait3A_68, %dma_wait3A_70, %dma_wait3A_71] : memref<4x128x32xf32, #tpu.memory_space<vmem>> -> memref<1x128x32xf32, #tpu.memory_space<vmem>>
      %dma_wait3A_73 = tpu.memref_squeeze %dma_wait3A_72 : memref<1x128x32xf32, #tpu.memory_space<vmem>> -> memref<128x32xf32, #tpu.memory_space<vmem>>
      %dma_wait3A_74 = arith.constant 0 : i32
      %dma_wait3A_75 = tpu.memref_slice %arg6[%dma_wait3A_69, %dma_wait3A_74] : memref<80x128xi32, #tpu.memory_space<vmem>> -> memref<1x128xi32, #tpu.memory_space<vmem>>
      %dma_wait3A_76 = tpu.memref_squeeze %dma_wait3A_75 : memref<1x128xi32, #tpu.memory_space<vmem>> -> memref<128xi32, #tpu.memory_space<vmem>>
      %dma_wait3A_77 = arith.constant 0 : i32
      %dma_wait3A_78 = arith.constant 0 : i32
      %dma_wait3A_79 = tpu.memref_slice %arg8[%dma_wait3A_77, %dma_wait3A_78] : memref<51200x32xf32, #tpu.memory_space<vmem_shared>> -> memref<51200x32xf32, #tpu.memory_space<vmem_shared>>
      tpu.wait_indirect_dma semaphore(%arg14 : memref<!tpu.dma_semaphore, #tpu.memory_space<semaphore_mem>>) src(%dma_wait3A_73 : memref<128x32xf32, #tpu.memory_space<vmem>>) dst(%dma_wait3A_79 : memref<51200x32xf32, #tpu.memory_space<vmem_shared>>)
      %dma_wait3A_80 = arith.constant 2 : i32
      %dma_wait3A_81 = arith.constant 1 : i32
      %dma_wait3A_82 = arith.constant 0 : i32
      %dma_wait3A_83 = arith.constant 0 : i32
      %dma_wait3A_84 = tpu.memref_slice %arg7[%dma_wait3A_80, %dma_wait3A_82, %dma_wait3A_83] : memref<4x128x32xf32, #tpu.memory_space<vmem>> -> memref<1x128x32xf32, #tpu.memory_space<vmem>>
      %dma_wait3A_85 = tpu.memref_squeeze %dma_wait3A_84 : memref<1x128x32xf32, #tpu.memory_space<vmem>> -> memref<128x32xf32, #tpu.memory_space<vmem>>
      %dma_wait3A_86 = arith.constant 0 : i32
      %dma_wait3A_87 = tpu.memref_slice %arg6[%dma_wait3A_81, %dma_wait3A_86] : memref<80x128xi32, #tpu.memory_space<vmem>> -> memref<1x128xi32, #tpu.memory_space<vmem>>
      %dma_wait3A_88 = tpu.memref_squeeze %dma_wait3A_87 : memref<1x128xi32, #tpu.memory_space<vmem>> -> memref<128xi32, #tpu.memory_space<vmem>>
      %dma_wait3A_89 = arith.constant 0 : i32
      %dma_wait3A_90 = arith.constant 0 : i32
      %dma_wait3A_91 = tpu.memref_slice %arg8[%dma_wait3A_89, %dma_wait3A_90] : memref<51200x32xf32, #tpu.memory_space<vmem_shared>> -> memref<51200x32xf32, #tpu.memory_space<vmem_shared>>
      tpu.wait_indirect_dma semaphore(%arg15 : memref<!tpu.dma_semaphore, #tpu.memory_space<semaphore_mem>>) src(%dma_wait3A_85 : memref<128x32xf32, #tpu.memory_space<vmem>>) dst(%dma_wait3A_91 : memref<51200x32xf32, #tpu.memory_space<vmem_shared>>)
      %dma_wait3A_92 = arith.constant 3 : i32
      %dma_wait3A_93 = arith.constant 1 : i32
      %dma_wait3A_94 = arith.constant 0 : i32
      %dma_wait3A_95 = arith.constant 0 : i32
      %dma_wait3A_96 = tpu.memref_slice %arg7[%dma_wait3A_92, %dma_wait3A_94, %dma_wait3A_95] : memref<4x128x32xf32, #tpu.memory_space<vmem>> -> memref<1x128x32xf32, #tpu.memory_space<vmem>>
      %dma_wait3A_97 = tpu.memref_squeeze %dma_wait3A_96 : memref<1x128x32xf32, #tpu.memory_space<vmem>> -> memref<128x32xf32, #tpu.memory_space<vmem>>
      %dma_wait3A_98 = arith.constant 0 : i32
      %dma_wait3A_99 = tpu.memref_slice %arg6[%dma_wait3A_93, %dma_wait3A_98] : memref<80x128xi32, #tpu.memory_space<vmem>> -> memref<1x128xi32, #tpu.memory_space<vmem>>
      %dma_wait3A_100 = tpu.memref_squeeze %dma_wait3A_99 : memref<1x128xi32, #tpu.memory_space<vmem>> -> memref<128xi32, #tpu.memory_space<vmem>>
      %dma_wait3A_101 = arith.constant 0 : i32
      %dma_wait3A_102 = arith.constant 0 : i32
      %dma_wait3A_103 = tpu.memref_slice %arg8[%dma_wait3A_101, %dma_wait3A_102] : memref<51200x32xf32, #tpu.memory_space<vmem_shared>> -> memref<51200x32xf32, #tpu.memory_space<vmem_shared>>
      tpu.wait_indirect_dma semaphore(%arg16 : memref<!tpu.dma_semaphore, #tpu.memory_space<semaphore_mem>>) src(%dma_wait3A_97 : memref<128x32xf32, #tpu.memory_space<vmem>>) dst(%dma_wait3A_103 : memref<51200x32xf32, #tpu.memory_space<vmem_shared>>)
    }
    %scan3A_6 = arith.constant 10 : i32
    %barrier3A_7 = arith.constant 0 : index
    tpu.barrier barrier_id(%barrier3A_7)
    %mul3A_8 = arith.constant 3200 : i32
    %mul3A_9 = arith.muli %arg1, %mul3A_8 : i32
    "tpu.region"() ({
      %run_scoped3A = tpu.sem_alloc : memref<!tpu.dma_semaphore, #tpu.memory_space<semaphore_mem>>
      %dma_start3A = arith.constant 0 : i32
      %dma_start3A_10 = tpu.memref_slice %arg5[%arg0, %mul3A_9, %dma_start3A] : memref<2x51200x32xf32, #tpu.memory_space<hbm>> -> memref<1x3200x32xf32, #tpu.memory_space<hbm>>
      %dma_start3A_11 = tpu.memref_squeeze %dma_start3A_10 : memref<1x3200x32xf32, #tpu.memory_space<hbm>> -> memref<3200x32xf32, #tpu.memory_space<hbm>>
      %dma_start3A_12 = arith.constant 0 : i32
      %dma_start3A_13 = tpu.memref_slice %arg8[%mul3A_9, %dma_start3A_12] : memref<51200x32xf32, #tpu.memory_space<vmem_shared>> -> memref<3200x32xf32, #tpu.memory_space<vmem_shared>>
      tpu.enqueue_dma source(%dma_start3A_13 : memref<3200x32xf32, #tpu.memory_space<vmem_shared>>) target(%dma_start3A_11 : memref<3200x32xf32, #tpu.memory_space<hbm>>) target_semaphore(%run_scoped3A : memref<!tpu.dma_semaphore, #tpu.memory_space<semaphore_mem>>)
      %dma_wait3A = arith.constant 0 : i32
      %dma_wait3A_14 = tpu.memref_slice %arg5[%arg0, %mul3A_9, %dma_wait3A] : memref<2x51200x32xf32, #tpu.memory_space<hbm>> -> memref<1x3200x32xf32, #tpu.memory_space<hbm>>
      %dma_wait3A_15 = tpu.memref_squeeze %dma_wait3A_14 : memref<1x3200x32xf32, #tpu.memory_space<hbm>> -> memref<3200x32xf32, #tpu.memory_space<hbm>>
      %dma_wait3A_16 = arith.constant 0 : i32
      %dma_wait3A_17 = tpu.memref_slice %arg8[%mul3A_9, %dma_wait3A_16] : memref<51200x32xf32, #tpu.memory_space<vmem_shared>> -> memref<3200x32xf32, #tpu.memory_space<vmem_shared>>
      tpu.wait_dma2 semaphore(%run_scoped3A : memref<!tpu.dma_semaphore, #tpu.memory_space<semaphore_mem>>) src(%dma_wait3A_17 : memref<3200x32xf32, #tpu.memory_space<vmem_shared>>) dst(%dma_wait3A_15 : memref<3200x32xf32, #tpu.memory_space<hbm>>)
      tpu.yield
    }) : () -> ()
    return
  }
}

#map = affine_map<(d0, d1) -> (0, 0)>
#map1 = affine_map<(d0, d1) -> (0, 0, 0)>
module attributes {stable_mosaic.version = 14 : i64} {
  func.func @_seg_sum_body(%arg0: i32, %arg1: i32, %arg2: memref<102400x32xf32, #tpu.memory_space<hbm>>, %arg3: memref<2x12800x128xi32, #tpu.memory_space<hbm>>, %arg4: memref<51200x32xf32, #tpu.memory_space<hbm>>, %arg5: memref<2x51200x32xf32, #tpu.memory_space<hbm>>, %arg6: memref<80x128xi32, #tpu.memory_space<vmem>>, %arg7: memref<4x128x32xf32, #tpu.memory_space<vmem>>, %arg8: memref<51200x32xf32, #tpu.memory_space<vmem_shared>>, %arg9: memref<!tpu.dma_semaphore, #tpu.memory_space<semaphore_mem>>, %arg10: memref<!tpu.dma_semaphore, #tpu.memory_space<semaphore_mem>>, %arg11: memref<!tpu.dma_semaphore, #tpu.memory_space<semaphore_mem>>, %arg12: memref<!tpu.dma_semaphore, #tpu.memory_space<semaphore_mem>>, %arg13: memref<!tpu.dma_semaphore, #tpu.memory_space<semaphore_mem>>, %arg14: memref<!tpu.dma_semaphore, #tpu.memory_space<semaphore_mem>>, %arg15: memref<!tpu.dma_semaphore, #tpu.memory_space<semaphore_mem>>, %arg16: memref<!tpu.dma_semaphore, #tpu.memory_space<semaphore_mem>>) attributes {dimension_semantics = [#tpu.dimension_semantics<core_parallel>, #tpu.dimension_semantics<subcore_parallel>], iteration_bounds = array<i64: 2, 16>, scalar_prefetch = 0 : i64, scratch_operands = 11 : i64, tpu.core_type = #tpu.core_type<sc_vector_subcore>, window_params = [{transform_indices = #map}, {transform_indices = #map1}, {transform_indices = #map}, {transform_indices = #map1}]} {
    %mul3A = arith.constant 3200 : i32
    %mul3A_0 = arith.muli %arg1, %mul3A : i32
    %mul3A_1 = arith.constant 3200 : i32
    %mul3A_2 = arith.muli %arg1, %mul3A_1 : i32
    "tpu.region"() ({
      %run_scoped3A = tpu.sem_alloc : memref<!tpu.dma_semaphore, #tpu.memory_space<semaphore_mem>>
      %dma_start3A = arith.constant 0 : i32
      %dma_start3A_10 = tpu.memref_slice %arg8[%mul3A_2, %dma_start3A] : memref<51200x32xf32, #tpu.memory_space<vmem_shared>> -> memref<3200x32xf32, #tpu.memory_space<vmem_shared>>
      %dma_start3A_11 = arith.constant 0 : i32
      %dma_start3A_12 = tpu.memref_slice %arg4[%mul3A_0, %dma_start3A_11] : memref<51200x32xf32, #tpu.memory_space<hbm>> -> memref<3200x32xf32, #tpu.memory_space<hbm>>
      tpu.enqueue_dma source(%dma_start3A_12 : memref<3200x32xf32, #tpu.memory_space<hbm>>) target(%dma_start3A_10 : memref<3200x32xf32, #tpu.memory_space<vmem_shared>>) target_semaphore(%run_scoped3A : memref<!tpu.dma_semaphore, #tpu.memory_space<semaphore_mem>>)
      %dma_wait3A = arith.constant 0 : i32
      %dma_wait3A_13 = tpu.memref_slice %arg8[%mul3A_2, %dma_wait3A] : memref<51200x32xf32, #tpu.memory_space<vmem_shared>> -> memref<3200x32xf32, #tpu.memory_space<vmem_shared>>
      %dma_wait3A_14 = arith.constant 0 : i32
      %dma_wait3A_15 = tpu.memref_slice %arg4[%mul3A_0, %dma_wait3A_14] : memref<51200x32xf32, #tpu.memory_space<hbm>> -> memref<3200x32xf32, #tpu.memory_space<hbm>>
      tpu.wait_dma2 semaphore(%run_scoped3A : memref<!tpu.dma_semaphore, #tpu.memory_space<semaphore_mem>>) src(%dma_wait3A_15 : memref<3200x32xf32, #tpu.memory_space<hbm>>) dst(%dma_wait3A_13 : memref<3200x32xf32, #tpu.memory_space<vmem_shared>>)
      tpu.yield
    }) : () -> ()
    %barrier3A = arith.constant 0 : index
    tpu.barrier barrier_id(%barrier3A)
    %scan3A = arith.constant 0 : i32
    %scan3A_3 = arith.constant 10 : i32
    %scan3A_4 = arith.addi %scan3A, %scan3A_3 : i32
    %scan3A_5 = arith.constant 1 : i32
    scf.for %scan3A_10 = %scan3A to %scan3A_4 step %scan3A_5  : i32 {
      %mul3A_11 = arith.constant 400 : i32
      %mul3A_12 = arith.muli %arg1, %mul3A_11 : i32
      %mul3A_13 = arith.constant 40 : i32
      %mul3A_14 = arith.muli %scan3A_10, %mul3A_13 : i32
      %add3A = arith.addi %mul3A_12, %mul3A_14 : i32
      %mul3A_15 = arith.constant 2 : i32
      %mul3A_16 = arith.muli %add3A, %mul3A_15 : i32
      "tpu.region"() ({
        %run_scoped3A = tpu.sem_alloc : memref<!tpu.dma_semaphore, #tpu.memory_space<semaphore_mem>>
        %dma_start3A_104 = arith.constant 0 : i32
        %dma_start3A_105 = tpu.memref_slice %arg3[%arg0, %mul3A_16, %dma_start3A_104] : memref<2x12800x128xi32, #tpu.memory_space<hbm>> -> memref<1x80x128xi32, #tpu.memory_space<hbm>>
        %dma_start3A_106 = tpu.memref_squeeze %dma_start3A_105 : memref<1x80x128xi32, #tpu.memory_space<hbm>> -> memref<80x128xi32, #tpu.memory_space<hbm>>
        %dma_start3A_107 = arith.constant 0 : i32
        %dma_start3A_108 = tpu.memref_slice %arg3[%arg0, %mul3A_16, %dma_start3A_107] : memref<2x12800x128xi32, #tpu.memory_space<hbm>> -> memref<1x80x128xi32, #tpu.memory_space<hbm>>
        %dma_start3A_109 = tpu.memref_squeeze %dma_start3A_108 : memref<1x80x128xi32, #tpu.memory_space<hbm>> -> memref<80x128xi32, #tpu.memory_space<hbm>>
        tpu.enqueue_dma source(%dma_start3A_109 : memref<80x128xi32, #tpu.memory_space<hbm>>) target(%arg6 : memref<80x128xi32, #tpu.memory_space<vmem>>) target_semaphore(%run_scoped3A : memref<!tpu.dma_semaphore, #tpu.memory_space<semaphore_mem>>)
        %dma_wait3A_110 = arith.constant 0 : i32
        %dma_wait3A_111 = tpu.memref_slice %arg3[%arg0, %mul3A_16, %dma_wait3A_110] : memref<2x12800x128xi32, #tpu.memory_space<hbm>> -> memref<1x80x128xi32, #tpu.memory_space<hbm>>
        %dma_wait3A_112 = tpu.memref_squeeze %dma_wait3A_111 : memref<1x80x128xi32, #tpu.memory_space<hbm>> -> memref<80x128xi32, #tpu.memory_space<hbm>>
        %dma_wait3A_113 = arith.constant 0 : i32
        %dma_wait3A_114 = tpu.memref_slice %arg3[%arg0, %mul3A_16, %dma_wait3A_113] : memref<2x12800x128xi32, #tpu.memory_space<hbm>> -> memref<1x80x128xi32, #tpu.memory_space<hbm>>
        %dma_wait3A_115 = tpu.memref_squeeze %dma_wait3A_114 : memref<1x80x128xi32, #tpu.memory_space<hbm>> -> memref<80x128xi32, #tpu.memory_space<hbm>>
        tpu.wait_dma2 semaphore(%run_scoped3A : memref<!tpu.dma_semaphore, #tpu.memory_space<semaphore_mem>>) src(%dma_wait3A_115 : memref<80x128xi32, #tpu.memory_space<hbm>>) dst(%arg6 : memref<80x128xi32, #tpu.memory_space<vmem>>)
        tpu.yield
      }) : () -> ()
      %dma_start3A = arith.constant 0 : i32
      %dma_start3A_17 = arith.constant 0 : i32
      %dma_start3A_18 = arith.constant 0 : i32
      %dma_start3A_19 = arith.constant 0 : i32
      %dma_start3A_20 = tpu.memref_slice %arg7[%dma_start3A_17, %dma_start3A_18, %dma_start3A_19] : memref<4x128x32xf32, #tpu.memory_space<vmem>> -> memref<1x128x32xf32, #tpu.memory_space<vmem>>
      %dma_start3A_21 = tpu.memref_squeeze %dma_start3A_20 : memref<1x128x32xf32, #tpu.memory_space<vmem>> -> memref<128x32xf32, #tpu.memory_space<vmem>>
      %dma_start3A_22 = arith.constant 0 : i32
      %dma_start3A_23 = tpu.memref_slice %arg6[%dma_start3A, %dma_start3A_22] : memref<80x128xi32, #tpu.memory_space<vmem>> -> memref<1x128xi32, #tpu.memory_space<vmem>>
      %dma_start3A_24 = tpu.memref_squeeze %dma_start3A_23 : memref<1x128xi32, #tpu.memory_space<vmem>> -> memref<128xi32, #tpu.memory_space<vmem>>
      %dma_start3A_25 = arith.constant 0 : i32
      %dma_start3A_26 = arith.constant 0 : i32
      %dma_start3A_27 = tpu.memref_slice %arg2[%dma_start3A_25, %dma_start3A_26] : memref<102400x32xf32, #tpu.memory_space<hbm>> -> memref<102400x32xf32, #tpu.memory_space<hbm>>
      tpu.enqueue_indirect_dma source(%dma_start3A_27 : memref<102400x32xf32, #tpu.memory_space<hbm>>) target(%dma_start3A_21 : memref<128x32xf32, #tpu.memory_space<vmem>>) offsets(%dma_start3A_24 : memref<128xi32, #tpu.memory_space<vmem>>) semaphore(%arg9 : memref<!tpu.dma_semaphore, #tpu.memory_space<semaphore_mem>>)
      %dma_start3A_28 = arith.constant 2 : i32
      %dma_start3A_29 = arith.constant 1 : i32
      %dma_start3A_30 = arith.constant 0 : i32
      %dma_start3A_31 = arith.constant 0 : i32
      %dma_start3A_32 = tpu.memref_slice %arg7[%dma_start3A_29, %dma_start3A_30, %dma_start3A_31] : memref<4x128x32xf32, #tpu.memory_space<vmem>> -> memref<1x128x32xf32, #tpu.memory_space<vmem>>
      %dma_start3A_33 = tpu.memref_squeeze %dma_start3A_32 : memref<1x128x32xf32, #tpu.memory_space<vmem>> -> memref<128x32xf32, #tpu.memory_space<vmem>>
      %dma_start3A_34 = arith.constant 0 : i32
      %dma_start3A_35 = tpu.memref_slice %arg6[%dma_start3A_28, %dma_start3A_34] : memref<80x128xi32, #tpu.memory_space<vmem>> -> memref<1x128xi32, #tpu.memory_space<vmem>>
      %dma_start3A_36 = tpu.memref_squeeze %dma_start3A_35 : memref<1x128xi32, #tpu.memory_space<vmem>> -> memref<128xi32, #tpu.memory_space<vmem>>
      %dma_start3A_37 = arith.constant 0 : i32
      %dma_start3A_38 = arith.constant 0 : i32
      %dma_start3A_39 = tpu.memref_slice %arg2[%dma_start3A_37, %dma_start3A_38] : memref<102400x32xf32, #tpu.memory_space<hbm>> -> memref<102400x32xf32, #tpu.memory_space<hbm>>
      tpu.enqueue_indirect_dma source(%dma_start3A_39 : memref<102400x32xf32, #tpu.memory_space<hbm>>) target(%dma_start3A_33 : memref<128x32xf32, #tpu.memory_space<vmem>>) offsets(%dma_start3A_36 : memref<128xi32, #tpu.memory_space<vmem>>) semaphore(%arg10 : memref<!tpu.dma_semaphore, #tpu.memory_space<semaphore_mem>>)
      %dma_start3A_40 = arith.constant 4 : i32
      %dma_start3A_41 = arith.constant 2 : i32
      %dma_start3A_42 = arith.constant 0 : i32
      %dma_start3A_43 = arith.constant 0 : i32
      %dma_start3A_44 = tpu.memref_slice %arg7[%dma_start3A_41, %dma_start3A_42, %dma_start3A_43] : memref<4x128x32xf32, #tpu.memory_space<vmem>> -> memref<1x128x32xf32, #tpu.memory_space<vmem>>
      %dma_start3A_45 = tpu.memref_squeeze %dma_start3A_44 : memref<1x128x32xf32, #tpu.memory_space<vmem>> -> memref<128x32xf32, #tpu.memory_space<vmem>>
      %dma_start3A_46 = arith.constant 0 : i32
      %dma_start3A_47 = tpu.memref_slice %arg6[%dma_start3A_40, %dma_start3A_46] : memref<80x128xi32, #tpu.memory_space<vmem>> -> memref<1x128xi32, #tpu.memory_space<vmem>>
      %dma_start3A_48 = tpu.memref_squeeze %dma_start3A_47 : memref<1x128xi32, #tpu.memory_space<vmem>> -> memref<128xi32, #tpu.memory_space<vmem>>
      %dma_start3A_49 = arith.constant 0 : i32
      %dma_start3A_50 = arith.constant 0 : i32
      %dma_start3A_51 = tpu.memref_slice %arg2[%dma_start3A_49, %dma_start3A_50] : memref<102400x32xf32, #tpu.memory_space<hbm>> -> memref<102400x32xf32, #tpu.memory_space<hbm>>
      tpu.enqueue_indirect_dma source(%dma_start3A_51 : memref<102400x32xf32, #tpu.memory_space<hbm>>) target(%dma_start3A_45 : memref<128x32xf32, #tpu.memory_space<vmem>>) offsets(%dma_start3A_48 : memref<128xi32, #tpu.memory_space<vmem>>) semaphore(%arg11 : memref<!tpu.dma_semaphore, #tpu.memory_space<semaphore_mem>>)
      %scan3A_52 = arith.constant 0 : i32
      %scan3A_53 = arith.constant 10 : i32
      %scan3A_54 = arith.addi %scan3A_52, %scan3A_53 : i32
      %scan3A_55 = arith.constant 1 : i32
      scf.for %scan3A_104 = %scan3A_52 to %scan3A_54 step %scan3A_55  : i32 {
        %mul3A_105 = arith.constant 4 : i32
        %mul3A_106 = arith.muli %scan3A_104, %mul3A_105 : i32
        %add3A_107 = arith.constant 0 : i32
        %add3A_108 = arith.addi %mul3A_106, %add3A_107 : i32
        %add3A_109 = arith.constant 4 : i32
        %add3A_110 = arith.addi %add3A_108, %add3A_109 : i32
        %sub3A = arith.constant 1 : i32
        %sub3A_111 = arith.subi %add3A_110, %sub3A : i32
        %lt3A = arith.constant 40 : i32
        %lt3A_112 = arith.cmpi slt, %sub3A_111, %lt3A : i32
        %convert_element_type3A = arith.extui %lt3A_112 : i1 to i32
        %cond3A = arith.constant 0 : i32
        %cond3A_113 = arith.cmpi ne, %convert_element_type3A, %cond3A : i32
        scf.if %cond3A_113 {
          %ge3A = arith.constant 1 : i32
          %ge3A_265 = arith.cmpi sge, %scan3A_104, %ge3A : i32
          %convert_element_type3A_266 = arith.extui %ge3A_265 : i1 to i32
          %cond3A_267 = arith.constant 0 : i32
          %cond3A_268 = arith.cmpi ne, %convert_element_type3A_266, %cond3A_267 : i32
          scf.if %cond3A_268 {
            %dma_wait3A_282 = arith.constant 3 : i32
            %dma_wait3A_283 = arith.constant 1 : i32
            %dma_wait3A_284 = arith.constant 0 : i32
            %dma_wait3A_285 = arith.constant 0 : i32
            %dma_wait3A_286 = tpu.memref_slice %arg7[%dma_wait3A_282, %dma_wait3A_284, %dma_wait3A_285] : memref<4x128x32xf32, #tpu.memory_space<vmem>> -> memref<1x128x32xf32, #tpu.memory_space<vmem>>
            %dma_wait3A_287 = tpu.memref_squeeze %dma_wait3A_286 : memref<1x128x32xf32, #tpu.memory_space<vmem>> -> memref<128x32xf32, #tpu.memory_space<vmem>>
            %dma_wait3A_288 = arith.constant 0 : i32
            %dma_wait3A_289 = tpu.memref_slice %arg6[%dma_wait3A_283, %dma_wait3A_288] : memref<80x128xi32, #tpu.memory_space<vmem>> -> memref<1x128xi32, #tpu.memory_space<vmem>>
            %dma_wait3A_290 = tpu.memref_squeeze %dma_wait3A_289 : memref<1x128xi32, #tpu.memory_space<vmem>> -> memref<128xi32, #tpu.memory_space<vmem>>
            %dma_wait3A_291 = arith.constant 0 : i32
            %dma_wait3A_292 = arith.constant 0 : i32
            %dma_wait3A_293 = tpu.memref_slice %arg8[%dma_wait3A_291, %dma_wait3A_292] : memref<51200x32xf32, #tpu.memory_space<vmem_shared>> -> memref<51200x32xf32, #tpu.memory_space<vmem_shared>>
            tpu.wait_indirect_dma semaphore(%arg16 : memref<!tpu.dma_semaphore, #tpu.memory_space<semaphore_mem>>) src(%dma_wait3A_287 : memref<128x32xf32, #tpu.memory_space<vmem>>) dst(%dma_wait3A_293 : memref<51200x32xf32, #tpu.memory_space<vmem_shared>>)
          } else {
          }
          %mul3A_269 = arith.constant 2 : i32
          %mul3A_270 = arith.muli %mul3A_269, %sub3A_111 : i32
          %dma_start3A_271 = arith.constant 3 : i32
          %dma_start3A_272 = arith.constant 0 : i32
          %dma_start3A_273 = arith.constant 0 : i32
          %dma_start3A_274 = tpu.memref_slice %arg7[%dma_start3A_271, %dma_start3A_272, %dma_start3A_273] : memref<4x128x32xf32, #tpu.memory_space<vmem>> -> memref<1x128x32xf32, #tpu.memory_space<vmem>>
          %dma_start3A_275 = tpu.memref_squeeze %dma_start3A_274 : memref<1x128x32xf32, #tpu.memory_space<vmem>> -> memref<128x32xf32, #tpu.memory_space<vmem>>
          %dma_start3A_276 = arith.constant 0 : i32
          %dma_start3A_277 = tpu.memref_slice %arg6[%mul3A_270, %dma_start3A_276] : memref<80x128xi32, #tpu.memory_space<vmem>> -> memref<1x128xi32, #tpu.memory_space<vmem>>
          %dma_start3A_278 = tpu.memref_squeeze %dma_start3A_277 : memref<1x128xi32, #tpu.memory_space<vmem>> -> memref<128xi32, #tpu.memory_space<vmem>>
          %dma_start3A_279 = arith.constant 0 : i32
          %dma_start3A_280 = arith.constant 0 : i32
          %dma_start3A_281 = tpu.memref_slice %arg2[%dma_start3A_279, %dma_start3A_280] : memref<102400x32xf32, #tpu.memory_space<hbm>> -> memref<102400x32xf32, #tpu.memory_space<hbm>>
          tpu.enqueue_indirect_dma source(%dma_start3A_281 : memref<102400x32xf32, #tpu.memory_space<hbm>>) target(%dma_start3A_275 : memref<128x32xf32, #tpu.memory_space<vmem>>) offsets(%dma_start3A_278 : memref<128xi32, #tpu.memory_space<vmem>>) semaphore(%arg12 : memref<!tpu.dma_semaphore, #tpu.memory_space<semaphore_mem>>)
        } else {
        }
        %mul3A_114 = arith.constant 2 : i32
        %mul3A_115 = arith.muli %mul3A_114, %add3A_108 : i32
        %dma_wait3A_116 = arith.constant 0 : i32
        %dma_wait3A_117 = arith.constant 0 : i32
        %dma_wait3A_118 = arith.constant 0 : i32
        %dma_wait3A_119 = tpu.memref_slice %arg7[%dma_wait3A_116, %dma_wait3A_117, %dma_wait3A_118] : memref<4x128x32xf32, #tpu.memory_space<vmem>> -> memref<1x128x32xf32, #tpu.memory_space<vmem>>
        %dma_wait3A_120 = tpu.memref_squeeze %dma_wait3A_119 : memref<1x128x32xf32, #tpu.memory_space<vmem>> -> memref<128x32xf32, #tpu.memory_space<vmem>>
        %dma_wait3A_121 = arith.constant 0 : i32
        %dma_wait3A_122 = tpu.memref_slice %arg6[%mul3A_115, %dma_wait3A_121] : memref<80x128xi32, #tpu.memory_space<vmem>> -> memref<1x128xi32, #tpu.memory_space<vmem>>
        %dma_wait3A_123 = tpu.memref_squeeze %dma_wait3A_122 : memref<1x128xi32, #tpu.memory_space<vmem>> -> memref<128xi32, #tpu.memory_space<vmem>>
        %dma_wait3A_124 = arith.constant 0 : i32
        %dma_wait3A_125 = arith.constant 0 : i32
        %dma_wait3A_126 = tpu.memref_slice %arg2[%dma_wait3A_124, %dma_wait3A_125] : memref<102400x32xf32, #tpu.memory_space<hbm>> -> memref<102400x32xf32, #tpu.memory_space<hbm>>
        tpu.wait_indirect_dma semaphore(%arg9 : memref<!tpu.dma_semaphore, #tpu.memory_space<semaphore_mem>>) src(%dma_wait3A_126 : memref<102400x32xf32, #tpu.memory_space<hbm>>) dst(%dma_wait3A_120 : memref<128x32xf32, #tpu.memory_space<vmem>>)
        %mul3A_127 = arith.constant 2 : i32
        %mul3A_128 = arith.muli %mul3A_127, %add3A_108 : i32
        %add3A_129 = arith.constant 1 : i32
        %add3A_130 = arith.addi %mul3A_128, %add3A_129 : i32
        %dma_start3A_131 = arith.constant 0 : i32
        %dma_start3A_132 = arith.constant 0 : i32
        %dma_start3A_133 = arith.constant 0 : i32
        %dma_start3A_134 = tpu.memref_slice %arg7[%dma_start3A_131, %dma_start3A_132, %dma_start3A_133] : memref<4x128x32xf32, #tpu.memory_space<vmem>> -> memref<1x128x32xf32, #tpu.memory_space<vmem>>
        %dma_start3A_135 = tpu.memref_squeeze %dma_start3A_134 : memref<1x128x32xf32, #tpu.memory_space<vmem>> -> memref<128x32xf32, #tpu.memory_space<vmem>>
        %dma_start3A_136 = arith.constant 0 : i32
        %dma_start3A_137 = tpu.memref_slice %arg6[%add3A_130, %dma_start3A_136] : memref<80x128xi32, #tpu.memory_space<vmem>> -> memref<1x128xi32, #tpu.memory_space<vmem>>
        %dma_start3A_138 = tpu.memref_squeeze %dma_start3A_137 : memref<1x128xi32, #tpu.memory_space<vmem>> -> memref<128xi32, #tpu.memory_space<vmem>>
        %dma_start3A_139 = arith.constant 0 : i32
        %dma_start3A_140 = arith.constant 0 : i32
        %dma_start3A_141 = tpu.memref_slice %arg8[%dma_start3A_139, %dma_start3A_140] : memref<51200x32xf32, #tpu.memory_space<vmem_shared>> -> memref<51200x32xf32, #tpu.memory_space<vmem_shared>>
        tpu.enqueue_indirect_dma source(%dma_start3A_135 : memref<128x32xf32, #tpu.memory_space<vmem>>) target(%dma_start3A_141 : memref<51200x32xf32, #tpu.memory_space<vmem_shared>>) offsets(%dma_start3A_138 : memref<128xi32, #tpu.memory_space<vmem>>) semaphore(%arg13 : memref<!tpu.dma_semaphore, #tpu.memory_space<semaphore_mem>>) {add = true}
        %mul3A_142 = arith.constant 4 : i32
        %mul3A_143 = arith.muli %scan3A_104, %mul3A_142 : i32
        %add3A_144 = arith.constant 1 : i32
        %add3A_145 = arith.addi %mul3A_143, %add3A_144 : i32
        %add3A_146 = arith.constant 4 : i32
        %add3A_147 = arith.addi %add3A_145, %add3A_146 : i32
        %sub3A_148 = arith.constant 1 : i32
        %sub3A_149 = arith.subi %add3A_147, %sub3A_148 : i32
        %lt3A_150 = arith.constant 40 : i32
        %lt3A_151 = arith.cmpi slt, %sub3A_149, %lt3A_150 : i32
        %convert_element_type3A_152 = arith.extui %lt3A_151 : i1 to i32
        %cond3A_153 = arith.constant 0 : i32
        %cond3A_154 = arith.cmpi ne, %convert_element_type3A_152, %cond3A_153 : i32
        scf.if %cond3A_154 {
          %dma_wait3A_265 = arith.constant 0 : i32
          %dma_wait3A_266 = arith.constant 1 : i32
          %dma_wait3A_267 = arith.constant 0 : i32
          %dma_wait3A_268 = arith.constant 0 : i32
          %dma_wait3A_269 = tpu.memref_slice %arg7[%dma_wait3A_265, %dma_wait3A_267, %dma_wait3A_268] : memref<4x128x32xf32, #tpu.memory_space<vmem>> -> memref<1x128x32xf32, #tpu.memory_space<vmem>>
          %dma_wait3A_270 = tpu.memref_squeeze %dma_wait3A_269 : memref<1x128x32xf32, #tpu.memory_space<vmem>> -> memref<128x32xf32, #tpu.memory_space<vmem>>
          %dma_wait3A_271 = arith.constant 0 : i32
          %dma_wait3A_272 = tpu.memref_slice %arg6[%dma_wait3A_266, %dma_wait3A_271] : memref<80x128xi32, #tpu.memory_space<vmem>> -> memref<1x128xi32, #tpu.memory_space<vmem>>
          %dma_wait3A_273 = tpu.memref_squeeze %dma_wait3A_272 : memref<1x128xi32, #tpu.memory_space<vmem>> -> memref<128xi32, #tpu.memory_space<vmem>>
          %dma_wait3A_274 = arith.constant 0 : i32
          %dma_wait3A_275 = arith.constant 0 : i32
          %dma_wait3A_276 = tpu.memref_slice %arg8[%dma_wait3A_274, %dma_wait3A_275] : memref<51200x32xf32, #tpu.memory_space<vmem_shared>> -> memref<51200x32xf32, #tpu.memory_space<vmem_shared>>
          tpu.wait_indirect_dma semaphore(%arg13 : memref<!tpu.dma_semaphore, #tpu.memory_space<semaphore_mem>>) src(%dma_wait3A_270 : memref<128x32xf32, #tpu.memory_space<vmem>>) dst(%dma_wait3A_276 : memref<51200x32xf32, #tpu.memory_space<vmem_shared>>)
          %mul3A_277 = arith.constant 2 : i32
          %mul3A_278 = arith.muli %mul3A_277, %sub3A_149 : i32
          %dma_start3A_279 = arith.constant 0 : i32
          %dma_start3A_280 = arith.constant 0 : i32
          %dma_start3A_281 = arith.constant 0 : i32
          %dma_start3A_282 = tpu.memref_slice %arg7[%dma_start3A_279, %dma_start3A_280, %dma_start3A_281] : memref<4x128x32xf32, #tpu.memory_space<vmem>> -> memref<1x128x32xf32, #tpu.memory_space<vmem>>
          %dma_start3A_283 = tpu.memref_squeeze %dma_start3A_282 : memref<1x128x32xf32, #tpu.memory_space<vmem>> -> memref<128x32xf32, #tpu.memory_space<vmem>>
          %dma_start3A_284 = arith.constant 0 : i32
          %dma_start3A_285 = tpu.memref_slice %arg6[%mul3A_278, %dma_start3A_284] : memref<80x128xi32, #tpu.memory_space<vmem>> -> memref<1x128xi32, #tpu.memory_space<vmem>>
          %dma_start3A_286 = tpu.memref_squeeze %dma_start3A_285 : memref<1x128xi32, #tpu.memory_space<vmem>> -> memref<128xi32, #tpu.memory_space<vmem>>
          %dma_start3A_287 = arith.constant 0 : i32
          %dma_start3A_288 = arith.constant 0 : i32
          %dma_start3A_289 = tpu.memref_slice %arg2[%dma_start3A_287, %dma_start3A_288] : memref<102400x32xf32, #tpu.memory_space<hbm>> -> memref<102400x32xf32, #tpu.memory_space<hbm>>
          tpu.enqueue_indirect_dma source(%dma_start3A_289 : memref<102400x32xf32, #tpu.memory_space<hbm>>) target(%dma_start3A_283 : memref<128x32xf32, #tpu.memory_space<vmem>>) offsets(%dma_start3A_286 : memref<128xi32, #tpu.memory_space<vmem>>) semaphore(%arg9 : memref<!tpu.dma_semaphore, #tpu.memory_space<semaphore_mem>>)
        } else {
        }
        %mul3A_155 = arith.constant 2 : i32
        %mul3A_156 = arith.muli %mul3A_155, %add3A_145 : i32
        %dma_wait3A_157 = arith.constant 1 : i32
        %dma_wait3A_158 = arith.constant 0 : i32
        %dma_wait3A_159 = arith.constant 0 : i32
        %dma_wait3A_160 = tpu.memref_slice %arg7[%dma_wait3A_157, %dma_wait3A_158, %dma_wait3A_159] : memref<4x128x32xf32, #tpu.memory_space<vmem>> -> memref<1x128x32xf32, #tpu.memory_space<vmem>>
        %dma_wait3A_161 = tpu.memref_squeeze %dma_wait3A_160 : memref<1x128x32xf32, #tpu.memory_space<vmem>> -> memref<128x32xf32, #tpu.memory_space<vmem>>
        %dma_wait3A_162 = arith.constant 0 : i32
        %dma_wait3A_163 = tpu.memref_slice %arg6[%mul3A_156, %dma_wait3A_162] : memref<80x128xi32, #tpu.memory_space<vmem>> -> memref<1x128xi32, #tpu.memory_space<vmem>>
        %dma_wait3A_164 = tpu.memref_squeeze %dma_wait3A_163 : memref<1x128xi32, #tpu.memory_space<vmem>> -> memref<128xi32, #tpu.memory_space<vmem>>
        %dma_wait3A_165 = arith.constant 0 : i32
        %dma_wait3A_166 = arith.constant 0 : i32
        %dma_wait3A_167 = tpu.memref_slice %arg2[%dma_wait3A_165, %dma_wait3A_166] : memref<102400x32xf32, #tpu.memory_space<hbm>> -> memref<102400x32xf32, #tpu.memory_space<hbm>>
        tpu.wait_indirect_dma semaphore(%arg10 : memref<!tpu.dma_semaphore, #tpu.memory_space<semaphore_mem>>) src(%dma_wait3A_167 : memref<102400x32xf32, #tpu.memory_space<hbm>>) dst(%dma_wait3A_161 : memref<128x32xf32, #tpu.memory_space<vmem>>)
        %mul3A_168 = arith.constant 2 : i32
        %mul3A_169 = arith.muli %mul3A_168, %add3A_145 : i32
        %add3A_170 = arith.constant 1 : i32
        %add3A_171 = arith.addi %mul3A_169, %add3A_170 : i32
        %dma_start3A_172 = arith.constant 1 : i32
        %dma_start3A_173 = arith.constant 0 : i32
        %dma_start3A_174 = arith.constant 0 : i32
        %dma_start3A_175 = tpu.memref_slice %arg7[%dma_start3A_172, %dma_start3A_173, %dma_start3A_174] : memref<4x128x32xf32, #tpu.memory_space<vmem>> -> memref<1x128x32xf32, #tpu.memory_space<vmem>>
        %dma_start3A_176 = tpu.memref_squeeze %dma_start3A_175 : memref<1x128x32xf32, #tpu.memory_space<vmem>> -> memref<128x32xf32, #tpu.memory_space<vmem>>
        %dma_start3A_177 = arith.constant 0 : i32
        %dma_start3A_178 = tpu.memref_slice %arg6[%add3A_171, %dma_start3A_177] : memref<80x128xi32, #tpu.memory_space<vmem>> -> memref<1x128xi32, #tpu.memory_space<vmem>>
        %dma_start3A_179 = tpu.memref_squeeze %dma_start3A_178 : memref<1x128xi32, #tpu.memory_space<vmem>> -> memref<128xi32, #tpu.memory_space<vmem>>
        %dma_start3A_180 = arith.constant 0 : i32
        %dma_start3A_181 = arith.constant 0 : i32
        %dma_start3A_182 = tpu.memref_slice %arg8[%dma_start3A_180, %dma_start3A_181] : memref<51200x32xf32, #tpu.memory_space<vmem_shared>> -> memref<51200x32xf32, #tpu.memory_space<vmem_shared>>
        tpu.enqueue_indirect_dma source(%dma_start3A_176 : memref<128x32xf32, #tpu.memory_space<vmem>>) target(%dma_start3A_182 : memref<51200x32xf32, #tpu.memory_space<vmem_shared>>) offsets(%dma_start3A_179 : memref<128xi32, #tpu.memory_space<vmem>>) semaphore(%arg14 : memref<!tpu.dma_semaphore, #tpu.memory_space<semaphore_mem>>) {add = true}
        %mul3A_183 = arith.constant 4 : i32
        %mul3A_184 = arith.muli %scan3A_104, %mul3A_183 : i32
        %add3A_185 = arith.constant 2 : i32
        %add3A_186 = arith.addi %mul3A_184, %add3A_185 : i32
        %add3A_187 = arith.constant 4 : i32
        %add3A_188 = arith.addi %add3A_186, %add3A_187 : i32
        %sub3A_189 = arith.constant 1 : i32
        %sub3A_190 = arith.subi %add3A_188, %sub3A_189 : i32
        %lt3A_191 = arith.constant 40 : i32
        %lt3A_192 = arith.cmpi slt, %sub3A_190, %lt3A_191 : i32
        %convert_element_type3A_193 = arith.extui %lt3A_192 : i1 to i32
        %cond3A_194 = arith.constant 0 : i32
        %cond3A_195 = arith.cmpi ne, %convert_element_type3A_193, %cond3A_194 : i32
        scf.if %cond3A_195 {
          %dma_wait3A_265 = arith.constant 1 : i32
          %dma_wait3A_266 = arith.constant 1 : i32
          %dma_wait3A_267 = arith.constant 0 : i32
          %dma_wait3A_268 = arith.constant 0 : i32
          %dma_wait3A_269 = tpu.memref_slice %arg7[%dma_wait3A_265, %dma_wait3A_267, %dma_wait3A_268] : memref<4x128x32xf32, #tpu.memory_space<vmem>> -> memref<1x128x32xf32, #tpu.memory_space<vmem>>
          %dma_wait3A_270 = tpu.memref_squeeze %dma_wait3A_269 : memref<1x128x32xf32, #tpu.memory_space<vmem>> -> memref<128x32xf32, #tpu.memory_space<vmem>>
          %dma_wait3A_271 = arith.constant 0 : i32
          %dma_wait3A_272 = tpu.memref_slice %arg6[%dma_wait3A_266, %dma_wait3A_271] : memref<80x128xi32, #tpu.memory_space<vmem>> -> memref<1x128xi32, #tpu.memory_space<vmem>>
          %dma_wait3A_273 = tpu.memref_squeeze %dma_wait3A_272 : memref<1x128xi32, #tpu.memory_space<vmem>> -> memref<128xi32, #tpu.memory_space<vmem>>
          %dma_wait3A_274 = arith.constant 0 : i32
          %dma_wait3A_275 = arith.constant 0 : i32
          %dma_wait3A_276 = tpu.memref_slice %arg8[%dma_wait3A_274, %dma_wait3A_275] : memref<51200x32xf32, #tpu.memory_space<vmem_shared>> -> memref<51200x32xf32, #tpu.memory_space<vmem_shared>>
          tpu.wait_indirect_dma semaphore(%arg14 : memref<!tpu.dma_semaphore, #tpu.memory_space<semaphore_mem>>) src(%dma_wait3A_270 : memref<128x32xf32, #tpu.memory_space<vmem>>) dst(%dma_wait3A_276 : memref<51200x32xf32, #tpu.memory_space<vmem_shared>>)
          %mul3A_277 = arith.constant 2 : i32
          %mul3A_278 = arith.muli %mul3A_277, %sub3A_190 : i32
          %dma_start3A_279 = arith.constant 1 : i32
          %dma_start3A_280 = arith.constant 0 : i32
          %dma_start3A_281 = arith.constant 0 : i32
          %dma_start3A_282 = tpu.memref_slice %arg7[%dma_start3A_279, %dma_start3A_280, %dma_start3A_281] : memref<4x128x32xf32, #tpu.memory_space<vmem>> -> memref<1x128x32xf32, #tpu.memory_space<vmem>>
          %dma_start3A_283 = tpu.memref_squeeze %dma_start3A_282 : memref<1x128x32xf32, #tpu.memory_space<vmem>> -> memref<128x32xf32, #tpu.memory_space<vmem>>
          %dma_start3A_284 = arith.constant 0 : i32
          %dma_start3A_285 = tpu.memref_slice %arg6[%mul3A_278, %dma_start3A_284] : memref<80x128xi32, #tpu.memory_space<vmem>> -> memref<1x128xi32, #tpu.memory_space<vmem>>
          %dma_start3A_286 = tpu.memref_squeeze %dma_start3A_285 : memref<1x128xi32, #tpu.memory_space<vmem>> -> memref<128xi32, #tpu.memory_space<vmem>>
          %dma_start3A_287 = arith.constant 0 : i32
          %dma_start3A_288 = arith.constant 0 : i32
          %dma_start3A_289 = tpu.memref_slice %arg2[%dma_start3A_287, %dma_start3A_288] : memref<102400x32xf32, #tpu.memory_space<hbm>> -> memref<102400x32xf32, #tpu.memory_space<hbm>>
          tpu.enqueue_indirect_dma source(%dma_start3A_289 : memref<102400x32xf32, #tpu.memory_space<hbm>>) target(%dma_start3A_283 : memref<128x32xf32, #tpu.memory_space<vmem>>) offsets(%dma_start3A_286 : memref<128xi32, #tpu.memory_space<vmem>>) semaphore(%arg10 : memref<!tpu.dma_semaphore, #tpu.memory_space<semaphore_mem>>)
        } else {
        }
        %mul3A_196 = arith.constant 2 : i32
        %mul3A_197 = arith.muli %mul3A_196, %add3A_186 : i32
        %dma_wait3A_198 = arith.constant 2 : i32
        %dma_wait3A_199 = arith.constant 0 : i32
        %dma_wait3A_200 = arith.constant 0 : i32
        %dma_wait3A_201 = tpu.memref_slice %arg7[%dma_wait3A_198, %dma_wait3A_199, %dma_wait3A_200] : memref<4x128x32xf32, #tpu.memory_space<vmem>> -> memref<1x128x32xf32, #tpu.memory_space<vmem>>
        %dma_wait3A_202 = tpu.memref_squeeze %dma_wait3A_201 : memref<1x128x32xf32, #tpu.memory_space<vmem>> -> memref<128x32xf32, #tpu.memory_space<vmem>>
        %dma_wait3A_203 = arith.constant 0 : i32
        %dma_wait3A_204 = tpu.memref_slice %arg6[%mul3A_197, %dma_wait3A_203] : memref<80x128xi32, #tpu.memory_space<vmem>> -> memref<1x128xi32, #tpu.memory_space<vmem>>
        %dma_wait3A_205 = tpu.memref_squeeze %dma_wait3A_204 : memref<1x128xi32, #tpu.memory_space<vmem>> -> memref<128xi32, #tpu.memory_space<vmem>>
        %dma_wait3A_206 = arith.constant 0 : i32
        %dma_wait3A_207 = arith.constant 0 : i32
        %dma_wait3A_208 = tpu.memref_slice %arg2[%dma_wait3A_206, %dma_wait3A_207] : memref<102400x32xf32, #tpu.memory_space<hbm>> -> memref<102400x32xf32, #tpu.memory_space<hbm>>
        tpu.wait_indirect_dma semaphore(%arg11 : memref<!tpu.dma_semaphore, #tpu.memory_space<semaphore_mem>>) src(%dma_wait3A_208 : memref<102400x32xf32, #tpu.memory_space<hbm>>) dst(%dma_wait3A_202 : memref<128x32xf32, #tpu.memory_space<vmem>>)
        %mul3A_209 = arith.constant 2 : i32
        %mul3A_210 = arith.muli %mul3A_209, %add3A_186 : i32
        %add3A_211 = arith.constant 1 : i32
        %add3A_212 = arith.addi %mul3A_210, %add3A_211 : i32
        %dma_start3A_213 = arith.constant 2 : i32
        %dma_start3A_214 = arith.constant 0 : i32
        %dma_start3A_215 = arith.constant 0 : i32
        %dma_start3A_216 = tpu.memref_slice %arg7[%dma_start3A_213, %dma_start3A_214, %dma_start3A_215] : memref<4x128x32xf32, #tpu.memory_space<vmem>> -> memref<1x128x32xf32, #tpu.memory_space<vmem>>
        %dma_start3A_217 = tpu.memref_squeeze %dma_start3A_216 : memref<1x128x32xf32, #tpu.memory_space<vmem>> -> memref<128x32xf32, #tpu.memory_space<vmem>>
        %dma_start3A_218 = arith.constant 0 : i32
        %dma_start3A_219 = tpu.memref_slice %arg6[%add3A_212, %dma_start3A_218] : memref<80x128xi32, #tpu.memory_space<vmem>> -> memref<1x128xi32, #tpu.memory_space<vmem>>
        %dma_start3A_220 = tpu.memref_squeeze %dma_start3A_219 : memref<1x128xi32, #tpu.memory_space<vmem>> -> memref<128xi32, #tpu.memory_space<vmem>>
        %dma_start3A_221 = arith.constant 0 : i32
        %dma_start3A_222 = arith.constant 0 : i32
        %dma_start3A_223 = tpu.memref_slice %arg8[%dma_start3A_221, %dma_start3A_222] : memref<51200x32xf32, #tpu.memory_space<vmem_shared>> -> memref<51200x32xf32, #tpu.memory_space<vmem_shared>>
        tpu.enqueue_indirect_dma source(%dma_start3A_217 : memref<128x32xf32, #tpu.memory_space<vmem>>) target(%dma_start3A_223 : memref<51200x32xf32, #tpu.memory_space<vmem_shared>>) offsets(%dma_start3A_220 : memref<128xi32, #tpu.memory_space<vmem>>) semaphore(%arg15 : memref<!tpu.dma_semaphore, #tpu.memory_space<semaphore_mem>>) {add = true}
        %mul3A_224 = arith.constant 4 : i32
        %mul3A_225 = arith.muli %scan3A_104, %mul3A_224 : i32
        %add3A_226 = arith.constant 3 : i32
        %add3A_227 = arith.addi %mul3A_225, %add3A_226 : i32
        %add3A_228 = arith.constant 4 : i32
        %add3A_229 = arith.addi %add3A_227, %add3A_228 : i32
        %sub3A_230 = arith.constant 1 : i32
        %sub3A_231 = arith.subi %add3A_229, %sub3A_230 : i32
        %lt3A_232 = arith.constant 40 : i32
        %lt3A_233 = arith.cmpi slt, %sub3A_231, %lt3A_232 : i32
        %convert_element_type3A_234 = arith.extui %lt3A_233 : i1 to i32
        %cond3A_235 = arith.constant 0 : i32
        %cond3A_236 = arith.cmpi ne, %convert_element_type3A_234, %cond3A_235 : i32
        scf.if %cond3A_236 {
          %dma_wait3A_265 = arith.constant 2 : i32
          %dma_wait3A_266 = arith.constant 1 : i32
          %dma_wait3A_267 = arith.constant 0 : i32
          %dma_wait3A_268 = arith.constant 0 : i32
          %dma_wait3A_269 = tpu.memref_slice %arg7[%dma_wait3A_265, %dma_wait3A_267, %dma_wait3A_268] : memref<4x128x32xf32, #tpu.memory_space<vmem>> -> memref<1x128x32xf32, #tpu.memory_space<vmem>>
          %dma_wait3A_270 = tpu.memref_squeeze %dma_wait3A_269 : memref<1x128x32xf32, #tpu.memory_space<vmem>> -> memref<128x32xf32, #tpu.memory_space<vmem>>
          %dma_wait3A_271 = arith.constant 0 : i32
          %dma_wait3A_272 = tpu.memref_slice %arg6[%dma_wait3A_266, %dma_wait3A_271] : memref<80x128xi32, #tpu.memory_space<vmem>> -> memref<1x128xi32, #tpu.memory_space<vmem>>
          %dma_wait3A_273 = tpu.memref_squeeze %dma_wait3A_272 : memref<1x128xi32, #tpu.memory_space<vmem>> -> memref<128xi32, #tpu.memory_space<vmem>>
          %dma_wait3A_274 = arith.constant 0 : i32
          %dma_wait3A_275 = arith.constant 0 : i32
          %dma_wait3A_276 = tpu.memref_slice %arg8[%dma_wait3A_274, %dma_wait3A_275] : memref<51200x32xf32, #tpu.memory_space<vmem_shared>> -> memref<51200x32xf32, #tpu.memory_space<vmem_shared>>
          tpu.wait_indirect_dma semaphore(%arg15 : memref<!tpu.dma_semaphore, #tpu.memory_space<semaphore_mem>>) src(%dma_wait3A_270 : memref<128x32xf32, #tpu.memory_space<vmem>>) dst(%dma_wait3A_276 : memref<51200x32xf32, #tpu.memory_space<vmem_shared>>)
          %mul3A_277 = arith.constant 2 : i32
          %mul3A_278 = arith.muli %mul3A_277, %sub3A_231 : i32
          %dma_start3A_279 = arith.constant 2 : i32
          %dma_start3A_280 = arith.constant 0 : i32
          %dma_start3A_281 = arith.constant 0 : i32
          %dma_start3A_282 = tpu.memref_slice %arg7[%dma_start3A_279, %dma_start3A_280, %dma_start3A_281] : memref<4x128x32xf32, #tpu.memory_space<vmem>> -> memref<1x128x32xf32, #tpu.memory_space<vmem>>
          %dma_start3A_283 = tpu.memref_squeeze %dma_start3A_282 : memref<1x128x32xf32, #tpu.memory_space<vmem>> -> memref<128x32xf32, #tpu.memory_space<vmem>>
          %dma_start3A_284 = arith.constant 0 : i32
          %dma_start3A_285 = tpu.memref_slice %arg6[%mul3A_278, %dma_start3A_284] : memref<80x128xi32, #tpu.memory_space<vmem>> -> memref<1x128xi32, #tpu.memory_space<vmem>>
          %dma_start3A_286 = tpu.memref_squeeze %dma_start3A_285 : memref<1x128xi32, #tpu.memory_space<vmem>> -> memref<128xi32, #tpu.memory_space<vmem>>
          %dma_start3A_287 = arith.constant 0 : i32
          %dma_start3A_288 = arith.constant 0 : i32
          %dma_start3A_289 = tpu.memref_slice %arg2[%dma_start3A_287, %dma_start3A_288] : memref<102400x32xf32, #tpu.memory_space<hbm>> -> memref<102400x32xf32, #tpu.memory_space<hbm>>
          tpu.enqueue_indirect_dma source(%dma_start3A_289 : memref<102400x32xf32, #tpu.memory_space<hbm>>) target(%dma_start3A_283 : memref<128x32xf32, #tpu.memory_space<vmem>>) offsets(%dma_start3A_286 : memref<128xi32, #tpu.memory_space<vmem>>) semaphore(%arg11 : memref<!tpu.dma_semaphore, #tpu.memory_space<semaphore_mem>>)
        } else {
        }
        %mul3A_237 = arith.constant 2 : i32
        %mul3A_238 = arith.muli %mul3A_237, %add3A_227 : i32
        %dma_wait3A_239 = arith.constant 3 : i32
        %dma_wait3A_240 = arith.constant 0 : i32
        %dma_wait3A_241 = arith.constant 0 : i32
        %dma_wait3A_242 = tpu.memref_slice %arg7[%dma_wait3A_239, %dma_wait3A_240, %dma_wait3A_241] : memref<4x128x32xf32, #tpu.memory_space<vmem>> -> memref<1x128x32xf32, #tpu.memory_space<vmem>>
        %dma_wait3A_243 = tpu.memref_squeeze %dma_wait3A_242 : memref<1x128x32xf32, #tpu.memory_space<vmem>> -> memref<128x32xf32, #tpu.memory_space<vmem>>
        %dma_wait3A_244 = arith.constant 0 : i32
        %dma_wait3A_245 = tpu.memref_slice %arg6[%mul3A_238, %dma_wait3A_244] : memref<80x128xi32, #tpu.memory_space<vmem>> -> memref<1x128xi32, #tpu.memory_space<vmem>>
        %dma_wait3A_246 = tpu.memref_squeeze %dma_wait3A_245 : memref<1x128xi32, #tpu.memory_space<vmem>> -> memref<128xi32, #tpu.memory_space<vmem>>
        %dma_wait3A_247 = arith.constant 0 : i32
        %dma_wait3A_248 = arith.constant 0 : i32
        %dma_wait3A_249 = tpu.memref_slice %arg2[%dma_wait3A_247, %dma_wait3A_248] : memref<102400x32xf32, #tpu.memory_space<hbm>> -> memref<102400x32xf32, #tpu.memory_space<hbm>>
        tpu.wait_indirect_dma semaphore(%arg12 : memref<!tpu.dma_semaphore, #tpu.memory_space<semaphore_mem>>) src(%dma_wait3A_249 : memref<102400x32xf32, #tpu.memory_space<hbm>>) dst(%dma_wait3A_243 : memref<128x32xf32, #tpu.memory_space<vmem>>)
        %mul3A_250 = arith.constant 2 : i32
        %mul3A_251 = arith.muli %mul3A_250, %add3A_227 : i32
        %add3A_252 = arith.constant 1 : i32
        %add3A_253 = arith.addi %mul3A_251, %add3A_252 : i32
        %dma_start3A_254 = arith.constant 3 : i32
        %dma_start3A_255 = arith.constant 0 : i32
        %dma_start3A_256 = arith.constant 0 : i32
        %dma_start3A_257 = tpu.memref_slice %arg7[%dma_start3A_254, %dma_start3A_255, %dma_start3A_256] : memref<4x128x32xf32, #tpu.memory_space<vmem>> -> memref<1x128x32xf32, #tpu.memory_space<vmem>>
        %dma_start3A_258 = tpu.memref_squeeze %dma_start3A_257 : memref<1x128x32xf32, #tpu.memory_space<vmem>> -> memref<128x32xf32, #tpu.memory_space<vmem>>
        %dma_start3A_259 = arith.constant 0 : i32
        %dma_start3A_260 = tpu.memref_slice %arg6[%add3A_253, %dma_start3A_259] : memref<80x128xi32, #tpu.memory_space<vmem>> -> memref<1x128xi32, #tpu.memory_space<vmem>>
        %dma_start3A_261 = tpu.memref_squeeze %dma_start3A_260 : memref<1x128xi32, #tpu.memory_space<vmem>> -> memref<128xi32, #tpu.memory_space<vmem>>
        %dma_start3A_262 = arith.constant 0 : i32
        %dma_start3A_263 = arith.constant 0 : i32
        %dma_start3A_264 = tpu.memref_slice %arg8[%dma_start3A_262, %dma_start3A_263] : memref<51200x32xf32, #tpu.memory_space<vmem_shared>> -> memref<51200x32xf32, #tpu.memory_space<vmem_shared>>
        tpu.enqueue_indirect_dma source(%dma_start3A_258 : memref<128x32xf32, #tpu.memory_space<vmem>>) target(%dma_start3A_264 : memref<51200x32xf32, #tpu.memory_space<vmem_shared>>) offsets(%dma_start3A_261 : memref<128xi32, #tpu.memory_space<vmem>>) semaphore(%arg16 : memref<!tpu.dma_semaphore, #tpu.memory_space<semaphore_mem>>) {add = true}
      }
      %scan3A_56 = arith.constant 10 : i32
      %dma_wait3A = arith.constant 0 : i32
      %dma_wait3A_57 = arith.constant 1 : i32
      %dma_wait3A_58 = arith.constant 0 : i32
      %dma_wait3A_59 = arith.constant 0 : i32
      %dma_wait3A_60 = tpu.memref_slice %arg7[%dma_wait3A, %dma_wait3A_58, %dma_wait3A_59] : memref<4x128x32xf32, #tpu.memory_space<vmem>> -> memref<1x128x32xf32, #tpu.memory_space<vmem>>
      %dma_wait3A_61 = tpu.memref_squeeze %dma_wait3A_60 : memref<1x128x32xf32, #tpu.memory_space<vmem>> -> memref<128x32xf32, #tpu.memory_space<vmem>>
      %dma_wait3A_62 = arith.constant 0 : i32
      %dma_wait3A_63 = tpu.memref_slice %arg6[%dma_wait3A_57, %dma_wait3A_62] : memref<80x128xi32, #tpu.memory_space<vmem>> -> memref<1x128xi32, #tpu.memory_space<vmem>>
      %dma_wait3A_64 = tpu.memref_squeeze %dma_wait3A_63 : memref<1x128xi32, #tpu.memory_space<vmem>> -> memref<128xi32, #tpu.memory_space<vmem>>
      %dma_wait3A_65 = arith.constant 0 : i32
      %dma_wait3A_66 = arith.constant 0 : i32
      %dma_wait3A_67 = tpu.memref_slice %arg8[%dma_wait3A_65, %dma_wait3A_66] : memref<51200x32xf32, #tpu.memory_space<vmem_shared>> -> memref<51200x32xf32, #tpu.memory_space<vmem_shared>>
      tpu.wait_indirect_dma semaphore(%arg13 : memref<!tpu.dma_semaphore, #tpu.memory_space<semaphore_mem>>) src(%dma_wait3A_61 : memref<128x32xf32, #tpu.memory_space<vmem>>) dst(%dma_wait3A_67 : memref<51200x32xf32, #tpu.memory_space<vmem_shared>>)
      %dma_wait3A_68 = arith.constant 1 : i32
      %dma_wait3A_69 = arith.constant 1 : i32
      %dma_wait3A_70 = arith.constant 0 : i32
      %dma_wait3A_71 = arith.constant 0 : i32
      %dma_wait3A_72 = tpu.memref_slice %arg7[%dma_wait3A_68, %dma_wait3A_70, %dma_wait3A_71] : memref<4x128x32xf32, #tpu.memory_space<vmem>> -> memref<1x128x32xf32, #tpu.memory_space<vmem>>
      %dma_wait3A_73 = tpu.memref_squeeze %dma_wait3A_72 : memref<1x128x32xf32, #tpu.memory_space<vmem>> -> memref<128x32xf32, #tpu.memory_space<vmem>>
      %dma_wait3A_74 = arith.constant 0 : i32
      %dma_wait3A_75 = tpu.memref_slice %arg6[%dma_wait3A_69, %dma_wait3A_74] : memref<80x128xi32, #tpu.memory_space<vmem>> -> memref<1x128xi32, #tpu.memory_space<vmem>>
      %dma_wait3A_76 = tpu.memref_squeeze %dma_wait3A_75 : memref<1x128xi32, #tpu.memory_space<vmem>> -> memref<128xi32, #tpu.memory_space<vmem>>
      %dma_wait3A_77 = arith.constant 0 : i32
      %dma_wait3A_78 = arith.constant 0 : i32
      %dma_wait3A_79 = tpu.memref_slice %arg8[%dma_wait3A_77, %dma_wait3A_78] : memref<51200x32xf32, #tpu.memory_space<vmem_shared>> -> memref<51200x32xf32, #tpu.memory_space<vmem_shared>>
      tpu.wait_indirect_dma semaphore(%arg14 : memref<!tpu.dma_semaphore, #tpu.memory_space<semaphore_mem>>) src(%dma_wait3A_73 : memref<128x32xf32, #tpu.memory_space<vmem>>) dst(%dma_wait3A_79 : memref<51200x32xf32, #tpu.memory_space<vmem_shared>>)
      %dma_wait3A_80 = arith.constant 2 : i32
      %dma_wait3A_81 = arith.constant 1 : i32
      %dma_wait3A_82 = arith.constant 0 : i32
      %dma_wait3A_83 = arith.constant 0 : i32
      %dma_wait3A_84 = tpu.memref_slice %arg7[%dma_wait3A_80, %dma_wait3A_82, %dma_wait3A_83] : memref<4x128x32xf32, #tpu.memory_space<vmem>> -> memref<1x128x32xf32, #tpu.memory_space<vmem>>
      %dma_wait3A_85 = tpu.memref_squeeze %dma_wait3A_84 : memref<1x128x32xf32, #tpu.memory_space<vmem>> -> memref<128x32xf32, #tpu.memory_space<vmem>>
      %dma_wait3A_86 = arith.constant 0 : i32
      %dma_wait3A_87 = tpu.memref_slice %arg6[%dma_wait3A_81, %dma_wait3A_86] : memref<80x128xi32, #tpu.memory_space<vmem>> -> memref<1x128xi32, #tpu.memory_space<vmem>>
      %dma_wait3A_88 = tpu.memref_squeeze %dma_wait3A_87 : memref<1x128xi32, #tpu.memory_space<vmem>> -> memref<128xi32, #tpu.memory_space<vmem>>
      %dma_wait3A_89 = arith.constant 0 : i32
      %dma_wait3A_90 = arith.constant 0 : i32
      %dma_wait3A_91 = tpu.memref_slice %arg8[%dma_wait3A_89, %dma_wait3A_90] : memref<51200x32xf32, #tpu.memory_space<vmem_shared>> -> memref<51200x32xf32, #tpu.memory_space<vmem_shared>>
      tpu.wait_indirect_dma semaphore(%arg15 : memref<!tpu.dma_semaphore, #tpu.memory_space<semaphore_mem>>) src(%dma_wait3A_85 : memref<128x32xf32, #tpu.memory_space<vmem>>) dst(%dma_wait3A_91 : memref<51200x32xf32, #tpu.memory_space<vmem_shared>>)
      %dma_wait3A_92 = arith.constant 3 : i32
      %dma_wait3A_93 = arith.constant 1 : i32
      %dma_wait3A_94 = arith.constant 0 : i32
      %dma_wait3A_95 = arith.constant 0 : i32
      %dma_wait3A_96 = tpu.memref_slice %arg7[%dma_wait3A_92, %dma_wait3A_94, %dma_wait3A_95] : memref<4x128x32xf32, #tpu.memory_space<vmem>> -> memref<1x128x32xf32, #tpu.memory_space<vmem>>
      %dma_wait3A_97 = tpu.memref_squeeze %dma_wait3A_96 : memref<1x128x32xf32, #tpu.memory_space<vmem>> -> memref<128x32xf32, #tpu.memory_space<vmem>>
      %dma_wait3A_98 = arith.constant 0 : i32
      %dma_wait3A_99 = tpu.memref_slice %arg6[%dma_wait3A_93, %dma_wait3A_98] : memref<80x128xi32, #tpu.memory_space<vmem>> -> memref<1x128xi32, #tpu.memory_space<vmem>>
      %dma_wait3A_100 = tpu.memref_squeeze %dma_wait3A_99 : memref<1x128xi32, #tpu.memory_space<vmem>> -> memref<128xi32, #tpu.memory_space<vmem>>
      %dma_wait3A_101 = arith.constant 0 : i32
      %dma_wait3A_102 = arith.constant 0 : i32
      %dma_wait3A_103 = tpu.memref_slice %arg8[%dma_wait3A_101, %dma_wait3A_102] : memref<51200x32xf32, #tpu.memory_space<vmem_shared>> -> memref<51200x32xf32, #tpu.memory_space<vmem_shared>>
      tpu.wait_indirect_dma semaphore(%arg16 : memref<!tpu.dma_semaphore, #tpu.memory_space<semaphore_mem>>) src(%dma_wait3A_97 : memref<128x32xf32, #tpu.memory_space<vmem>>) dst(%dma_wait3A_103 : memref<51200x32xf32, #tpu.memory_space<vmem_shared>>)
    }
    %scan3A_6 = arith.constant 10 : i32
    %barrier3A_7 = arith.constant 0 : index
    tpu.barrier barrier_id(%barrier3A_7)
    %mul3A_8 = arith.constant 3200 : i32
    %mul3A_9 = arith.muli %arg1, %mul3A_8 : i32
    "tpu.region"() ({
      %run_scoped3A = tpu.sem_alloc : memref<!tpu.dma_semaphore, #tpu.memory_space<semaphore_mem>>
      %dma_start3A = arith.constant 0 : i32
      %dma_start3A_10 = tpu.memref_slice %arg5[%arg0, %mul3A_9, %dma_start3A] : memref<2x51200x32xf32, #tpu.memory_space<hbm>> -> memref<1x3200x32xf32, #tpu.memory_space<hbm>>
      %dma_start3A_11 = tpu.memref_squeeze %dma_start3A_10 : memref<1x3200x32xf32, #tpu.memory_space<hbm>> -> memref<3200x32xf32, #tpu.memory_space<hbm>>
      %dma_start3A_12 = arith.constant 0 : i32
      %dma_start3A_13 = tpu.memref_slice %arg8[%mul3A_9, %dma_start3A_12] : memref<51200x32xf32, #tpu.memory_space<vmem_shared>> -> memref<3200x32xf32, #tpu.memory_space<vmem_shared>>
      tpu.enqueue_dma source(%dma_start3A_13 : memref<3200x32xf32, #tpu.memory_space<vmem_shared>>) target(%dma_start3A_11 : memref<3200x32xf32, #tpu.memory_space<hbm>>) target_semaphore(%run_scoped3A : memref<!tpu.dma_semaphore, #tpu.memory_space<semaphore_mem>>)
      %dma_wait3A = arith.constant 0 : i32
      %dma_wait3A_14 = tpu.memref_slice %arg5[%arg0, %mul3A_9, %dma_wait3A] : memref<2x51200x32xf32, #tpu.memory_space<hbm>> -> memref<1x3200x32xf32, #tpu.memory_space<hbm>>
      %dma_wait3A_15 = tpu.memref_squeeze %dma_wait3A_14 : memref<1x3200x32xf32, #tpu.memory_space<hbm>> -> memref<3200x32xf32, #tpu.memory_space<hbm>>
      %dma_wait3A_16 = arith.constant 0 : i32
      %dma_wait3A_17 = tpu.memref_slice %arg8[%mul3A_9, %dma_wait3A_16] : memref<51200x32xf32, #tpu.memory_space<vmem_shared>> -> memref<3200x32xf32, #tpu.memory_space<vmem_shared>>
      tpu.wait_dma2 semaphore(%run_scoped3A : memref<!tpu.dma_semaphore, #tpu.memory_space<semaphore_mem>>) src(%dma_wait3A_17 : memref<3200x32xf32, #tpu.memory_space<vmem_shared>>) dst(%dma_wait3A_15 : memref<3200x32xf32, #tpu.memory_space<hbm>>)
      tpu.yield
    }) : () -> ()
    return
  }
}

module attributes {stable_mosaic.version = 14 : i64} {
  func.func @_idx_build_body(%arg0: i32, %arg1: memref<2x640x128xi32, #tpu.memory_space<vmem>>, %arg2: memref<2x1280x128xi32, #tpu.memory_space<vmem>>) attributes {dimension_semantics = [#tpu.dimension_semantics<arbitrary>], iteration_bounds = array<i64: 10>, scalar_prefetch = 0 : i64, scratch_operands = 0 : i64, tpu.core_type = #tpu.core_type<tc>, window_params = [{transform_indices = @transform_0, window_bounds = array<i64: 2, 640, 128>}, {transform_indices = @transform_1, window_bounds = array<i64: 2, 1280, 128>}]} {
    %get3A = arith.constant 0 : index
    %get3A_0 = arith.constant 0 : index
    %get3A_1 = arith.constant 0 : index
    %get3A_2 = vector.load %arg1[%get3A, %get3A_0, %get3A_1] : memref<2x640x128xi32, #tpu.memory_space<vmem>>, vector<1x640x128xi32>
    %get3A_3 = vector.shape_cast %get3A_2 : vector<1x640x128xi32> to vector<640x128xi32>
    %jit3A = arith.constant 2048 : i32
    %div3A = vector.broadcast %jit3A : i32 to vector<640x128xi32>
    %div3A_4 = arith.divsi %get3A_3, %div3A : vector<640x128xi32>
    %sign3A = arith.constant 0 : i32
    %sign3A_5 = vector.broadcast %sign3A : i32 to vector<640x128xi32>
    %sign3A_6 = arith.cmpi sgt, %get3A_3, %sign3A_5 : vector<640x128xi32>
    %sign3A_7 = arith.extui %sign3A_6 : vector<640x128xi1> to vector<640x128xi32>
    %sign3A_8 = arith.constant 0 : i32
    %sign3A_9 = vector.broadcast %sign3A_8 : i32 to vector<640x128xi32>
    %sign3A_10 = arith.cmpi slt, %get3A_3, %sign3A_9 : vector<640x128xi32>
    %sign3A_11 = arith.extui %sign3A_10 : vector<640x128xi1> to vector<640x128xi32>
    %sign3A_12 = arith.subi %sign3A_7, %sign3A_11 : vector<640x128xi32>
    %sign3A_13 = arith.constant 0 : i32
    %sign3A_14 = arith.cmpi sgt, %jit3A, %sign3A_13 : i32
    %sign3A_15 = arith.extui %sign3A_14 : i1 to i32
    %sign3A_16 = arith.constant 0 : i32
    %sign3A_17 = arith.cmpi slt, %jit3A, %sign3A_16 : i32
    %sign3A_18 = arith.extui %sign3A_17 : i1 to i32
    %sign3A_19 = arith.subi %sign3A_15, %sign3A_18 : i32
    %ne3A = vector.broadcast %sign3A_19 : i32 to vector<640x128xi32>
    %ne3A_20 = arith.cmpi ne, %sign3A_12, %ne3A : vector<640x128xi32>
    %rem3A = vector.broadcast %jit3A : i32 to vector<640x128xi32>
    %rem3A_21 = arith.remsi %get3A_3, %rem3A : vector<640x128xi32>
    %ne3A_22 = arith.constant 0 : i32
    %ne3A_23 = vector.broadcast %ne3A_22 : i32 to vector<640x128xi32>
    %ne3A_24 = arith.cmpi ne, %rem3A_21, %ne3A_23 : vector<640x128xi32>
    %and3A = arith.andi %ne3A_20, %ne3A_24 : vector<640x128xi1>
    %sub3A = arith.constant 1 : i32
    %sub3A_25 = vector.broadcast %sub3A : i32 to vector<640x128xi32>
    %sub3A_26 = arith.subi %div3A_4, %sub3A_25 : vector<640x128xi32>
    %select_n3A = arith.select %and3A, %sub3A_26, %div3A_4 : vector<640x128xi1>, vector<640x128xi32>
    %mul3A = arith.constant 2048 : i32
    %mul3A_27 = vector.broadcast %mul3A : i32 to vector<640x128xi32>
    %mul3A_28 = arith.muli %select_n3A, %mul3A_27 : vector<640x128xi32>
    %jit3A_29 = arith.constant 512 : i32
    %eq3A = arith.constant 0 : i32
    %eq3A_30 = arith.cmpi eq, %jit3A_29, %eq3A : i32
    %jit3A_31 = arith.constant 1 : i32
    %select_n3A_32 = arith.select %eq3A_30, %jit3A_31, %jit3A_29 : i32
    %rem3A_33 = vector.broadcast %select_n3A_32 : i32 to vector<640x128xi32>
    %rem3A_34 = arith.remsi %get3A_3, %rem3A_33 : vector<640x128xi32>
    %ne3A_35 = arith.constant 0 : i32
    %ne3A_36 = vector.broadcast %ne3A_35 : i32 to vector<640x128xi32>
    %ne3A_37 = arith.cmpi ne, %rem3A_34, %ne3A_36 : vector<640x128xi32>
    %lt3A = arith.constant 0 : i32
    %lt3A_38 = vector.broadcast %lt3A : i32 to vector<640x128xi32>
    %lt3A_39 = arith.cmpi slt, %rem3A_34, %lt3A_38 : vector<640x128xi32>
    %lt3A_40 = arith.constant 0 : i32
    %lt3A_41 = arith.cmpi slt, %select_n3A_32, %lt3A_40 : i32
    %ne3A_42 = vector.broadcast %lt3A_41 : i1 to vector<640x128xi1>
    %ne3A_43 = vector.broadcast %ne3A_42 : vector<640x128xi1> to vector<640x128xi1>
    %ne3A_44 = arith.xori %lt3A_39, %ne3A_43 : vector<640x128xi1>
    %and3A_45 = arith.andi %ne3A_44, %ne3A_37 : vector<640x128xi1>
    %add3A = vector.broadcast %select_n3A_32 : i32 to vector<640x128xi32>
    %add3A_46 = arith.addi %rem3A_34, %add3A : vector<640x128xi32>
    %select_n3A_47 = arith.select %and3A_45, %add3A_46, %rem3A_34 : vector<640x128xi1>, vector<640x128xi32>
    %mul3A_48 = arith.constant 4 : i32
    %mul3A_49 = vector.broadcast %mul3A_48 : i32 to vector<640x128xi32>
    %mul3A_50 = arith.muli %select_n3A_47, %mul3A_49 : vector<640x128xi32>
    %add3A_51 = arith.addi %mul3A_28, %mul3A_50 : vector<640x128xi32>
    %jit3A_52 = arith.constant 2048 : i32
    %eq3A_53 = arith.constant 0 : i32
    %eq3A_54 = arith.cmpi eq, %jit3A_52, %eq3A_53 : i32
    %jit3A_55 = arith.constant 1 : i32
    %select_n3A_56 = arith.select %eq3A_54, %jit3A_55, %jit3A_52 : i32
    %rem3A_57 = vector.broadcast %select_n3A_56 : i32 to vector<640x128xi32>
    %rem3A_58 = arith.remsi %get3A_3, %rem3A_57 : vector<640x128xi32>
    %ne3A_59 = arith.constant 0 : i32
    %ne3A_60 = vector.broadcast %ne3A_59 : i32 to vector<640x128xi32>
    %ne3A_61 = arith.cmpi ne, %rem3A_58, %ne3A_60 : vector<640x128xi32>
    %lt3A_62 = arith.constant 0 : i32
    %lt3A_63 = vector.broadcast %lt3A_62 : i32 to vector<640x128xi32>
    %lt3A_64 = arith.cmpi slt, %rem3A_58, %lt3A_63 : vector<640x128xi32>
    %lt3A_65 = arith.constant 0 : i32
    %lt3A_66 = arith.cmpi slt, %select_n3A_56, %lt3A_65 : i32
    %ne3A_67 = vector.broadcast %lt3A_66 : i1 to vector<640x128xi1>
    %ne3A_68 = vector.broadcast %ne3A_67 : vector<640x128xi1> to vector<640x128xi1>
    %ne3A_69 = arith.xori %lt3A_64, %ne3A_68 : vector<640x128xi1>
    %and3A_70 = arith.andi %ne3A_69, %ne3A_61 : vector<640x128xi1>
    %add3A_71 = vector.broadcast %select_n3A_56 : i32 to vector<640x128xi32>
    %add3A_72 = arith.addi %rem3A_58, %add3A_71 : vector<640x128xi32>
    %select_n3A_73 = arith.select %and3A_70, %add3A_72, %rem3A_58 : vector<640x128xi1>, vector<640x128xi32>
    %jit3A_74 = arith.constant 512 : i32
    %div3A_75 = vector.broadcast %jit3A_74 : i32 to vector<640x128xi32>
    %div3A_76 = arith.divsi %select_n3A_73, %div3A_75 : vector<640x128xi32>
    %sign3A_77 = arith.constant 0 : i32
    %sign3A_78 = vector.broadcast %sign3A_77 : i32 to vector<640x128xi32>
    %sign3A_79 = arith.cmpi sgt, %select_n3A_73, %sign3A_78 : vector<640x128xi32>
    %sign3A_80 = arith.extui %sign3A_79 : vector<640x128xi1> to vector<640x128xi32>
    %sign3A_81 = arith.constant 0 : i32
    %sign3A_82 = vector.broadcast %sign3A_81 : i32 to vector<640x128xi32>
    %sign3A_83 = arith.cmpi slt, %select_n3A_73, %sign3A_82 : vector<640x128xi32>
    %sign3A_84 = arith.extui %sign3A_83 : vector<640x128xi1> to vector<640x128xi32>
    %sign3A_85 = arith.subi %sign3A_80, %sign3A_84 : vector<640x128xi32>
    %sign3A_86 = arith.constant 0 : i32
    %sign3A_87 = arith.cmpi sgt, %jit3A_74, %sign3A_86 : i32
    %sign3A_88 = arith.extui %sign3A_87 : i1 to i32
    %sign3A_89 = arith.constant 0 : i32
    %sign3A_90 = arith.cmpi slt, %jit3A_74, %sign3A_89 : i32
    %sign3A_91 = arith.extui %sign3A_90 : i1 to i32
    %sign3A_92 = arith.subi %sign3A_88, %sign3A_91 : i32
    %ne3A_93 = vector.broadcast %sign3A_92 : i32 to vector<640x128xi32>
    %ne3A_94 = arith.cmpi ne, %sign3A_85, %ne3A_93 : vector<640x128xi32>
    %rem3A_95 = vector.broadcast %jit3A_74 : i32 to vector<640x128xi32>
    %rem3A_96 = arith.remsi %select_n3A_73, %rem3A_95 : vector<640x128xi32>
    %ne3A_97 = arith.constant 0 : i32
    %ne3A_98 = vector.broadcast %ne3A_97 : i32 to vector<640x128xi32>
    %ne3A_99 = arith.cmpi ne, %rem3A_96, %ne3A_98 : vector<640x128xi32>
    %and3A_100 = arith.andi %ne3A_94, %ne3A_99 : vector<640x128xi1>
    %sub3A_101 = arith.constant 1 : i32
    %sub3A_102 = vector.broadcast %sub3A_101 : i32 to vector<640x128xi32>
    %sub3A_103 = arith.subi %div3A_76, %sub3A_102 : vector<640x128xi32>
    %select_n3A_104 = arith.select %and3A_100, %sub3A_103, %div3A_76 : vector<640x128xi1>, vector<640x128xi32>
    %add3A_105 = arith.addi %add3A_51, %select_n3A_104 : vector<640x128xi32>
    %get3A_106 = arith.constant 1 : index
    %get3A_107 = arith.constant 0 : index
    %get3A_108 = arith.constant 0 : index
    %get3A_109 = vector.load %arg1[%get3A_106, %get3A_107, %get3A_108] : memref<2x640x128xi32, #tpu.memory_space<vmem>>, vector<1x640x128xi32>
    %get3A_110 = vector.shape_cast %get3A_109 : vector<1x640x128xi32> to vector<640x128xi32>
    %jit3A_111 = arith.constant 2048 : i32
    %div3A_112 = vector.broadcast %jit3A_111 : i32 to vector<640x128xi32>
    %div3A_113 = arith.divsi %get3A_110, %div3A_112 : vector<640x128xi32>
    %sign3A_114 = arith.constant 0 : i32
    %sign3A_115 = vector.broadcast %sign3A_114 : i32 to vector<640x128xi32>
    %sign3A_116 = arith.cmpi sgt, %get3A_110, %sign3A_115 : vector<640x128xi32>
    %sign3A_117 = arith.extui %sign3A_116 : vector<640x128xi1> to vector<640x128xi32>
    %sign3A_118 = arith.constant 0 : i32
    %sign3A_119 = vector.broadcast %sign3A_118 : i32 to vector<640x128xi32>
    %sign3A_120 = arith.cmpi slt, %get3A_110, %sign3A_119 : vector<640x128xi32>
    %sign3A_121 = arith.extui %sign3A_120 : vector<640x128xi1> to vector<640x128xi32>
    %sign3A_122 = arith.subi %sign3A_117, %sign3A_121 : vector<640x128xi32>
    %sign3A_123 = arith.constant 0 : i32
    %sign3A_124 = arith.cmpi sgt, %jit3A_111, %sign3A_123 : i32
    %sign3A_125 = arith.extui %sign3A_124 : i1 to i32
    %sign3A_126 = arith.constant 0 : i32
    %sign3A_127 = arith.cmpi slt, %jit3A_111, %sign3A_126 : i32
    %sign3A_128 = arith.extui %sign3A_127 : i1 to i32
    %sign3A_129 = arith.subi %sign3A_125, %sign3A_128 : i32
    %ne3A_130 = vector.broadcast %sign3A_129 : i32 to vector<640x128xi32>
    %ne3A_131 = arith.cmpi ne, %sign3A_122, %ne3A_130 : vector<640x128xi32>
    %rem3A_132 = vector.broadcast %jit3A_111 : i32 to vector<640x128xi32>
    %rem3A_133 = arith.remsi %get3A_110, %rem3A_132 : vector<640x128xi32>
    %ne3A_134 = arith.constant 0 : i32
    %ne3A_135 = vector.broadcast %ne3A_134 : i32 to vector<640x128xi32>
    %ne3A_136 = arith.cmpi ne, %rem3A_133, %ne3A_135 : vector<640x128xi32>
    %and3A_137 = arith.andi %ne3A_131, %ne3A_136 : vector<640x128xi1>
    %sub3A_138 = arith.constant 1 : i32
    %sub3A_139 = vector.broadcast %sub3A_138 : i32 to vector<640x128xi32>
    %sub3A_140 = arith.subi %div3A_113, %sub3A_139 : vector<640x128xi32>
    %select_n3A_141 = arith.select %and3A_137, %sub3A_140, %div3A_113 : vector<640x128xi1>, vector<640x128xi32>
    %mul3A_142 = arith.constant 2048 : i32
    %mul3A_143 = vector.broadcast %mul3A_142 : i32 to vector<640x128xi32>
    %mul3A_144 = arith.muli %select_n3A_141, %mul3A_143 : vector<640x128xi32>
    %jit3A_145 = arith.constant 512 : i32
    %eq3A_146 = arith.constant 0 : i32
    %eq3A_147 = arith.cmpi eq, %jit3A_145, %eq3A_146 : i32
    %jit3A_148 = arith.constant 1 : i32
    %select_n3A_149 = arith.select %eq3A_147, %jit3A_148, %jit3A_145 : i32
    %rem3A_150 = vector.broadcast %select_n3A_149 : i32 to vector<640x128xi32>
    %rem3A_151 = arith.remsi %get3A_110, %rem3A_150 : vector<640x128xi32>
    %ne3A_152 = arith.constant 0 : i32
    %ne3A_153 = vector.broadcast %ne3A_152 : i32 to vector<640x128xi32>
    %ne3A_154 = arith.cmpi ne, %rem3A_151, %ne3A_153 : vector<640x128xi32>
    %lt3A_155 = arith.constant 0 : i32
    %lt3A_156 = vector.broadcast %lt3A_155 : i32 to vector<640x128xi32>
    %lt3A_157 = arith.cmpi slt, %rem3A_151, %lt3A_156 : vector<640x128xi32>
    %lt3A_158 = arith.constant 0 : i32
    %lt3A_159 = arith.cmpi slt, %select_n3A_149, %lt3A_158 : i32
    %ne3A_160 = vector.broadcast %lt3A_159 : i1 to vector<640x128xi1>
    %ne3A_161 = vector.broadcast %ne3A_160 : vector<640x128xi1> to vector<640x128xi1>
    %ne3A_162 = arith.xori %lt3A_157, %ne3A_161 : vector<640x128xi1>
    %and3A_163 = arith.andi %ne3A_162, %ne3A_154 : vector<640x128xi1>
    %add3A_164 = vector.broadcast %select_n3A_149 : i32 to vector<640x128xi32>
    %add3A_165 = arith.addi %rem3A_151, %add3A_164 : vector<640x128xi32>
    %select_n3A_166 = arith.select %and3A_163, %add3A_165, %rem3A_151 : vector<640x128xi1>, vector<640x128xi32>
    %mul3A_167 = arith.constant 4 : i32
    %mul3A_168 = vector.broadcast %mul3A_167 : i32 to vector<640x128xi32>
    %mul3A_169 = arith.muli %select_n3A_166, %mul3A_168 : vector<640x128xi32>
    %add3A_170 = arith.addi %mul3A_144, %mul3A_169 : vector<640x128xi32>
    %jit3A_171 = arith.constant 2048 : i32
    %eq3A_172 = arith.constant 0 : i32
    %eq3A_173 = arith.cmpi eq, %jit3A_171, %eq3A_172 : i32
    %jit3A_174 = arith.constant 1 : i32
    %select_n3A_175 = arith.select %eq3A_173, %jit3A_174, %jit3A_171 : i32
    %rem3A_176 = vector.broadcast %select_n3A_175 : i32 to vector<640x128xi32>
    %rem3A_177 = arith.remsi %get3A_110, %rem3A_176 : vector<640x128xi32>
    %ne3A_178 = arith.constant 0 : i32
    %ne3A_179 = vector.broadcast %ne3A_178 : i32 to vector<640x128xi32>
    %ne3A_180 = arith.cmpi ne, %rem3A_177, %ne3A_179 : vector<640x128xi32>
    %lt3A_181 = arith.constant 0 : i32
    %lt3A_182 = vector.broadcast %lt3A_181 : i32 to vector<640x128xi32>
    %lt3A_183 = arith.cmpi slt, %rem3A_177, %lt3A_182 : vector<640x128xi32>
    %lt3A_184 = arith.constant 0 : i32
    %lt3A_185 = arith.cmpi slt, %select_n3A_175, %lt3A_184 : i32
    %ne3A_186 = vector.broadcast %lt3A_185 : i1 to vector<640x128xi1>
    %ne3A_187 = vector.broadcast %ne3A_186 : vector<640x128xi1> to vector<640x128xi1>
    %ne3A_188 = arith.xori %lt3A_183, %ne3A_187 : vector<640x128xi1>
    %and3A_189 = arith.andi %ne3A_188, %ne3A_180 : vector<640x128xi1>
    %add3A_190 = vector.broadcast %select_n3A_175 : i32 to vector<640x128xi32>
    %add3A_191 = arith.addi %rem3A_177, %add3A_190 : vector<640x128xi32>
    %select_n3A_192 = arith.select %and3A_189, %add3A_191, %rem3A_177 : vector<640x128xi1>, vector<640x128xi32>
    %jit3A_193 = arith.constant 512 : i32
    %div3A_194 = vector.broadcast %jit3A_193 : i32 to vector<640x128xi32>
    %div3A_195 = arith.divsi %select_n3A_192, %div3A_194 : vector<640x128xi32>
    %sign3A_196 = arith.constant 0 : i32
    %sign3A_197 = vector.broadcast %sign3A_196 : i32 to vector<640x128xi32>
    %sign3A_198 = arith.cmpi sgt, %select_n3A_192, %sign3A_197 : vector<640x128xi32>
    %sign3A_199 = arith.extui %sign3A_198 : vector<640x128xi1> to vector<640x128xi32>
    %sign3A_200 = arith.constant 0 : i32
    %sign3A_201 = vector.broadcast %sign3A_200 : i32 to vector<640x128xi32>
    %sign3A_202 = arith.cmpi slt, %select_n3A_192, %sign3A_201 : vector<640x128xi32>
    %sign3A_203 = arith.extui %sign3A_202 : vector<640x128xi1> to vector<640x128xi32>
    %sign3A_204 = arith.subi %sign3A_199, %sign3A_203 : vector<640x128xi32>
    %sign3A_205 = arith.constant 0 : i32
    %sign3A_206 = arith.cmpi sgt, %jit3A_193, %sign3A_205 : i32
    %sign3A_207 = arith.extui %sign3A_206 : i1 to i32
    %sign3A_208 = arith.constant 0 : i32
    %sign3A_209 = arith.cmpi slt, %jit3A_193, %sign3A_208 : i32
    %sign3A_210 = arith.extui %sign3A_209 : i1 to i32
    %sign3A_211 = arith.subi %sign3A_207, %sign3A_210 : i32
    %ne3A_212 = vector.broadcast %sign3A_211 : i32 to vector<640x128xi32>
    %ne3A_213 = arith.cmpi ne, %sign3A_204, %ne3A_212 : vector<640x128xi32>
    %rem3A_214 = vector.broadcast %jit3A_193 : i32 to vector<640x128xi32>
    %rem3A_215 = arith.remsi %select_n3A_192, %rem3A_214 : vector<640x128xi32>
    %ne3A_216 = arith.constant 0 : i32
    %ne3A_217 = vector.broadcast %ne3A_216 : i32 to vector<640x128xi32>
    %ne3A_218 = arith.cmpi ne, %rem3A_215, %ne3A_217 : vector<640x128xi32>
    %and3A_219 = arith.andi %ne3A_213, %ne3A_218 : vector<640x128xi1>
    %sub3A_220 = arith.constant 1 : i32
    %sub3A_221 = vector.broadcast %sub3A_220 : i32 to vector<640x128xi32>
    %sub3A_222 = arith.subi %div3A_195, %sub3A_221 : vector<640x128xi32>
    %select_n3A_223 = arith.select %and3A_219, %sub3A_222, %div3A_195 : vector<640x128xi1>, vector<640x128xi32>
    %add3A_224 = arith.addi %add3A_170, %select_n3A_223 : vector<640x128xi32>
    %add3A_225 = arith.constant 0 : i32
    %add3A_226 = vector.broadcast %add3A_225 : i32 to vector<640x128xi32>
    %add3A_227 = arith.addi %add3A_105, %add3A_226 : vector<640x128xi32>
    %stack3A = vector.shape_cast %add3A_227 : vector<640x128xi32> to vector<640x1x128xi32>
    %stack3A_228 = vector.shape_cast %add3A_224 : vector<640x128xi32> to vector<640x1x128xi32>
    %stack3A_229 = tpu.concatenate %stack3A, %stack3A_228 in 1 : vector<640x1x128xi32>, vector<640x1x128xi32> -> vector<640x2x128xi32>
    %reshape3A = vector.shape_cast %stack3A_229 : vector<640x2x128xi32> to vector<1280x128xi32>
    %swap3A = arith.constant 0 : index
    %swap3A_230 = arith.constant 0 : index
    %swap3A_231 = arith.constant 0 : index
    %swap3A_232 = vector.load %arg2[%swap3A, %swap3A_230, %swap3A_231] : memref<2x1280x128xi32, #tpu.memory_space<vmem>>, vector<1x1280x128xi32>
    %swap3A_233 = vector.shape_cast %swap3A_232 : vector<1x1280x128xi32> to vector<1280x128xi32>
    %swap3A_234 = vector.shape_cast %reshape3A : vector<1280x128xi32> to vector<1x1280x128xi32>
    tpu.vector_store %arg2[%swap3A, %swap3A_230, %swap3A_231], %swap3A_234 {strides = array<i32>} : memref<2x1280x128xi32, #tpu.memory_space<vmem>>, vector<1x1280x128xi32>,
    %add3A_235 = arith.constant 51200 : i32
    %add3A_236 = vector.broadcast %add3A_235 : i32 to vector<640x128xi32>
    %add3A_237 = arith.addi %add3A_105, %add3A_236 : vector<640x128xi32>
    %stack3A_238 = vector.shape_cast %add3A_237 : vector<640x128xi32> to vector<640x1x128xi32>
    %stack3A_239 = vector.shape_cast %add3A_224 : vector<640x128xi32> to vector<640x1x128xi32>
    %stack3A_240 = tpu.concatenate %stack3A_238, %stack3A_239 in 1 : vector<640x1x128xi32>, vector<640x1x128xi32> -> vector<640x2x128xi32>
    %reshape3A_241 = vector.shape_cast %stack3A_240 : vector<640x2x128xi32> to vector<1280x128xi32>
    %swap3A_242 = arith.constant 1 : index
    %swap3A_243 = arith.constant 0 : index
    %swap3A_244 = arith.constant 0 : index
    %swap3A_245 = vector.load %arg2[%swap3A_242, %swap3A_243, %swap3A_244] : memref<2x1280x128xi32, #tpu.memory_space<vmem>>, vector<1x1280x128xi32>
    %swap3A_246 = vector.shape_cast %swap3A_245 : vector<1x1280x128xi32> to vector<1280x128xi32>
    %swap3A_247 = vector.shape_cast %reshape3A_241 : vector<1280x128xi32> to vector<1x1280x128xi32>
    tpu.vector_store %arg2[%swap3A_242, %swap3A_243, %swap3A_244], %swap3A_247 {strides = array<i32>} : memref<2x1280x128xi32, #tpu.memory_space<vmem>>, vector<1x1280x128xi32>,
    return
  }
  func.func @transform_0(%arg0: i32) -> (i32, i32, i32) {
    %c0_i32 = arith.constant 0 : i32
    %c0_i32_0 = arith.constant 0 : i32
    %c0_i32_1 = arith.constant 0 : i32
    return %c0_i32, %arg0, %c0_i32_0 : i32, i32, i32
  }
  func.func @transform_1(%arg0: i32) -> (i32, i32, i32) {
    %c0_i32 = arith.constant 0 : i32
    %c0_i32_0 = arith.constant 0 : i32
    %c0_i32_1 = arith.constant 0 : i32
    return %c0_i32, %arg0, %c0_i32_0 : i32, i32, i32
  }
}

module attributes {stable_mosaic.version = 14 : i64} {
  func.func @_embed_body(%arg0: i32, %arg1: memref<2048x59xf32, #tpu.memory_space<vmem>>, %arg2: memref<59x64xf32, #tpu.memory_space<vmem>>, %arg3: memref<2x512x128xf32, #tpu.memory_space<vmem>>) attributes {dimension_semantics = [#tpu.dimension_semantics<arbitrary>], iteration_bounds = array<i64: 25>, scalar_prefetch = 0 : i64, scratch_operands = 0 : i64, tpu.core_type = #tpu.core_type<tc>, window_params = [{transform_indices = @transform_0, window_bounds = array<i64: 2048, 59>}, {pipeline_mode = #tpu.pipeline_mode<synchronous>, transform_indices = @transform_1, window_bounds = array<i64: 59, 64>}, {transform_indices = @transform_2, window_bounds = array<i64: 2, 512, 128>}]} {
    %get3A = arith.constant 0 : index
    %get3A_0 = arith.constant 0 : index
    %get3A_1 = vector.load %arg1[%get3A, %get3A_0] : memref<2048x59xf32, #tpu.memory_space<vmem>>, vector<2048x59xf32>
    %get3A_2 = arith.constant 0 : index
    %get3A_3 = arith.constant 0 : index
    %get3A_4 = vector.load %arg2[%get3A_2, %get3A_3] : memref<59x64xf32, #tpu.memory_space<vmem>>, vector<59x64xf32>
    %dot_general3A = arith.constant dense<0.000000e+00> : vector<2048x64xf32>
    %dot_general3A_5 = tpu.matmul %get3A_1, %get3A_4, %dot_general3A {dimension_numbers = #tpu.dot_dimension_numbers<[1], [0], [0], [1], [0, 0, 1, 1], [], []>, transpose_lhs_hint = false} : vector<2048x59xf32>, vector<59x64xf32>, vector<2048x64xf32> -> vector<2048x64xf32>
    %slice3A = vector.extract_strided_slice %dot_general3A_5 {offsets = [0, 0], sizes = [2048, 32], strides = [1, 1]} : vector<2048x64xf32> to vector<2048x32xf32>
    %slice3A_6 = vector.extract_strided_slice %slice3A {offsets = [0, 0], sizes = [512, 32], strides = [1, 1]} : vector<2048x32xf32> to vector<512x32xf32>
    %slice3A_7 = vector.extract_strided_slice %slice3A {offsets = [512, 0], sizes = [512, 32], strides = [1, 1]} : vector<2048x32xf32> to vector<512x32xf32>
    %slice3A_8 = vector.extract_strided_slice %slice3A {offsets = [1024, 0], sizes = [512, 32], strides = [1, 1]} : vector<2048x32xf32> to vector<512x32xf32>
    %slice3A_9 = vector.extract_strided_slice %slice3A {offsets = [1536, 0], sizes = [512, 32], strides = [1, 1]} : vector<2048x32xf32> to vector<512x32xf32>
    %concatenate3A = tpu.concatenate %slice3A_6, %slice3A_7, %slice3A_8, %slice3A_9 in 1 : vector<512x32xf32>, vector<512x32xf32>, vector<512x32xf32>, vector<512x32xf32> -> vector<512x128xf32>
    %swap3A = arith.constant 0 : index
    %swap3A_10 = arith.constant 0 : index
    %swap3A_11 = arith.constant 0 : index
    %swap3A_12 = vector.load %arg3[%swap3A, %swap3A_10, %swap3A_11] : memref<2x512x128xf32, #tpu.memory_space<vmem>>, vector<1x512x128xf32>
    %swap3A_13 = vector.shape_cast %swap3A_12 : vector<1x512x128xf32> to vector<512x128xf32>
    %swap3A_14 = vector.shape_cast %concatenate3A : vector<512x128xf32> to vector<1x512x128xf32>
    tpu.vector_store %arg3[%swap3A, %swap3A_10, %swap3A_11], %swap3A_14 {strides = array<i32>} : memref<2x512x128xf32, #tpu.memory_space<vmem>>, vector<1x512x128xf32>,
    %slice3A_15 = vector.extract_strided_slice %dot_general3A_5 {offsets = [0, 32], sizes = [2048, 32], strides = [1, 1]} : vector<2048x64xf32> to vector<2048x32xf32>
    %slice3A_16 = vector.extract_strided_slice %slice3A_15 {offsets = [0, 0], sizes = [512, 32], strides = [1, 1]} : vector<2048x32xf32> to vector<512x32xf32>
    %slice3A_17 = vector.extract_strided_slice %slice3A_15 {offsets = [512, 0], sizes = [512, 32], strides = [1, 1]} : vector<2048x32xf32> to vector<512x32xf32>
    %slice3A_18 = vector.extract_strided_slice %slice3A_15 {offsets = [1024, 0], sizes = [512, 32], strides = [1, 1]} : vector<2048x32xf32> to vector<512x32xf32>
    %slice3A_19 = vector.extract_strided_slice %slice3A_15 {offsets = [1536, 0], sizes = [512, 32], strides = [1, 1]} : vector<2048x32xf32> to vector<512x32xf32>
    %concatenate3A_20 = tpu.concatenate %slice3A_16, %slice3A_17, %slice3A_18, %slice3A_19 in 1 : vector<512x32xf32>, vector<512x32xf32>, vector<512x32xf32>, vector<512x32xf32> -> vector<512x128xf32>
    %swap3A_21 = arith.constant 1 : index
    %swap3A_22 = arith.constant 0 : index
    %swap3A_23 = arith.constant 0 : index
    %swap3A_24 = vector.load %arg3[%swap3A_21, %swap3A_22, %swap3A_23] : memref<2x512x128xf32, #tpu.memory_space<vmem>>, vector<1x512x128xf32>
    %swap3A_25 = vector.shape_cast %swap3A_24 : vector<1x512x128xf32> to vector<512x128xf32>
    %swap3A_26 = vector.shape_cast %concatenate3A_20 : vector<512x128xf32> to vector<1x512x128xf32>
    tpu.vector_store %arg3[%swap3A_21, %swap3A_22, %swap3A_23], %swap3A_26 {strides = array<i32>} : memref<2x512x128xf32, #tpu.memory_space<vmem>>, vector<1x512x128xf32>,
    return
  }
  func.func @transform_0(%arg0: i32) -> (i32, i32) {
    %c0_i32 = arith.constant 0 : i32
    %c0_i32_0 = arith.constant 0 : i32
    return %arg0, %c0_i32 : i32, i32
  }
  func.func @transform_1(%arg0: i32) -> (i32, i32) {
    %c0_i32 = arith.constant 0 : i32
    %c0_i32_0 = arith.constant 0 : i32
    %c0_i32_1 = arith.constant 0 : i32
    return %c0_i32, %c0_i32_0 : i32, i32
  }
  func.func @transform_2(%arg0: i32) -> (i32, i32, i32) {
    %c0_i32 = arith.constant 0 : i32
    %c0_i32_0 = arith.constant 0 : i32
    %c0_i32_1 = arith.constant 0 : i32
    return %c0_i32, %arg0, %c0_i32_0 : i32, i32, i32
  }
}

module attributes {stable_mosaic.version = 14 : i64} {
  func.func @_layer_body(%arg0: i32, %arg1: memref<2x512x128xf32, #tpu.memory_space<vmem>>, %arg2: memref<2x512x128xf32, #tpu.memory_space<vmem>>, %arg3: memref<64x64xf32, #tpu.memory_space<vmem>>, %arg4: memref<1x64xf32, #tpu.memory_space<vmem>>, %arg5: memref<1x64xf32, #tpu.memory_space<vmem>>, %arg6: memref<2x512x128xf32, #tpu.memory_space<vmem>>) attributes {dimension_semantics = [#tpu.dimension_semantics<arbitrary>], iteration_bounds = array<i64: 25>, scalar_prefetch = 0 : i64, scratch_operands = 0 : i64, tpu.core_type = #tpu.core_type<tc>, window_params = [{transform_indices = @transform_0, window_bounds = array<i64: 2, 512, 128>}, {transform_indices = @transform_1, window_bounds = array<i64: 2, 512, 128>}, {pipeline_mode = #tpu.pipeline_mode<synchronous>, transform_indices = @transform_2, window_bounds = array<i64: 64, 64>}, {pipeline_mode = #tpu.pipeline_mode<synchronous>, transform_indices = @transform_3, window_bounds = array<i64: 1, 64>}, {pipeline_mode = #tpu.pipeline_mode<synchronous>, transform_indices = @transform_4, window_bounds = array<i64: 1, 64>}, {transform_indices = @transform_5, window_bounds = array<i64: 2, 512, 128>}]} {
    %get3A = arith.constant 0 : index
    %get3A_0 = arith.constant 0 : index
    %get3A_1 = vector.load %arg3[%get3A, %get3A_0] : memref<64x64xf32, #tpu.memory_space<vmem>>, vector<64x64xf32>
    %get3A_2 = arith.constant 0 : index
    %get3A_3 = arith.constant 0 : index
    %get3A_4 = vector.load %arg4[%get3A_2, %get3A_3] : memref<1x64xf32, #tpu.memory_space<vmem>>, vector<1x64xf32>
    %get3A_5 = arith.constant 0 : index
    %get3A_6 = arith.constant 0 : index
    %get3A_7 = vector.load %arg5[%get3A_5, %get3A_6] : memref<1x64xf32, #tpu.memory_space<vmem>>, vector<1x64xf32>
    %get3A_8 = arith.constant 0 : index
    %get3A_9 = arith.constant 0 : index
    %get3A_10 = arith.constant 0 : index
    %get3A_11 = vector.load %arg1[%get3A_8, %get3A_9, %get3A_10] : memref<2x512x128xf32, #tpu.memory_space<vmem>>, vector<1x512x128xf32>
    %get3A_12 = vector.shape_cast %get3A_11 : vector<1x512x128xf32> to vector<512x128xf32>
    %slice3A = vector.extract_strided_slice %get3A_12 {offsets = [0, 0], sizes = [512, 32], strides = [1, 1]} : vector<512x128xf32> to vector<512x32xf32>
    %slice3A_13 = vector.extract_strided_slice %get3A_12 {offsets = [0, 32], sizes = [512, 32], strides = [1, 1]} : vector<512x128xf32> to vector<512x32xf32>
    %slice3A_14 = vector.extract_strided_slice %get3A_12 {offsets = [0, 64], sizes = [512, 32], strides = [1, 1]} : vector<512x128xf32> to vector<512x32xf32>
    %slice3A_15 = vector.extract_strided_slice %get3A_12 {offsets = [0, 96], sizes = [512, 32], strides = [1, 1]} : vector<512x128xf32> to vector<512x32xf32>
    %concatenate3A = tpu.concatenate %slice3A, %slice3A_13, %slice3A_14, %slice3A_15 in 0 : vector<512x32xf32>, vector<512x32xf32>, vector<512x32xf32>, vector<512x32xf32> -> vector<2048x32xf32>
    %slice3A_16 = vector.extract_strided_slice %get3A_1 {offsets = [0, 0], sizes = [32, 64], strides = [1, 1]} : vector<64x64xf32> to vector<32x64xf32>
    %dot_general3A = arith.constant dense<0.000000e+00> : vector<2048x64xf32>
    %dot_general3A_17 = tpu.matmul %concatenate3A, %slice3A_16, %dot_general3A {dimension_numbers = #tpu.dot_dimension_numbers<[1], [0], [0], [1], [0, 0, 1, 1], [], []>, transpose_lhs_hint = false} : vector<2048x32xf32>, vector<32x64xf32>, vector<2048x64xf32> -> vector<2048x64xf32>
    %get3A_18 = arith.constant 1 : index
    %get3A_19 = arith.constant 0 : index
    %get3A_20 = arith.constant 0 : index
    %get3A_21 = vector.load %arg1[%get3A_18, %get3A_19, %get3A_20] : memref<2x512x128xf32, #tpu.memory_space<vmem>>, vector<1x512x128xf32>
    %get3A_22 = vector.shape_cast %get3A_21 : vector<1x512x128xf32> to vector<512x128xf32>
    %slice3A_23 = vector.extract_strided_slice %get3A_22 {offsets = [0, 0], sizes = [512, 32], strides = [1, 1]} : vector<512x128xf32> to vector<512x32xf32>
    %slice3A_24 = vector.extract_strided_slice %get3A_22 {offsets = [0, 32], sizes = [512, 32], strides = [1, 1]} : vector<512x128xf32> to vector<512x32xf32>
    %slice3A_25 = vector.extract_strided_slice %get3A_22 {offsets = [0, 64], sizes = [512, 32], strides = [1, 1]} : vector<512x128xf32> to vector<512x32xf32>
    %slice3A_26 = vector.extract_strided_slice %get3A_22 {offsets = [0, 96], sizes = [512, 32], strides = [1, 1]} : vector<512x128xf32> to vector<512x32xf32>
    %concatenate3A_27 = tpu.concatenate %slice3A_23, %slice3A_24, %slice3A_25, %slice3A_26 in 0 : vector<512x32xf32>, vector<512x32xf32>, vector<512x32xf32>, vector<512x32xf32> -> vector<2048x32xf32>
    %slice3A_28 = vector.extract_strided_slice %get3A_1 {offsets = [32, 0], sizes = [32, 64], strides = [1, 1]} : vector<64x64xf32> to vector<32x64xf32>
    %dot_general3A_29 = arith.constant dense<0.000000e+00> : vector<2048x64xf32>
    %dot_general3A_30 = tpu.matmul %concatenate3A_27, %slice3A_28, %dot_general3A_29 {dimension_numbers = #tpu.dot_dimension_numbers<[1], [0], [0], [1], [0, 0, 1, 1], [], []>, transpose_lhs_hint = false} : vector<2048x32xf32>, vector<32x64xf32>, vector<2048x64xf32> -> vector<2048x64xf32>
    %add3A = arith.addf %dot_general3A_17, %dot_general3A_30 : vector<2048x64xf32>
    %get3A_31 = arith.constant 0 : index
    %get3A_32 = arith.constant 0 : index
    %get3A_33 = arith.constant 0 : index
    %get3A_34 = vector.load %arg2[%get3A_31, %get3A_32, %get3A_33] : memref<2x512x128xf32, #tpu.memory_space<vmem>>, vector<1x512x128xf32>
    %get3A_35 = vector.shape_cast %get3A_34 : vector<1x512x128xf32> to vector<512x128xf32>
    %slice3A_36 = vector.extract_strided_slice %get3A_35 {offsets = [0, 0], sizes = [512, 32], strides = [1, 1]} : vector<512x128xf32> to vector<512x32xf32>
    %slice3A_37 = vector.extract_strided_slice %get3A_35 {offsets = [0, 32], sizes = [512, 32], strides = [1, 1]} : vector<512x128xf32> to vector<512x32xf32>
    %slice3A_38 = vector.extract_strided_slice %get3A_35 {offsets = [0, 64], sizes = [512, 32], strides = [1, 1]} : vector<512x128xf32> to vector<512x32xf32>
    %slice3A_39 = vector.extract_strided_slice %get3A_35 {offsets = [0, 96], sizes = [512, 32], strides = [1, 1]} : vector<512x128xf32> to vector<512x32xf32>
    %concatenate3A_40 = tpu.concatenate %slice3A_36, %slice3A_37, %slice3A_38, %slice3A_39 in 0 : vector<512x32xf32>, vector<512x32xf32>, vector<512x32xf32>, vector<512x32xf32> -> vector<2048x32xf32>
    %get3A_41 = arith.constant 1 : index
    %get3A_42 = arith.constant 0 : index
    %get3A_43 = arith.constant 0 : index
    %get3A_44 = vector.load %arg2[%get3A_41, %get3A_42, %get3A_43] : memref<2x512x128xf32, #tpu.memory_space<vmem>>, vector<1x512x128xf32>
    %get3A_45 = vector.shape_cast %get3A_44 : vector<1x512x128xf32> to vector<512x128xf32>
    %slice3A_46 = vector.extract_strided_slice %get3A_45 {offsets = [0, 0], sizes = [512, 32], strides = [1, 1]} : vector<512x128xf32> to vector<512x32xf32>
    %slice3A_47 = vector.extract_strided_slice %get3A_45 {offsets = [0, 32], sizes = [512, 32], strides = [1, 1]} : vector<512x128xf32> to vector<512x32xf32>
    %slice3A_48 = vector.extract_strided_slice %get3A_45 {offsets = [0, 64], sizes = [512, 32], strides = [1, 1]} : vector<512x128xf32> to vector<512x32xf32>
    %slice3A_49 = vector.extract_strided_slice %get3A_45 {offsets = [0, 96], sizes = [512, 32], strides = [1, 1]} : vector<512x128xf32> to vector<512x32xf32>
    %concatenate3A_50 = tpu.concatenate %slice3A_46, %slice3A_47, %slice3A_48, %slice3A_49 in 0 : vector<512x32xf32>, vector<512x32xf32>, vector<512x32xf32>, vector<512x32xf32> -> vector<2048x32xf32>
    %concatenate3A_51 = tpu.concatenate %concatenate3A_40, %concatenate3A_50 in 1 : vector<2048x32xf32>, vector<2048x32xf32> -> vector<2048x64xf32>
    %max3A = arith.constant 0.000000e+00 : f32
    %max3A_52 = vector.broadcast %max3A : f32 to vector<2048x64xf32>
    %max3A_53 = arith.maximumf %add3A, %max3A_52 : vector<2048x64xf32>
    %add3A_54 = arith.addf %max3A_53, %concatenate3A_51 : vector<2048x64xf32>
    %reduce_sum3A = arith.constant dense<0.000000e+00> : vector<2048xf32>
    %reduce_sum3A_55 = vector.multi_reduction <add>, %add3A_54, %reduce_sum3A [1] : vector<2048x64xf32> to vector<2048xf32>
    %broadcast_in_dim3A = vector.shape_cast %reduce_sum3A_55 : vector<2048xf32> to vector<2048x1xf32>
    %div3A = arith.constant 6.400000e+01 : f32
    %div3A_56 = vector.broadcast %div3A : f32 to vector<2048x1xf32>
    %div3A_57 = arith.divf %broadcast_in_dim3A, %div3A_56 : vector<2048x1xf32>
    %sub3A = vector.broadcast %div3A_57 : vector<2048x1xf32> to vector<2048x64xf32>
    %sub3A_58 = arith.subf %add3A_54, %sub3A : vector<2048x64xf32>
    %integer_pow3A = arith.mulf %sub3A_58, %sub3A_58 : vector<2048x64xf32>
    %reduce_sum3A_59 = arith.constant dense<0.000000e+00> : vector<2048xf32>
    %reduce_sum3A_60 = vector.multi_reduction <add>, %integer_pow3A, %reduce_sum3A_59 [1] : vector<2048x64xf32> to vector<2048xf32>
    %broadcast_in_dim3A_61 = vector.shape_cast %reduce_sum3A_60 : vector<2048xf32> to vector<2048x1xf32>
    %div3A_62 = arith.constant 6.400000e+01 : f32
    %div3A_63 = vector.broadcast %div3A_62 : f32 to vector<2048x1xf32>
    %div3A_64 = arith.divf %broadcast_in_dim3A_61, %div3A_63 : vector<2048x1xf32>
    %sub3A_65 = vector.broadcast %div3A_57 : vector<2048x1xf32> to vector<2048x64xf32>
    %sub3A_66 = arith.subf %add3A_54, %sub3A_65 : vector<2048x64xf32>
    %add3A_67 = arith.constant 9.99999974E-6 : f32
    %add3A_68 = vector.broadcast %add3A_67 : f32 to vector<2048x1xf32>
    %add3A_69 = arith.addf %div3A_64, %add3A_68 : vector<2048x1xf32>
    %rsqrt3A = math.rsqrt %add3A_69 : vector<2048x1xf32>
    %mul3A = vector.broadcast %rsqrt3A : vector<2048x1xf32> to vector<2048x64xf32>
    %mul3A_70 = arith.mulf %sub3A_66, %mul3A : vector<2048x64xf32>
    %mul3A_71 = vector.broadcast %get3A_4 : vector<1x64xf32> to vector<2048x64xf32>
    %mul3A_72 = arith.mulf %mul3A_70, %mul3A_71 : vector<2048x64xf32>
    %add3A_73 = vector.broadcast %get3A_7 : vector<1x64xf32> to vector<2048x64xf32>
    %add3A_74 = arith.addf %mul3A_72, %add3A_73 : vector<2048x64xf32>
    %slice3A_75 = vector.extract_strided_slice %add3A_74 {offsets = [0, 0], sizes = [2048, 32], strides = [1, 1]} : vector<2048x64xf32> to vector<2048x32xf32>
    %slice3A_76 = vector.extract_strided_slice %slice3A_75 {offsets = [0, 0], sizes = [512, 32], strides = [1, 1]} : vector<2048x32xf32> to vector<512x32xf32>
    %slice3A_77 = vector.extract_strided_slice %slice3A_75 {offsets = [512, 0], sizes = [512, 32], strides = [1, 1]} : vector<2048x32xf32> to vector<512x32xf32>
    %slice3A_78 = vector.extract_strided_slice %slice3A_75 {offsets = [1024, 0], sizes = [512, 32], strides = [1, 1]} : vector<2048x32xf32> to vector<512x32xf32>
    %slice3A_79 = vector.extract_strided_slice %slice3A_75 {offsets = [1536, 0], sizes = [512, 32], strides = [1, 1]} : vector<2048x32xf32> to vector<512x32xf32>
    %concatenate3A_80 = tpu.concatenate %slice3A_76, %slice3A_77, %slice3A_78, %slice3A_79 in 1 : vector<512x32xf32>, vector<512x32xf32>, vector<512x32xf32>, vector<512x32xf32> -> vector<512x128xf32>
    %swap3A = arith.constant 0 : index
    %swap3A_81 = arith.constant 0 : index
    %swap3A_82 = arith.constant 0 : index
    %swap3A_83 = vector.load %arg6[%swap3A, %swap3A_81, %swap3A_82] : memref<2x512x128xf32, #tpu.memory_space<vmem>>, vector<1x512x128xf32>
    %swap3A_84 = vector.shape_cast %swap3A_83 : vector<1x512x128xf32> to vector<512x128xf32>
    %swap3A_85 = vector.shape_cast %concatenate3A_80 : vector<512x128xf32> to vector<1x512x128xf32>
    tpu.vector_store %arg6[%swap3A, %swap3A_81, %swap3A_82], %swap3A_85 {strides = array<i32>} : memref<2x512x128xf32, #tpu.memory_space<vmem>>, vector<1x512x128xf32>,
    %slice3A_86 = vector.extract_strided_slice %add3A_74 {offsets = [0, 32], sizes = [2048, 32], strides = [1, 1]} : vector<2048x64xf32> to vector<2048x32xf32>
    %slice3A_87 = vector.extract_strided_slice %slice3A_86 {offsets = [0, 0], sizes = [512, 32], strides = [1, 1]} : vector<2048x32xf32> to vector<512x32xf32>
    %slice3A_88 = vector.extract_strided_slice %slice3A_86 {offsets = [512, 0], sizes = [512, 32], strides = [1, 1]} : vector<2048x32xf32> to vector<512x32xf32>
    %slice3A_89 = vector.extract_strided_slice %slice3A_86 {offsets = [1024, 0], sizes = [512, 32], strides = [1, 1]} : vector<2048x32xf32> to vector<512x32xf32>
    %slice3A_90 = vector.extract_strided_slice %slice3A_86 {offsets = [1536, 0], sizes = [512, 32], strides = [1, 1]} : vector<2048x32xf32> to vector<512x32xf32>
    %concatenate3A_91 = tpu.concatenate %slice3A_87, %slice3A_88, %slice3A_89, %slice3A_90 in 1 : vector<512x32xf32>, vector<512x32xf32>, vector<512x32xf32>, vector<512x32xf32> -> vector<512x128xf32>
    %swap3A_92 = arith.constant 1 : index
    %swap3A_93 = arith.constant 0 : index
    %swap3A_94 = arith.constant 0 : index
    %swap3A_95 = vector.load %arg6[%swap3A_92, %swap3A_93, %swap3A_94] : memref<2x512x128xf32, #tpu.memory_space<vmem>>, vector<1x512x128xf32>
    %swap3A_96 = vector.shape_cast %swap3A_95 : vector<1x512x128xf32> to vector<512x128xf32>
    %swap3A_97 = vector.shape_cast %concatenate3A_91 : vector<512x128xf32> to vector<1x512x128xf32>
    tpu.vector_store %arg6[%swap3A_92, %swap3A_93, %swap3A_94], %swap3A_97 {strides = array<i32>} : memref<2x512x128xf32, #tpu.memory_space<vmem>>, vector<1x512x128xf32>,
    return
  }
  func.func @transform_0(%arg0: i32) -> (i32, i32, i32) {
    %c0_i32 = arith.constant 0 : i32
    %c0_i32_0 = arith.constant 0 : i32
    %c0_i32_1 = arith.constant 0 : i32
    return %c0_i32, %arg0, %c0_i32_0 : i32, i32, i32
  }
  func.func @transform_1(%arg0: i32) -> (i32, i32, i32) {
    %c0_i32 = arith.constant 0 : i32
    %c0_i32_0 = arith.constant 0 : i32
    %c0_i32_1 = arith.constant 0 : i32
    return %c0_i32, %arg0, %c0_i32_0 : i32, i32, i32
  }
  func.func @transform_2(%arg0: i32) -> (i32, i32) {
    %c0_i32 = arith.constant 0 : i32
    %c0_i32_0 = arith.constant 0 : i32
    %c0_i32_1 = arith.constant 0 : i32
    return %c0_i32, %c0_i32_0 : i32, i32
  }
  func.func @transform_3(%arg0: i32) -> (i32, i32) {
    %c0_i32 = arith.constant 0 : i32
    %c0_i32_0 = arith.constant 0 : i32
    %c0_i32_1 = arith.constant 0 : i32
    return %c0_i32, %c0_i32_0 : i32, i32
  }
  func.func @transform_4(%arg0: i32) -> (i32, i32) {
    %c0_i32 = arith.constant 0 : i32
    %c0_i32_0 = arith.constant 0 : i32
    %c0_i32_1 = arith.constant 0 : i32
    return %c0_i32, %c0_i32_0 : i32, i32
  }
  func.func @transform_5(%arg0: i32) -> (i32, i32, i32) {
    %c0_i32 = arith.constant 0 : i32
    %c0_i32_0 = arith.constant 0 : i32
    %c0_i32_1 = arith.constant 0 : i32
    return %c0_i32, %arg0, %c0_i32_0 : i32, i32, i32
  }
}

module attributes {stable_mosaic.version = 14 : i64} {
  func.func @_last_layer_body(%arg0: i32, %arg1: memref<2x512x128xf32, #tpu.memory_space<vmem>>, %arg2: memref<2x512x128xf32, #tpu.memory_space<vmem>>, %arg3: memref<64x64xf32, #tpu.memory_space<vmem>>, %arg4: memref<1x64xf32, #tpu.memory_space<vmem>>, %arg5: memref<1x64xf32, #tpu.memory_space<vmem>>, %arg6: memref<1x64xf32, #tpu.memory_space<vmem>>, %arg7: memref<1x1xf32, #tpu.memory_space<vmem>>) attributes {dimension_semantics = [#tpu.dimension_semantics<arbitrary>], iteration_bounds = array<i64: 25>, scalar_prefetch = 0 : i64, scratch_operands = 0 : i64, tpu.core_type = #tpu.core_type<tc>, window_params = [{transform_indices = @transform_0, window_bounds = array<i64: 2, 512, 128>}, {transform_indices = @transform_1, window_bounds = array<i64: 2, 512, 128>}, {pipeline_mode = #tpu.pipeline_mode<synchronous>, transform_indices = @transform_2, window_bounds = array<i64: 64, 64>}, {pipeline_mode = #tpu.pipeline_mode<synchronous>, transform_indices = @transform_3, window_bounds = array<i64: 1, 64>}, {pipeline_mode = #tpu.pipeline_mode<synchronous>, transform_indices = @transform_4, window_bounds = array<i64: 1, 64>}, {pipeline_mode = #tpu.pipeline_mode<synchronous>, transform_indices = @transform_5, window_bounds = array<i64: 1, 64>}, {pipeline_mode = #tpu.pipeline_mode<synchronous>, transform_indices = @transform_6, window_bounds = array<i64: 1, 1>}]} {
    %get3A = arith.constant 0 : index
    %get3A_0 = arith.constant 0 : index
    %get3A_1 = vector.load %arg3[%get3A, %get3A_0] : memref<64x64xf32, #tpu.memory_space<vmem>>, vector<64x64xf32>
    %get3A_2 = arith.constant 0 : index
    %get3A_3 = arith.constant 0 : index
    %get3A_4 = vector.load %arg4[%get3A_2, %get3A_3] : memref<1x64xf32, #tpu.memory_space<vmem>>, vector<1x64xf32>
    %get3A_5 = arith.constant 0 : index
    %get3A_6 = arith.constant 0 : index
    %get3A_7 = vector.load %arg5[%get3A_5, %get3A_6] : memref<1x64xf32, #tpu.memory_space<vmem>>, vector<1x64xf32>
    %get3A_8 = arith.constant 0 : index
    %get3A_9 = arith.constant 0 : index
    %get3A_10 = arith.constant 0 : index
    %get3A_11 = vector.load %arg1[%get3A_8, %get3A_9, %get3A_10] : memref<2x512x128xf32, #tpu.memory_space<vmem>>, vector<1x512x128xf32>
    %get3A_12 = vector.shape_cast %get3A_11 : vector<1x512x128xf32> to vector<512x128xf32>
    %slice3A = vector.extract_strided_slice %get3A_12 {offsets = [0, 0], sizes = [512, 32], strides = [1, 1]} : vector<512x128xf32> to vector<512x32xf32>
    %slice3A_13 = vector.extract_strided_slice %get3A_12 {offsets = [0, 32], sizes = [512, 32], strides = [1, 1]} : vector<512x128xf32> to vector<512x32xf32>
    %slice3A_14 = vector.extract_strided_slice %get3A_12 {offsets = [0, 64], sizes = [512, 32], strides = [1, 1]} : vector<512x128xf32> to vector<512x32xf32>
    %slice3A_15 = vector.extract_strided_slice %get3A_12 {offsets = [0, 96], sizes = [512, 32], strides = [1, 1]} : vector<512x128xf32> to vector<512x32xf32>
    %concatenate3A = tpu.concatenate %slice3A, %slice3A_13, %slice3A_14, %slice3A_15 in 0 : vector<512x32xf32>, vector<512x32xf32>, vector<512x32xf32>, vector<512x32xf32> -> vector<2048x32xf32>
    %slice3A_16 = vector.extract_strided_slice %get3A_1 {offsets = [0, 0], sizes = [32, 64], strides = [1, 1]} : vector<64x64xf32> to vector<32x64xf32>
    %dot_general3A = arith.constant dense<0.000000e+00> : vector<2048x64xf32>
    %dot_general3A_17 = tpu.matmul %concatenate3A, %slice3A_16, %dot_general3A {dimension_numbers = #tpu.dot_dimension_numbers<[1], [0], [0], [1], [0, 0, 1, 1], [], []>, transpose_lhs_hint = false} : vector<2048x32xf32>, vector<32x64xf32>, vector<2048x64xf32> -> vector<2048x64xf32>
    %get3A_18 = arith.constant 1 : index
    %get3A_19 = arith.constant 0 : index
    %get3A_20 = arith.constant 0 : index
    %get3A_21 = vector.load %arg1[%get3A_18, %get3A_19, %get3A_20] : memref<2x512x128xf32, #tpu.memory_space<vmem>>, vector<1x512x128xf32>
    %get3A_22 = vector.shape_cast %get3A_21 : vector<1x512x128xf32> to vector<512x128xf32>
    %slice3A_23 = vector.extract_strided_slice %get3A_22 {offsets = [0, 0], sizes = [512, 32], strides = [1, 1]} : vector<512x128xf32> to vector<512x32xf32>
    %slice3A_24 = vector.extract_strided_slice %get3A_22 {offsets = [0, 32], sizes = [512, 32], strides = [1, 1]} : vector<512x128xf32> to vector<512x32xf32>
    %slice3A_25 = vector.extract_strided_slice %get3A_22 {offsets = [0, 64], sizes = [512, 32], strides = [1, 1]} : vector<512x128xf32> to vector<512x32xf32>
    %slice3A_26 = vector.extract_strided_slice %get3A_22 {offsets = [0, 96], sizes = [512, 32], strides = [1, 1]} : vector<512x128xf32> to vector<512x32xf32>
    %concatenate3A_27 = tpu.concatenate %slice3A_23, %slice3A_24, %slice3A_25, %slice3A_26 in 0 : vector<512x32xf32>, vector<512x32xf32>, vector<512x32xf32>, vector<512x32xf32> -> vector<2048x32xf32>
    %slice3A_28 = vector.extract_strided_slice %get3A_1 {offsets = [32, 0], sizes = [32, 64], strides = [1, 1]} : vector<64x64xf32> to vector<32x64xf32>
    %dot_general3A_29 = arith.constant dense<0.000000e+00> : vector<2048x64xf32>
    %dot_general3A_30 = tpu.matmul %concatenate3A_27, %slice3A_28, %dot_general3A_29 {dimension_numbers = #tpu.dot_dimension_numbers<[1], [0], [0], [1], [0, 0, 1, 1], [], []>, transpose_lhs_hint = false} : vector<2048x32xf32>, vector<32x64xf32>, vector<2048x64xf32> -> vector<2048x64xf32>
    %add3A = arith.addf %dot_general3A_17, %dot_general3A_30 : vector<2048x64xf32>
    %get3A_31 = arith.constant 0 : index
    %get3A_32 = arith.constant 0 : index
    %get3A_33 = arith.constant 0 : index
    %get3A_34 = vector.load %arg2[%get3A_31, %get3A_32, %get3A_33] : memref<2x512x128xf32, #tpu.memory_space<vmem>>, vector<1x512x128xf32>
    %get3A_35 = vector.shape_cast %get3A_34 : vector<1x512x128xf32> to vector<512x128xf32>
    %slice3A_36 = vector.extract_strided_slice %get3A_35 {offsets = [0, 0], sizes = [512, 32], strides = [1, 1]} : vector<512x128xf32> to vector<512x32xf32>
    %slice3A_37 = vector.extract_strided_slice %get3A_35 {offsets = [0, 32], sizes = [512, 32], strides = [1, 1]} : vector<512x128xf32> to vector<512x32xf32>
    %slice3A_38 = vector.extract_strided_slice %get3A_35 {offsets = [0, 64], sizes = [512, 32], strides = [1, 1]} : vector<512x128xf32> to vector<512x32xf32>
    %slice3A_39 = vector.extract_strided_slice %get3A_35 {offsets = [0, 96], sizes = [512, 32], strides = [1, 1]} : vector<512x128xf32> to vector<512x32xf32>
    %concatenate3A_40 = tpu.concatenate %slice3A_36, %slice3A_37, %slice3A_38, %slice3A_39 in 0 : vector<512x32xf32>, vector<512x32xf32>, vector<512x32xf32>, vector<512x32xf32> -> vector<2048x32xf32>
    %get3A_41 = arith.constant 1 : index
    %get3A_42 = arith.constant 0 : index
    %get3A_43 = arith.constant 0 : index
    %get3A_44 = vector.load %arg2[%get3A_41, %get3A_42, %get3A_43] : memref<2x512x128xf32, #tpu.memory_space<vmem>>, vector<1x512x128xf32>
    %get3A_45 = vector.shape_cast %get3A_44 : vector<1x512x128xf32> to vector<512x128xf32>
    %slice3A_46 = vector.extract_strided_slice %get3A_45 {offsets = [0, 0], sizes = [512, 32], strides = [1, 1]} : vector<512x128xf32> to vector<512x32xf32>
    %slice3A_47 = vector.extract_strided_slice %get3A_45 {offsets = [0, 32], sizes = [512, 32], strides = [1, 1]} : vector<512x128xf32> to vector<512x32xf32>
    %slice3A_48 = vector.extract_strided_slice %get3A_45 {offsets = [0, 64], sizes = [512, 32], strides = [1, 1]} : vector<512x128xf32> to vector<512x32xf32>
    %slice3A_49 = vector.extract_strided_slice %get3A_45 {offsets = [0, 96], sizes = [512, 32], strides = [1, 1]} : vector<512x128xf32> to vector<512x32xf32>
    %concatenate3A_50 = tpu.concatenate %slice3A_46, %slice3A_47, %slice3A_48, %slice3A_49 in 0 : vector<512x32xf32>, vector<512x32xf32>, vector<512x32xf32>, vector<512x32xf32> -> vector<2048x32xf32>
    %concatenate3A_51 = tpu.concatenate %concatenate3A_40, %concatenate3A_50 in 1 : vector<2048x32xf32>, vector<2048x32xf32> -> vector<2048x64xf32>
    %max3A = arith.constant 0.000000e+00 : f32
    %max3A_52 = vector.broadcast %max3A : f32 to vector<2048x64xf32>
    %max3A_53 = arith.maximumf %add3A, %max3A_52 : vector<2048x64xf32>
    %add3A_54 = arith.addf %max3A_53, %concatenate3A_51 : vector<2048x64xf32>
    %reduce_sum3A = arith.constant dense<0.000000e+00> : vector<2048xf32>
    %reduce_sum3A_55 = vector.multi_reduction <add>, %add3A_54, %reduce_sum3A [1] : vector<2048x64xf32> to vector<2048xf32>
    %broadcast_in_dim3A = vector.shape_cast %reduce_sum3A_55 : vector<2048xf32> to vector<2048x1xf32>
    %div3A = arith.constant 6.400000e+01 : f32
    %div3A_56 = vector.broadcast %div3A : f32 to vector<2048x1xf32>
    %div3A_57 = arith.divf %broadcast_in_dim3A, %div3A_56 : vector<2048x1xf32>
    %sub3A = vector.broadcast %div3A_57 : vector<2048x1xf32> to vector<2048x64xf32>
    %sub3A_58 = arith.subf %add3A_54, %sub3A : vector<2048x64xf32>
    %integer_pow3A = arith.mulf %sub3A_58, %sub3A_58 : vector<2048x64xf32>
    %reduce_sum3A_59 = arith.constant dense<0.000000e+00> : vector<2048xf32>
    %reduce_sum3A_60 = vector.multi_reduction <add>, %integer_pow3A, %reduce_sum3A_59 [1] : vector<2048x64xf32> to vector<2048xf32>
    %broadcast_in_dim3A_61 = vector.shape_cast %reduce_sum3A_60 : vector<2048xf32> to vector<2048x1xf32>
    %div3A_62 = arith.constant 6.400000e+01 : f32
    %div3A_63 = vector.broadcast %div3A_62 : f32 to vector<2048x1xf32>
    %div3A_64 = arith.divf %broadcast_in_dim3A_61, %div3A_63 : vector<2048x1xf32>
    %sub3A_65 = vector.broadcast %div3A_57 : vector<2048x1xf32> to vector<2048x64xf32>
    %sub3A_66 = arith.subf %add3A_54, %sub3A_65 : vector<2048x64xf32>
    %add3A_67 = arith.constant 9.99999974E-6 : f32
    %add3A_68 = vector.broadcast %add3A_67 : f32 to vector<2048x1xf32>
    %add3A_69 = arith.addf %div3A_64, %add3A_68 : vector<2048x1xf32>
    %rsqrt3A = math.rsqrt %add3A_69 : vector<2048x1xf32>
    %mul3A = vector.broadcast %rsqrt3A : vector<2048x1xf32> to vector<2048x64xf32>
    %mul3A_70 = arith.mulf %sub3A_66, %mul3A : vector<2048x64xf32>
    %mul3A_71 = vector.broadcast %get3A_4 : vector<1x64xf32> to vector<2048x64xf32>
    %mul3A_72 = arith.mulf %mul3A_70, %mul3A_71 : vector<2048x64xf32>
    %add3A_73 = vector.broadcast %get3A_7 : vector<1x64xf32> to vector<2048x64xf32>
    %add3A_74 = arith.addf %mul3A_72, %add3A_73 : vector<2048x64xf32>
    %eq3A = arith.constant 0 : i32
    %eq3A_75 = arith.cmpi eq, %arg0, %eq3A : i32
    %convert_element_type3A = arith.extui %eq3A_75 : i1 to i32
    %cond3A = arith.constant 0 : i32
    %cond3A_76 = arith.cmpi ne, %convert_element_type3A, %cond3A : i32
    scf.if %cond3A_76 {
      %broadcast_in_dim3A_103 = arith.constant 0.000000e+00 : f32
      %broadcast_in_dim3A_104 = vector.broadcast %broadcast_in_dim3A_103 : f32 to vector<1x1xf32>
      %swap3A_105 = arith.constant 0 : index
      %swap3A_106 = arith.constant 0 : index
      %swap3A_107 = vector.load %arg7[%swap3A_105, %swap3A_106] : memref<1x1xf32, #tpu.memory_space<vmem>>, vector<1x1xf32>
      tpu.vector_store %arg7[%swap3A_105, %swap3A_106], %broadcast_in_dim3A_104 {strides = array<i32>} : memref<1x1xf32, #tpu.memory_space<vmem>>, vector<1x1xf32>,
    } else {
    }
    %mul3A_77 = arith.constant 2048 : i32
    %mul3A_78 = arith.muli %arg0, %mul3A_77 : i32
    %iota3A = tpu.iota {dimensions = array<i32: 0>} : vector<2048x64xi32>
    %add3A_79 = vector.broadcast %mul3A_78 : i32 to vector<2048x64xi32>
    %add3A_80 = arith.addi %add3A_79, %iota3A : vector<2048x64xi32>
    %lt3A = arith.constant 50000 : i32
    %lt3A_81 = vector.broadcast %lt3A : i32 to vector<2048x64xi32>
    %lt3A_82 = arith.cmpi slt, %add3A_80, %lt3A_81 : vector<2048x64xi32>
    %jit3A = arith.constant 0.000000e+00 : f32
    %broadcast_in_dim3A_83 = vector.broadcast %jit3A : f32 to vector<2048x64xf32>
    %select_n3A = arith.select %lt3A_82, %add3A_74, %broadcast_in_dim3A_83 : vector<2048x64xi1>, vector<2048x64xf32>
    %reduce_sum3A_84 = arith.constant dense<0.000000e+00> : vector<64xf32>
    %reduce_sum3A_85 = vector.multi_reduction <add>, %select_n3A, %reduce_sum3A_84 [0] : vector<2048x64xf32> to vector<64xf32>
    %get3A_86 = arith.constant 0 : index
    %get3A_87 = arith.constant 0 : index
    %get3A_88 = vector.load %arg6[%get3A_86, %get3A_87] : memref<1x64xf32, #tpu.memory_space<vmem>>, vector<1x64xf32>
    %get3A_89 = vector.shape_cast %get3A_88 : vector<1x64xf32> to vector<64xf32>
    %mul3A_90 = arith.mulf %reduce_sum3A_85, %get3A_89 : vector<64xf32>
    %reduce_sum3A_91 = vector.shape_cast %mul3A_90 : vector<64xf32> to vector<1x64xf32>
    %reduce_sum3A_92 = arith.constant dense<0.000000e+00> : vector<1xf32>
    %reduce_sum3A_93 = vector.multi_reduction <add>, %reduce_sum3A_91, %reduce_sum3A_92 [1] : vector<1x64xf32> to vector<1xf32>
    %reduce_sum3A_94 = vector.shape_cast %reduce_sum3A_93 : vector<1xf32> to vector<1x1xf32>
    %reduce_sum3A_95 = vector.extract %reduce_sum3A_94[0, 0] : f32 from vector<1x1xf32>
    %get3A_96 = arith.constant 0 : index
    %get3A_97 = arith.constant 0 : index
    %get3A_98 = vector.load %arg7[%get3A_96, %get3A_97] : memref<1x1xf32, #tpu.memory_space<vmem>>, vector<1x1xf32>
    %broadcast_in_dim3A_99 = vector.broadcast %reduce_sum3A_95 : f32 to vector<1x1xf32>
    %add3A_100 = arith.addf %get3A_98, %broadcast_in_dim3A_99 : vector<1x1xf32>
    %swap3A = arith.constant 0 : index
    %swap3A_101 = arith.constant 0 : index
    %swap3A_102 = vector.load %arg7[%swap3A, %swap3A_101] : memref<1x1xf32, #tpu.memory_space<vmem>>, vector<1x1xf32>
    tpu.vector_store %arg7[%swap3A, %swap3A_101], %add3A_100 {strides = array<i32>} : memref<1x1xf32, #tpu.memory_space<vmem>>, vector<1x1xf32>,
    return
  }
  func.func @transform_0(%arg0: i32) -> (i32, i32, i32) {
    %c0_i32 = arith.constant 0 : i32
    %c0_i32_0 = arith.constant 0 : i32
    %c0_i32_1 = arith.constant 0 : i32
    return %c0_i32, %arg0, %c0_i32_0 : i32, i32, i32
  }
  func.func @transform_1(%arg0: i32) -> (i32, i32, i32) {
    %c0_i32 = arith.constant 0 : i32
    %c0_i32_0 = arith.constant 0 : i32
    %c0_i32_1 = arith.constant 0 : i32
    return %c0_i32, %arg0, %c0_i32_0 : i32, i32, i32
  }
  func.func @transform_2(%arg0: i32) -> (i32, i32) {
    %c0_i32 = arith.constant 0 : i32
    %c0_i32_0 = arith.constant 0 : i32
    %c0_i32_1 = arith.constant 0 : i32
    return %c0_i32, %c0_i32_0 : i32, i32
  }
  func.func @transform_3(%arg0: i32) -> (i32, i32) {
    %c0_i32 = arith.constant 0 : i32
    %c0_i32_0 = arith.constant 0 : i32
    %c0_i32_1 = arith.constant 0 : i32
    return %c0_i32, %c0_i32_0 : i32, i32
  }
  func.func @transform_4(%arg0: i32) -> (i32, i32) {
    %c0_i32 = arith.constant 0 : i32
    %c0_i32_0 = arith.constant 0 : i32
    %c0_i32_1 = arith.constant 0 : i32
    return %c0_i32, %c0_i32_0 : i32, i32
  }
  func.func @transform_5(%arg0: i32) -> (i32, i32) {
    %c0_i32 = arith.constant 0 : i32
    %c0_i32_0 = arith.constant 0 : i32
    %c0_i32_1 = arith.constant 0 : i32
    return %c0_i32, %c0_i32_0 : i32, i32
  }
  func.func @transform_6(%arg0: i32) -> (i32, i32) {
    %c0_i32 = arith.constant 0 : i32
    %c0_i32_0 = arith.constant 0 : i32
    %c0_i32_1 = arith.constant 0 : i32
    return %c0_i32, %c0_i32_0 : i32, i32
  }
}

</mosaic_0001>

<sc_bundles>
// kernel: kernel.12.cloned.1.call-start
scs
__scs_entry_jumppad:
0x0: {  	(pc) =	sbr.rel $0x88, $3  }
0x1: {  	(tag) =	ssettag $0x0;
	lr =	simm.s32 $0x1  }
0x2: {  	[smem:$0x3F9A] =	sst lr;
	_ =	strace $0xD0000000  }
0x3: {  	_ = 	snop  }
0x4: {  	_ = 	snop  }
0x5: {  	_ = 	snop  }
0x6: {  	_ = 	snop  }
0x7: {  	_ = 	snop  }
__scs_overlays_trampoline_lowered:
0x8: {  	[smem:$0x3FA9] =	sst s0  }
0x9: {  	[smem:$0x3FAA] =	sst s1  }
0xa: {  	[smem:$0x3FAB] =	sst s2  }
0xb: {  	[smem:$0x3FAC] =	sst s3  }
0xc: {  	[smem:$0x3FAD] =	sst s4  }
0xd: {  	[smem:$0x3FAE] =	sst s5  }
0xe: {  	[smem:$0x3FAF] =	sst s6  }
0xf: {  	[smem:$0x3FB0] =	sst s7  }
0x10: {  	[smem:$0x3FB1] =	sst s8  }
0x11: {  	[smem:$0x3FB2] =	sst s9;
	s0 =	simm.s32 @!p0 $0x0  }
0x12: {  	s1 =	sld [smem:$0x3F98];
	s0 =	simm.s32 @p0 $0x1  }
0x13: {  	[smem:$0x3FB3] =	sst s0;
	s0 =	simm.s32 @!p1 $0x0  }
0x14: {  	s2 =	sld [smem:$0x3F97];
	s0 =	simm.s32 @p1 $0x1  }
0x15: {  	[smem:$0x3FB4] =	sst s0;
	s0 =	simm.s32 @!p2 $0x0  }
0x16: {  	s3 =	sld [smem:$0x3FDB];
	s0 =	simm.s32 @p2 $0x1  }
0x17: {  	s4 =	simm.s32 $0x1BF5;
	[smem:$0x3FB6] =	sst s0  }
0x18: {  	s0 =	sld [smem:$0x3F99];
	_ =	swait.ge [sflag:s4], $0x0  }
0x19: {  	s7 =	sld [smem:$0x3F9A]  }
0x1a: {  	s8 =	sadd.s32 $0xFFFFE003, lr  }
0x1b: {  	s9 =	sadd.s32 $0xFFFFFEF7, lr;
	s5 =	simm.s32 $0xFFFFFFFF;
	p2 =	slt.u32 s8, $0xFFFFF086  }
0x1c: {  	p1 =	slt.u32 s9, $0xF7A;
	s5 =	simm.s32 @!p2 $0x0  }
0x1d: {  	s5 =	simm.s32 @p1 $0x1;
	p0 =	seq.s32 s7, s2  }
0x1e: {  	s7 =	smul.u32 @!p0 $0xF7A, s2;
	p2 =	seq.s32 @!p0 s5, $0x0  }
0x1f: {  	s9 =	smul.u32 $0xF7A, s1;
	s8 =	simm.s32 @!p0 $0x1BF5;
	p2 =	por !p2, p0  }
0x20: {  	[sflag:s8] =	ssyncset.s32 @!p0 $0xFFFFF086;
	s6 =	sadd.s32 @!p0 s3, s7;
	s7 =	simm.s32 @!p0 $0x108  }
0x21: {  	s3 =	sadd.s32 s3, s9;
	s6 =	sadd.s32 @!p0 $0x88, s6;
	s7 =	simm.s32 @p2 $0x1082  }
0x22: {  	[simem:s7], [sflag:s8] =	dma.local @!p0 [hbm:s6], $0xF7A  }
0x23: {  	s9 =	sor.u32 $0xD0000000, s2;
	s6 =	simm.s32 $0x108;
	_ =	swait.ge @!p0 [sflag:s8], $0x0  }
0x24: {  	s3 =	sadd.s32 $0x88, s3;
	s6 =	simm.s32 @!p1 $0x1082;
	[sflag:s4] =	ssyncset.s32 $0xFFFFF086  }
0x25: {  	[simem:s6], [sflag:s4] =	dma.local [hbm:s3], $0xF7A  }
0x26: {  	[smem:$0x3F9A] =	sst s1;
	(tag) =	ssettag s2;
	_ =	strace s9  }
0x27: {  	s1 =	sld [smem:$0x3FAA]  }
0x28: {  	s2 =	sld [smem:$0x3FAB]  }
0x29: {  	s4 =	sld [smem:$0x3FAD]  }
0x2a: {  	p0 =	seq.s32 s5, $0x0;
	s5 =	sld [smem:$0x3FAE]  }
0x2b: {  	s6 =	sld [smem:$0x3FAF]  }
0x2c: {  	s7 =	sld [smem:$0x3FB0]  }
0x2d: {  	s3 =	simm.s32 $0x108;
	s8 =	sld [smem:$0x3FB1]  }
0x2e: {  	s3 =	simm.s32 @!p0 $0x1082;
	s9 =	sld [smem:$0x3FB2]  }
0x2f: {  	lr =	sadd.s32 s0, s3;
	s0 =	sld [smem:$0x3FA9]  }
0x30: {  	s3 =	sld [smem:$0x3FAC]  }
0x31: {  	[smem:$0x3FB5] =	sst s10  }
0x32: {  	s10 =	sld [smem:$0x3FB3];
	_ =	sdelay $0x3  }
0x33: {  	p0 =	seq.s32 s10, $0x1;
	s10 =	sld [smem:$0x3FB5];
	_ =	sdelay $0x3  }
0x34: {  	[smem:$0x3FB5] =	sst s10  }
0x35: {  	s10 =	sld [smem:$0x3FB4];
	_ =	sdelay $0x3  }
0x36: {  	p1 =	seq.s32 s10, $0x1;
	s10 =	sld [smem:$0x3FB5];
	_ =	sdelay $0x3  }
0x37: {  	[smem:$0x3FB5] =	sst s10  }
0x38: {  	s10 =	sld [smem:$0x3FB6]  }
0x39: {  	_ = 	snop;
	(pc) =	sbr.ind lr, $3  }
0x3a: {  	_ = 	snop  }
0x3b: {  	_ = 	snop  }
0x3c: {  	p2 =	seq.s32 s10, $0x1;
	s10 =	sld [smem:$0x3FB5]  }
0x3d: {  	_ =	shalt  }
0x3e: {  	_ =	shalt  }
0x3f: {  	_ =	shalt  }
0x40: {  	_ =	shalt  }
0x41: {  	_ =	shalt  }
0x42: {  	_ =	shalt  }
0x43: {  	_ =	shalt  }
0x44: {  	_ =	shalt  }
0x45: {  	_ =	shalt  }
0x46: {  	_ =	shalt  }
0x47: {  	_ =	shalt  }
0x48: {  	_ =	shalt  }
0x49: {  	_ =	shalt  }
0x4a: {  	_ =	shalt  }
0x4b: {  	_ =	shalt  }
0x4c: {  	_ =	shalt  }
0x4d: {  	_ =	shalt  }
0x4e: {  	_ =	shalt  }
0x4f: {  	_ =	shalt  }
0x50: {  	_ =	shalt  }
0x51: {  	_ =	shalt  }
0x52: {  	_ =	shalt  }
0x53: {  	_ =	shalt  }
0x54: {  	_ =	shalt  }
0x55: {  	_ =	shalt  }
0x56: {  	_ =	shalt  }
0x57: {  	_ =	shalt  }
0x58: {  	_ =	shalt  }
0x59: {  	_ =	shalt  }
0x5a: {  	_ =	shalt  }
0x5b: {  	_ =	shalt  }
0x5c: {  	_ =	shalt  }
0x5d: {  	_ =	shalt  }
0x5e: {  	_ =	shalt  }
0x5f: {  	_ =	shalt  }
0x60: {  	_ =	shalt  }
0x61: {  	_ =	shalt  }
0x62: {  	_ =	shalt  }
0x63: {  	_ =	shalt  }
0x64: {  	_ =	shalt  }
0x65: {  	_ =	shalt  }
0x66: {  	_ =	shalt  }
0x67: {  	_ =	shalt  }
0x68: {  	_ =	shalt  }
0x69: {  	_ =	shalt  }
0x6a: {  	_ =	shalt  }
0x6b: {  	_ =	shalt  }
0x6c: {  	_ =	shalt  }
0x6d: {  	_ =	shalt  }
0x6e: {  	_ =	shalt  }
0x6f: {  	_ =	shalt  }
0x70: {  	_ =	shalt  }
0x71: {  	_ =	shalt  }
0x72: {  	_ =	shalt  }
0x73: {  	_ =	shalt  }
0x74: {  	_ =	shalt  }
0x75: {  	_ =	shalt  }
0x76: {  	_ =	shalt  }
0x77: {  	_ =	shalt  }
0x78: {  	_ =	shalt  }
0x79: {  	_ =	shalt  }
0x7a: {  	_ =	shalt  }
0x7b: {  	_ =	shalt  }
0x7c: {  	_ =	shalt  }
0x7d: {  	_ =	shalt  }
0x7e: {  	_ =	shalt  }
0x7f: {  	_ =	shalt  }
0x80: {  	_ =	shalt  }
0x81: {  	_ =	shalt  }
0x82: {  	_ =	shalt  }
0x83: {  	_ =	shalt  }
0x84: {  	_ =	shalt  }
0x85: {  	_ =	shalt  }
0x86: {  	_ =	shalt  }
0x87: {  	_ =	shalt  }
.Lfunc_end0:
.L_simem_size_0:
called_computation_lowered:
.L_overlay_start_0:
0x88: {  	s2 =	sld [smem:$0x3FD9]  }
0x89: {  	s3 =	sld [smem:$0x3FFE];
	_ =	sdelay $0x1  }
0x8a: {  	s1 =	srdreg.scid  }
0x8b: {  	s0 =	sand.u32 $0x1, s1  }
0x8c: {  	s16 =	sshll.u32 s0, $0xA;
	s2 =	sadd.s32 s3, s2  }
0x8d: {  	s2 =	sadd.s32 s2, s16  }
0x8e: {  	[smem:$0x3FC1] =	sst s2  }
0x8f: {  	_ = 	snop  }
0x90: {  	(tm) =	ssettm $0x1  }
0x91: {  	s17 =	sld [smem:$0x3FFB];
	_ =	sdelay $0x3  }
0x92: {  	_ =	strace s17  }
0x93: {  	s2 =	sld [smem:$0x3FFC];
	_ =	sdelay $0x3  }
0x94: {  	_ =	strace s2  }
0x95: {  	s2 =	sld [smem:$0x3FFD];
	_ =	sdelay $0x3  }
0x96: {  	_ =	strace s2  }
0x97: {  	_ =	strace $0x8FFFFFFF  }
0x98: {  	s18 =	sld [smem:$0x3FDB];
	_ =	sdelay $0x1  }
0x99: {  	s19 =	simm.s32 $_scs_section_size  }
0x9a: {  	s4 =	simm.s32 $_size__tile_overlayer_lowered;
	s5 =	simm.s32 $_tile_overlayer_lowered  }
0x9b: {  	s22 =	simm.s32 $0x1BFF;
	s21 =	sshll.u32 s5, $0x1;
	s2 =	sadd.s32 s19, s18  }
0x9c: {  	s6 =	simm.s32 $0x0;
	s20 =	sshll.u32 s4, $0x1;
	s4 =	sadd.s32 s21, s2  }
0x9d: {  	[timem:s6], [sflag:s22] =	dma.local [hbm:s4], s20  }
0x9e: {  	_ =	swait.ge [sflag:s22], s20  }
0x9f: {  	s3 =	ssub.s32 $0x0, s20;
	[sflag:s22] =	ssyncset.done $0x0  }
0xa0: {  	[sflag:s22] =	ssyncadd.s32 s3;
	_ =	sdelay $0x1  }
0xa1: {  	s23 =	simm.s32 $0x1B8B  }
0xa2: {  	_ =	swait.ge [sflag:s23], $0x1  }
0xa3: {  	[sflag:s23] =	ssyncset.done $0x0  }
0xa4: {  	s25 =	simm.s32 $0x1B8E;
	s24 =	sld [smem:$0x3FFE];
	[sflag:s23] =	ssyncadd.s32 $0xFFFFFFFF  }
0xa5: {  	s26 =	simm.s32 $execute0_lowered;
	[smem:$0x3FD2] =	sst s25  }
0xa6: {  	s4 =	sshll.u32 s26, $0x1;
	_ =	strace $0x80000046;
	[dreg:$0x1] =	wrdreg $0xFFFFFFFF  }
0xa7: {  	s28 =	simm.s32 $_size_execute0_lowered;
	s2 =	sadd.s32 s2, s4;
	[dreg:$0x0] =	wrdreg $0x0  }
0xa8: {  	s4 =	sshll.u32 s28, $0x1;
	[dreg:$0x2] =	wrdreg s2  }
0xa9: {  	[dreg:$0x3] =	wrdreg s4  }
0xaa: {  	[dreg:$0x4] =	wrdreg $0xC0  }
0xab: {  	_ =	task [dreg:s6], $0x5FFFF  }
0xac: {  	[dreg:$0x1] =	wrdreg $0xFFFFFFFF  }
0xad: {  	[dreg:$0x0] =	wrdreg $0x60  }
0xae: {  	[dreg:$0x2] =	wrdreg s24  }
0xaf: {  	[dreg:$0x3] =	wrdreg $0x68000  }
0xb0: {  	[dreg:$0x4] =	wrdreg $0x9  }
0xb1: {  	_ =	task.clear_ibuf [dreg:s6], $0x5FFFF;
	_ =	strace $0x90000046  }
0xb2: {  	s29 =	simm.s32 $0x9;
	_ =	strace $0x80000048  }
0xb3: {  	_ =	swait.ge [sflag:s29], $0x1  }
0xb4: {  	[sflag:s29] =	ssyncadd.s32 $0xFFFFFFFF  }
0xb5: {  	_ =	strace $0x90000048  }
0xb6: {  	_ =	sfence  }
0xb7: {  	s30 =	sld [smem:$0x0];
	_ =	sdelay $0x2  }
0xb8: {  	s31 =	sshll.u32 s1, $0xD;
	s1 =	sshrl.u32 s1, $0x2  }
0xb9: {  	s3 =	sand.u32 $0x4000, s31;
	s1 =	sadd.s32 s1, s30  }
0xba: {  	s0 =	sor.u32 s3, s0;
	s1 =	sshll.u32 s1, $0x11  }
0xbb: {  	s0 =	sor.u32 s1, s0  }
0xbc: {  	s0 =	sadd.s32 $0x8F2B, s0  }
0xbd: {  	[sflag:s0] =	ssyncadd.remote.s32 $0x1  }
0xbe: {  	_ =	sfence.sel $0xFFFF  }
0xbf: {  	[dreg:$0x0] =	wrdreg $0xFFFFFFFF;
	(pc) =	sbr.abs _section_cstart, $3  }
0xc0: {  	[dreg:$0x1] =	wrdreg $0xFFFFFFFF  }
0xc1: {  	_ =	task.clear_ibuf [dreg:s6], $0x2FFFF;
	_ =	strace $0x9FFFFFFF  }
0xc2: {  	(tm) =	ssettm $0x7FFFFFFF  }
0xc3: {  	_ =	shalt  }
tec
execute0_lowered:
.L_overlay_start_1:
0x0: {  	(tag) =	ssettag $0x1  }
0x1: {  	s0 =	rddreg [dreg:$0x0]  }
0x2: {  	s2 =	rddreg [dreg:$0x1]  }
0x3: {  	s10 =	stileid.u32;
	s1 =	srdreg.scid  }
0x4: {  	s20 =	simm.s32 $0x0;
	s13 =	simm.s32 $0x9;
	s14 =	simm.s32 $0x80  }
0x5: {  	s15 =	simm.s32 $0x2800;
	s17 =	simm.s32 $0x3800;
	s19 =	simm.s32 $0x4800  }
0x6: {  	s21 =	simm.s32 $0x5800;
	s22 =	simm.s32 $0x1;
	s23 =	simm.s32 $0x5  }
0x7: {  	s28 =	simm.s32 $0x6;
	s30 =	simm.s32 $0x3;
	s31 =	simm.s32 $0x280  }
0x8: {  	s11 =	simm.s32 $0x8;
	s12 =	simm.s32 $0x2480;
	s16 =	simm.s32 $0x2680  }
0x9: {  	s18 =	simm.s32 $0x2780;
	s3 =	smul.u32 $0x19000, s10;
	s1 =	sand.u32 $0x1, s1  }
0xa: {  	[smem:$0x7FF] =	sst s20;
	s5 =	sadd.s32 $0x68200, s0;
	s6 =	sadd.s32 $0x4200, s0  }
0xb: {  	s25 =	sshll.u32 s10, $0x6;
	s4 =	smul.u32 $0x190000, s1;
	s1 =	ssub.s32 $0x2, s1  }
0xc: {  	_ =	strace $0x80000047;
	s8 =	sshrl.u32 s3, $0x3;
	s9 =	sshrl.u32 s1, $0x1  }
0xd: {  	s7 =	sadd.s32 s3, s4;
	s8 =	sadd.s32 s8, s0;
	s1 =	ssub.s32 s1, s9  }
0xe: {  	s3 =	sadd.s32 s3, s2;
	s9 =	smul.u32 $0x190, s10;
	s10 =	simm.s32 $0x380  }
0xf: {  	s7 =	sshrl.u32 s7, $0x3;
	s24 =	sadd.s32 $0xCC200, s8;
	s26 =	smax.u32 s1, $0x1  }
0x10: {  	s29 =	sshrl.u32 s3, $0x3;
	s1 =	simm.s32 $0x600;
	[dreg:$0x4] =	wrdreg s24  }
0x11: {  	s8 =	simm.s32 $0x2700;
	s3 =	simm.s32 $0x2580;
	[dreg:$0x7] =	wrdreg s26  }
0x12: {  	s0 =	sadd.s32 s7, s0;
	s24 =	sor.u32 $0x1C09, s25;
	[dreg:$0x8] =	wrdreg s29  }
0x13: {  	s25 =	simm.s32 $0x2;
	s0 =	sadd.s32 $0xFE200, s0;
	[dreg:$0x5] =	wrdreg s24  }
0x14: {  	s7 =	simm.s32 $0x4;
	[dreg:$0x6] =	wrdreg s0;
	s0 =	simm.s32 $0x7  }
.LBB2_1:
0x15: {  	[dreg:$0x3] =	wrdreg s20  }
0x16: {  	s26 =	rddreg [dreg:$0x4]  }
0x17: {  	[spmem:s29], [sflag:s24] =	dma.local [hbm:s26], $0x3200  }
0x18: {  	_ =	swait.ge [sflag:s13], $0x3200  }
0x19: {  	[sflag:s13] =	ssyncset.done $0x0  }
0x1a: {  	[sflag:s13] =	ssyncadd.s32 $0xFFFFCE00  }
0x1b: {  	s20 =	simm.s32 $0x0;
	[bflag:$0x0] =	sbarrier.arrive $0xFFFF  }
.LBB2_2:
0x1c: {  	s24 =	smul.u32 $0x28, s20;
	_ =	sdelay $0x1  }
0x1d: {  	s24 =	sadd.s32 s9, s24  }
0x1e: {  	s24 =	sshll.u32 s24, $0x8  }
0x1f: {  	s24 =	sadd.s32 s4, s24  }
0x20: {  	s24 =	sshrl.u32 s24, $0x3  }
0x21: {  	s26 =	simm.s32 $0x0;
	s24 =	sadd.s32 s6, s24  }
0x22: {  	[tilespmem:s26], [sflag:$0x9] =	stream.linear.gather [hbm4b:s24+s26], $0x2800, $0x38;
	[tilespmem:$0x1F800] =	vst v63  }
0x23: {  	_ =	swait.ge [sflag:s13], $0x2800  }
0x24: {  	[sflag:s13] =	ssyncset.done $0x0  }
0x25: {  	[sflag:s13] =	ssyncadd.s32 $0xFFFFD800  }
0x26: {  	[tilespmem:s15], [sflag:$0x1] =	stream.indirect.gather [hbm4b:s5+s14], $0x20, s26, s14, $0xb8;
	[tilespmem:$0x1F800] =	vst v63  }
0x27: {  	s29 =	simm.s32 $0x100  }
0x28: {  	[tilespmem:s17], [sflag:$0x2] =	stream.indirect.gather [hbm4b:s5+s14], $0x20, s29, s14, $0xb8;
	[tilespmem:$0x1F800] =	vst v63  }
0x29: {  	s26 =	simm.s32 $0x200  }
0x2a: {  	[tilespmem:s19], [sflag:$0x3] =	stream.indirect.gather [hbm4b:s5+s14], $0x20, s26, s14, $0xb8;
	[tilespmem:$0x1F800] =	vst v63  }
0x2b: {  	s29 =	simm.s32 $0x300  }
0x2c: {  	[tilespmem:s21], [sflag:$0x4] =	stream.indirect.gather [hbm4b:s5+s14], $0x20, s29, s14, $0xb8;
	[tilespmem:$0x1F800] =	vst v63  }
0x2d: {  	_ =	swait.ge [sflag:s22], $0x1000  }
0x2e: {  	[sflag:s22] =	ssyncset.done $0x0  }
0x2f: {  	[sflag:s22] =	ssyncadd.s32 $0xFFFFF000  }
0x30: {  	[spmem:s2] =	stream.indirect.scatter.add.f32 [tilespmem:s15], [sflag:$0x5], $0x20, s14, s14, $0xb8;
	[tilespmem:$0x1F800] =	vst v63  }
0x31: {  	_ =	swait.ge [sflag:s23], $0x1000  }
0x32: {  	[sflag:s23] =	ssyncset.done $0x0  }
0x33: {  	s26 =	simm.s32 $0x400;
	[sflag:s23] =	ssyncadd.s32 $0xFFFFF000  }
0x34: {  	[tilespmem:s15], [sflag:$0x1] =	stream.indirect.gather [hbm4b:s5+s14], $0x20, s26, s14, $0xb8;
	[tilespmem:$0x1F800] =	vst v63  }
0x35: {  	_ =	swait.ge [sflag:s25], $0x1000  }
0x36: {  	[sflag:s25] =	ssyncset.done $0x0  }
0x37: {  	s29 =	simm.s32 $0x180;
	[sflag:s25] =	ssyncadd.s32 $0xFFFFF000  }
0x38: {  	[spmem:s2] =	stream.indirect.scatter.add.f32 [tilespmem:s17], [sflag:$0x6], $0x20, s29, s14, $0xb8;
	[tilespmem:$0x1F800] =	vst v63  }
0x39: {  	_ =	swait.ge [sflag:s28], $0x1000  }
0x3a: {  	[sflag:s28] =	ssyncset.done $0x0  }
0x3b: {  	s26 =	simm.s32 $0x500;
	[sflag:s28] =	ssyncadd.s32 $0xFFFFF000  }
0x3c: {  	[tilespmem:s17], [sflag:$0x2] =	stream.indirect.gather [hbm4b:s5+s14], $0x20, s26, s14, $0xb8;
	[tilespmem:$0x1F800] =	vst v63  }
0x3d: {  	_ =	swait.ge [sflag:s30], $0x1000  }
0x3e: {  	[sflag:s30] =	ssyncset.done $0x0  }
0x3f: {  	[sflag:s30] =	ssyncadd.s32 $0xFFFFF000  }
0x40: {  	[spmem:s2] =	stream.indirect.scatter.add.f32 [tilespmem:s19], [sflag:$0x7], $0x20, s31, s14, $0xb8;
	[tilespmem:$0x1F800] =	vst v63  }
0x41: {  	_ =	swait.ge [sflag:s0], $0x1000  }
0x42: {  	[sflag:s0] =	ssyncset.done $0x0  }
0x43: {  	[sflag:s0] =	ssyncadd.s32 $0xFFFFF000  }
0x44: {  	[tilespmem:s19], [sflag:$0x3] =	stream.indirect.gather [hbm4b:s5+s14], $0x20, s1, s14, $0xb8;
	[tilespmem:$0x1F800] =	vst v63  }
0x45: {  	_ =	swait.ge [sflag:s7], $0x1000  }
0x46: {  	[sflag:s7] =	ssyncset.done $0x0  }
0x47: {  	[sflag:s7] =	ssyncadd.s32 $0xFFFFF000  }
0x48: {  	[spmem:s2] =	stream.indirect.scatter.add.f32 [tilespmem:s21], [sflag:$0x8], $0x20, s10, s14, $0xb8;
	[tilespmem:$0x1F800] =	vst v63  }
0x49: {  	_ =	swait.ge [sflag:s11], $0x1000  }
0x4a: {  	[sflag:s11] =	ssyncset.done $0x0  }
0x4b: {  	s29 =	simm.s32 $0x700;
	[sflag:s11] =	ssyncadd.s32 $0xFFFFF000  }
0x4c: {  	[tilespmem:s21], [sflag:$0x4] =	stream.indirect.gather [hbm4b:s5+s14], $0x20, s29, s14, $0xb8;
	[tilespmem:$0x1F800] =	vst v63  }
0x4d: {  	_ =	swait.ge [sflag:s22], $0x1000  }
0x4e: {  	[sflag:s22] =	ssyncset.done $0x0  }
0x4f: {  	s26 =	simm.s32 $0x480;
	[sflag:s22] =	ssyncadd.s32 $0xFFFFF000  }
0x50: {  	[spmem:s2] =	stream.indirect.scatter.add.f32 [tilespmem:s15], [sflag:$0x5], $0x20, s26, s14, $0xb8;
	[tilespmem:$0x1F800] =	vst v63  }
0x51: {  	_ =	swait.ge [sflag:s23], $0x1000  }
0x52: {  	[sflag:s23] =	ssyncset.done $0x0  }
0x53: {  	s29 =	simm.s32 $0x800;
	[sflag:s23] =	ssyncadd.s32 $0xFFFFF000  }
0x54: {  	[tilespmem:s15], [sflag:$0x1] =	stream.indirect.gather [hbm4b:s5+s14], $0x20, s29, s14, $0xb8;
	[tilespmem:$0x1F800] =	vst v63  }
0x55: {  	_ =	swait.ge [sflag:s25], $0x1000  }
0x56: {  	[sflag:s25] =	ssyncset.done $0x0  }
0x57: {  	s26 =	simm.s32 $0x580;
	[sflag:s25] =	ssyncadd.s32 $0xFFFFF000  }
0x58: {  	[spmem:s2] =	stream.indirect.scatter.add.f32 [tilespmem:s17], [sflag:$0x6], $0x20, s26, s14, $0xb8;
	[tilespmem:$0x1F800] =	vst v63  }
0x59: {  	_ =	swait.ge [sflag:s28], $0x1000  }
0x5a: {  	[sflag:s28] =	ssyncset.done $0x0  }
0x5b: {  	s29 =	simm.s32 $0x900;
	[sflag:s28] =	ssyncadd.s32 $0xFFFFF000  }
0x5c: {  	[tilespmem:s17], [sflag:$0x2] =	stream.indirect.gather [hbm4b:s5+s14], $0x20, s29, s14, $0xb8;
	[tilespmem:$0x1F800] =	vst v63  }
0x5d: {  	_ =	swait.ge [sflag:s30], $0x1000  }
0x5e: {  	[sflag:s30] =	ssyncset.done $0x0  }
0x5f: {  	s26 =	simm.s32 $0x680;
	[sflag:s30] =	ssyncadd.s32 $0xFFFFF000  }
0x60: {  	[spmem:s2] =	stream.indirect.scatter.add.f32 [tilespmem:s19], [sflag:$0x7], $0x20, s26, s14, $0xb8;
	[tilespmem:$0x1F800] =	vst v63  }
0x61: {  	_ =	swait.ge [sflag:s0], $0x1000  }
0x62: {  	[sflag:s0] =	ssyncset.done $0x0  }
0x63: {  	s29 =	simm.s32 $0xA00;
	[sflag:s0] =	ssyncadd.s32 $0xFFFFF000  }
0x64: {  	[tilespmem:s19], [sflag:$0x3] =	stream.indirect.gather [hbm4b:s5+s14], $0x20, s29, s14, $0xb8;
	[tilespmem:$0x1F800] =	vst v63  }
0x65: {  	_ =	swait.ge [sflag:s7], $0x1000  }
0x66: {  	[sflag:s7] =	ssyncset.done $0x0  }
0x67: {  	s24 =	simm.s32 $0x1000;
	s26 =	simm.s32 $0x780;
	[sflag:s7] =	ssyncadd.s32 $0xFFFFF000  }
.LBB2_3:
0x68: {  	[spmem:s2] =	stream.indirect.scatter.add.f32 [tilespmem:s21], [sflag:$0x8], $0x20, s26, s14, $0xb8;
	[tilespmem:$0x1F800] =	vst v63  }
0x69: {  	s26 =	smov.u32 s24  }
0x6a: {  	p0 =	sne.s32 s24, $0x7000;
	s24 =	sadd.s32 $0x1000, s24;
	_ =	swait.ge [sflag:s11], $0x1000  }
0x6b: {  	s26 =	sshra.s32 s26, $0x2;
	[sflag:s11] =	ssyncset.done $0x0  }
0x6c: {  	s29 =	sadd.s32 $0x700, s26;
	[sflag:s11] =	ssyncadd.s32 $0xFFFFF000  }
0x6d: {  	[tilespmem:s21], [sflag:$0x4] =	stream.indirect.gather [hbm4b:s5+s14], $0x20, s29, s14, $0xb8;
	[tilespmem:$0x1F800] =	vst v63  }
0x6e: {  	_ =	swait.ge [sflag:s22], $0x1000  }
0x6f: {  	[sflag:s22] =	ssyncset.done $0x0  }
0x70: {  	s29 =	sadd.s32 $0x480, s26;
	[sflag:s22] =	ssyncadd.s32 $0xFFFFF000  }
0x71: {  	[spmem:s2] =	stream.indirect.scatter.add.f32 [tilespmem:s15], [sflag:$0x5], $0x20, s29, s14, $0xb8;
	[tilespmem:$0x1F800] =	vst v63  }
0x72: {  	_ =	swait.ge [sflag:s23], $0x1000  }
0x73: {  	[sflag:s23] =	ssyncset.done $0x0  }
0x74: {  	s29 =	sadd.s32 $0x800, s26;
	[sflag:s23] =	ssyncadd.s32 $0xFFFFF000  }
0x75: {  	[tilespmem:s15], [sflag:$0x1] =	stream.indirect.gather [hbm4b:s5+s14], $0x20, s29, s14, $0xb8;
	[tilespmem:$0x1F800] =	vst v63  }
0x76: {  	_ =	swait.ge [sflag:s25], $0x1000  }
0x77: {  	[sflag:s25] =	ssyncset.done $0x0  }
0x78: {  	s29 =	sadd.s32 $0x580, s26;
	[sflag:s25] =	ssyncadd.s32 $0xFFFFF000  }
0x79: {  	[spmem:s2] =	stream.indirect.scatter.add.f32 [tilespmem:s17], [sflag:$0x6], $0x20, s29, s14, $0xb8;
	[tilespmem:$0x1F800] =	vst v63  }
0x7a: {  	_ =	swait.ge [sflag:s28], $0x1000  }
0x7b: {  	[sflag:s28] =	ssyncset.done $0x0  }
0x7c: {  	s29 =	sadd.s32 $0x900, s26;
	[sflag:s28] =	ssyncadd.s32 $0xFFFFF000  }
0x7d: {  	[tilespmem:s17], [sflag:$0x2] =	stream.indirect.gather [hbm4b:s5+s14], $0x20, s29, s14, $0xb8;
	[tilespmem:$0x1F800] =	vst v63  }
0x7e: {  	_ =	swait.ge [sflag:s30], $0x1000  }
0x7f: {  	[sflag:s30] =	ssyncset.done $0x0  }
0x80: {  	s29 =	sadd.s32 $0x680, s26;
	[sflag:s30] =	ssyncadd.s32 $0xFFFFF000  }
0x81: {  	[spmem:s2] =	stream.indirect.scatter.add.f32 [tilespmem:s19], [sflag:$0x7], $0x20, s29, s14, $0xb8;
	[tilespmem:$0x1F800] =	vst v63  }
0x82: {  	_ =	swait.ge [sflag:s0], $0x1000  }
0x83: {  	[sflag:s0] =	ssyncset.done $0x0  }
.Ltmp0:
0x84: {  	s29 =	sadd.s32 $0xA00, s26;
	[sflag:s0] =	ssyncadd.s32 $0xFFFFF000;
	(pc) =	sbr.rel @p0 .LBB2_3-.Ltmp0, $4  }
0x85: {  	[tilespmem:s19], [sflag:$0x3] =	stream.indirect.gather [hbm4b:s5+s14], $0x20, s29, s14, $0xb8;
	[tilespmem:$0x1F800] =	vst v63  }
0x86: {  	_ =	swait.ge [sflag:s7], $0x1000  }
0x87: {  	[sflag:s7] =	ssyncset.done $0x0  }
0x88: {  	s26 =	sadd.s32 $0x780, s26;
	[sflag:s7] =	ssyncadd.s32 $0xFFFFF000  }
0x89: {  	[spmem:s2] =	stream.indirect.scatter.add.f32 [tilespmem:s21], [sflag:$0x8], $0x20, s26, s14, $0xb8;
	[tilespmem:$0x1F800] =	vst v63  }
0x8a: {  	_ =	swait.ge [sflag:s11], $0x1000  }
0x8b: {  	[sflag:s11] =	ssyncset.done $0x0  }
0x8c: {  	[sflag:s11] =	ssyncadd.s32 $0xFFFFF000  }
0x8d: {  	[tilespmem:s21], [sflag:$0x4] =	stream.indirect.gather [hbm4b:s5+s14], $0x20, s8, s14, $0xb8;
	[tilespmem:$0x1F800] =	vst v63  }
0x8e: {  	_ =	swait.ge [sflag:s22], $0x1000  }
0x8f: {  	[sflag:s22] =	ssyncset.done $0x0  }
0x90: {  	[sflag:s22] =	ssyncadd.s32 $0xFFFFF000  }
0x91: {  	[spmem:s2] =	stream.indirect.scatter.add.f32 [tilespmem:s15], [sflag:$0x5], $0x20, s12, s14, $0xb8;
	[tilespmem:$0x1F800] =	vst v63  }
0x92: {  	_ =	swait.ge [sflag:s25], $0x1000  }
0x93: {  	[sflag:s25] =	ssyncset.done $0x0  }
0x94: {  	[sflag:s25] =	ssyncadd.s32 $0xFFFFF000  }
0x95: {  	[spmem:s2] =	stream.indirect.scatter.add.f32 [tilespmem:s17], [sflag:$0x6], $0x20, s3, s14, $0xb8;
	[tilespmem:$0x1F800] =	vst v63  }
0x96: {  	_ =	swait.ge [sflag:s30], $0x1000  }
0x97: {  	[sflag:s30] =	ssyncset.done $0x0  }
0x98: {  	[sflag:s30] =	ssyncadd.s32 $0xFFFFF000  }
0x99: {  	[spmem:s2] =	stream.indirect.scatter.add.f32 [tilespmem:s19], [sflag:$0x7], $0x20, s16, s14, $0xb8;
	[tilespmem:$0x1F800] =	vst v63  }
0x9a: {  	_ =	swait.ge [sflag:s7], $0x1000  }
0x9b: {  	[sflag:s7] =	ssyncset.done $0x0  }
0x9c: {  	[sflag:s7] =	ssyncadd.s32 $0xFFFFF000  }
0x9d: {  	[spmem:s2] =	stream.indirect.scatter.add.f32 [tilespmem:s21], [sflag:$0x8], $0x20, s18, s14, $0xb8;
	[tilespmem:$0x1F800] =	vst v63  }
0x9e: {  	_ =	swait.ge [sflag:s23], $0x1000  }
0x9f: {  	[sflag:s23] =	ssyncset.done $0x0  }
0xa0: {  	[sflag:s23] =	ssyncadd.s32 $0xFFFFF000  }
0xa1: {  	_ =	swait.ge [sflag:s28], $0x1000  }
0xa2: {  	[sflag:s28] =	ssyncset.done $0x0  }
0xa3: {  	s20 =	sadd.s32 $0x1, s20;
	[sflag:s28] =	ssyncadd.s32 $0xFFFFF000  }
0xa4: {  	p0 =	sne.s32 s20, $0xA;
	_ =	swait.ge [sflag:s0], $0x1000  }
.Ltmp1:
0xa5: {  	[sflag:s0] =	ssyncset.done $0x0;
	(pc) =	sbr.rel @p0 .LBB2_2-.Ltmp1, $4  }
0xa6: {  	[sflag:s0] =	ssyncadd.s32 $0xFFFFF000  }
0xa7: {  	_ =	swait.ge [sflag:s11], $0x1000  }
0xa8: {  	[sflag:s11] =	ssyncset.done $0x0  }
0xa9: {  	[sflag:s11] =	ssyncadd.s32 $0xFFFFF000  }
0xaa: {  	[bflag:$0x0] =	sbarrier.arrive $0xFFFF  }
0xab: {  	s24 =	rddreg [dreg:$0x5]  }
0xac: {  	s20 =	rddreg [dreg:$0x6]  }
0xad: {  	s29 =	rddreg [dreg:$0x8]  }
0xae: {  	[hbm:s20], [sflag:s24] =	dma.local [spmem:s29], $0x3200  }
0xaf: {  	_ =	swait.ge [sflag:s13], $0x3200  }
0xb0: {  	s26 =	rddreg [dreg:$0x3]  }
0xb1: {  	s20 =	sadd.s32 $0x1, s26;
	s26 =	rddreg [dreg:$0x7]  }
0xb2: {  	p0 =	sne.s32 s20, s26  }
.Ltmp2:
0xb3: {  	_ = 	snop;
	(pc) =	sbr.rel @p0 .LBB2_1-.Ltmp2, $3  }
0xb4: {  	_ =	sdelay $0x1  }
0xb5: {  	[sflag:s13] =	ssyncset.done $0x0  }
0xb6: {  	[sflag:s13] =	ssyncadd.s32 $0xFFFFCE00  }
0xb7: {  	_ =	sfence.sel $0x180000  }
0xb8: {  	[bflag:$0x0] =	sbarrier.arrive $0xFFFF  }
0xb9: {  	_ =	strace $0x90000047  }
0xba: {  	s0 =	stileid.u32;
	[bflag:$0x2] =	sbarrier.arrive $0xFFFF  }
0xbb: {  	p0 =	sne.s32 s0, $0x0;
	s0 =	rddreg [dreg:$0x2]  }
0xbc: {  	s0 =	sadd.s32 @!p0 $0x100000, s0  }
0xbd: {  	[sflag:s0] =	ssyncadd.tile.s32 @!p0 $0x1;
	_ =	shalt  }
.Lfunc_end2:
_tile_overlayer_lowered:
.L_overlay_start_2:
0xbe: {  	(tag) =	ssettag $0x2  }
0xbf: {  	s0 =	rddreg [dreg:$0x0];
	s2 =	stileid.u32  }
0xc0: {  	s1 =	rddreg [dreg:$0x1];
	p0 =	sne.s32 s2, $0x0  }
0xc1: {  	s3 =	rddreg [dreg:$0x2];
	[bflag:$0x3] =	sbarrier.arrive $0xFFFF;
	s2 =	simm.s32 @!p0 $0x1C09  }
0xc2: {  	[timem:s3], [sflag:s2] =	dma.local @!p0 [hbm:s0], s1  }
0xc3: {  	s0 =	simm.s32 @!p0 $0x9  }
0xc4: {  	_ =	swait.ge @!p0 [sflag:s0], s1  }
0xc5: {  	s1 =	ssub.s32 @!p0 $0x0, s1;
	[sflag:s0] =	ssyncset.done @!p0 $0x0  }
0xc6: {  	[sflag:s0] =	ssyncadd.s32 @!p0 s1  }
0xc7: {  	[bflag:$0x3] =	sbarrier.arrive $0xFFFF  }
0xc8: {  	_ =	shalt  }

// kernel: kernel.15.cloned.1.call-start
scs
__scs_entry_jumppad:
0x0: {  	(pc) =	sbr.rel $0x88, $3  }
0x1: {  	(tag) =	ssettag $0x0;
	lr =	simm.s32 $0x1  }
0x2: {  	[smem:$0x3F9A] =	sst lr;
	_ =	strace $0xD0000000  }
0x3: {  	_ = 	snop  }
0x4: {  	_ = 	snop  }
0x5: {  	_ = 	snop  }
0x6: {  	_ = 	snop  }
0x7: {  	_ = 	snop  }
__scs_overlays_trampoline_lowered:
0x8: {  	[smem:$0x3FA9] =	sst s0  }
0x9: {  	[smem:$0x3FAA] =	sst s1  }
0xa: {  	[smem:$0x3FAB] =	sst s2  }
0xb: {  	[smem:$0x3FAC] =	sst s3  }
0xc: {  	[smem:$0x3FAD] =	sst s4  }
0xd: {  	[smem:$0x3FAE] =	sst s5  }
0xe: {  	[smem:$0x3FAF] =	sst s6  }
0xf: {  	[smem:$0x3FB0] =	sst s7  }
0x10: {  	[smem:$0x3FB1] =	sst s8  }
0x11: {  	[smem:$0x3FB2] =	sst s9;
	s0 =	simm.s32 @!p0 $0x0  }
0x12: {  	s1 =	sld [smem:$0x3F98];
	s0 =	simm.s32 @p0 $0x1  }
0x13: {  	[smem:$0x3FB3] =	sst s0;
	s0 =	simm.s32 @!p1 $0x0  }
0x14: {  	s2 =	sld [smem:$0x3F97];
	s0 =	simm.s32 @p1 $0x1  }
0x15: {  	[smem:$0x3FB4] =	sst s0;
	s0 =	simm.s32 @!p2 $0x0  }
0x16: {  	s3 =	sld [smem:$0x3FDB];
	s0 =	simm.s32 @p2 $0x1  }
0x17: {  	s4 =	simm.s32 $0x1BF5;
	[smem:$0x3FB6] =	sst s0  }
0x18: {  	s0 =	sld [smem:$0x3F99];
	_ =	swait.ge [sflag:s4], $0x0  }
0x19: {  	s7 =	sld [smem:$0x3F9A]  }
0x1a: {  	s8 =	sadd.s32 $0xFFFFE003, lr  }
0x1b: {  	s9 =	sadd.s32 $0xFFFFFEF7, lr;
	s5 =	simm.s32 $0xFFFFFFFF;
	p2 =	slt.u32 s8, $0xFFFFF086  }
0x1c: {  	p1 =	slt.u32 s9, $0xF7A;
	s5 =	simm.s32 @!p2 $0x0  }
0x1d: {  	s5 =	simm.s32 @p1 $0x1;
	p0 =	seq.s32 s7, s2  }
0x1e: {  	s7 =	smul.u32 @!p0 $0xF7A, s2;
	p2 =	seq.s32 @!p0 s5, $0x0  }
0x1f: {  	s9 =	smul.u32 $0xF7A, s1;
	s8 =	simm.s32 @!p0 $0x1BF5;
	p2 =	por !p2, p0  }
0x20: {  	[sflag:s8] =	ssyncset.s32 @!p0 $0xFFFFF086;
	s6 =	sadd.s32 @!p0 s3, s7;
	s7 =	simm.s32 @!p0 $0x108  }
0x21: {  	s3 =	sadd.s32 s3, s9;
	s6 =	sadd.s32 @!p0 $0x88, s6;
	s7 =	simm.s32 @p2 $0x1082  }
0x22: {  	[simem:s7], [sflag:s8] =	dma.local @!p0 [hbm:s6], $0xF7A  }
0x23: {  	s9 =	sor.u32 $0xD0000000, s2;
	s6 =	simm.s32 $0x108;
	_ =	swait.ge @!p0 [sflag:s8], $0x0  }
0x24: {  	s3 =	sadd.s32 $0x88, s3;
	s6 =	simm.s32 @!p1 $0x1082;
	[sflag:s4] =	ssyncset.s32 $0xFFFFF086  }
0x25: {  	[simem:s6], [sflag:s4] =	dma.local [hbm:s3], $0xF7A  }
0x26: {  	[smem:$0x3F9A] =	sst s1;
	(tag) =	ssettag s2;
	_ =	strace s9  }
0x27: {  	s1 =	sld [smem:$0x3FAA]  }
0x28: {  	s2 =	sld [smem:$0x3FAB]  }
0x29: {  	s4 =	sld [smem:$0x3FAD]  }
0x2a: {  	p0 =	seq.s32 s5, $0x0;
	s5 =	sld [smem:$0x3FAE]  }
0x2b: {  	s6 =	sld [smem:$0x3FAF]  }
0x2c: {  	s7 =	sld [smem:$0x3FB0]  }
0x2d: {  	s3 =	simm.s32 $0x108;
	s8 =	sld [smem:$0x3FB1]  }
0x2e: {  	s3 =	simm.s32 @!p0 $0x1082;
	s9 =	sld [smem:$0x3FB2]  }
0x2f: {  	lr =	sadd.s32 s0, s3;
	s0 =	sld [smem:$0x3FA9]  }
0x30: {  	s3 =	sld [smem:$0x3FAC]  }
0x31: {  	[smem:$0x3FB5] =	sst s10  }
0x32: {  	s10 =	sld [smem:$0x3FB3];
	_ =	sdelay $0x3  }
0x33: {  	p0 =	seq.s32 s10, $0x1;
	s10 =	sld [smem:$0x3FB5];
	_ =	sdelay $0x3  }
0x34: {  	[smem:$0x3FB5] =	sst s10  }
0x35: {  	s10 =	sld [smem:$0x3FB4];
	_ =	sdelay $0x3  }
0x36: {  	p1 =	seq.s32 s10, $0x1;
	s10 =	sld [smem:$0x3FB5];
	_ =	sdelay $0x3  }
0x37: {  	[smem:$0x3FB5] =	sst s10  }
0x38: {  	s10 =	sld [smem:$0x3FB6]  }
0x39: {  	_ = 	snop;
	(pc) =	sbr.ind lr, $3  }
0x3a: {  	_ = 	snop  }
0x3b: {  	_ = 	snop  }
0x3c: {  	p2 =	seq.s32 s10, $0x1;
	s10 =	sld [smem:$0x3FB5]  }
0x3d: {  	_ =	shalt  }
0x3e: {  	_ =	shalt  }
0x3f: {  	_ =	shalt  }
0x40: {  	_ =	shalt  }
0x41: {  	_ =	shalt  }
0x42: {  	_ =	shalt  }
0x43: {  	_ =	shalt  }
0x44: {  	_ =	shalt  }
0x45: {  	_ =	shalt  }
0x46: {  	_ =	shalt  }
0x47: {  	_ =	shalt  }
0x48: {  	_ =	shalt  }
0x49: {  	_ =	shalt  }
0x4a: {  	_ =	shalt  }
0x4b: {  	_ =	shalt  }
0x4c: {  	_ =	shalt  }
0x4d: {  	_ =	shalt  }
0x4e: {  	_ =	shalt  }
0x4f: {  	_ =	shalt  }
0x50: {  	_ =	shalt  }
0x51: {  	_ =	shalt  }
0x52: {  	_ =	shalt  }
0x53: {  	_ =	shalt  }
0x54: {  	_ =	shalt  }
0x55: {  	_ =	shalt  }
0x56: {  	_ =	shalt  }
0x57: {  	_ =	shalt  }
0x58: {  	_ =	shalt  }
0x59: {  	_ =	shalt  }
0x5a: {  	_ =	shalt  }
0x5b: {  	_ =	shalt  }
0x5c: {  	_ =	shalt  }
0x5d: {  	_ =	shalt  }
0x5e: {  	_ =	shalt  }
0x5f: {  	_ =	shalt  }
0x60: {  	_ =	shalt  }
0x61: {  	_ =	shalt  }
0x62: {  	_ =	shalt  }
0x63: {  	_ =	shalt  }
0x64: {  	_ =	shalt  }
0x65: {  	_ =	shalt  }
0x66: {  	_ =	shalt  }
0x67: {  	_ =	shalt  }
0x68: {  	_ =	shalt  }
0x69: {  	_ =	shalt  }
0x6a: {  	_ =	shalt  }
0x6b: {  	_ =	shalt  }
0x6c: {  	_ =	shalt  }
0x6d: {  	_ =	shalt  }
0x6e: {  	_ =	shalt  }
0x6f: {  	_ =	shalt  }
0x70: {  	_ =	shalt  }
0x71: {  	_ =	shalt  }
0x72: {  	_ =	shalt  }
0x73: {  	_ =	shalt  }
0x74: {  	_ =	shalt  }
0x75: {  	_ =	shalt  }
0x76: {  	_ =	shalt  }
0x77: {  	_ =	shalt  }
0x78: {  	_ =	shalt  }
0x79: {  	_ =	shalt  }
0x7a: {  	_ =	shalt  }
0x7b: {  	_ =	shalt  }
0x7c: {  	_ =	shalt  }
0x7d: {  	_ =	shalt  }
0x7e: {  	_ =	shalt  }
0x7f: {  	_ =	shalt  }
0x80: {  	_ =	shalt  }
0x81: {  	_ =	shalt  }
0x82: {  	_ =	shalt  }
0x83: {  	_ =	shalt  }
0x84: {  	_ =	shalt  }
0x85: {  	_ =	shalt  }
0x86: {  	_ =	shalt  }
0x87: {  	_ =	shalt  }
.Lfunc_end0:
.L_simem_size_0:
called_computation.1_lowered:
.L_overlay_start_0:
0x88: {  	s2 =	sld [smem:$0x3FD9]  }
0x89: {  	s3 =	sld [smem:$0x3FFE];
	_ =	sdelay $0x1  }
0x8a: {  	s1 =	srdreg.scid  }
0x8b: {  	s0 =	sand.u32 $0x1, s1  }
0x8c: {  	s16 =	sshll.u32 s0, $0xA;
	s2 =	sadd.s32 s3, s2  }
0x8d: {  	s2 =	sadd.s32 s2, s16  }
0x8e: {  	[smem:$0x3FC1] =	sst s2  }
0x8f: {  	_ = 	snop  }
0x90: {  	(tm) =	ssettm $0x1  }
0x91: {  	s17 =	sld [smem:$0x3FFB];
	_ =	sdelay $0x3  }
0x92: {  	_ =	strace s17  }
0x93: {  	s2 =	sld [smem:$0x3FFC];
	_ =	sdelay $0x3  }
0x94: {  	_ =	strace s2  }
0x95: {  	s2 =	sld [smem:$0x3FFD];
	_ =	sdelay $0x3  }
0x96: {  	_ =	strace s2  }
0x97: {  	_ =	strace $0x8FFFFFFF  }
0x98: {  	s18 =	sld [smem:$0x3FDB];
	_ =	sdelay $0x1  }
0x99: {  	s19 =	simm.s32 $_scs_section_size  }
0x9a: {  	s4 =	simm.s32 $_size__tile_overlayer_lowered;
	s5 =	simm.s32 $_tile_overlayer_lowered  }
0x9b: {  	s22 =	simm.s32 $0x1BFF;
	s21 =	sshll.u32 s5, $0x1;
	s2 =	sadd.s32 s19, s18  }
0x9c: {  	s6 =	simm.s32 $0x0;
	s20 =	sshll.u32 s4, $0x1;
	s4 =	sadd.s32 s21, s2  }
0x9d: {  	[timem:s6], [sflag:s22] =	dma.local [hbm:s4], s20  }
0x9e: {  	_ =	swait.ge [sflag:s22], s20  }
0x9f: {  	s3 =	ssub.s32 $0x0, s20;
	[sflag:s22] =	ssyncset.done $0x0  }
0xa0: {  	[sflag:s22] =	ssyncadd.s32 s3;
	_ =	sdelay $0x1  }
0xa1: {  	s23 =	simm.s32 $0x1B8B  }
0xa2: {  	_ =	swait.ge [sflag:s23], $0x1  }
0xa3: {  	[sflag:s23] =	ssyncset.done $0x0  }
0xa4: {  	s25 =	simm.s32 $0x1B8E;
	s24 =	sld [smem:$0x3FFE];
	[sflag:s23] =	ssyncadd.s32 $0xFFFFFFFF  }
0xa5: {  	s26 =	simm.s32 $execute0_lowered;
	[smem:$0x3FD2] =	sst s25  }
0xa6: {  	s4 =	sshll.u32 s26, $0x1;
	_ =	strace $0x80000049;
	[dreg:$0x1] =	wrdreg $0xFFFFFFFF  }
0xa7: {  	s28 =	simm.s32 $_size_execute0_lowered;
	s2 =	sadd.s32 s2, s4;
	[dreg:$0x0] =	wrdreg $0x0  }
0xa8: {  	s4 =	sshll.u32 s28, $0x1;
	[dreg:$0x2] =	wrdreg s2  }
0xa9: {  	[dreg:$0x3] =	wrdreg s4  }
0xaa: {  	[dreg:$0x4] =	wrdreg $0xC0  }
0xab: {  	_ =	task [dreg:s6], $0x5FFFF  }
0xac: {  	[dreg:$0x1] =	wrdreg $0xFFFFFFFF  }
0xad: {  	[dreg:$0x0] =	wrdreg $0x60  }
0xae: {  	[dreg:$0x2] =	wrdreg s24  }
0xaf: {  	[dreg:$0x3] =	wrdreg $0x68000  }
0xb0: {  	[dreg:$0x4] =	wrdreg $0x9  }
0xb1: {  	_ =	task.clear_ibuf [dreg:s6], $0x5FFFF;
	_ =	strace $0x90000049  }
0xb2: {  	s29 =	simm.s32 $0x9;
	_ =	strace $0x8000004B  }
0xb3: {  	_ =	swait.ge [sflag:s29], $0x1  }
0xb4: {  	[sflag:s29] =	ssyncadd.s32 $0xFFFFFFFF  }
0xb5: {  	_ =	strace $0x9000004B  }
0xb6: {  	_ =	sfence  }
0xb7: {  	s30 =	sld [smem:$0x0];
	_ =	sdelay $0x2  }
0xb8: {  	s31 =	sshll.u32 s1, $0xD;
	s1 =	sshrl.u32 s1, $0x2  }
0xb9: {  	s3 =	sand.u32 $0x4000, s31;
	s1 =	sadd.s32 s1, s30  }
0xba: {  	s0 =	sor.u32 s3, s0;
	s1 =	sshll.u32 s1, $0x11  }
0xbb: {  	s0 =	sor.u32 s1, s0  }
0xbc: {  	s0 =	sadd.s32 $0x8F2B, s0  }
0xbd: {  	[sflag:s0] =	ssyncadd.remote.s32 $0x1  }
0xbe: {  	_ =	sfence.sel $0xFFFF  }
0xbf: {  	[dreg:$0x0] =	wrdreg $0xFFFFFFFF;
	(pc) =	sbr.abs _section_cstart, $3  }
0xc0: {  	[dreg:$0x1] =	wrdreg $0xFFFFFFFF  }
0xc1: {  	_ =	task.clear_ibuf [dreg:s6], $0x2FFFF;
	_ =	strace $0x9FFFFFFF  }
0xc2: {  	(tm) =	ssettm $0x7FFFFFFF  }
0xc3: {  	_ =	shalt  }
tec
execute0_lowered:
.L_overlay_start_1:
0x0: {  	(tag) =	ssettag $0x1  }
0x1: {  	s0 =	rddreg [dreg:$0x0]  }
0x2: {  	s2 =	rddreg [dreg:$0x1]  }
0x3: {  	s10 =	stileid.u32;
	s1 =	srdreg.scid  }
0x4: {  	s20 =	simm.s32 $0x0;
	s13 =	simm.s32 $0x9;
	s14 =	simm.s32 $0x80  }
0x5: {  	s15 =	simm.s32 $0x2800;
	s17 =	simm.s32 $0x3800;
	s19 =	simm.s32 $0x4800  }
0x6: {  	s21 =	simm.s32 $0x5800;
	s22 =	simm.s32 $0x1;
	s23 =	simm.s32 $0x5  }
0x7: {  	s28 =	simm.s32 $0x6;
	s30 =	simm.s32 $0x3;
	s31 =	simm.s32 $0x280  }
0x8: {  	s11 =	simm.s32 $0x8;
	s12 =	simm.s32 $0x2480;
	s16 =	simm.s32 $0x2680  }
0x9: {  	s18 =	simm.s32 $0x2780;
	s3 =	smul.u32 $0x19000, s10;
	s1 =	sand.u32 $0x1, s1  }
0xa: {  	[smem:$0x7FF] =	sst s20;
	s5 =	sadd.s32 $0x68200, s0;
	s6 =	sadd.s32 $0x4200, s0  }
0xb: {  	s25 =	sshll.u32 s10, $0x6;
	s4 =	smul.u32 $0x190000, s1;
	s1 =	ssub.s32 $0x2, s1  }
0xc: {  	_ =	strace $0x8000004A;
	s8 =	sshrl.u32 s3, $0x3;
	s9 =	sshrl.u32 s1, $0x1  }
0xd: {  	s7 =	sadd.s32 s3, s4;
	s8 =	sadd.s32 s8, s0;
	s1 =	ssub.s32 s1, s9  }
0xe: {  	s3 =	sadd.s32 s3, s2;
	s9 =	smul.u32 $0x190, s10;
	s10 =	simm.s32 $0x380  }
0xf: {  	s7 =	sshrl.u32 s7, $0x3;
	s24 =	sadd.s32 $0xCC200, s8;
	s26 =	smax.u32 s1, $0x1  }
0x10: {  	s29 =	sshrl.u32 s3, $0x3;
	s1 =	simm.s32 $0x600;
	[dreg:$0x4] =	wrdreg s24  }
0x11: {  	s8 =	simm.s32 $0x2700;
	s3 =	simm.s32 $0x2580;
	[dreg:$0x7] =	wrdreg s26  }
0x12: {  	s0 =	sadd.s32 s7, s0;
	s24 =	sor.u32 $0x1C09, s25;
	[dreg:$0x8] =	wrdreg s29  }
0x13: {  	s25 =	simm.s32 $0x2;
	s0 =	sadd.s32 $0xFE200, s0;
	[dreg:$0x5] =	wrdreg s24  }
0x14: {  	s7 =	simm.s32 $0x4;
	[dreg:$0x6] =	wrdreg s0;
	s0 =	simm.s32 $0x7  }
.LBB2_1:
0x15: {  	[dreg:$0x3] =	wrdreg s20  }
0x16: {  	s26 =	rddreg [dreg:$0x4]  }
0x17: {  	[spmem:s29], [sflag:s24] =	dma.local [hbm:s26], $0x3200  }
0x18: {  	_ =	swait.ge [sflag:s13], $0x3200  }
0x19: {  	[sflag:s13] =	ssyncset.done $0x0  }
0x1a: {  	[sflag:s13] =	ssyncadd.s32 $0xFFFFCE00  }
0x1b: {  	s20 =	simm.s32 $0x0;
	[bflag:$0x0] =	sbarrier.arrive $0xFFFF  }
.LBB2_2:
0x1c: {  	s24 =	smul.u32 $0x28, s20;
	_ =	sdelay $0x1  }
0x1d: {  	s24 =	sadd.s32 s9, s24  }
0x1e: {  	s24 =	sshll.u32 s24, $0x8  }
0x1f: {  	s24 =	sadd.s32 s4, s24  }
0x20: {  	s24 =	sshrl.u32 s24, $0x3  }
0x21: {  	s26 =	simm.s32 $0x0;
	s24 =	sadd.s32 s6, s24  }
0x22: {  	[tilespmem:s26], [sflag:$0x9] =	stream.linear.gather [hbm4b:s24+s26], $0x2800, $0x38;
	[tilespmem:$0x1F800] =	vst v63  }
0x23: {  	_ =	swait.ge [sflag:s13], $0x2800  }
0x24: {  	[sflag:s13] =	ssyncset.done $0x0  }
0x25: {  	[sflag:s13] =	ssyncadd.s32 $0xFFFFD800  }
0x26: {  	[tilespmem:s15], [sflag:$0x1] =	stream.indirect.gather [hbm4b:s5+s14], $0x20, s26, s14, $0xb8;
	[tilespmem:$0x1F800] =	vst v63  }
0x27: {  	s29 =	simm.s32 $0x100  }
0x28: {  	[tilespmem:s17], [sflag:$0x2] =	stream.indirect.gather [hbm4b:s5+s14], $0x20, s29, s14, $0xb8;
	[tilespmem:$0x1F800] =	vst v63  }
0x29: {  	s26 =	simm.s32 $0x200  }
0x2a: {  	[tilespmem:s19], [sflag:$0x3] =	stream.indirect.gather [hbm4b:s5+s14], $0x20, s26, s14, $0xb8;
	[tilespmem:$0x1F800] =	vst v63  }
0x2b: {  	s29 =	simm.s32 $0x300  }
0x2c: {  	[tilespmem:s21], [sflag:$0x4] =	stream.indirect.gather [hbm4b:s5+s14], $0x20, s29, s14, $0xb8;
	[tilespmem:$0x1F800] =	vst v63  }
0x2d: {  	_ =	swait.ge [sflag:s22], $0x1000  }
0x2e: {  	[sflag:s22] =	ssyncset.done $0x0  }
0x2f: {  	[sflag:s22] =	ssyncadd.s32 $0xFFFFF000  }
0x30: {  	[spmem:s2] =	stream.indirect.scatter.add.f32 [tilespmem:s15], [sflag:$0x5], $0x20, s14, s14, $0xb8;
	[tilespmem:$0x1F800] =	vst v63  }
0x31: {  	_ =	swait.ge [sflag:s23], $0x1000  }
0x32: {  	[sflag:s23] =	ssyncset.done $0x0  }
0x33: {  	s26 =	simm.s32 $0x400;
	[sflag:s23] =	ssyncadd.s32 $0xFFFFF000  }
0x34: {  	[tilespmem:s15], [sflag:$0x1] =	stream.indirect.gather [hbm4b:s5+s14], $0x20, s26, s14, $0xb8;
	[tilespmem:$0x1F800] =	vst v63  }
0x35: {  	_ =	swait.ge [sflag:s25], $0x1000  }
0x36: {  	[sflag:s25] =	ssyncset.done $0x0  }
0x37: {  	s29 =	simm.s32 $0x180;
	[sflag:s25] =	ssyncadd.s32 $0xFFFFF000  }
0x38: {  	[spmem:s2] =	stream.indirect.scatter.add.f32 [tilespmem:s17], [sflag:$0x6], $0x20, s29, s14, $0xb8;
	[tilespmem:$0x1F800] =	vst v63  }
0x39: {  	_ =	swait.ge [sflag:s28], $0x1000  }
0x3a: {  	[sflag:s28] =	ssyncset.done $0x0  }
0x3b: {  	s26 =	simm.s32 $0x500;
	[sflag:s28] =	ssyncadd.s32 $0xFFFFF000  }
0x3c: {  	[tilespmem:s17], [sflag:$0x2] =	stream.indirect.gather [hbm4b:s5+s14], $0x20, s26, s14, $0xb8;
	[tilespmem:$0x1F800] =	vst v63  }
0x3d: {  	_ =	swait.ge [sflag:s30], $0x1000  }
0x3e: {  	[sflag:s30] =	ssyncset.done $0x0  }
0x3f: {  	[sflag:s30] =	ssyncadd.s32 $0xFFFFF000  }
0x40: {  	[spmem:s2] =	stream.indirect.scatter.add.f32 [tilespmem:s19], [sflag:$0x7], $0x20, s31, s14, $0xb8;
	[tilespmem:$0x1F800] =	vst v63  }
0x41: {  	_ =	swait.ge [sflag:s0], $0x1000  }
0x42: {  	[sflag:s0] =	ssyncset.done $0x0  }
0x43: {  	[sflag:s0] =	ssyncadd.s32 $0xFFFFF000  }
0x44: {  	[tilespmem:s19], [sflag:$0x3] =	stream.indirect.gather [hbm4b:s5+s14], $0x20, s1, s14, $0xb8;
	[tilespmem:$0x1F800] =	vst v63  }
0x45: {  	_ =	swait.ge [sflag:s7], $0x1000  }
0x46: {  	[sflag:s7] =	ssyncset.done $0x0  }
0x47: {  	[sflag:s7] =	ssyncadd.s32 $0xFFFFF000  }
0x48: {  	[spmem:s2] =	stream.indirect.scatter.add.f32 [tilespmem:s21], [sflag:$0x8], $0x20, s10, s14, $0xb8;
	[tilespmem:$0x1F800] =	vst v63  }
0x49: {  	_ =	swait.ge [sflag:s11], $0x1000  }
0x4a: {  	[sflag:s11] =	ssyncset.done $0x0  }
0x4b: {  	s29 =	simm.s32 $0x700;
	[sflag:s11] =	ssyncadd.s32 $0xFFFFF000  }
0x4c: {  	[tilespmem:s21], [sflag:$0x4] =	stream.indirect.gather [hbm4b:s5+s14], $0x20, s29, s14, $0xb8;
	[tilespmem:$0x1F800] =	vst v63  }
0x4d: {  	_ =	swait.ge [sflag:s22], $0x1000  }
0x4e: {  	[sflag:s22] =	ssyncset.done $0x0  }
0x4f: {  	s26 =	simm.s32 $0x480;
	[sflag:s22] =	ssyncadd.s32 $0xFFFFF000  }
0x50: {  	[spmem:s2] =	stream.indirect.scatter.add.f32 [tilespmem:s15], [sflag:$0x5], $0x20, s26, s14, $0xb8;
	[tilespmem:$0x1F800] =	vst v63  }
0x51: {  	_ =	swait.ge [sflag:s23], $0x1000  }
0x52: {  	[sflag:s23] =	ssyncset.done $0x0  }
0x53: {  	s29 =	simm.s32 $0x800;
	[sflag:s23] =	ssyncadd.s32 $0xFFFFF000  }
0x54: {  	[tilespmem:s15], [sflag:$0x1] =	stream.indirect.gather [hbm4b:s5+s14], $0x20, s29, s14, $0xb8;
	[tilespmem:$0x1F800] =	vst v63  }
0x55: {  	_ =	swait.ge [sflag:s25], $0x1000  }
0x56: {  	[sflag:s25] =	ssyncset.done $0x0  }
0x57: {  	s26 =	simm.s32 $0x580;
	[sflag:s25] =	ssyncadd.s32 $0xFFFFF000  }
0x58: {  	[spmem:s2] =	stream.indirect.scatter.add.f32 [tilespmem:s17], [sflag:$0x6], $0x20, s26, s14, $0xb8;
	[tilespmem:$0x1F800] =	vst v63  }
0x59: {  	_ =	swait.ge [sflag:s28], $0x1000  }
0x5a: {  	[sflag:s28] =	ssyncset.done $0x0  }
0x5b: {  	s29 =	simm.s32 $0x900;
	[sflag:s28] =	ssyncadd.s32 $0xFFFFF000  }
0x5c: {  	[tilespmem:s17], [sflag:$0x2] =	stream.indirect.gather [hbm4b:s5+s14], $0x20, s29, s14, $0xb8;
	[tilespmem:$0x1F800] =	vst v63  }
0x5d: {  	_ =	swait.ge [sflag:s30], $0x1000  }
0x5e: {  	[sflag:s30] =	ssyncset.done $0x0  }
0x5f: {  	s26 =	simm.s32 $0x680;
	[sflag:s30] =	ssyncadd.s32 $0xFFFFF000  }
0x60: {  	[spmem:s2] =	stream.indirect.scatter.add.f32 [tilespmem:s19], [sflag:$0x7], $0x20, s26, s14, $0xb8;
	[tilespmem:$0x1F800] =	vst v63  }
0x61: {  	_ =	swait.ge [sflag:s0], $0x1000  }
0x62: {  	[sflag:s0] =	ssyncset.done $0x0  }
0x63: {  	s29 =	simm.s32 $0xA00;
	[sflag:s0] =	ssyncadd.s32 $0xFFFFF000  }
0x64: {  	[tilespmem:s19], [sflag:$0x3] =	stream.indirect.gather [hbm4b:s5+s14], $0x20, s29, s14, $0xb8;
	[tilespmem:$0x1F800] =	vst v63  }
0x65: {  	_ =	swait.ge [sflag:s7], $0x1000  }
0x66: {  	[sflag:s7] =	ssyncset.done $0x0  }
0x67: {  	s24 =	simm.s32 $0x1000;
	s26 =	simm.s32 $0x780;
	[sflag:s7] =	ssyncadd.s32 $0xFFFFF000  }
.LBB2_3:
0x68: {  	[spmem:s2] =	stream.indirect.scatter.add.f32 [tilespmem:s21], [sflag:$0x8], $0x20, s26, s14, $0xb8;
	[tilespmem:$0x1F800] =	vst v63  }
0x69: {  	s26 =	smov.u32 s24  }
0x6a: {  	p0 =	sne.s32 s24, $0x7000;
	s24 =	sadd.s32 $0x1000, s24;
	_ =	swait.ge [sflag:s11], $0x1000  }
0x6b: {  	s26 =	sshra.s32 s26, $0x2;
	[sflag:s11] =	ssyncset.done $0x0  }
0x6c: {  	s29 =	sadd.s32 $0x700, s26;
	[sflag:s11] =	ssyncadd.s32 $0xFFFFF000  }
0x6d: {  	[tilespmem:s21], [sflag:$0x4] =	stream.indirect.gather [hbm4b:s5+s14], $0x20, s29, s14, $0xb8;
	[tilespmem:$0x1F800] =	vst v63  }
0x6e: {  	_ =	swait.ge [sflag:s22], $0x1000  }
0x6f: {  	[sflag:s22] =	ssyncset.done $0x0  }
0x70: {  	s29 =	sadd.s32 $0x480, s26;
	[sflag:s22] =	ssyncadd.s32 $0xFFFFF000  }
0x71: {  	[spmem:s2] =	stream.indirect.scatter.add.f32 [tilespmem:s15], [sflag:$0x5], $0x20, s29, s14, $0xb8;
	[tilespmem:$0x1F800] =	vst v63  }
0x72: {  	_ =	swait.ge [sflag:s23], $0x1000  }
0x73: {  	[sflag:s23] =	ssyncset.done $0x0  }
0x74: {  	s29 =	sadd.s32 $0x800, s26;
	[sflag:s23] =	ssyncadd.s32 $0xFFFFF000  }
0x75: {  	[tilespmem:s15], [sflag:$0x1] =	stream.indirect.gather [hbm4b:s5+s14], $0x20, s29, s14, $0xb8;
	[tilespmem:$0x1F800] =	vst v63  }
0x76: {  	_ =	swait.ge [sflag:s25], $0x1000  }
0x77: {  	[sflag:s25] =	ssyncset.done $0x0  }
0x78: {  	s29 =	sadd.s32 $0x580, s26;
	[sflag:s25] =	ssyncadd.s32 $0xFFFFF000  }
0x79: {  	[spmem:s2] =	stream.indirect.scatter.add.f32 [tilespmem:s17], [sflag:$0x6], $0x20, s29, s14, $0xb8;
	[tilespmem:$0x1F800] =	vst v63  }
0x7a: {  	_ =	swait.ge [sflag:s28], $0x1000  }
0x7b: {  	[sflag:s28] =	ssyncset.done $0x0  }
0x7c: {  	s29 =	sadd.s32 $0x900, s26;
	[sflag:s28] =	ssyncadd.s32 $0xFFFFF000  }
0x7d: {  	[tilespmem:s17], [sflag:$0x2] =	stream.indirect.gather [hbm4b:s5+s14], $0x20, s29, s14, $0xb8;
	[tilespmem:$0x1F800] =	vst v63  }
0x7e: {  	_ =	swait.ge [sflag:s30], $0x1000  }
0x7f: {  	[sflag:s30] =	ssyncset.done $0x0  }
0x80: {  	s29 =	sadd.s32 $0x680, s26;
	[sflag:s30] =	ssyncadd.s32 $0xFFFFF000  }
0x81: {  	[spmem:s2] =	stream.indirect.scatter.add.f32 [tilespmem:s19], [sflag:$0x7], $0x20, s29, s14, $0xb8;
	[tilespmem:$0x1F800] =	vst v63  }
0x82: {  	_ =	swait.ge [sflag:s0], $0x1000  }
0x83: {  	[sflag:s0] =	ssyncset.done $0x0  }
.Ltmp0:
0x84: {  	s29 =	sadd.s32 $0xA00, s26;
	[sflag:s0] =	ssyncadd.s32 $0xFFFFF000;
	(pc) =	sbr.rel @p0 .LBB2_3-.Ltmp0, $4  }
0x85: {  	[tilespmem:s19], [sflag:$0x3] =	stream.indirect.gather [hbm4b:s5+s14], $0x20, s29, s14, $0xb8;
	[tilespmem:$0x1F800] =	vst v63  }
0x86: {  	_ =	swait.ge [sflag:s7], $0x1000  }
0x87: {  	[sflag:s7] =	ssyncset.done $0x0  }
0x88: {  	s26 =	sadd.s32 $0x780, s26;
	[sflag:s7] =	ssyncadd.s32 $0xFFFFF000  }
0x89: {  	[spmem:s2] =	stream.indirect.scatter.add.f32 [tilespmem:s21], [sflag:$0x8], $0x20, s26, s14, $0xb8;
	[tilespmem:$0x1F800] =	vst v63  }
0x8a: {  	_ =	swait.ge [sflag:s11], $0x1000  }
0x8b: {  	[sflag:s11] =	ssyncset.done $0x0  }
0x8c: {  	[sflag:s11] =	ssyncadd.s32 $0xFFFFF000  }
0x8d: {  	[tilespmem:s21], [sflag:$0x4] =	stream.indirect.gather [hbm4b:s5+s14], $0x20, s8, s14, $0xb8;
	[tilespmem:$0x1F800] =	vst v63  }
0x8e: {  	_ =	swait.ge [sflag:s22], $0x1000  }
0x8f: {  	[sflag:s22] =	ssyncset.done $0x0  }
0x90: {  	[sflag:s22] =	ssyncadd.s32 $0xFFFFF000  }
0x91: {  	[spmem:s2] =	stream.indirect.scatter.add.f32 [tilespmem:s15], [sflag:$0x5], $0x20, s12, s14, $0xb8;
	[tilespmem:$0x1F800] =	vst v63  }
0x92: {  	_ =	swait.ge [sflag:s25], $0x1000  }
0x93: {  	[sflag:s25] =	ssyncset.done $0x0  }
0x94: {  	[sflag:s25] =	ssyncadd.s32 $0xFFFFF000  }
0x95: {  	[spmem:s2] =	stream.indirect.scatter.add.f32 [tilespmem:s17], [sflag:$0x6], $0x20, s3, s14, $0xb8;
	[tilespmem:$0x1F800] =	vst v63  }
0x96: {  	_ =	swait.ge [sflag:s30], $0x1000  }
0x97: {  	[sflag:s30] =	ssyncset.done $0x0  }
0x98: {  	[sflag:s30] =	ssyncadd.s32 $0xFFFFF000  }
0x99: {  	[spmem:s2] =	stream.indirect.scatter.add.f32 [tilespmem:s19], [sflag:$0x7], $0x20, s16, s14, $0xb8;
	[tilespmem:$0x1F800] =	vst v63  }
0x9a: {  	_ =	swait.ge [sflag:s7], $0x1000  }
0x9b: {  	[sflag:s7] =	ssyncset.done $0x0  }
0x9c: {  	[sflag:s7] =	ssyncadd.s32 $0xFFFFF000  }
0x9d: {  	[spmem:s2] =	stream.indirect.scatter.add.f32 [tilespmem:s21], [sflag:$0x8], $0x20, s18, s14, $0xb8;
	[tilespmem:$0x1F800] =	vst v63  }
0x9e: {  	_ =	swait.ge [sflag:s23], $0x1000  }
0x9f: {  	[sflag:s23] =	ssyncset.done $0x0  }
0xa0: {  	[sflag:s23] =	ssyncadd.s32 $0xFFFFF000  }
0xa1: {  	_ =	swait.ge [sflag:s28], $0x1000  }
0xa2: {  	[sflag:s28] =	ssyncset.done $0x0  }
0xa3: {  	s20 =	sadd.s32 $0x1, s20;
	[sflag:s28] =	ssyncadd.s32 $0xFFFFF000  }
0xa4: {  	p0 =	sne.s32 s20, $0xA;
	_ =	swait.ge [sflag:s0], $0x1000  }
.Ltmp1:
0xa5: {  	[sflag:s0] =	ssyncset.done $0x0;
	(pc) =	sbr.rel @p0 .LBB2_2-.Ltmp1, $4  }
0xa6: {  	[sflag:s0] =	ssyncadd.s32 $0xFFFFF000  }
0xa7: {  	_ =	swait.ge [sflag:s11], $0x1000  }
0xa8: {  	[sflag:s11] =	ssyncset.done $0x0  }
0xa9: {  	[sflag:s11] =	ssyncadd.s32 $0xFFFFF000  }
0xaa: {  	[bflag:$0x0] =	sbarrier.arrive $0xFFFF  }
0xab: {  	s24 =	rddreg [dreg:$0x5]  }
0xac: {  	s20 =	rddreg [dreg:$0x6]  }
0xad: {  	s29 =	rddreg [dreg:$0x8]  }
0xae: {  	[hbm:s20], [sflag:s24] =	dma.local [spmem:s29], $0x3200  }
0xaf: {  	_ =	swait.ge [sflag:s13], $0x3200  }
0xb0: {  	s26 =	rddreg [dreg:$0x3]  }
0xb1: {  	s20 =	sadd.s32 $0x1, s26;
	s26 =	rddreg [dreg:$0x7]  }
0xb2: {  	p0 =	sne.s32 s20, s26  }
.Ltmp2:
0xb3: {  	_ = 	snop;
	(pc) =	sbr.rel @p0 .LBB2_1-.Ltmp2, $3  }
0xb4: {  	_ =	sdelay $0x1  }
0xb5: {  	[sflag:s13] =	ssyncset.done $0x0  }
0xb6: {  	[sflag:s13] =	ssyncadd.s32 $0xFFFFCE00  }
0xb7: {  	_ =	sfence.sel $0x180000  }
0xb8: {  	[bflag:$0x0] =	sbarrier.arrive $0xFFFF  }
0xb9: {  	_ =	strace $0x9000004A  }
0xba: {  	s0 =	stileid.u32;
	[bflag:$0x2] =	sbarrier.arrive $0xFFFF  }
0xbb: {  	p0 =	sne.s32 s0, $0x0;
	s0 =	rddreg [dreg:$0x2]  }
0xbc: {  	s0 =	sadd.s32 @!p0 $0x100000, s0  }
0xbd: {  	[sflag:s0] =	ssyncadd.tile.s32 @!p0 $0x1;
	_ =	shalt  }
.Lfunc_end2:
_tile_overlayer_lowered:
.L_overlay_start_2:
0xbe: {  	(tag) =	ssettag $0x2  }
0xbf: {  	s0 =	rddreg [dreg:$0x0];
	s2 =	stileid.u32  }
0xc0: {  	s1 =	rddreg [dreg:$0x1];
	p0 =	sne.s32 s2, $0x0  }
0xc1: {  	s3 =	rddreg [dreg:$0x2];
	[bflag:$0x3] =	sbarrier.arrive $0xFFFF;
	s2 =	simm.s32 @!p0 $0x1C09  }
0xc2: {  	[timem:s3], [sflag:s2] =	dma.local @!p0 [hbm:s0], s1  }
0xc3: {  	s0 =	simm.s32 @!p0 $0x9  }
0xc4: {  	_ =	swait.ge @!p0 [sflag:s0], s1  }
0xc5: {  	s1 =	ssub.s32 @!p0 $0x0, s1;
	[sflag:s0] =	ssyncset.done @!p0 $0x0  }
0xc6: {  	[sflag:s0] =	ssyncadd.s32 @!p0 s1  }
0xc7: {  	[bflag:$0x3] =	sbarrier.arrive $0xFFFF  }
0xc8: {  	_ =	shalt  }

// kernel: kernel.18.cloned.1.call-start
scs
__scs_entry_jumppad:
0x0: {  	(pc) =	sbr.rel $0x88, $3  }
0x1: {  	(tag) =	ssettag $0x0;
	lr =	simm.s32 $0x1  }
0x2: {  	[smem:$0x3F9A] =	sst lr;
	_ =	strace $0xD0000000  }
0x3: {  	_ = 	snop  }
0x4: {  	_ = 	snop  }
0x5: {  	_ = 	snop  }
0x6: {  	_ = 	snop  }
0x7: {  	_ = 	snop  }
__scs_overlays_trampoline_lowered:
0x8: {  	[smem:$0x3FA9] =	sst s0  }
0x9: {  	[smem:$0x3FAA] =	sst s1  }
0xa: {  	[smem:$0x3FAB] =	sst s2  }
0xb: {  	[smem:$0x3FAC] =	sst s3  }
0xc: {  	[smem:$0x3FAD] =	sst s4  }
0xd: {  	[smem:$0x3FAE] =	sst s5  }
0xe: {  	[smem:$0x3FAF] =	sst s6  }
0xf: {  	[smem:$0x3FB0] =	sst s7  }
0x10: {  	[smem:$0x3FB1] =	sst s8  }
0x11: {  	[smem:$0x3FB2] =	sst s9;
	s0 =	simm.s32 @!p0 $0x0  }
0x12: {  	s1 =	sld [smem:$0x3F98];
	s0 =	simm.s32 @p0 $0x1  }
0x13: {  	[smem:$0x3FB3] =	sst s0;
	s0 =	simm.s32 @!p1 $0x0  }
0x14: {  	s2 =	sld [smem:$0x3F97];
	s0 =	simm.s32 @p1 $0x1  }
0x15: {  	[smem:$0x3FB4] =	sst s0;
	s0 =	simm.s32 @!p2 $0x0  }
0x16: {  	s3 =	sld [smem:$0x3FDB];
	s0 =	simm.s32 @p2 $0x1  }
0x17: {  	s4 =	simm.s32 $0x1BF5;
	[smem:$0x3FB6] =	sst s0  }
0x18: {  	s0 =	sld [smem:$0x3F99];
	_ =	swait.ge [sflag:s4], $0x0  }
0x19: {  	s7 =	sld [smem:$0x3F9A]  }
0x1a: {  	s8 =	sadd.s32 $0xFFFFE003, lr  }
0x1b: {  	s9 =	sadd.s32 $0xFFFFFEF7, lr;
	s5 =	simm.s32 $0xFFFFFFFF;
	p2 =	slt.u32 s8, $0xFFFFF086  }
0x1c: {  	p1 =	slt.u32 s9, $0xF7A;
	s5 =	simm.s32 @!p2 $0x0  }
0x1d: {  	s5 =	simm.s32 @p1 $0x1;
	p0 =	seq.s32 s7, s2  }
0x1e: {  	s7 =	smul.u32 @!p0 $0xF7A, s2;
	p2 =	seq.s32 @!p0 s5, $0x0  }
0x1f: {  	s9 =	smul.u32 $0xF7A, s1;
	s8 =	simm.s32 @!p0 $0x1BF5;
	p2 =	por !p2, p0  }
0x20: {  	[sflag:s8] =	ssyncset.s32 @!p0 $0xFFFFF086;
	s6 =	sadd.s32 @!p0 s3, s7;
	s7 =	simm.s32 @!p0 $0x108  }
0x21: {  	s3 =	sadd.s32 s3, s9;
	s6 =	sadd.s32 @!p0 $0x88, s6;
	s7 =	simm.s32 @p2 $0x1082  }
0x22: {  	[simem:s7], [sflag:s8] =	dma.local @!p0 [hbm:s6], $0xF7A  }
0x23: {  	s9 =	sor.u32 $0xD0000000, s2;
	s6 =	simm.s32 $0x108;
	_ =	swait.ge @!p0 [sflag:s8], $0x0  }
0x24: {  	s3 =	sadd.s32 $0x88, s3;
	s6 =	simm.s32 @!p1 $0x1082;
	[sflag:s4] =	ssyncset.s32 $0xFFFFF086  }
0x25: {  	[simem:s6], [sflag:s4] =	dma.local [hbm:s3], $0xF7A  }
0x26: {  	[smem:$0x3F9A] =	sst s1;
	(tag) =	ssettag s2;
	_ =	strace s9  }
0x27: {  	s1 =	sld [smem:$0x3FAA]  }
0x28: {  	s2 =	sld [smem:$0x3FAB]  }
0x29: {  	s4 =	sld [smem:$0x3FAD]  }
0x2a: {  	p0 =	seq.s32 s5, $0x0;
	s5 =	sld [smem:$0x3FAE]  }
0x2b: {  	s6 =	sld [smem:$0x3FAF]  }
0x2c: {  	s7 =	sld [smem:$0x3FB0]  }
0x2d: {  	s3 =	simm.s32 $0x108;
	s8 =	sld [smem:$0x3FB1]  }
0x2e: {  	s3 =	simm.s32 @!p0 $0x1082;
	s9 =	sld [smem:$0x3FB2]  }
0x2f: {  	lr =	sadd.s32 s0, s3;
	s0 =	sld [smem:$0x3FA9]  }
0x30: {  	s3 =	sld [smem:$0x3FAC]  }
0x31: {  	[smem:$0x3FB5] =	sst s10  }
0x32: {  	s10 =	sld [smem:$0x3FB3];
	_ =	sdelay $0x3  }
0x33: {  	p0 =	seq.s32 s10, $0x1;
	s10 =	sld [smem:$0x3FB5];
	_ =	sdelay $0x3  }
0x34: {  	[smem:$0x3FB5] =	sst s10  }
0x35: {  	s10 =	sld [smem:$0x3FB4];
	_ =	sdelay $0x3  }
0x36: {  	p1 =	seq.s32 s10, $0x1;
	s10 =	sld [smem:$0x3FB5];
	_ =	sdelay $0x3  }
0x37: {  	[smem:$0x3FB5] =	sst s10  }
0x38: {  	s10 =	sld [smem:$0x3FB6]  }
0x39: {  	_ = 	snop;
	(pc) =	sbr.ind lr, $3  }
0x3a: {  	_ = 	snop  }
0x3b: {  	_ = 	snop  }
0x3c: {  	p2 =	seq.s32 s10, $0x1;
	s10 =	sld [smem:$0x3FB5]  }
0x3d: {  	_ =	shalt  }
0x3e: {  	_ =	shalt  }
0x3f: {  	_ =	shalt  }
0x40: {  	_ =	shalt  }
0x41: {  	_ =	shalt  }
0x42: {  	_ =	shalt  }
0x43: {  	_ =	shalt  }
0x44: {  	_ =	shalt  }
0x45: {  	_ =	shalt  }
0x46: {  	_ =	shalt  }
0x47: {  	_ =	shalt  }
0x48: {  	_ =	shalt  }
0x49: {  	_ =	shalt  }
0x4a: {  	_ =	shalt  }
0x4b: {  	_ =	shalt  }
0x4c: {  	_ =	shalt  }
0x4d: {  	_ =	shalt  }
0x4e: {  	_ =	shalt  }
0x4f: {  	_ =	shalt  }
0x50: {  	_ =	shalt  }
0x51: {  	_ =	shalt  }
0x52: {  	_ =	shalt  }
0x53: {  	_ =	shalt  }
0x54: {  	_ =	shalt  }
0x55: {  	_ =	shalt  }
0x56: {  	_ =	shalt  }
0x57: {  	_ =	shalt  }
0x58: {  	_ =	shalt  }
0x59: {  	_ =	shalt  }
0x5a: {  	_ =	shalt  }
0x5b: {  	_ =	shalt  }
0x5c: {  	_ =	shalt  }
0x5d: {  	_ =	shalt  }
0x5e: {  	_ =	shalt  }
0x5f: {  	_ =	shalt  }
0x60: {  	_ =	shalt  }
0x61: {  	_ =	shalt  }
0x62: {  	_ =	shalt  }
0x63: {  	_ =	shalt  }
0x64: {  	_ =	shalt  }
0x65: {  	_ =	shalt  }
0x66: {  	_ =	shalt  }
0x67: {  	_ =	shalt  }
0x68: {  	_ =	shalt  }
0x69: {  	_ =	shalt  }
0x6a: {  	_ =	shalt  }
0x6b: {  	_ =	shalt  }
0x6c: {  	_ =	shalt  }
0x6d: {  	_ =	shalt  }
0x6e: {  	_ =	shalt  }
0x6f: {  	_ =	shalt  }
0x70: {  	_ =	shalt  }
0x71: {  	_ =	shalt  }
0x72: {  	_ =	shalt  }
0x73: {  	_ =	shalt  }
0x74: {  	_ =	shalt  }
0x75: {  	_ =	shalt  }
0x76: {  	_ =	shalt  }
0x77: {  	_ =	shalt  }
0x78: {  	_ =	shalt  }
0x79: {  	_ =	shalt  }
0x7a: {  	_ =	shalt  }
0x7b: {  	_ =	shalt  }
0x7c: {  	_ =	shalt  }
0x7d: {  	_ =	shalt  }
0x7e: {  	_ =	shalt  }
0x7f: {  	_ =	shalt  }
0x80: {  	_ =	shalt  }
0x81: {  	_ =	shalt  }
0x82: {  	_ =	shalt  }
0x83: {  	_ =	shalt  }
0x84: {  	_ =	shalt  }
0x85: {  	_ =	shalt  }
0x86: {  	_ =	shalt  }
0x87: {  	_ =	shalt  }
.Lfunc_end0:
.L_simem_size_0:
called_computation.2_lowered:
.L_overlay_start_0:
0x88: {  	s2 =	sld [smem:$0x3FD9]  }
0x89: {  	s3 =	sld [smem:$0x3FFE];
	_ =	sdelay $0x1  }
0x8a: {  	s1 =	srdreg.scid  }
0x8b: {  	s0 =	sand.u32 $0x1, s1  }
0x8c: {  	s16 =	sshll.u32 s0, $0xA;
	s2 =	sadd.s32 s3, s2  }
0x8d: {  	s2 =	sadd.s32 s2, s16  }
0x8e: {  	[smem:$0x3FC1] =	sst s2  }
0x8f: {  	_ = 	snop  }
0x90: {  	(tm) =	ssettm $0x1  }
0x91: {  	s17 =	sld [smem:$0x3FFB];
	_ =	sdelay $0x3  }
0x92: {  	_ =	strace s17  }
0x93: {  	s2 =	sld [smem:$0x3FFC];
	_ =	sdelay $0x3  }
0x94: {  	_ =	strace s2  }
0x95: {  	s2 =	sld [smem:$0x3FFD];
	_ =	sdelay $0x3  }
0x96: {  	_ =	strace s2  }
0x97: {  	_ =	strace $0x8FFFFFFF  }
0x98: {  	s18 =	sld [smem:$0x3FDB];
	_ =	sdelay $0x1  }
0x99: {  	s19 =	simm.s32 $_scs_section_size  }
0x9a: {  	s4 =	simm.s32 $_size__tile_overlayer_lowered;
	s5 =	simm.s32 $_tile_overlayer_lowered  }
0x9b: {  	s22 =	simm.s32 $0x1BFF;
	s21 =	sshll.u32 s5, $0x1;
	s2 =	sadd.s32 s19, s18  }
0x9c: {  	s6 =	simm.s32 $0x0;
	s20 =	sshll.u32 s4, $0x1;
	s4 =	sadd.s32 s21, s2  }
0x9d: {  	[timem:s6], [sflag:s22] =	dma.local [hbm:s4], s20  }
0x9e: {  	_ =	swait.ge [sflag:s22], s20  }
0x9f: {  	s3 =	ssub.s32 $0x0, s20;
	[sflag:s22] =	ssyncset.done $0x0  }
0xa0: {  	[sflag:s22] =	ssyncadd.s32 s3;
	_ =	sdelay $0x1  }
0xa1: {  	s23 =	simm.s32 $0x1B8B  }
0xa2: {  	_ =	swait.ge [sflag:s23], $0x1  }
0xa3: {  	[sflag:s23] =	ssyncset.done $0x0  }
0xa4: {  	s25 =	simm.s32 $0x1B8E;
	s24 =	sld [smem:$0x3FFE];
	[sflag:s23] =	ssyncadd.s32 $0xFFFFFFFF  }
0xa5: {  	s26 =	simm.s32 $execute0_lowered;
	[smem:$0x3FD2] =	sst s25  }
0xa6: {  	s4 =	sshll.u32 s26, $0x1;
	_ =	strace $0x8000004C;
	[dreg:$0x1] =	wrdreg $0xFFFFFFFF  }
0xa7: {  	s28 =	simm.s32 $_size_execute0_lowered;
	s2 =	sadd.s32 s2, s4;
	[dreg:$0x0] =	wrdreg $0x0  }
0xa8: {  	s4 =	sshll.u32 s28, $0x1;
	[dreg:$0x2] =	wrdreg s2  }
0xa9: {  	[dreg:$0x3] =	wrdreg s4  }
0xaa: {  	[dreg:$0x4] =	wrdreg $0xC0  }
0xab: {  	_ =	task [dreg:s6], $0x5FFFF  }
0xac: {  	[dreg:$0x1] =	wrdreg $0xFFFFFFFF  }
0xad: {  	[dreg:$0x0] =	wrdreg $0x60  }
0xae: {  	[dreg:$0x2] =	wrdreg s24  }
0xaf: {  	[dreg:$0x3] =	wrdreg $0x68000  }
0xb0: {  	[dreg:$0x4] =	wrdreg $0x9  }
0xb1: {  	_ =	task.clear_ibuf [dreg:s6], $0x5FFFF;
	_ =	strace $0x9000004C  }
0xb2: {  	s29 =	simm.s32 $0x9;
	_ =	strace $0x8000004E  }
0xb3: {  	_ =	swait.ge [sflag:s29], $0x1  }
0xb4: {  	[sflag:s29] =	ssyncadd.s32 $0xFFFFFFFF  }
0xb5: {  	_ =	strace $0x9000004E  }
0xb6: {  	_ =	sfence  }
0xb7: {  	s30 =	sld [smem:$0x0];
	_ =	sdelay $0x2  }
0xb8: {  	s31 =	sshll.u32 s1, $0xD;
	s1 =	sshrl.u32 s1, $0x2  }
0xb9: {  	s3 =	sand.u32 $0x4000, s31;
	s1 =	sadd.s32 s1, s30  }
0xba: {  	s0 =	sor.u32 s3, s0;
	s1 =	sshll.u32 s1, $0x11  }
0xbb: {  	s0 =	sor.u32 s1, s0  }
0xbc: {  	s0 =	sadd.s32 $0x8F2B, s0  }
0xbd: {  	[sflag:s0] =	ssyncadd.remote.s32 $0x1  }
0xbe: {  	_ =	sfence.sel $0xFFFF  }
0xbf: {  	[dreg:$0x0] =	wrdreg $0xFFFFFFFF;
	(pc) =	sbr.abs _section_cstart, $3  }
0xc0: {  	[dreg:$0x1] =	wrdreg $0xFFFFFFFF  }
0xc1: {  	_ =	task.clear_ibuf [dreg:s6], $0x2FFFF;
	_ =	strace $0x9FFFFFFF  }
0xc2: {  	(tm) =	ssettm $0x7FFFFFFF  }
0xc3: {  	_ =	shalt  }
tec
execute0_lowered:
.L_overlay_start_1:
0x0: {  	(tag) =	ssettag $0x1  }
0x1: {  	s0 =	rddreg [dreg:$0x0]  }
0x2: {  	s2 =	rddreg [dreg:$0x1]  }
0x3: {  	s10 =	stileid.u32;
	s1 =	srdreg.scid  }
0x4: {  	s20 =	simm.s32 $0x0;
	s13 =	simm.s32 $0x9;
	s14 =	simm.s32 $0x80  }
0x5: {  	s15 =	simm.s32 $0x2800;
	s17 =	simm.s32 $0x3800;
	s19 =	simm.s32 $0x4800  }
0x6: {  	s21 =	simm.s32 $0x5800;
	s22 =	simm.s32 $0x1;
	s23 =	simm.s32 $0x5  }
0x7: {  	s28 =	simm.s32 $0x6;
	s30 =	simm.s32 $0x3;
	s31 =	simm.s32 $0x280  }
0x8: {  	s11 =	simm.s32 $0x8;
	s12 =	simm.s32 $0x2480;
	s16 =	simm.s32 $0x2680  }
0x9: {  	s18 =	simm.s32 $0x2780;
	s3 =	smul.u32 $0x19000, s10;
	s1 =	sand.u32 $0x1, s1  }
0xa: {  	[smem:$0x7FF] =	sst s20;
	s5 =	sadd.s32 $0x68200, s0;
	s6 =	sadd.s32 $0x4200, s0  }
0xb: {  	s25 =	sshll.u32 s10, $0x6;
	s4 =	smul.u32 $0x190000, s1;
	s1 =	ssub.s32 $0x2, s1  }
0xc: {  	_ =	strace $0x8000004D;
	s8 =	sshrl.u32 s3, $0x3;
	s9 =	sshrl.u32 s1, $0x1  }
0xd: {  	s7 =	sadd.s32 s3, s4;
	s8 =	sadd.s32 s8, s0;
	s1 =	ssub.s32 s1, s9  }
0xe: {  	s3 =	sadd.s32 s3, s2;
	s9 =	smul.u32 $0x190, s10;
	s10 =	simm.s32 $0x380  }
0xf: {  	s7 =	sshrl.u32 s7, $0x3;
	s24 =	sadd.s32 $0xCC200, s8;
	s26 =	smax.u32 s1, $0x1  }
0x10: {  	s29 =	sshrl.u32 s3, $0x3;
	s1 =	simm.s32 $0x600;
	[dreg:$0x4] =	wrdreg s24  }
0x11: {  	s8 =	simm.s32 $0x2700;
	s3 =	simm.s32 $0x2580;
	[dreg:$0x7] =	wrdreg s26  }
0x12: {  	s0 =	sadd.s32 s7, s0;
	s24 =	sor.u32 $0x1C09, s25;
	[dreg:$0x8] =	wrdreg s29  }
0x13: {  	s25 =	simm.s32 $0x2;
	s0 =	sadd.s32 $0xFE200, s0;
	[dreg:$0x5] =	wrdreg s24  }
0x14: {  	s7 =	simm.s32 $0x4;
	[dreg:$0x6] =	wrdreg s0;
	s0 =	simm.s32 $0x7  }
.LBB2_1:
0x15: {  	[dreg:$0x3] =	wrdreg s20  }
0x16: {  	s26 =	rddreg [dreg:$0x4]  }
0x17: {  	[spmem:s29], [sflag:s24] =	dma.local [hbm:s26], $0x3200  }
0x18: {  	_ =	swait.ge [sflag:s13], $0x3200  }
0x19: {  	[sflag:s13] =	ssyncset.done $0x0  }
0x1a: {  	[sflag:s13] =	ssyncadd.s32 $0xFFFFCE00  }
0x1b: {  	s20 =	simm.s32 $0x0;
	[bflag:$0x0] =	sbarrier.arrive $0xFFFF  }
.LBB2_2:
0x1c: {  	s24 =	smul.u32 $0x28, s20;
	_ =	sdelay $0x1  }
0x1d: {  	s24 =	sadd.s32 s9, s24  }
0x1e: {  	s24 =	sshll.u32 s24, $0x8  }
0x1f: {  	s24 =	sadd.s32 s4, s24  }
0x20: {  	s24 =	sshrl.u32 s24, $0x3  }
0x21: {  	s26 =	simm.s32 $0x0;
	s24 =	sadd.s32 s6, s24  }
0x22: {  	[tilespmem:s26], [sflag:$0x9] =	stream.linear.gather [hbm4b:s24+s26], $0x2800, $0x38;
	[tilespmem:$0x1F800] =	vst v63  }
0x23: {  	_ =	swait.ge [sflag:s13], $0x2800  }
0x24: {  	[sflag:s13] =	ssyncset.done $0x0  }
0x25: {  	[sflag:s13] =	ssyncadd.s32 $0xFFFFD800  }
0x26: {  	[tilespmem:s15], [sflag:$0x1] =	stream.indirect.gather [hbm4b:s5+s14], $0x20, s26, s14, $0xb8;
	[tilespmem:$0x1F800] =	vst v63  }
0x27: {  	s29 =	simm.s32 $0x100  }
0x28: {  	[tilespmem:s17], [sflag:$0x2] =	stream.indirect.gather [hbm4b:s5+s14], $0x20, s29, s14, $0xb8;
	[tilespmem:$0x1F800] =	vst v63  }
0x29: {  	s26 =	simm.s32 $0x200  }
0x2a: {  	[tilespmem:s19], [sflag:$0x3] =	stream.indirect.gather [hbm4b:s5+s14], $0x20, s26, s14, $0xb8;
	[tilespmem:$0x1F800] =	vst v63  }
0x2b: {  	s29 =	simm.s32 $0x300  }
0x2c: {  	[tilespmem:s21], [sflag:$0x4] =	stream.indirect.gather [hbm4b:s5+s14], $0x20, s29, s14, $0xb8;
	[tilespmem:$0x1F800] =	vst v63  }
0x2d: {  	_ =	swait.ge [sflag:s22], $0x1000  }
0x2e: {  	[sflag:s22] =	ssyncset.done $0x0  }
0x2f: {  	[sflag:s22] =	ssyncadd.s32 $0xFFFFF000  }
0x30: {  	[spmem:s2] =	stream.indirect.scatter.add.f32 [tilespmem:s15], [sflag:$0x5], $0x20, s14, s14, $0xb8;
	[tilespmem:$0x1F800] =	vst v63  }
0x31: {  	_ =	swait.ge [sflag:s23], $0x1000  }
0x32: {  	[sflag:s23] =	ssyncset.done $0x0  }
0x33: {  	s26 =	simm.s32 $0x400;
	[sflag:s23] =	ssyncadd.s32 $0xFFFFF000  }
0x34: {  	[tilespmem:s15], [sflag:$0x1] =	stream.indirect.gather [hbm4b:s5+s14], $0x20, s26, s14, $0xb8;
	[tilespmem:$0x1F800] =	vst v63  }
0x35: {  	_ =	swait.ge [sflag:s25], $0x1000  }
0x36: {  	[sflag:s25] =	ssyncset.done $0x0  }
0x37: {  	s29 =	simm.s32 $0x180;
	[sflag:s25] =	ssyncadd.s32 $0xFFFFF000  }
0x38: {  	[spmem:s2] =	stream.indirect.scatter.add.f32 [tilespmem:s17], [sflag:$0x6], $0x20, s29, s14, $0xb8;
	[tilespmem:$0x1F800] =	vst v63  }
0x39: {  	_ =	swait.ge [sflag:s28], $0x1000  }
0x3a: {  	[sflag:s28] =	ssyncset.done $0x0  }
0x3b: {  	s26 =	simm.s32 $0x500;
	[sflag:s28] =	ssyncadd.s32 $0xFFFFF000  }
0x3c: {  	[tilespmem:s17], [sflag:$0x2] =	stream.indirect.gather [hbm4b:s5+s14], $0x20, s26, s14, $0xb8;
	[tilespmem:$0x1F800] =	vst v63  }
0x3d: {  	_ =	swait.ge [sflag:s30], $0x1000  }
0x3e: {  	[sflag:s30] =	ssyncset.done $0x0  }
0x3f: {  	[sflag:s30] =	ssyncadd.s32 $0xFFFFF000  }
0x40: {  	[spmem:s2] =	stream.indirect.scatter.add.f32 [tilespmem:s19], [sflag:$0x7], $0x20, s31, s14, $0xb8;
	[tilespmem:$0x1F800] =	vst v63  }
0x41: {  	_ =	swait.ge [sflag:s0], $0x1000  }
0x42: {  	[sflag:s0] =	ssyncset.done $0x0  }
0x43: {  	[sflag:s0] =	ssyncadd.s32 $0xFFFFF000  }
0x44: {  	[tilespmem:s19], [sflag:$0x3] =	stream.indirect.gather [hbm4b:s5+s14], $0x20, s1, s14, $0xb8;
	[tilespmem:$0x1F800] =	vst v63  }
0x45: {  	_ =	swait.ge [sflag:s7], $0x1000  }
0x46: {  	[sflag:s7] =	ssyncset.done $0x0  }
0x47: {  	[sflag:s7] =	ssyncadd.s32 $0xFFFFF000  }
0x48: {  	[spmem:s2] =	stream.indirect.scatter.add.f32 [tilespmem:s21], [sflag:$0x8], $0x20, s10, s14, $0xb8;
	[tilespmem:$0x1F800] =	vst v63  }
0x49: {  	_ =	swait.ge [sflag:s11], $0x1000  }
0x4a: {  	[sflag:s11] =	ssyncset.done $0x0  }
0x4b: {  	s29 =	simm.s32 $0x700;
	[sflag:s11] =	ssyncadd.s32 $0xFFFFF000  }
0x4c: {  	[tilespmem:s21], [sflag:$0x4] =	stream.indirect.gather [hbm4b:s5+s14], $0x20, s29, s14, $0xb8;
	[tilespmem:$0x1F800] =	vst v63  }
0x4d: {  	_ =	swait.ge [sflag:s22], $0x1000  }
0x4e: {  	[sflag:s22] =	ssyncset.done $0x0  }
0x4f: {  	s26 =	simm.s32 $0x480;
	[sflag:s22] =	ssyncadd.s32 $0xFFFFF000  }
0x50: {  	[spmem:s2] =	stream.indirect.scatter.add.f32 [tilespmem:s15], [sflag:$0x5], $0x20, s26, s14, $0xb8;
	[tilespmem:$0x1F800] =	vst v63  }
0x51: {  	_ =	swait.ge [sflag:s23], $0x1000  }
0x52: {  	[sflag:s23] =	ssyncset.done $0x0  }
0x53: {  	s29 =	simm.s32 $0x800;
	[sflag:s23] =	ssyncadd.s32 $0xFFFFF000  }
0x54: {  	[tilespmem:s15], [sflag:$0x1] =	stream.indirect.gather [hbm4b:s5+s14], $0x20, s29, s14, $0xb8;
	[tilespmem:$0x1F800] =	vst v63  }
0x55: {  	_ =	swait.ge [sflag:s25], $0x1000  }
0x56: {  	[sflag:s25] =	ssyncset.done $0x0  }
0x57: {  	s26 =	simm.s32 $0x580;
	[sflag:s25] =	ssyncadd.s32 $0xFFFFF000  }
0x58: {  	[spmem:s2] =	stream.indirect.scatter.add.f32 [tilespmem:s17], [sflag:$0x6], $0x20, s26, s14, $0xb8;
	[tilespmem:$0x1F800] =	vst v63  }
0x59: {  	_ =	swait.ge [sflag:s28], $0x1000  }
0x5a: {  	[sflag:s28] =	ssyncset.done $0x0  }
0x5b: {  	s29 =	simm.s32 $0x900;
	[sflag:s28] =	ssyncadd.s32 $0xFFFFF000  }
0x5c: {  	[tilespmem:s17], [sflag:$0x2] =	stream.indirect.gather [hbm4b:s5+s14], $0x20, s29, s14, $0xb8;
	[tilespmem:$0x1F800] =	vst v63  }
0x5d: {  	_ =	swait.ge [sflag:s30], $0x1000  }
0x5e: {  	[sflag:s30] =	ssyncset.done $0x0  }
0x5f: {  	s26 =	simm.s32 $0x680;
	[sflag:s30] =	ssyncadd.s32 $0xFFFFF000  }
0x60: {  	[spmem:s2] =	stream.indirect.scatter.add.f32 [tilespmem:s19], [sflag:$0x7], $0x20, s26, s14, $0xb8;
	[tilespmem:$0x1F800] =	vst v63  }
0x61: {  	_ =	swait.ge [sflag:s0], $0x1000  }
0x62: {  	[sflag:s0] =	ssyncset.done $0x0  }
0x63: {  	s29 =	simm.s32 $0xA00;
	[sflag:s0] =	ssyncadd.s32 $0xFFFFF000  }
0x64: {  	[tilespmem:s19], [sflag:$0x3] =	stream.indirect.gather [hbm4b:s5+s14], $0x20, s29, s14, $0xb8;
	[tilespmem:$0x1F800] =	vst v63  }
0x65: {  	_ =	swait.ge [sflag:s7], $0x1000  }
0x66: {  	[sflag:s7] =	ssyncset.done $0x0  }
0x67: {  	s24 =	simm.s32 $0x1000;
	s26 =	simm.s32 $0x780;
	[sflag:s7] =	ssyncadd.s32 $0xFFFFF000  }
.LBB2_3:
0x68: {  	[spmem:s2] =	stream.indirect.scatter.add.f32 [tilespmem:s21], [sflag:$0x8], $0x20, s26, s14, $0xb8;
	[tilespmem:$0x1F800] =	vst v63  }
0x69: {  	s26 =	smov.u32 s24  }
0x6a: {  	p0 =	sne.s32 s24, $0x7000;
	s24 =	sadd.s32 $0x1000, s24;
	_ =	swait.ge [sflag:s11], $0x1000  }
0x6b: {  	s26 =	sshra.s32 s26, $0x2;
	[sflag:s11] =	ssyncset.done $0x0  }
0x6c: {  	s29 =	sadd.s32 $0x700, s26;
	[sflag:s11] =	ssyncadd.s32 $0xFFFFF000  }
0x6d: {  	[tilespmem:s21], [sflag:$0x4] =	stream.indirect.gather [hbm4b:s5+s14], $0x20, s29, s14, $0xb8;
	[tilespmem:$0x1F800] =	vst v63  }
0x6e: {  	_ =	swait.ge [sflag:s22], $0x1000  }
0x6f: {  	[sflag:s22] =	ssyncset.done $0x0  }
0x70: {  	s29 =	sadd.s32 $0x480, s26;
	[sflag:s22] =	ssyncadd.s32 $0xFFFFF000  }
0x71: {  	[spmem:s2] =	stream.indirect.scatter.add.f32 [tilespmem:s15], [sflag:$0x5], $0x20, s29, s14, $0xb8;
	[tilespmem:$0x1F800] =	vst v63  }
0x72: {  	_ =	swait.ge [sflag:s23], $0x1000  }
0x73: {  	[sflag:s23] =	ssyncset.done $0x0  }
0x74: {  	s29 =	sadd.s32 $0x800, s26;
	[sflag:s23] =	ssyncadd.s32 $0xFFFFF000  }
0x75: {  	[tilespmem:s15], [sflag:$0x1] =	stream.indirect.gather [hbm4b:s5+s14], $0x20, s29, s14, $0xb8;
	[tilespmem:$0x1F800] =	vst v63  }
0x76: {  	_ =	swait.ge [sflag:s25], $0x1000  }
0x77: {  	[sflag:s25] =	ssyncset.done $0x0  }
0x78: {  	s29 =	sadd.s32 $0x580, s26;
	[sflag:s25] =	ssyncadd.s32 $0xFFFFF000  }
0x79: {  	[spmem:s2] =	stream.indirect.scatter.add.f32 [tilespmem:s17], [sflag:$0x6], $0x20, s29, s14, $0xb8;
	[tilespmem:$0x1F800] =	vst v63  }
0x7a: {  	_ =	swait.ge [sflag:s28], $0x1000  }
0x7b: {  	[sflag:s28] =	ssyncset.done $0x0  }
0x7c: {  	s29 =	sadd.s32 $0x900, s26;
	[sflag:s28] =	ssyncadd.s32 $0xFFFFF000  }
0x7d: {  	[tilespmem:s17], [sflag:$0x2] =	stream.indirect.gather [hbm4b:s5+s14], $0x20, s29, s14, $0xb8;
	[tilespmem:$0x1F800] =	vst v63  }
0x7e: {  	_ =	swait.ge [sflag:s30], $0x1000  }
0x7f: {  	[sflag:s30] =	ssyncset.done $0x0  }
0x80: {  	s29 =	sadd.s32 $0x680, s26;
	[sflag:s30] =	ssyncadd.s32 $0xFFFFF000  }
0x81: {  	[spmem:s2] =	stream.indirect.scatter.add.f32 [tilespmem:s19], [sflag:$0x7], $0x20, s29, s14, $0xb8;
	[tilespmem:$0x1F800] =	vst v63  }
0x82: {  	_ =	swait.ge [sflag:s0], $0x1000  }
0x83: {  	[sflag:s0] =	ssyncset.done $0x0  }
.Ltmp0:
0x84: {  	s29 =	sadd.s32 $0xA00, s26;
	[sflag:s0] =	ssyncadd.s32 $0xFFFFF000;
	(pc) =	sbr.rel @p0 .LBB2_3-.Ltmp0, $4  }
0x85: {  	[tilespmem:s19], [sflag:$0x3] =	stream.indirect.gather [hbm4b:s5+s14], $0x20, s29, s14, $0xb8;
	[tilespmem:$0x1F800] =	vst v63  }
0x86: {  	_ =	swait.ge [sflag:s7], $0x1000  }
0x87: {  	[sflag:s7] =	ssyncset.done $0x0  }
0x88: {  	s26 =	sadd.s32 $0x780, s26;
	[sflag:s7] =	ssyncadd.s32 $0xFFFFF000  }
0x89: {  	[spmem:s2] =	stream.indirect.scatter.add.f32 [tilespmem:s21], [sflag:$0x8], $0x20, s26, s14, $0xb8;
	[tilespmem:$0x1F800] =	vst v63  }
0x8a: {  	_ =	swait.ge [sflag:s11], $0x1000  }
0x8b: {  	[sflag:s11] =	ssyncset.done $0x0  }
0x8c: {  	[sflag:s11] =	ssyncadd.s32 $0xFFFFF000  }
0x8d: {  	[tilespmem:s21], [sflag:$0x4] =	stream.indirect.gather [hbm4b:s5+s14], $0x20, s8, s14, $0xb8;
	[tilespmem:$0x1F800] =	vst v63  }
0x8e: {  	_ =	swait.ge [sflag:s22], $0x1000  }
0x8f: {  	[sflag:s22] =	ssyncset.done $0x0  }
0x90: {  	[sflag:s22] =	ssyncadd.s32 $0xFFFFF000  }
0x91: {  	[spmem:s2] =	stream.indirect.scatter.add.f32 [tilespmem:s15], [sflag:$0x5], $0x20, s12, s14, $0xb8;
	[tilespmem:$0x1F800] =	vst v63  }
0x92: {  	_ =	swait.ge [sflag:s25], $0x1000  }
0x93: {  	[sflag:s25] =	ssyncset.done $0x0  }
0x94: {  	[sflag:s25] =	ssyncadd.s32 $0xFFFFF000  }
0x95: {  	[spmem:s2] =	stream.indirect.scatter.add.f32 [tilespmem:s17], [sflag:$0x6], $0x20, s3, s14, $0xb8;
	[tilespmem:$0x1F800] =	vst v63  }
0x96: {  	_ =	swait.ge [sflag:s30], $0x1000  }
0x97: {  	[sflag:s30] =	ssyncset.done $0x0  }
0x98: {  	[sflag:s30] =	ssyncadd.s32 $0xFFFFF000  }
0x99: {  	[spmem:s2] =	stream.indirect.scatter.add.f32 [tilespmem:s19], [sflag:$0x7], $0x20, s16, s14, $0xb8;
	[tilespmem:$0x1F800] =	vst v63  }
0x9a: {  	_ =	swait.ge [sflag:s7], $0x1000  }
0x9b: {  	[sflag:s7] =	ssyncset.done $0x0  }
0x9c: {  	[sflag:s7] =	ssyncadd.s32 $0xFFFFF000  }
0x9d: {  	[spmem:s2] =	stream.indirect.scatter.add.f32 [tilespmem:s21], [sflag:$0x8], $0x20, s18, s14, $0xb8;
	[tilespmem:$0x1F800] =	vst v63  }
0x9e: {  	_ =	swait.ge [sflag:s23], $0x1000  }
0x9f: {  	[sflag:s23] =	ssyncset.done $0x0  }
0xa0: {  	[sflag:s23] =	ssyncadd.s32 $0xFFFFF000  }
0xa1: {  	_ =	swait.ge [sflag:s28], $0x1000  }
0xa2: {  	[sflag:s28] =	ssyncset.done $0x0  }
0xa3: {  	s20 =	sadd.s32 $0x1, s20;
	[sflag:s28] =	ssyncadd.s32 $0xFFFFF000  }
0xa4: {  	p0 =	sne.s32 s20, $0xA;
	_ =	swait.ge [sflag:s0], $0x1000  }
.Ltmp1:
0xa5: {  	[sflag:s0] =	ssyncset.done $0x0;
	(pc) =	sbr.rel @p0 .LBB2_2-.Ltmp1, $4  }
0xa6: {  	[sflag:s0] =	ssyncadd.s32 $0xFFFFF000  }
0xa7: {  	_ =	swait.ge [sflag:s11], $0x1000  }
0xa8: {  	[sflag:s11] =	ssyncset.done $0x0  }
0xa9: {  	[sflag:s11] =	ssyncadd.s32 $0xFFFFF000  }
0xaa: {  	[bflag:$0x0] =	sbarrier.arrive $0xFFFF  }
0xab: {  	s24 =	rddreg [dreg:$0x5]  }
0xac: {  	s20 =	rddreg [dreg:$0x6]  }
0xad: {  	s29 =	rddreg [dreg:$0x8]  }
0xae: {  	[hbm:s20], [sflag:s24] =	dma.local [spmem:s29], $0x3200  }
0xaf: {  	_ =	swait.ge [sflag:s13], $0x3200  }
0xb0: {  	s26 =	rddreg [dreg:$0x3]  }
0xb1: {  	s20 =	sadd.s32 $0x1, s26;
	s26 =	rddreg [dreg:$0x7]  }
0xb2: {  	p0 =	sne.s32 s20, s26  }
.Ltmp2:
0xb3: {  	_ = 	snop;
	(pc) =	sbr.rel @p0 .LBB2_1-.Ltmp2, $3  }
0xb4: {  	_ =	sdelay $0x1  }
0xb5: {  	[sflag:s13] =	ssyncset.done $0x0  }
0xb6: {  	[sflag:s13] =	ssyncadd.s32 $0xFFFFCE00  }
0xb7: {  	_ =	sfence.sel $0x180000  }
0xb8: {  	[bflag:$0x0] =	sbarrier.arrive $0xFFFF  }
0xb9: {  	_ =	strace $0x9000004D  }
0xba: {  	s0 =	stileid.u32;
	[bflag:$0x2] =	sbarrier.arrive $0xFFFF  }
0xbb: {  	p0 =	sne.s32 s0, $0x0;
	s0 =	rddreg [dreg:$0x2]  }
0xbc: {  	s0 =	sadd.s32 @!p0 $0x100000, s0  }
0xbd: {  	[sflag:s0] =	ssyncadd.tile.s32 @!p0 $0x1;
	_ =	shalt  }
.Lfunc_end2:
_tile_overlayer_lowered:
.L_overlay_start_2:
0xbe: {  	(tag) =	ssettag $0x2  }
0xbf: {  	s0 =	rddreg [dreg:$0x0];
	s2 =	stileid.u32  }
0xc0: {  	s1 =	rddreg [dreg:$0x1];
	p0 =	sne.s32 s2, $0x0  }
0xc1: {  	s3 =	rddreg [dreg:$0x2];
	[bflag:$0x3] =	sbarrier.arrive $0xFFFF;
	s2 =	simm.s32 @!p0 $0x1C09  }
0xc2: {  	[timem:s3], [sflag:s2] =	dma.local @!p0 [hbm:s0], s1  }
0xc3: {  	s0 =	simm.s32 @!p0 $0x9  }
0xc4: {  	_ =	swait.ge @!p0 [sflag:s0], s1  }
0xc5: {  	s1 =	ssub.s32 @!p0 $0x0, s1;
	[sflag:s0] =	ssyncset.done @!p0 $0x0  }
0xc6: {  	[sflag:s0] =	ssyncadd.s32 @!p0 s1  }
0xc7: {  	[bflag:$0x3] =	sbarrier.arrive $0xFFFF  }
0xc8: {  	_ =	shalt  }

// kernel: kernel.21.cloned.1.call-start
scs
__scs_entry_jumppad:
0x0: {  	(pc) =	sbr.rel $0x88, $3  }
0x1: {  	(tag) =	ssettag $0x0;
	lr =	simm.s32 $0x1  }
0x2: {  	[smem:$0x3F9A] =	sst lr;
	_ =	strace $0xD0000000  }
0x3: {  	_ = 	snop  }
0x4: {  	_ = 	snop  }
0x5: {  	_ = 	snop  }
0x6: {  	_ = 	snop  }
0x7: {  	_ = 	snop  }
__scs_overlays_trampoline_lowered:
0x8: {  	[smem:$0x3FA9] =	sst s0  }
0x9: {  	[smem:$0x3FAA] =	sst s1  }
0xa: {  	[smem:$0x3FAB] =	sst s2  }
0xb: {  	[smem:$0x3FAC] =	sst s3  }
0xc: {  	[smem:$0x3FAD] =	sst s4  }
0xd: {  	[smem:$0x3FAE] =	sst s5  }
0xe: {  	[smem:$0x3FAF] =	sst s6  }
0xf: {  	[smem:$0x3FB0] =	sst s7  }
0x10: {  	[smem:$0x3FB1] =	sst s8  }
0x11: {  	[smem:$0x3FB2] =	sst s9;
	s0 =	simm.s32 @!p0 $0x0  }
0x12: {  	s1 =	sld [smem:$0x3F98];
	s0 =	simm.s32 @p0 $0x1  }
0x13: {  	[smem:$0x3FB3] =	sst s0;
	s0 =	simm.s32 @!p1 $0x0  }
0x14: {  	s2 =	sld [smem:$0x3F97];
	s0 =	simm.s32 @p1 $0x1  }
0x15: {  	[smem:$0x3FB4] =	sst s0;
	s0 =	simm.s32 @!p2 $0x0  }
0x16: {  	s3 =	sld [smem:$0x3FDB];
	s0 =	simm.s32 @p2 $0x1  }
0x17: {  	s4 =	simm.s32 $0x1BF5;
	[smem:$0x3FB6] =	sst s0  }
0x18: {  	s0 =	sld [smem:$0x3F99];
	_ =	swait.ge [sflag:s4], $0x0  }
0x19: {  	s7 =	sld [smem:$0x3F9A]  }
0x1a: {  	s8 =	sadd.s32 $0xFFFFE003, lr  }
0x1b: {  	s9 =	sadd.s32 $0xFFFFFEF7, lr;
	s5 =	simm.s32 $0xFFFFFFFF;
	p2 =	slt.u32 s8, $0xFFFFF086  }
0x1c: {  	p1 =	slt.u32 s9, $0xF7A;
	s5 =	simm.s32 @!p2 $0x0  }
0x1d: {  	s5 =	simm.s32 @p1 $0x1;
	p0 =	seq.s32 s7, s2  }
0x1e: {  	s7 =	smul.u32 @!p0 $0xF7A, s2;
	p2 =	seq.s32 @!p0 s5, $0x0  }
0x1f: {  	s9 =	smul.u32 $0xF7A, s1;
	s8 =	simm.s32 @!p0 $0x1BF5;
	p2 =	por !p2, p0  }
0x20: {  	[sflag:s8] =	ssyncset.s32 @!p0 $0xFFFFF086;
	s6 =	sadd.s32 @!p0 s3, s7;
	s7 =	simm.s32 @!p0 $0x108  }
0x21: {  	s3 =	sadd.s32 s3, s9;
	s6 =	sadd.s32 @!p0 $0x88, s6;
	s7 =	simm.s32 @p2 $0x1082  }
0x22: {  	[simem:s7], [sflag:s8] =	dma.local @!p0 [hbm:s6], $0xF7A  }
0x23: {  	s9 =	sor.u32 $0xD0000000, s2;
	s6 =	simm.s32 $0x108;
	_ =	swait.ge @!p0 [sflag:s8], $0x0  }
0x24: {  	s3 =	sadd.s32 $0x88, s3;
	s6 =	simm.s32 @!p1 $0x1082;
	[sflag:s4] =	ssyncset.s32 $0xFFFFF086  }
0x25: {  	[simem:s6], [sflag:s4] =	dma.local [hbm:s3], $0xF7A  }
0x26: {  	[smem:$0x3F9A] =	sst s1;
	(tag) =	ssettag s2;
	_ =	strace s9  }
0x27: {  	s1 =	sld [smem:$0x3FAA]  }
0x28: {  	s2 =	sld [smem:$0x3FAB]  }
0x29: {  	s4 =	sld [smem:$0x3FAD]  }
0x2a: {  	p0 =	seq.s32 s5, $0x0;
	s5 =	sld [smem:$0x3FAE]  }
0x2b: {  	s6 =	sld [smem:$0x3FAF]  }
0x2c: {  	s7 =	sld [smem:$0x3FB0]  }
0x2d: {  	s3 =	simm.s32 $0x108;
	s8 =	sld [smem:$0x3FB1]  }
0x2e: {  	s3 =	simm.s32 @!p0 $0x1082;
	s9 =	sld [smem:$0x3FB2]  }
0x2f: {  	lr =	sadd.s32 s0, s3;
	s0 =	sld [smem:$0x3FA9]  }
0x30: {  	s3 =	sld [smem:$0x3FAC]  }
0x31: {  	[smem:$0x3FB5] =	sst s10  }
0x32: {  	s10 =	sld [smem:$0x3FB3];
	_ =	sdelay $0x3  }
0x33: {  	p0 =	seq.s32 s10, $0x1;
	s10 =	sld [smem:$0x3FB5];
	_ =	sdelay $0x3  }
0x34: {  	[smem:$0x3FB5] =	sst s10  }
0x35: {  	s10 =	sld [smem:$0x3FB4];
	_ =	sdelay $0x3  }
0x36: {  	p1 =	seq.s32 s10, $0x1;
	s10 =	sld [smem:$0x3FB5];
	_ =	sdelay $0x3  }
0x37: {  	[smem:$0x3FB5] =	sst s10  }
0x38: {  	s10 =	sld [smem:$0x3FB6]  }
0x39: {  	_ = 	snop;
	(pc) =	sbr.ind lr, $3  }
0x3a: {  	_ = 	snop  }
0x3b: {  	_ = 	snop  }
0x3c: {  	p2 =	seq.s32 s10, $0x1;
	s10 =	sld [smem:$0x3FB5]  }
0x3d: {  	_ =	shalt  }
0x3e: {  	_ =	shalt  }
0x3f: {  	_ =	shalt  }
0x40: {  	_ =	shalt  }
0x41: {  	_ =	shalt  }
0x42: {  	_ =	shalt  }
0x43: {  	_ =	shalt  }
0x44: {  	_ =	shalt  }
0x45: {  	_ =	shalt  }
0x46: {  	_ =	shalt  }
0x47: {  	_ =	shalt  }
0x48: {  	_ =	shalt  }
0x49: {  	_ =	shalt  }
0x4a: {  	_ =	shalt  }
0x4b: {  	_ =	shalt  }
0x4c: {  	_ =	shalt  }
0x4d: {  	_ =	shalt  }
0x4e: {  	_ =	shalt  }
0x4f: {  	_ =	shalt  }
0x50: {  	_ =	shalt  }
0x51: {  	_ =	shalt  }
0x52: {  	_ =	shalt  }
0x53: {  	_ =	shalt  }
0x54: {  	_ =	shalt  }
0x55: {  	_ =	shalt  }
0x56: {  	_ =	shalt  }
0x57: {  	_ =	shalt  }
0x58: {  	_ =	shalt  }
0x59: {  	_ =	shalt  }
0x5a: {  	_ =	shalt  }
0x5b: {  	_ =	shalt  }
0x5c: {  	_ =	shalt  }
0x5d: {  	_ =	shalt  }
0x5e: {  	_ =	shalt  }
0x5f: {  	_ =	shalt  }
0x60: {  	_ =	shalt  }
0x61: {  	_ =	shalt  }
0x62: {  	_ =	shalt  }
0x63: {  	_ =	shalt  }
0x64: {  	_ =	shalt  }
0x65: {  	_ =	shalt  }
0x66: {  	_ =	shalt  }
0x67: {  	_ =	shalt  }
0x68: {  	_ =	shalt  }
0x69: {  	_ =	shalt  }
0x6a: {  	_ =	shalt  }
0x6b: {  	_ =	shalt  }
0x6c: {  	_ =	shalt  }
0x6d: {  	_ =	shalt  }
0x6e: {  	_ =	shalt  }
0x6f: {  	_ =	shalt  }
0x70: {  	_ =	shalt  }
0x71: {  	_ =	shalt  }
0x72: {  	_ =	shalt  }
0x73: {  	_ =	shalt  }
0x74: {  	_ =	shalt  }
0x75: {  	_ =	shalt  }
0x76: {  	_ =	shalt  }
0x77: {  	_ =	shalt  }
0x78: {  	_ =	shalt  }
0x79: {  	_ =	shalt  }
0x7a: {  	_ =	shalt  }
0x7b: {  	_ =	shalt  }
0x7c: {  	_ =	shalt  }
0x7d: {  	_ =	shalt  }
0x7e: {  	_ =	shalt  }
0x7f: {  	_ =	shalt  }
0x80: {  	_ =	shalt  }
0x81: {  	_ =	shalt  }
0x82: {  	_ =	shalt  }
0x83: {  	_ =	shalt  }
0x84: {  	_ =	shalt  }
0x85: {  	_ =	shalt  }
0x86: {  	_ =	shalt  }
0x87: {  	_ =	shalt  }
.Lfunc_end0:
.L_simem_size_0:
called_computation.3_lowered:
.L_overlay_start_0:
0x88: {  	s2 =	sld [smem:$0x3FD9]  }
0x89: {  	s3 =	sld [smem:$0x3FFE];
	_ =	sdelay $0x1  }
0x8a: {  	s1 =	srdreg.scid  }
0x8b: {  	s0 =	sand.u32 $0x1, s1  }
0x8c: {  	s16 =	sshll.u32 s0, $0xA;
	s2 =	sadd.s32 s3, s2  }
0x8d: {  	s2 =	sadd.s32 s2, s16  }
0x8e: {  	[smem:$0x3FC1] =	sst s2  }
0x8f: {  	_ = 	snop  }
0x90: {  	(tm) =	ssettm $0x1  }
0x91: {  	s17 =	sld [smem:$0x3FFB];
	_ =	sdelay $0x3  }
0x92: {  	_ =	strace s17  }
0x93: {  	s2 =	sld [smem:$0x3FFC];
	_ =	sdelay $0x3  }
0x94: {  	_ =	strace s2  }
0x95: {  	s2 =	sld [smem:$0x3FFD];
	_ =	sdelay $0x3  }
0x96: {  	_ =	strace s2  }
0x97: {  	_ =	strace $0x8FFFFFFF  }
0x98: {  	s18 =	sld [smem:$0x3FDB];
	_ =	sdelay $0x1  }
0x99: {  	s19 =	simm.s32 $_scs_section_size  }
0x9a: {  	s4 =	simm.s32 $_size__tile_overlayer_lowered;
	s5 =	simm.s32 $_tile_overlayer_lowered  }
0x9b: {  	s22 =	simm.s32 $0x1BFF;
	s21 =	sshll.u32 s5, $0x1;
	s2 =	sadd.s32 s19, s18  }
0x9c: {  	s6 =	simm.s32 $0x0;
	s20 =	sshll.u32 s4, $0x1;
	s4 =	sadd.s32 s21, s2  }
0x9d: {  	[timem:s6], [sflag:s22] =	dma.local [hbm:s4], s20  }
0x9e: {  	_ =	swait.ge [sflag:s22], s20  }
0x9f: {  	s3 =	ssub.s32 $0x0, s20;
	[sflag:s22] =	ssyncset.done $0x0  }
0xa0: {  	[sflag:s22] =	ssyncadd.s32 s3;
	_ =	sdelay $0x1  }
0xa1: {  	s23 =	simm.s32 $0x1B8B  }
0xa2: {  	_ =	swait.ge [sflag:s23], $0x1  }
0xa3: {  	[sflag:s23] =	ssyncset.done $0x0  }
0xa4: {  	s25 =	simm.s32 $0x1B8E;
	s24 =	sld [smem:$0x3FFE];
	[sflag:s23] =	ssyncadd.s32 $0xFFFFFFFF  }
0xa5: {  	s26 =	simm.s32 $execute0_lowered;
	[smem:$0x3FD2] =	sst s25  }
0xa6: {  	s4 =	sshll.u32 s26, $0x1;
	_ =	strace $0x8000004F;
	[dreg:$0x1] =	wrdreg $0xFFFFFFFF  }
0xa7: {  	s28 =	simm.s32 $_size_execute0_lowered;
	s2 =	sadd.s32 s2, s4;
	[dreg:$0x0] =	wrdreg $0x0  }
0xa8: {  	s4 =	sshll.u32 s28, $0x1;
	[dreg:$0x2] =	wrdreg s2  }
0xa9: {  	[dreg:$0x3] =	wrdreg s4  }
0xaa: {  	[dreg:$0x4] =	wrdreg $0xC0  }
0xab: {  	_ =	task [dreg:s6], $0x5FFFF  }
0xac: {  	[dreg:$0x1] =	wrdreg $0xFFFFFFFF  }
0xad: {  	[dreg:$0x0] =	wrdreg $0x60  }
0xae: {  	[dreg:$0x2] =	wrdreg s24  }
0xaf: {  	[dreg:$0x3] =	wrdreg $0x68000  }
0xb0: {  	[dreg:$0x4] =	wrdreg $0x9  }
0xb1: {  	_ =	task.clear_ibuf [dreg:s6], $0x5FFFF;
	_ =	strace $0x9000004F  }
0xb2: {  	s29 =	simm.s32 $0x9;
	_ =	strace $0x80000051  }
0xb3: {  	_ =	swait.ge [sflag:s29], $0x1  }
0xb4: {  	[sflag:s29] =	ssyncadd.s32 $0xFFFFFFFF  }
0xb5: {  	_ =	strace $0x90000051  }
0xb6: {  	_ =	sfence  }
0xb7: {  	s30 =	sld [smem:$0x0];
	_ =	sdelay $0x2  }
0xb8: {  	s31 =	sshll.u32 s1, $0xD;
	s1 =	sshrl.u32 s1, $0x2  }
0xb9: {  	s3 =	sand.u32 $0x4000, s31;
	s1 =	sadd.s32 s1, s30  }
0xba: {  	s0 =	sor.u32 s3, s0;
	s1 =	sshll.u32 s1, $0x11  }
0xbb: {  	s0 =	sor.u32 s1, s0  }
0xbc: {  	s0 =	sadd.s32 $0x8F2B, s0  }
0xbd: {  	[sflag:s0] =	ssyncadd.remote.s32 $0x1  }
0xbe: {  	_ =	sfence.sel $0xFFFF  }
0xbf: {  	[dreg:$0x0] =	wrdreg $0xFFFFFFFF;
	(pc) =	sbr.abs _section_cstart, $3  }
0xc0: {  	[dreg:$0x1] =	wrdreg $0xFFFFFFFF  }
0xc1: {  	_ =	task.clear_ibuf [dreg:s6], $0x2FFFF;
	_ =	strace $0x9FFFFFFF  }
0xc2: {  	(tm) =	ssettm $0x7FFFFFFF  }
0xc3: {  	_ =	shalt  }
tec
execute0_lowered:
.L_overlay_start_1:
0x0: {  	(tag) =	ssettag $0x1  }
0x1: {  	s0 =	rddreg [dreg:$0x0]  }
0x2: {  	s2 =	rddreg [dreg:$0x1]  }
0x3: {  	s10 =	stileid.u32;
	s1 =	srdreg.scid  }
0x4: {  	s20 =	simm.s32 $0x0;
	s13 =	simm.s32 $0x9;
	s14 =	simm.s32 $0x80  }
0x5: {  	s15 =	simm.s32 $0x2800;
	s17 =	simm.s32 $0x3800;
	s19 =	simm.s32 $0x4800  }
0x6: {  	s21 =	simm.s32 $0x5800;
	s22 =	simm.s32 $0x1;
	s23 =	simm.s32 $0x5  }
0x7: {  	s28 =	simm.s32 $0x6;
	s30 =	simm.s32 $0x3;
	s31 =	simm.s32 $0x280  }
0x8: {  	s11 =	simm.s32 $0x8;
	s12 =	simm.s32 $0x2480;
	s16 =	simm.s32 $0x2680  }
0x9: {  	s18 =	simm.s32 $0x2780;
	s3 =	smul.u32 $0x19000, s10;
	s1 =	sand.u32 $0x1, s1  }
0xa: {  	[smem:$0x7FF] =	sst s20;
	s5 =	sadd.s32 $0x68200, s0;
	s6 =	sadd.s32 $0x4200, s0  }
0xb: {  	s25 =	sshll.u32 s10, $0x6;
	s4 =	smul.u32 $0x190000, s1;
	s1 =	ssub.s32 $0x2, s1  }
0xc: {  	_ =	strace $0x80000050;
	s8 =	sshrl.u32 s3, $0x3;
	s9 =	sshrl.u32 s1, $0x1  }
0xd: {  	s7 =	sadd.s32 s3, s4;
	s8 =	sadd.s32 s8, s0;
	s1 =	ssub.s32 s1, s9  }
0xe: {  	s3 =	sadd.s32 s3, s2;
	s9 =	smul.u32 $0x190, s10;
	s10 =	simm.s32 $0x380  }
0xf: {  	s7 =	sshrl.u32 s7, $0x3;
	s24 =	sadd.s32 $0xCC200, s8;
	s26 =	smax.u32 s1, $0x1  }
0x10: {  	s29 =	sshrl.u32 s3, $0x3;
	s1 =	simm.s32 $0x600;
	[dreg:$0x4] =	wrdreg s24  }
0x11: {  	s8 =	simm.s32 $0x2700;
	s3 =	simm.s32 $0x2580;
	[dreg:$0x7] =	wrdreg s26  }
0x12: {  	s0 =	sadd.s32 s7, s0;
	s24 =	sor.u32 $0x1C09, s25;
	[dreg:$0x8] =	wrdreg s29  }
0x13: {  	s25 =	simm.s32 $0x2;
	s0 =	sadd.s32 $0xFE200, s0;
	[dreg:$0x5] =	wrdreg s24  }
0x14: {  	s7 =	simm.s32 $0x4;
	[dreg:$0x6] =	wrdreg s0;
	s0 =	simm.s32 $0x7  }
.LBB2_1:
0x15: {  	[dreg:$0x3] =	wrdreg s20  }
0x16: {  	s26 =	rddreg [dreg:$0x4]  }
0x17: {  	[spmem:s29], [sflag:s24] =	dma.local [hbm:s26], $0x3200  }
0x18: {  	_ =	swait.ge [sflag:s13], $0x3200  }
0x19: {  	[sflag:s13] =	ssyncset.done $0x0  }
0x1a: {  	[sflag:s13] =	ssyncadd.s32 $0xFFFFCE00  }
0x1b: {  	s20 =	simm.s32 $0x0;
	[bflag:$0x0] =	sbarrier.arrive $0xFFFF  }
.LBB2_2:
0x1c: {  	s24 =	smul.u32 $0x28, s20;
	_ =	sdelay $0x1  }
0x1d: {  	s24 =	sadd.s32 s9, s24  }
0x1e: {  	s24 =	sshll.u32 s24, $0x8  }
0x1f: {  	s24 =	sadd.s32 s4, s24  }
0x20: {  	s24 =	sshrl.u32 s24, $0x3  }
0x21: {  	s26 =	simm.s32 $0x0;
	s24 =	sadd.s32 s6, s24  }
0x22: {  	[tilespmem:s26], [sflag:$0x9] =	stream.linear.gather [hbm4b:s24+s26], $0x2800, $0x38;
	[tilespmem:$0x1F800] =	vst v63  }
0x23: {  	_ =	swait.ge [sflag:s13], $0x2800  }
0x24: {  	[sflag:s13] =	ssyncset.done $0x0  }
0x25: {  	[sflag:s13] =	ssyncadd.s32 $0xFFFFD800  }
0x26: {  	[tilespmem:s15], [sflag:$0x1] =	stream.indirect.gather [hbm4b:s5+s14], $0x20, s26, s14, $0xb8;
	[tilespmem:$0x1F800] =	vst v63  }
0x27: {  	s29 =	simm.s32 $0x100  }
0x28: {  	[tilespmem:s17], [sflag:$0x2] =	stream.indirect.gather [hbm4b:s5+s14], $0x20, s29, s14, $0xb8;
	[tilespmem:$0x1F800] =	vst v63  }
0x29: {  	s26 =	simm.s32 $0x200  }
0x2a: {  	[tilespmem:s19], [sflag:$0x3] =	stream.indirect.gather [hbm4b:s5+s14], $0x20, s26, s14, $0xb8;
	[tilespmem:$0x1F800] =	vst v63  }
0x2b: {  	s29 =	simm.s32 $0x300  }
0x2c: {  	[tilespmem:s21], [sflag:$0x4] =	stream.indirect.gather [hbm4b:s5+s14], $0x20, s29, s14, $0xb8;
	[tilespmem:$0x1F800] =	vst v63  }
0x2d: {  	_ =	swait.ge [sflag:s22], $0x1000  }
0x2e: {  	[sflag:s22] =	ssyncset.done $0x0  }
0x2f: {  	[sflag:s22] =	ssyncadd.s32 $0xFFFFF000  }
0x30: {  	[spmem:s2] =	stream.indirect.scatter.add.f32 [tilespmem:s15], [sflag:$0x5], $0x20, s14, s14, $0xb8;
	[tilespmem:$0x1F800] =	vst v63  }
0x31: {  	_ =	swait.ge [sflag:s23], $0x1000  }
0x32: {  	[sflag:s23] =	ssyncset.done $0x0  }
0x33: {  	s26 =	simm.s32 $0x400;
	[sflag:s23] =	ssyncadd.s32 $0xFFFFF000  }
0x34: {  	[tilespmem:s15], [sflag:$0x1] =	stream.indirect.gather [hbm4b:s5+s14], $0x20, s26, s14, $0xb8;
	[tilespmem:$0x1F800] =	vst v63  }
0x35: {  	_ =	swait.ge [sflag:s25], $0x1000  }
0x36: {  	[sflag:s25] =	ssyncset.done $0x0  }
0x37: {  	s29 =	simm.s32 $0x180;
	[sflag:s25] =	ssyncadd.s32 $0xFFFFF000  }
0x38: {  	[spmem:s2] =	stream.indirect.scatter.add.f32 [tilespmem:s17], [sflag:$0x6], $0x20, s29, s14, $0xb8;
	[tilespmem:$0x1F800] =	vst v63  }
0x39: {  	_ =	swait.ge [sflag:s28], $0x1000  }
0x3a: {  	[sflag:s28] =	ssyncset.done $0x0  }
0x3b: {  	s26 =	simm.s32 $0x500;
	[sflag:s28] =	ssyncadd.s32 $0xFFFFF000  }
0x3c: {  	[tilespmem:s17], [sflag:$0x2] =	stream.indirect.gather [hbm4b:s5+s14], $0x20, s26, s14, $0xb8;
	[tilespmem:$0x1F800] =	vst v63  }
0x3d: {  	_ =	swait.ge [sflag:s30], $0x1000  }
0x3e: {  	[sflag:s30] =	ssyncset.done $0x0  }
0x3f: {  	[sflag:s30] =	ssyncadd.s32 $0xFFFFF000  }
0x40: {  	[spmem:s2] =	stream.indirect.scatter.add.f32 [tilespmem:s19], [sflag:$0x7], $0x20, s31, s14, $0xb8;
	[tilespmem:$0x1F800] =	vst v63  }
0x41: {  	_ =	swait.ge [sflag:s0], $0x1000  }
0x42: {  	[sflag:s0] =	ssyncset.done $0x0  }
0x43: {  	[sflag:s0] =	ssyncadd.s32 $0xFFFFF000  }
0x44: {  	[tilespmem:s19], [sflag:$0x3] =	stream.indirect.gather [hbm4b:s5+s14], $0x20, s1, s14, $0xb8;
	[tilespmem:$0x1F800] =	vst v63  }
0x45: {  	_ =	swait.ge [sflag:s7], $0x1000  }
0x46: {  	[sflag:s7] =	ssyncset.done $0x0  }
0x47: {  	[sflag:s7] =	ssyncadd.s32 $0xFFFFF000  }
0x48: {  	[spmem:s2] =	stream.indirect.scatter.add.f32 [tilespmem:s21], [sflag:$0x8], $0x20, s10, s14, $0xb8;
	[tilespmem:$0x1F800] =	vst v63  }
0x49: {  	_ =	swait.ge [sflag:s11], $0x1000  }
0x4a: {  	[sflag:s11] =	ssyncset.done $0x0  }
0x4b: {  	s29 =	simm.s32 $0x700;
	[sflag:s11] =	ssyncadd.s32 $0xFFFFF000  }
0x4c: {  	[tilespmem:s21], [sflag:$0x4] =	stream.indirect.gather [hbm4b:s5+s14], $0x20, s29, s14, $0xb8;
	[tilespmem:$0x1F800] =	vst v63  }
0x4d: {  	_ =	swait.ge [sflag:s22], $0x1000  }
0x4e: {  	[sflag:s22] =	ssyncset.done $0x0  }
0x4f: {  	s26 =	simm.s32 $0x480;
	[sflag:s22] =	ssyncadd.s32 $0xFFFFF000  }
0x50: {  	[spmem:s2] =	stream.indirect.scatter.add.f32 [tilespmem:s15], [sflag:$0x5], $0x20, s26, s14, $0xb8;
	[tilespmem:$0x1F800] =	vst v63  }
0x51: {  	_ =	swait.ge [sflag:s23], $0x1000  }
0x52: {  	[sflag:s23] =	ssyncset.done $0x0  }
0x53: {  	s29 =	simm.s32 $0x800;
	[sflag:s23] =	ssyncadd.s32 $0xFFFFF000  }
0x54: {  	[tilespmem:s15], [sflag:$0x1] =	stream.indirect.gather [hbm4b:s5+s14], $0x20, s29, s14, $0xb8;
	[tilespmem:$0x1F800] =	vst v63  }
0x55: {  	_ =	swait.ge [sflag:s25], $0x1000  }
0x56: {  	[sflag:s25] =	ssyncset.done $0x0  }
0x57: {  	s26 =	simm.s32 $0x580;
	[sflag:s25] =	ssyncadd.s32 $0xFFFFF000  }
0x58: {  	[spmem:s2] =	stream.indirect.scatter.add.f32 [tilespmem:s17], [sflag:$0x6], $0x20, s26, s14, $0xb8;
	[tilespmem:$0x1F800] =	vst v63  }
0x59: {  	_ =	swait.ge [sflag:s28], $0x1000  }
0x5a: {  	[sflag:s28] =	ssyncset.done $0x0  }
0x5b: {  	s29 =	simm.s32 $0x900;
	[sflag:s28] =	ssyncadd.s32 $0xFFFFF000  }
0x5c: {  	[tilespmem:s17], [sflag:$0x2] =	stream.indirect.gather [hbm4b:s5+s14], $0x20, s29, s14, $0xb8;
	[tilespmem:$0x1F800] =	vst v63  }
0x5d: {  	_ =	swait.ge [sflag:s30], $0x1000  }
0x5e: {  	[sflag:s30] =	ssyncset.done $0x0  }
0x5f: {  	s26 =	simm.s32 $0x680;
	[sflag:s30] =	ssyncadd.s32 $0xFFFFF000  }
0x60: {  	[spmem:s2] =	stream.indirect.scatter.add.f32 [tilespmem:s19], [sflag:$0x7], $0x20, s26, s14, $0xb8;
	[tilespmem:$0x1F800] =	vst v63  }
0x61: {  	_ =	swait.ge [sflag:s0], $0x1000  }
0x62: {  	[sflag:s0] =	ssyncset.done $0x0  }
0x63: {  	s29 =	simm.s32 $0xA00;
	[sflag:s0] =	ssyncadd.s32 $0xFFFFF000  }
0x64: {  	[tilespmem:s19], [sflag:$0x3] =	stream.indirect.gather [hbm4b:s5+s14], $0x20, s29, s14, $0xb8;
	[tilespmem:$0x1F800] =	vst v63  }
0x65: {  	_ =	swait.ge [sflag:s7], $0x1000  }
0x66: {  	[sflag:s7] =	ssyncset.done $0x0  }
0x67: {  	s24 =	simm.s32 $0x1000;
	s26 =	simm.s32 $0x780;
	[sflag:s7] =	ssyncadd.s32 $0xFFFFF000  }
.LBB2_3:
0x68: {  	[spmem:s2] =	stream.indirect.scatter.add.f32 [tilespmem:s21], [sflag:$0x8], $0x20, s26, s14, $0xb8;
	[tilespmem:$0x1F800] =	vst v63  }
0x69: {  	s26 =	smov.u32 s24  }
0x6a: {  	p0 =	sne.s32 s24, $0x7000;
	s24 =	sadd.s32 $0x1000, s24;
	_ =	swait.ge [sflag:s11], $0x1000  }
0x6b: {  	s26 =	sshra.s32 s26, $0x2;
	[sflag:s11] =	ssyncset.done $0x0  }
0x6c: {  	s29 =	sadd.s32 $0x700, s26;
	[sflag:s11] =	ssyncadd.s32 $0xFFFFF000  }
0x6d: {  	[tilespmem:s21], [sflag:$0x4] =	stream.indirect.gather [hbm4b:s5+s14], $0x20, s29, s14, $0xb8;
	[tilespmem:$0x1F800] =	vst v63  }
0x6e: {  	_ =	swait.ge [sflag:s22], $0x1000  }
0x6f: {  	[sflag:s22] =	ssyncset.done $0x0  }
0x70: {  	s29 =	sadd.s32 $0x480, s26;
	[sflag:s22] =	ssyncadd.s32 $0xFFFFF000  }
0x71: {  	[spmem:s2] =	stream.indirect.scatter.add.f32 [tilespmem:s15], [sflag:$0x5], $0x20, s29, s14, $0xb8;
	[tilespmem:$0x1F800] =	vst v63  }
0x72: {  	_ =	swait.ge [sflag:s23], $0x1000  }
0x73: {  	[sflag:s23] =	ssyncset.done $0x0  }
0x74: {  	s29 =	sadd.s32 $0x800, s26;
	[sflag:s23] =	ssyncadd.s32 $0xFFFFF000  }
0x75: {  	[tilespmem:s15], [sflag:$0x1] =	stream.indirect.gather [hbm4b:s5+s14], $0x20, s29, s14, $0xb8;
	[tilespmem:$0x1F800] =	vst v63  }
0x76: {  	_ =	swait.ge [sflag:s25], $0x1000  }
0x77: {  	[sflag:s25] =	ssyncset.done $0x0  }
0x78: {  	s29 =	sadd.s32 $0x580, s26;
	[sflag:s25] =	ssyncadd.s32 $0xFFFFF000  }
0x79: {  	[spmem:s2] =	stream.indirect.scatter.add.f32 [tilespmem:s17], [sflag:$0x6], $0x20, s29, s14, $0xb8;
	[tilespmem:$0x1F800] =	vst v63  }
0x7a: {  	_ =	swait.ge [sflag:s28], $0x1000  }
0x7b: {  	[sflag:s28] =	ssyncset.done $0x0  }
0x7c: {  	s29 =	sadd.s32 $0x900, s26;
	[sflag:s28] =	ssyncadd.s32 $0xFFFFF000  }
0x7d: {  	[tilespmem:s17], [sflag:$0x2] =	stream.indirect.gather [hbm4b:s5+s14], $0x20, s29, s14, $0xb8;
	[tilespmem:$0x1F800] =	vst v63  }
0x7e: {  	_ =	swait.ge [sflag:s30], $0x1000  }
0x7f: {  	[sflag:s30] =	ssyncset.done $0x0  }
0x80: {  	s29 =	sadd.s32 $0x680, s26;
	[sflag:s30] =	ssyncadd.s32 $0xFFFFF000  }
0x81: {  	[spmem:s2] =	stream.indirect.scatter.add.f32 [tilespmem:s19], [sflag:$0x7], $0x20, s29, s14, $0xb8;
	[tilespmem:$0x1F800] =	vst v63  }
0x82: {  	_ =	swait.ge [sflag:s0], $0x1000  }
0x83: {  	[sflag:s0] =	ssyncset.done $0x0  }
.Ltmp0:
0x84: {  	s29 =	sadd.s32 $0xA00, s26;
	[sflag:s0] =	ssyncadd.s32 $0xFFFFF000;
	(pc) =	sbr.rel @p0 .LBB2_3-.Ltmp0, $4  }
0x85: {  	[tilespmem:s19], [sflag:$0x3] =	stream.indirect.gather [hbm4b:s5+s14], $0x20, s29, s14, $0xb8;
	[tilespmem:$0x1F800] =	vst v63  }
0x86: {  	_ =	swait.ge [sflag:s7], $0x1000  }
0x87: {  	[sflag:s7] =	ssyncset.done $0x0  }
0x88: {  	s26 =	sadd.s32 $0x780, s26;
	[sflag:s7] =	ssyncadd.s32 $0xFFFFF000  }
0x89: {  	[spmem:s2] =	stream.indirect.scatter.add.f32 [tilespmem:s21], [sflag:$0x8], $0x20, s26, s14, $0xb8;
	[tilespmem:$0x1F800] =	vst v63  }
0x8a: {  	_ =	swait.ge [sflag:s11], $0x1000  }
0x8b: {  	[sflag:s11] =	ssyncset.done $0x0  }
0x8c: {  	[sflag:s11] =	ssyncadd.s32 $0xFFFFF000  }
0x8d: {  	[tilespmem:s21], [sflag:$0x4] =	stream.indirect.gather [hbm4b:s5+s14], $0x20, s8, s14, $0xb8;
	[tilespmem:$0x1F800] =	vst v63  }
0x8e: {  	_ =	swait.ge [sflag:s22], $0x1000  }
0x8f: {  	[sflag:s22] =	ssyncset.done $0x0  }
0x90: {  	[sflag:s22] =	ssyncadd.s32 $0xFFFFF000  }
0x91: {  	[spmem:s2] =	stream.indirect.scatter.add.f32 [tilespmem:s15], [sflag:$0x5], $0x20, s12, s14, $0xb8;
	[tilespmem:$0x1F800] =	vst v63  }
0x92: {  	_ =	swait.ge [sflag:s25], $0x1000  }
0x93: {  	[sflag:s25] =	ssyncset.done $0x0  }
0x94: {  	[sflag:s25] =	ssyncadd.s32 $0xFFFFF000  }
0x95: {  	[spmem:s2] =	stream.indirect.scatter.add.f32 [tilespmem:s17], [sflag:$0x6], $0x20, s3, s14, $0xb8;
	[tilespmem:$0x1F800] =	vst v63  }
0x96: {  	_ =	swait.ge [sflag:s30], $0x1000  }
0x97: {  	[sflag:s30] =	ssyncset.done $0x0  }
0x98: {  	[sflag:s30] =	ssyncadd.s32 $0xFFFFF000  }
0x99: {  	[spmem:s2] =	stream.indirect.scatter.add.f32 [tilespmem:s19], [sflag:$0x7], $0x20, s16, s14, $0xb8;
	[tilespmem:$0x1F800] =	vst v63  }
0x9a: {  	_ =	swait.ge [sflag:s7], $0x1000  }
0x9b: {  	[sflag:s7] =	ssyncset.done $0x0  }
0x9c: {  	[sflag:s7] =	ssyncadd.s32 $0xFFFFF000  }
0x9d: {  	[spmem:s2] =	stream.indirect.scatter.add.f32 [tilespmem:s21], [sflag:$0x8], $0x20, s18, s14, $0xb8;
	[tilespmem:$0x1F800] =	vst v63  }
0x9e: {  	_ =	swait.ge [sflag:s23], $0x1000  }
0x9f: {  	[sflag:s23] =	ssyncset.done $0x0  }
0xa0: {  	[sflag:s23] =	ssyncadd.s32 $0xFFFFF000  }
0xa1: {  	_ =	swait.ge [sflag:s28], $0x1000  }
0xa2: {  	[sflag:s28] =	ssyncset.done $0x0  }
0xa3: {  	s20 =	sadd.s32 $0x1, s20;
	[sflag:s28] =	ssyncadd.s32 $0xFFFFF000  }
0xa4: {  	p0 =	sne.s32 s20, $0xA;
	_ =	swait.ge [sflag:s0], $0x1000  }
.Ltmp1:
0xa5: {  	[sflag:s0] =	ssyncset.done $0x0;
	(pc) =	sbr.rel @p0 .LBB2_2-.Ltmp1, $4  }
0xa6: {  	[sflag:s0] =	ssyncadd.s32 $0xFFFFF000  }
0xa7: {  	_ =	swait.ge [sflag:s11], $0x1000  }
0xa8: {  	[sflag:s11] =	ssyncset.done $0x0  }
0xa9: {  	[sflag:s11] =	ssyncadd.s32 $0xFFFFF000  }
0xaa: {  	[bflag:$0x0] =	sbarrier.arrive $0xFFFF  }
0xab: {  	s24 =	rddreg [dreg:$0x5]  }
0xac: {  	s20 =	rddreg [dreg:$0x6]  }
0xad: {  	s29 =	rddreg [dreg:$0x8]  }
0xae: {  	[hbm:s20], [sflag:s24] =	dma.local [spmem:s29], $0x3200  }
0xaf: {  	_ =	swait.ge [sflag:s13], $0x3200  }
0xb0: {  	s26 =	rddreg [dreg:$0x3]  }
0xb1: {  	s20 =	sadd.s32 $0x1, s26;
	s26 =	rddreg [dreg:$0x7]  }
0xb2: {  	p0 =	sne.s32 s20, s26  }
.Ltmp2:
0xb3: {  	_ = 	snop;
	(pc) =	sbr.rel @p0 .LBB2_1-.Ltmp2, $3  }
0xb4: {  	_ =	sdelay $0x1  }
0xb5: {  	[sflag:s13] =	ssyncset.done $0x0  }
0xb6: {  	[sflag:s13] =	ssyncadd.s32 $0xFFFFCE00  }
0xb7: {  	_ =	sfence.sel $0x180000  }
0xb8: {  	[bflag:$0x0] =	sbarrier.arrive $0xFFFF  }
0xb9: {  	_ =	strace $0x90000050  }
0xba: {  	s0 =	stileid.u32;
	[bflag:$0x2] =	sbarrier.arrive $0xFFFF  }
0xbb: {  	p0 =	sne.s32 s0, $0x0;
	s0 =	rddreg [dreg:$0x2]  }
0xbc: {  	s0 =	sadd.s32 @!p0 $0x100000, s0  }
0xbd: {  	[sflag:s0] =	ssyncadd.tile.s32 @!p0 $0x1;
	_ =	shalt  }
.Lfunc_end2:
_tile_overlayer_lowered:
.L_overlay_start_2:
0xbe: {  	(tag) =	ssettag $0x2  }
0xbf: {  	s0 =	rddreg [dreg:$0x0];
	s2 =	stileid.u32  }
0xc0: {  	s1 =	rddreg [dreg:$0x1];
	p0 =	sne.s32 s2, $0x0  }
0xc1: {  	s3 =	rddreg [dreg:$0x2];
	[bflag:$0x3] =	sbarrier.arrive $0xFFFF;
	s2 =	simm.s32 @!p0 $0x1C09  }
0xc2: {  	[timem:s3], [sflag:s2] =	dma.local @!p0 [hbm:s0], s1  }
0xc3: {  	s0 =	simm.s32 @!p0 $0x9  }
0xc4: {  	_ =	swait.ge @!p0 [sflag:s0], s1  }
0xc5: {  	s1 =	ssub.s32 @!p0 $0x0, s1;
	[sflag:s0] =	ssyncset.done @!p0 $0x0  }
0xc6: {  	[sflag:s0] =	ssyncadd.s32 @!p0 s1  }
0xc7: {  	[bflag:$0x3] =	sbarrier.arrive $0xFFFF  }
0xc8: {  	_ =	shalt  }

</sc_bundles>
